<compile_context>
chip_gen: v7x
topology: tpu7x:2x2x1
jax: 0.10.2.dev20260603
libtpu: 0.0.44.dev20260713+nightly
codegen_flags: <defaults>
</compile_context>

<pallas_src>
import dataclasses
import functools

import jax
import jax.numpy as jnp
from jax import lax
from jax.experimental import pallas as pl
from jax.experimental.pallas import tpu as pltpu
from jax.experimental.pallas import tpu_sc as plsc

N = 10000
E = 320000
D = 128
DH = D // 2

NC = 2
NS = 16
NW = NC * NS
EPW = E // NW
EPT = E // NS
CHUNK = 100
NCHUNK = EPT // CHUNK
NBUF = 4
NPAD = 10240
L = 16
ZSTRIDE = 624
ZROWS = 640

_mesh = plsc.VectorSubcoreMesh(core_axis_name="c", subcore_axis_name="s")

_sc_params = pltpu.CompilerParams()
for _field, _val in (("needs_layout_passes", False),
                     ("use_tc_tiling_on_sc", False)):
    if _field in pltpu.CompilerParams.__dataclass_fields__:
        _sc_params = dataclasses.replace(_sc_params, **{_field: _val})


@functools.partial(
    pl.kernel,
    mesh=_mesh,
    compiler_params=_sc_params,
    out_type=jax.ShapeDtypeStruct((NW, NPAD), jnp.float32),
    scratch_types=[
        pltpu.VMEM((EPW,), jnp.int32),
        pltpu.VMEM((NPAD,), jnp.float32),
    ],
)
def _deg_kernel(src_hbm, degp_hbm, src_v, hist_v):
    cid = lax.axis_index("c")
    sid = lax.axis_index("s")
    wid = sid * NC + cid
    pltpu.sync_copy(src_hbm.at[pl.ds(wid * EPW, EPW)], src_v)

    zeros = jnp.zeros((L,), jnp.float32)
    ones = jnp.ones((L,), jnp.float32)

    @pl.loop(0, NPAD // L)
    def _(i):
        hist_v[pl.ds(i * L, L)] = zeros

    @pl.loop(0, EPW // L)
    def _(i):
        idx = src_v[pl.ds(i * L, L)]
        plsc.addupdate_scatter(hist_v, [idx], ones)

    pltpu.sync_copy(hist_v, degp_hbm.at[wid])


@functools.partial(
    pl.kernel,
    mesh=_mesh,
    compiler_params=_sc_params,
    out_type=jax.ShapeDtypeStruct((E,), jnp.float32),
    scratch_types=[
        pltpu.VMEM((EPW,), jnp.int32),
        pltpu.VMEM((EPW,), jnp.float32),
        pltpu.VMEM((NPAD,), jnp.float32),
    ],
)
def _c_kernel(src_hbm, w_hbm, inv_hbm, c_hbm, src_v, c_v, inv_v):
    cid = lax.axis_index("c")
    sid = lax.axis_index("s")
    wid = sid * NC + cid
    pltpu.sync_copy(src_hbm.at[pl.ds(wid * EPW, EPW)], src_v)
    pltpu.sync_copy(w_hbm.at[pl.ds(wid * EPW, EPW)], c_v)
    pltpu.sync_copy(inv_hbm, inv_v)

    @pl.loop(0, EPW // L)
    def _(i):
        s16 = src_v[pl.ds(i * L, L)]
        iv = plsc.load_gather(inv_v, [s16])
        c_v[pl.ds(i * L, L)] = c_v[pl.ds(i * L, L)] * iv

    pltpu.sync_copy(c_v, c_hbm.at[pl.ds(wid * EPW, EPW)])


@functools.partial(
    pl.kernel,
    mesh=_mesh,
    compiler_params=_sc_params,
    out_type=jax.ShapeDtypeStruct((NC, N, DH), jnp.float32),
    scratch_types=[
        pltpu.VMEM((NCHUNK, CHUNK), jnp.int32),
        pltpu.VMEM((NCHUNK, CHUNK), jnp.int32),
        pltpu.VMEM((EPT,), jnp.float32),
        pltpu.VMEM((NBUF, CHUNK, DH), jnp.float32),
        pltpu.SemaphoreType.DMA,
        pltpu.SemaphoreType.DMA,
        pltpu.SemaphoreType.DMA,
        pltpu.SemaphoreType.DMA,
        pltpu.SemaphoreType.DMA,
        pltpu.VMEM_SHARED((N, DH), jnp.float32),
    ],
)
def _mp_kernel(table_hbm, src2_hbm, dst2_hbm, c_hbm,
               acc_hbm, src2_v, dst2_v, c_v, gbuf_v,
               gsem0, gsem1, gsem2, gsem3, ssem, acc_sh):
    cid = lax.axis_index("c")
    sid = lax.axis_index("s")

    pltpu.sync_copy(src2_hbm.at[sid], src2_v)
    pltpu.sync_copy(dst2_hbm.at[sid], dst2_v)
    pltpu.sync_copy(c_hbm.at[pl.ds(sid * EPT, EPT)], c_v)

    zeros = jnp.zeros((L,), jnp.float32)

    @pl.loop(0, CHUNK)
    def _(e):
        for k in range(DH // L):
            gbuf_v[0, e, pl.ds(k * L, L)] = zeros

    base = sid * ZSTRIDE
    for r in range(ZROWS // CHUNK):
        pltpu.sync_copy(gbuf_v.at[0], acc_sh.at[pl.ds(base + r * CHUNK, CHUNK)])
    if ZROWS % CHUNK:
        pltpu.sync_copy(gbuf_v.at[0, pl.ds(0, ZROWS % CHUNK)],
                        acc_sh.at[pl.ds(base + (ZROWS // CHUNK) * CHUNK,
                                        ZROWS % CHUNK)])
    plsc.subcore_barrier()

    gsems = (gsem0, gsem1, gsem2, gsem3)

    def _gather(b, j):
        return pltpu.make_async_copy(table_hbm.at[cid].at[src2_v.at[j]],
                                     gbuf_v.at[b], gsems[b])

    def _scatter(b, j):
        return pltpu.async_copy(gbuf_v.at[b], acc_sh.at[dst2_v.at[j]],
                                ssem, add=True)

    def _scale(b, j):
        @pl.loop(0, CHUNK)
        def _(e):
            cvec = plsc.load_gather(
                c_v, [jnp.full((L,), j * CHUNK + e, jnp.int32)])
            for k in range(DH // L):
                gbuf_v[b, e, pl.ds(k * L, L)] = (
                    gbuf_v[b, e, pl.ds(k * L, L)] * cvec)

    for b in range(NBUF):
        _gather(b, b).start()

    @pl.loop(0, NCHUNK // NBUF)
    def _(t):
        for b in range(NBUF):
            j = NBUF * t + b
            _gather(b, j).wait()
            _scale(b, j)
            _scatter(b, j).wait()

            @pl.when(j + NBUF < NCHUNK)
            def _():
                _gather(b, j + NBUF).start()

    plsc.subcore_barrier()
    pltpu.sync_copy(acc_sh.at[pl.ds(base, ZROWS)],
                    acc_hbm.at[cid, pl.ds(base, ZROWS)])


def _inv_body(degp_ref, inv_ref):
    deg = jnp.sum(degp_ref[...], axis=0, keepdims=True)
    inv_ref[...] = 1.0 / jnp.maximum(deg, 1.0)


def _tc_inv(degp):
    return pl.pallas_call(
        _inv_body,
        out_shape=jax.ShapeDtypeStruct((1, NPAD), jnp.float32),
    )(degp)


def _mm_body(x_ref, w_ref, o_ref):
    x = x_ref[...]
    o_ref[0] = jnp.dot(x, w_ref[:, :DH], preferred_element_type=jnp.float32)
    o_ref[1] = jnp.dot(x, w_ref[:, DH:], preferred_element_type=jnp.float32)


def _mid_body(a_ref, b_ref, w_ref, o_ref):
    h = jnp.concatenate([a_ref[0], a_ref[1]], axis=1) + b_ref[...]
    h = jnp.maximum(h, 0.0)
    o_ref[0] = jnp.dot(h, w_ref[:, :DH], preferred_element_type=jnp.float32)
    o_ref[1] = jnp.dot(h, w_ref[:, DH:], preferred_element_type=jnp.float32)


def _last_body(a_ref, b_ref, h_ref, m_ref):
    h = jnp.concatenate([a_ref[0], a_ref[1]], axis=1) + b_ref[...]
    h_ref[...] = h
    m_ref[...] = jnp.sum(h, axis=0, keepdims=True)


_half_t = jax.ShapeDtypeStruct((NC, N, DH), jnp.float32)


def _tc_mm(x, w):
    return pl.pallas_call(_mm_body, out_shape=_half_t)(x, w)


def _tc_mid(a, b, w):
    return pl.pallas_call(_mid_body, out_shape=_half_t)(a, b, w)


def _tc_last(a, b):
    return pl.pallas_call(
        _last_body,
        out_shape=(jax.ShapeDtypeStruct((N, D), jnp.float32),
                   jax.ShapeDtypeStruct((1, D), jnp.float32)),
    )(a, b)


def kernel(x, edge_index, w, W0, b0, W1, b1, W2, b2):
    src = edge_index[0]
    dst = edge_index[1]
    src2 = src.reshape(NS, NCHUNK, CHUNK)
    dst2 = dst.reshape(NS, NCHUNK, CHUNK)

    degp = _deg_kernel(src)
    inv = _tc_inv(degp).reshape(NPAD)
    c = _c_kernel(src, w, inv)

    t = _tc_mm(x, W0)
    a = _mp_kernel(t, src2, dst2, c)
    t = _tc_mid(a, b0.reshape(1, D), W1)
    a = _mp_kernel(t, src2, dst2, c)
    t = _tc_mid(a, b1.reshape(1, D), W2)
    a = _mp_kernel(t, src2, dst2, c)
    h, mN = _tc_last(a, b2.reshape(1, D))
    return (h, mN)

# --- scband reference (transcript-rebuilt; emitter-appended) ---
"""Pipeline reference for scband-egnnc-19567871000961 (READ-ONLY COPY).

The authoritative reference and input builder live on the scoring server;
editing this copy changes nothing except your own understanding.
"""

import jax, jax.numpy as jnp
import numpy as np

N = 10000
E = 320000
D_IN = 128
D_HID = 128
D_OUT = 128


def setup_inputs(seed: int = 0) -> dict:
    key = jax.random.key(seed)
    ks = jax.random.split(key, 9)
    x = jax.random.normal(ks[0], (N, D_IN), dtype=jnp.float32)
    edge_index = jax.random.randint(ks[1], (2, E), 0, N, dtype=jnp.int32)
    w = jax.random.uniform(ks[2], (E,), dtype=jnp.float32)
    W0 = jax.random.normal(ks[3], (D_IN, D_HID), dtype=jnp.float32) / np.sqrt(D_IN)
    b0 = jnp.zeros((D_HID,), dtype=jnp.float32)
    W1 = jax.random.normal(ks[4], (D_HID, D_HID), dtype=jnp.float32) / np.sqrt(D_HID)
    b1 = jnp.zeros((D_HID,), dtype=jnp.float32)
    W2 = jax.random.normal(ks[5], (D_HID, D_OUT), dtype=jnp.float32) / np.sqrt(D_HID)
    b2 = jnp.zeros((D_OUT,), dtype=jnp.float32)
    return {"x": x, "edge_index": edge_index, "w": w,
            "W0": W0, "b0": b0, "W1": W1, "b1": b1, "W2": W2, "b2": b2}


def reference(x, edge_index, w, W0, b0, W1, b1, W2, b2):
    # EGNNC: 3 stacked EdgeGraphConv layers (norm='left', edge weights) + sum readout.
    src = edge_index[0]
    dst = edge_index[1]
    n = x.shape[0]
    # left normalization: divide source features by out-degree (clamped to 1)
    deg = jnp.zeros((n,), jnp.float32).at[src].add(1.0)
    deg = jnp.clip(deg, 1.0, None)
    inv = (1.0 / deg)[:, None]

    def conv(h, W, b, act):
        m = (h * inv)[src] * w[:, None]          # gather + edge-weight
        agg = jnp.zeros((n, h.shape[1]), h.dtype).at[dst].add(m)  # scatter-add
        out = agg @ W + b
        return act(out) if act is not None else out

    h = conv(x, W0, b0, jax.nn.relu)
    h = conv(h, W1, b1, jax.nn.relu)
    h = conv(h, W2, b2, None)
    mN = jnp.sum(h, axis=0, keepdims=True)        # readout_nodes(op='sum'), single graph
    return (h, mN)

if __name__ == "__main__":
    import jax
    _d = setup_inputs()
    print(jax.jit(kernel)(*tuple(_d.values())))

</pallas_src>

<mosaic_0001>
#map = affine_map<(d0, d1) -> (0)>
module attributes {stable_mosaic.version = 14 : i64} {
  func.func @_c_kernel(%arg0: i32, %arg1: i32, %arg2: memref<320000xi32, #tpu.memory_space<hbm>>, %arg3: memref<320000xf32, #tpu.memory_space<hbm>>, %arg4: memref<10240xf32, #tpu.memory_space<hbm>>, %arg5: memref<320000xf32, #tpu.memory_space<hbm>>, %arg6: memref<10000xi32, #tpu.memory_space<vmem>>, %arg7: memref<10000xf32, #tpu.memory_space<vmem>>, %arg8: memref<10240xf32, #tpu.memory_space<vmem>>) attributes {dimension_semantics = [#tpu.dimension_semantics<core_parallel>, #tpu.dimension_semantics<subcore_parallel>], iteration_bounds = array<i64: 2, 16>, scalar_prefetch = 0 : i64, scratch_operands = 3 : i64, tpu.core_type = #tpu.core_type<sc_vector_subcore>, window_params = [{transform_indices = #map}, {transform_indices = #map}, {transform_indices = #map}, {transform_indices = #map}]} {
    %mul3A = arith.constant 2 : i32
    %mul3A_0 = arith.muli %arg1, %mul3A : i32
    %add3A = arith.addi %mul3A_0, %arg0 : i32
    %mul3A_1 = arith.constant 10000 : i32
    %mul3A_2 = arith.muli %add3A, %mul3A_1 : i32
    "tpu.region"() ({
      %run_scoped3A = tpu.sem_alloc : memref<!tpu.dma_semaphore, #tpu.memory_space<semaphore_mem>>
      %dma_start3A = tpu.memref_slice %arg2[%mul3A_2] : memref<320000xi32, #tpu.memory_space<hbm>> -> memref<10000xi32, #tpu.memory_space<hbm>>
      %dma_start3A_11 = tpu.memref_slice %arg2[%mul3A_2] : memref<320000xi32, #tpu.memory_space<hbm>> -> memref<10000xi32, #tpu.memory_space<hbm>>
      tpu.enqueue_dma source(%dma_start3A_11 : memref<10000xi32, #tpu.memory_space<hbm>>) target(%arg6 : memref<10000xi32, #tpu.memory_space<vmem>>) target_semaphore(%run_scoped3A : memref<!tpu.dma_semaphore, #tpu.memory_space<semaphore_mem>>)
      %dma_wait3A = tpu.memref_slice %arg2[%mul3A_2] : memref<320000xi32, #tpu.memory_space<hbm>> -> memref<10000xi32, #tpu.memory_space<hbm>>
      %dma_wait3A_12 = tpu.memref_slice %arg2[%mul3A_2] : memref<320000xi32, #tpu.memory_space<hbm>> -> memref<10000xi32, #tpu.memory_space<hbm>>
      tpu.wait_dma2 semaphore(%run_scoped3A : memref<!tpu.dma_semaphore, #tpu.memory_space<semaphore_mem>>) src(%dma_wait3A_12 : memref<10000xi32, #tpu.memory_space<hbm>>) dst(%arg6 : memref<10000xi32, #tpu.memory_space<vmem>>)
      tpu.yield
    }) : () -> ()
    %mul3A_3 = arith.constant 10000 : i32
    %mul3A_4 = arith.muli %add3A, %mul3A_3 : i32
    "tpu.region"() ({
      %run_scoped3A = tpu.sem_alloc : memref<!tpu.dma_semaphore, #tpu.memory_space<semaphore_mem>>
      %dma_start3A = tpu.memref_slice %arg3[%mul3A_4] : memref<320000xf32, #tpu.memory_space<hbm>> -> memref<10000xf32, #tpu.memory_space<hbm>>
      %dma_start3A_11 = tpu.memref_slice %arg3[%mul3A_4] : memref<320000xf32, #tpu.memory_space<hbm>> -> memref<10000xf32, #tpu.memory_space<hbm>>
      tpu.enqueue_dma source(%dma_start3A_11 : memref<10000xf32, #tpu.memory_space<hbm>>) target(%arg7 : memref<10000xf32, #tpu.memory_space<vmem>>) target_semaphore(%run_scoped3A : memref<!tpu.dma_semaphore, #tpu.memory_space<semaphore_mem>>)
      %dma_wait3A = tpu.memref_slice %arg3[%mul3A_4] : memref<320000xf32, #tpu.memory_space<hbm>> -> memref<10000xf32, #tpu.memory_space<hbm>>
      %dma_wait3A_12 = tpu.memref_slice %arg3[%mul3A_4] : memref<320000xf32, #tpu.memory_space<hbm>> -> memref<10000xf32, #tpu.memory_space<hbm>>
      tpu.wait_dma2 semaphore(%run_scoped3A : memref<!tpu.dma_semaphore, #tpu.memory_space<semaphore_mem>>) src(%dma_wait3A_12 : memref<10000xf32, #tpu.memory_space<hbm>>) dst(%arg7 : memref<10000xf32, #tpu.memory_space<vmem>>)
      tpu.yield
    }) : () -> ()
    "tpu.region"() ({
      %run_scoped3A = tpu.sem_alloc : memref<!tpu.dma_semaphore, #tpu.memory_space<semaphore_mem>>
      tpu.enqueue_dma source(%arg4 : memref<10240xf32, #tpu.memory_space<hbm>>) target(%arg8 : memref<10240xf32, #tpu.memory_space<vmem>>) target_semaphore(%run_scoped3A : memref<!tpu.dma_semaphore, #tpu.memory_space<semaphore_mem>>)
      tpu.wait_dma2 semaphore(%run_scoped3A : memref<!tpu.dma_semaphore, #tpu.memory_space<semaphore_mem>>) src(%arg4 : memref<10240xf32, #tpu.memory_space<hbm>>) dst(%arg8 : memref<10240xf32, #tpu.memory_space<vmem>>)
      tpu.yield
    }) : () -> ()
    %scan3A = arith.constant 0 : i32
    %scan3A_5 = arith.constant 625 : i32
    %scan3A_6 = arith.addi %scan3A, %scan3A_5 : i32
    %scan3A_7 = arith.constant 1 : i32
    scf.for %scan3A_11 = %scan3A to %scan3A_6 step %scan3A_7  : i32 {
      %mul3A_12 = arith.constant 1 : i32
      %mul3A_13 = arith.muli %scan3A_11, %mul3A_12 : i32
      %add3A_14 = arith.constant 0 : i32
      %add3A_15 = arith.addi %add3A_14, %mul3A_13 : i32
      %mul3A_16 = arith.constant 16 : i32
      %mul3A_17 = arith.muli %add3A_15, %mul3A_16 : i32
      %get3A = arith.index_cast %mul3A_17 : i32 to index
      %get3A_18 = tpu.vector_load %arg6[%get3A] {strides = array<i32>} : memref<10000xi32, #tpu.memory_space<vmem>>, vector<16xi32>,
      %gather3A = tpu.vector_load_idx %arg8[%get3A_18] : memref<10240xf32, #tpu.memory_space<vmem>>[vector<16xi32>], vector<16xf32>,
      %mul3A_19 = arith.constant 16 : i32
      %mul3A_20 = arith.muli %add3A_15, %mul3A_19 : i32
      %get3A_21 = arith.index_cast %mul3A_20 : i32 to index
      %get3A_22 = tpu.vector_load %arg7[%get3A_21] {strides = array<i32>} : memref<10000xf32, #tpu.memory_space<vmem>>, vector<16xf32>,
      %mul3A_23 = arith.mulf %get3A_22, %gather3A : vector<16xf32>
      %mul3A_24 = arith.constant 16 : i32
      %mul3A_25 = arith.muli %add3A_15, %mul3A_24 : i32
      %swap3A = arith.index_cast %mul3A_25 : i32 to index
      %swap3A_26 = tpu.vector_load %arg7[%swap3A] {strides = array<i32>} : memref<10000xf32, #tpu.memory_space<vmem>>, vector<16xf32>,
      tpu.vector_store %arg7[%swap3A], %mul3A_23 {strides = array<i32>} : memref<10000xf32, #tpu.memory_space<vmem>>, vector<16xf32>,
    }
    %scan3A_8 = arith.constant 625 : i32
    %mul3A_9 = arith.constant 10000 : i32
    %mul3A_10 = arith.muli %add3A, %mul3A_9 : i32
    "tpu.region"() ({
      %run_scoped3A = tpu.sem_alloc : memref<!tpu.dma_semaphore, #tpu.memory_space<semaphore_mem>>
      %dma_start3A = tpu.memref_slice %arg5[%mul3A_10] : memref<320000xf32, #tpu.memory_space<hbm>> -> memref<10000xf32, #tpu.memory_space<hbm>>
      %dma_start3A_11 = tpu.memref_slice %arg5[%mul3A_10] : memref<320000xf32, #tpu.memory_space<hbm>> -> memref<10000xf32, #tpu.memory_space<hbm>>
      tpu.enqueue_dma source(%arg7 : memref<10000xf32, #tpu.memory_space<vmem>>) target(%dma_start3A_11 : memref<10000xf32, #tpu.memory_space<hbm>>) target_semaphore(%run_scoped3A : memref<!tpu.dma_semaphore, #tpu.memory_space<semaphore_mem>>)
      %dma_wait3A = tpu.memref_slice %arg5[%mul3A_10] : memref<320000xf32, #tpu.memory_space<hbm>> -> memref<10000xf32, #tpu.memory_space<hbm>>
      %dma_wait3A_12 = tpu.memref_slice %arg5[%mul3A_10] : memref<320000xf32, #tpu.memory_space<hbm>> -> memref<10000xf32, #tpu.memory_space<hbm>>
      tpu.wait_dma2 semaphore(%run_scoped3A : memref<!tpu.dma_semaphore, #tpu.memory_space<semaphore_mem>>) src(%arg7 : memref<10000xf32, #tpu.memory_space<vmem>>) dst(%dma_wait3A_12 : memref<10000xf32, #tpu.memory_space<hbm>>)
      tpu.yield
    }) : () -> ()
    return
  }
}

#map = affine_map<(d0, d1) -> (0, 0, 0)>
#map1 = affine_map<(d0, d1) -> (0)>
module attributes {stable_mosaic.version = 14 : i64} {
  func.func @_mp_kernel(%arg0: i32, %arg1: i32, %arg2: memref<2x10000x64xf32, #tpu.memory_space<hbm>>, %arg3: memref<16x200x100xi32, #tpu.memory_space<hbm>>, %arg4: memref<16x200x100xi32, #tpu.memory_space<hbm>>, %arg5: memref<320000xf32, #tpu.memory_space<hbm>>, %arg6: memref<2x10000x64xf32, #tpu.memory_space<hbm>>, %arg7: memref<200x100xi32, #tpu.memory_space<vmem>>, %arg8: memref<200x100xi32, #tpu.memory_space<vmem>>, %arg9: memref<20000xf32, #tpu.memory_space<vmem>>, %arg10: memref<4x100x64xf32, #tpu.memory_space<vmem>>, %arg11: memref<!tpu.dma_semaphore, #tpu.memory_space<semaphore_mem>>, %arg12: memref<!tpu.dma_semaphore, #tpu.memory_space<semaphore_mem>>, %arg13: memref<!tpu.dma_semaphore, #tpu.memory_space<semaphore_mem>>, %arg14: memref<!tpu.dma_semaphore, #tpu.memory_space<semaphore_mem>>, %arg15: memref<!tpu.dma_semaphore, #tpu.memory_space<semaphore_mem>>, %arg16: memref<10000x64xf32, #tpu.memory_space<vmem_shared>>) attributes {dimension_semantics = [#tpu.dimension_semantics<core_parallel>, #tpu.dimension_semantics<subcore_parallel>], iteration_bounds = array<i64: 2, 16>, scalar_prefetch = 0 : i64, scratch_operands = 10 : i64, tpu.core_type = #tpu.core_type<sc_vector_subcore>, window_params = [{transform_indices = #map}, {transform_indices = #map}, {transform_indices = #map}, {transform_indices = #map1}, {transform_indices = #map}]} {
    "tpu.region"() ({
      %run_scoped3A_96 = tpu.sem_alloc : memref<!tpu.dma_semaphore, #tpu.memory_space<semaphore_mem>>
      %dma_start3A_97 = arith.constant 0 : i32
      %dma_start3A_98 = arith.constant 0 : i32
      %dma_start3A_99 = tpu.memref_slice %arg3[%arg1, %dma_start3A_97, %dma_start3A_98] : memref<16x200x100xi32, #tpu.memory_space<hbm>> -> memref<1x200x100xi32, #tpu.memory_space<hbm>>
      %dma_start3A_100 = tpu.memref_squeeze %dma_start3A_99 : memref<1x200x100xi32, #tpu.memory_space<hbm>> -> memref<200x100xi32, #tpu.memory_space<hbm>>
      %dma_start3A_101 = arith.constant 0 : i32
      %dma_start3A_102 = arith.constant 0 : i32
      %dma_start3A_103 = tpu.memref_slice %arg3[%arg1, %dma_start3A_101, %dma_start3A_102] : memref<16x200x100xi32, #tpu.memory_space<hbm>> -> memref<1x200x100xi32, #tpu.memory_space<hbm>>
      %dma_start3A_104 = tpu.memref_squeeze %dma_start3A_103 : memref<1x200x100xi32, #tpu.memory_space<hbm>> -> memref<200x100xi32, #tpu.memory_space<hbm>>
      tpu.enqueue_dma source(%dma_start3A_104 : memref<200x100xi32, #tpu.memory_space<hbm>>) target(%arg7 : memref<200x100xi32, #tpu.memory_space<vmem>>) target_semaphore(%run_scoped3A_96 : memref<!tpu.dma_semaphore, #tpu.memory_space<semaphore_mem>>)
      %dma_wait3A = arith.constant 0 : i32
      %dma_wait3A_105 = arith.constant 0 : i32
      %dma_wait3A_106 = tpu.memref_slice %arg3[%arg1, %dma_wait3A, %dma_wait3A_105] : memref<16x200x100xi32, #tpu.memory_space<hbm>> -> memref<1x200x100xi32, #tpu.memory_space<hbm>>
      %dma_wait3A_107 = tpu.memref_squeeze %dma_wait3A_106 : memref<1x200x100xi32, #tpu.memory_space<hbm>> -> memref<200x100xi32, #tpu.memory_space<hbm>>
      %dma_wait3A_108 = arith.constant 0 : i32
      %dma_wait3A_109 = arith.constant 0 : i32
      %dma_wait3A_110 = tpu.memref_slice %arg3[%arg1, %dma_wait3A_108, %dma_wait3A_109] : memref<16x200x100xi32, #tpu.memory_space<hbm>> -> memref<1x200x100xi32, #tpu.memory_space<hbm>>
      %dma_wait3A_111 = tpu.memref_squeeze %dma_wait3A_110 : memref<1x200x100xi32, #tpu.memory_space<hbm>> -> memref<200x100xi32, #tpu.memory_space<hbm>>
      tpu.wait_dma2 semaphore(%run_scoped3A_96 : memref<!tpu.dma_semaphore, #tpu.memory_space<semaphore_mem>>) src(%dma_wait3A_111 : memref<200x100xi32, #tpu.memory_space<hbm>>) dst(%arg7 : memref<200x100xi32, #tpu.memory_space<vmem>>)
      tpu.yield
    }) : () -> ()
    "tpu.region"() ({
      %run_scoped3A_96 = tpu.sem_alloc : memref<!tpu.dma_semaphore, #tpu.memory_space<semaphore_mem>>
      %dma_start3A_97 = arith.constant 0 : i32
      %dma_start3A_98 = arith.constant 0 : i32
      %dma_start3A_99 = tpu.memref_slice %arg4[%arg1, %dma_start3A_97, %dma_start3A_98] : memref<16x200x100xi32, #tpu.memory_space<hbm>> -> memref<1x200x100xi32, #tpu.memory_space<hbm>>
      %dma_start3A_100 = tpu.memref_squeeze %dma_start3A_99 : memref<1x200x100xi32, #tpu.memory_space<hbm>> -> memref<200x100xi32, #tpu.memory_space<hbm>>
      %dma_start3A_101 = arith.constant 0 : i32
      %dma_start3A_102 = arith.constant 0 : i32
      %dma_start3A_103 = tpu.memref_slice %arg4[%arg1, %dma_start3A_101, %dma_start3A_102] : memref<16x200x100xi32, #tpu.memory_space<hbm>> -> memref<1x200x100xi32, #tpu.memory_space<hbm>>
      %dma_start3A_104 = tpu.memref_squeeze %dma_start3A_103 : memref<1x200x100xi32, #tpu.memory_space<hbm>> -> memref<200x100xi32, #tpu.memory_space<hbm>>
      tpu.enqueue_dma source(%dma_start3A_104 : memref<200x100xi32, #tpu.memory_space<hbm>>) target(%arg8 : memref<200x100xi32, #tpu.memory_space<vmem>>) target_semaphore(%run_scoped3A_96 : memref<!tpu.dma_semaphore, #tpu.memory_space<semaphore_mem>>)
      %dma_wait3A = arith.constant 0 : i32
      %dma_wait3A_105 = arith.constant 0 : i32
      %dma_wait3A_106 = tpu.memref_slice %arg4[%arg1, %dma_wait3A, %dma_wait3A_105] : memref<16x200x100xi32, #tpu.memory_space<hbm>> -> memref<1x200x100xi32, #tpu.memory_space<hbm>>
      %dma_wait3A_107 = tpu.memref_squeeze %dma_wait3A_106 : memref<1x200x100xi32, #tpu.memory_space<hbm>> -> memref<200x100xi32, #tpu.memory_space<hbm>>
      %dma_wait3A_108 = arith.constant 0 : i32
      %dma_wait3A_109 = arith.constant 0 : i32
      %dma_wait3A_110 = tpu.memref_slice %arg4[%arg1, %dma_wait3A_108, %dma_wait3A_109] : memref<16x200x100xi32, #tpu.memory_space<hbm>> -> memref<1x200x100xi32, #tpu.memory_space<hbm>>
      %dma_wait3A_111 = tpu.memref_squeeze %dma_wait3A_110 : memref<1x200x100xi32, #tpu.memory_space<hbm>> -> memref<200x100xi32, #tpu.memory_space<hbm>>
      tpu.wait_dma2 semaphore(%run_scoped3A_96 : memref<!tpu.dma_semaphore, #tpu.memory_space<semaphore_mem>>) src(%dma_wait3A_111 : memref<200x100xi32, #tpu.memory_space<hbm>>) dst(%arg8 : memref<200x100xi32, #tpu.memory_space<vmem>>)
      tpu.yield
    }) : () -> ()
    %mul3A = arith.constant 20000 : i32
    %mul3A_0 = arith.muli %arg1, %mul3A : i32
    "tpu.region"() ({
      %run_scoped3A_96 = tpu.sem_alloc : memref<!tpu.dma_semaphore, #tpu.memory_space<semaphore_mem>>
      %dma_start3A_97 = tpu.memref_slice %arg5[%mul3A_0] : memref<320000xf32, #tpu.memory_space<hbm>> -> memref<20000xf32, #tpu.memory_space<hbm>>
      %dma_start3A_98 = tpu.memref_slice %arg5[%mul3A_0] : memref<320000xf32, #tpu.memory_space<hbm>> -> memref<20000xf32, #tpu.memory_space<hbm>>
      tpu.enqueue_dma source(%dma_start3A_98 : memref<20000xf32, #tpu.memory_space<hbm>>) target(%arg9 : memref<20000xf32, #tpu.memory_space<vmem>>) target_semaphore(%run_scoped3A_96 : memref<!tpu.dma_semaphore, #tpu.memory_space<semaphore_mem>>)
      %dma_wait3A = tpu.memref_slice %arg5[%mul3A_0] : memref<320000xf32, #tpu.memory_space<hbm>> -> memref<20000xf32, #tpu.memory_space<hbm>>
      %dma_wait3A_99 = tpu.memref_slice %arg5[%mul3A_0] : memref<320000xf32, #tpu.memory_space<hbm>> -> memref<20000xf32, #tpu.memory_space<hbm>>
      tpu.wait_dma2 semaphore(%run_scoped3A_96 : memref<!tpu.dma_semaphore, #tpu.memory_space<semaphore_mem>>) src(%dma_wait3A_99 : memref<20000xf32, #tpu.memory_space<hbm>>) dst(%arg9 : memref<20000xf32, #tpu.memory_space<vmem>>)
      tpu.yield
    }) : () -> ()
    %broadcast_in_dim3A = arith.constant 0.000000e+00 : f32
    %broadcast_in_dim3A_1 = vector.broadcast %broadcast_in_dim3A : f32 to vector<16xf32>
    %scan3A = arith.constant 0 : i32
    %scan3A_2 = arith.constant 100 : i32
    %scan3A_3 = arith.addi %scan3A, %scan3A_2 : i32
    %scan3A_4 = arith.constant 1 : i32
    scf.for %scan3A_96 = %scan3A to %scan3A_3 step %scan3A_4  : i32 {
      %mul3A_97 = arith.constant 1 : i32
      %mul3A_98 = arith.muli %scan3A_96, %mul3A_97 : i32
      %add3A_99 = arith.constant 0 : i32
      %add3A_100 = arith.addi %add3A_99, %mul3A_98 : i32
      %swap3A = arith.constant 0 : i32
      %swap3A_101 = arith.index_cast %swap3A : i32 to index
      %swap3A_102 = arith.index_cast %add3A_100 : i32 to index
      %swap3A_103 = arith.constant 0 : index
      %swap3A_104 = tpu.vector_load %arg10[%swap3A_101, %swap3A_102, %swap3A_103] {strides = array<i32>} : memref<4x100x64xf32, #tpu.memory_space<vmem>>, vector<16xf32>,
      tpu.vector_store %arg10[%swap3A_101, %swap3A_102, %swap3A_103], %broadcast_in_dim3A_1 {strides = array<i32>} : memref<4x100x64xf32, #tpu.memory_space<vmem>>, vector<16xf32>,
      %swap3A_105 = arith.constant 0 : i32
      %swap3A_106 = arith.index_cast %swap3A_105 : i32 to index
      %swap3A_107 = arith.index_cast %add3A_100 : i32 to index
      %swap3A_108 = arith.constant 16 : index
      %swap3A_109 = tpu.vector_load %arg10[%swap3A_106, %swap3A_107, %swap3A_108] {strides = array<i32>} : memref<4x100x64xf32, #tpu.memory_space<vmem>>, vector<16xf32>,
      tpu.vector_store %arg10[%swap3A_106, %swap3A_107, %swap3A_108], %broadcast_in_dim3A_1 {strides = array<i32>} : memref<4x100x64xf32, #tpu.memory_space<vmem>>, vector<16xf32>,
      %swap3A_110 = arith.constant 0 : i32
      %swap3A_111 = arith.index_cast %swap3A_110 : i32 to index
      %swap3A_112 = arith.index_cast %add3A_100 : i32 to index
      %swap3A_113 = arith.constant 32 : index
      %swap3A_114 = tpu.vector_load %arg10[%swap3A_111, %swap3A_112, %swap3A_113] {strides = array<i32>} : memref<4x100x64xf32, #tpu.memory_space<vmem>>, vector<16xf32>,
      tpu.vector_store %arg10[%swap3A_111, %swap3A_112, %swap3A_113], %broadcast_in_dim3A_1 {strides = array<i32>} : memref<4x100x64xf32, #tpu.memory_space<vmem>>, vector<16xf32>,
      %swap3A_115 = arith.constant 0 : i32
      %swap3A_116 = arith.index_cast %swap3A_115 : i32 to index
      %swap3A_117 = arith.index_cast %add3A_100 : i32 to index
      %swap3A_118 = arith.constant 48 : index
      %swap3A_119 = tpu.vector_load %arg10[%swap3A_116, %swap3A_117, %swap3A_118] {strides = array<i32>} : memref<4x100x64xf32, #tpu.memory_space<vmem>>, vector<16xf32>,
      tpu.vector_store %arg10[%swap3A_116, %swap3A_117, %swap3A_118], %broadcast_in_dim3A_1 {strides = array<i32>} : memref<4x100x64xf32, #tpu.memory_space<vmem>>, vector<16xf32>,
    }
    %scan3A_5 = arith.constant 100 : i32
    %mul3A_6 = arith.constant 624 : i32
    %mul3A_7 = arith.muli %arg1, %mul3A_6 : i32
    %add3A = arith.constant 0 : i32
    %add3A_8 = arith.addi %mul3A_7, %add3A : i32
    %run_scoped3A = arith.constant 0 : i32
    "tpu.region"() ({
      %run_scoped3A_96 = tpu.sem_alloc : memref<!tpu.dma_semaphore, #tpu.memory_space<semaphore_mem>>
      %dma_start3A_97 = arith.constant 0 : i32
      %dma_start3A_98 = arith.constant 0 : i32
      %dma_start3A_99 = tpu.memref_slice %arg10[%run_scoped3A, %dma_start3A_97, %dma_start3A_98] : memref<4x100x64xf32, #tpu.memory_space<vmem>> -> memref<1x100x64xf32, #tpu.memory_space<vmem>>
      %dma_start3A_100 = tpu.memref_squeeze %dma_start3A_99 : memref<1x100x64xf32, #tpu.memory_space<vmem>> -> memref<100x64xf32, #tpu.memory_space<vmem>>
      %dma_start3A_101 = arith.constant 0 : i32
      %dma_start3A_102 = tpu.memref_slice %arg16[%add3A_8, %dma_start3A_101] : memref<10000x64xf32, #tpu.memory_space<vmem_shared>> -> memref<100x64xf32, #tpu.memory_space<vmem_shared>>
      %dma_start3A_103 = arith.constant 0 : i32
      %dma_start3A_104 = tpu.memref_slice %arg16[%add3A_8, %dma_start3A_103] : memref<10000x64xf32, #tpu.memory_space<vmem_shared>> -> memref<100x64xf32, #tpu.memory_space<vmem_shared>>
      %dma_start3A_105 = arith.constant 0 : i32
      %dma_start3A_106 = arith.constant 0 : i32
      %dma_start3A_107 = tpu.memref_slice %arg10[%run_scoped3A, %dma_start3A_105, %dma_start3A_106] : memref<4x100x64xf32, #tpu.memory_space<vmem>> -> memref<1x100x64xf32, #tpu.memory_space<vmem>>
      %dma_start3A_108 = tpu.memref_squeeze %dma_start3A_107 : memref<1x100x64xf32, #tpu.memory_space<vmem>> -> memref<100x64xf32, #tpu.memory_space<vmem>>
      tpu.enqueue_dma source(%dma_start3A_108 : memref<100x64xf32, #tpu.memory_space<vmem>>) target(%dma_start3A_104 : memref<100x64xf32, #tpu.memory_space<vmem_shared>>) target_semaphore(%run_scoped3A_96 : memref<!tpu.dma_semaphore, #tpu.memory_space<semaphore_mem>>)
      %dma_wait3A = arith.constant 0 : i32
      %dma_wait3A_109 = arith.constant 0 : i32
      %dma_wait3A_110 = tpu.memref_slice %arg10[%run_scoped3A, %dma_wait3A, %dma_wait3A_109] : memref<4x100x64xf32, #tpu.memory_space<vmem>> -> memref<1x100x64xf32, #tpu.memory_space<vmem>>
      %dma_wait3A_111 = tpu.memref_squeeze %dma_wait3A_110 : memref<1x100x64xf32, #tpu.memory_space<vmem>> -> memref<100x64xf32, #tpu.memory_space<vmem>>
      %dma_wait3A_112 = arith.constant 0 : i32
      %dma_wait3A_113 = tpu.memref_slice %arg16[%add3A_8, %dma_wait3A_112] : memref<10000x64xf32, #tpu.memory_space<vmem_shared>> -> memref<100x64xf32, #tpu.memory_space<vmem_shared>>
      %dma_wait3A_114 = arith.constant 0 : i32
      %dma_wait3A_115 = tpu.memref_slice %arg16[%add3A_8, %dma_wait3A_114] : memref<10000x64xf32, #tpu.memory_space<vmem_shared>> -> memref<100x64xf32, #tpu.memory_space<vmem_shared>>
      %dma_wait3A_116 = arith.constant 0 : i32
      %dma_wait3A_117 = arith.constant 0 : i32
      %dma_wait3A_118 = tpu.memref_slice %arg10[%run_scoped3A, %dma_wait3A_116, %dma_wait3A_117] : memref<4x100x64xf32, #tpu.memory_space<vmem>> -> memref<1x100x64xf32, #tpu.memory_space<vmem>>
      %dma_wait3A_119 = tpu.memref_squeeze %dma_wait3A_118 : memref<1x100x64xf32, #tpu.memory_space<vmem>> -> memref<100x64xf32, #tpu.memory_space<vmem>>
      tpu.wait_dma2 semaphore(%run_scoped3A_96 : memref<!tpu.dma_semaphore, #tpu.memory_space<semaphore_mem>>) src(%dma_wait3A_119 : memref<100x64xf32, #tpu.memory_space<vmem>>) dst(%dma_wait3A_115 : memref<100x64xf32, #tpu.memory_space<vmem_shared>>)
      tpu.yield
    }) : () -> ()
    %add3A_9 = arith.constant 100 : i32
    %add3A_10 = arith.addi %mul3A_7, %add3A_9 : i32
    %run_scoped3A_11 = arith.constant 0 : i32
    "tpu.region"() ({
      %run_scoped3A_96 = tpu.sem_alloc : memref<!tpu.dma_semaphore, #tpu.memory_space<semaphore_mem>>
      %dma_start3A_97 = arith.constant 0 : i32
      %dma_start3A_98 = arith.constant 0 : i32
      %dma_start3A_99 = tpu.memref_slice %arg10[%run_scoped3A_11, %dma_start3A_97, %dma_start3A_98] : memref<4x100x64xf32, #tpu.memory_space<vmem>> -> memref<1x100x64xf32, #tpu.memory_space<vmem>>
      %dma_start3A_100 = tpu.memref_squeeze %dma_start3A_99 : memref<1x100x64xf32, #tpu.memory_space<vmem>> -> memref<100x64xf32, #tpu.memory_space<vmem>>
      %dma_start3A_101 = arith.constant 0 : i32
      %dma_start3A_102 = tpu.memref_slice %arg16[%add3A_10, %dma_start3A_101] : memref<10000x64xf32, #tpu.memory_space<vmem_shared>> -> memref<100x64xf32, #tpu.memory_space<vmem_shared>>
      %dma_start3A_103 = arith.constant 0 : i32
      %dma_start3A_104 = tpu.memref_slice %arg16[%add3A_10, %dma_start3A_103] : memref<10000x64xf32, #tpu.memory_space<vmem_shared>> -> memref<100x64xf32, #tpu.memory_space<vmem_shared>>
      %dma_start3A_105 = arith.constant 0 : i32
      %dma_start3A_106 = arith.constant 0 : i32
      %dma_start3A_107 = tpu.memref_slice %arg10[%run_scoped3A_11, %dma_start3A_105, %dma_start3A_106] : memref<4x100x64xf32, #tpu.memory_space<vmem>> -> memref<1x100x64xf32, #tpu.memory_space<vmem>>
      %dma_start3A_108 = tpu.memref_squeeze %dma_start3A_107 : memref<1x100x64xf32, #tpu.memory_space<vmem>> -> memref<100x64xf32, #tpu.memory_space<vmem>>
      tpu.enqueue_dma source(%dma_start3A_108 : memref<100x64xf32, #tpu.memory_space<vmem>>) target(%dma_start3A_104 : memref<100x64xf32, #tpu.memory_space<vmem_shared>>) target_semaphore(%run_scoped3A_96 : memref<!tpu.dma_semaphore, #tpu.memory_space<semaphore_mem>>)
      %dma_wait3A = arith.constant 0 : i32
      %dma_wait3A_109 = arith.constant 0 : i32
      %dma_wait3A_110 = tpu.memref_slice %arg10[%run_scoped3A_11, %dma_wait3A, %dma_wait3A_109] : memref<4x100x64xf32, #tpu.memory_space<vmem>> -> memref<1x100x64xf32, #tpu.memory_space<vmem>>
      %dma_wait3A_111 = tpu.memref_squeeze %dma_wait3A_110 : memref<1x100x64xf32, #tpu.memory_space<vmem>> -> memref<100x64xf32, #tpu.memory_space<vmem>>
      %dma_wait3A_112 = arith.constant 0 : i32
      %dma_wait3A_113 = tpu.memref_slice %arg16[%add3A_10, %dma_wait3A_112] : memref<10000x64xf32, #tpu.memory_space<vmem_shared>> -> memref<100x64xf32, #tpu.memory_space<vmem_shared>>
      %dma_wait3A_114 = arith.constant 0 : i32
      %dma_wait3A_115 = tpu.memref_slice %arg16[%add3A_10, %dma_wait3A_114] : memref<10000x64xf32, #tpu.memory_space<vmem_shared>> -> memref<100x64xf32, #tpu.memory_space<vmem_shared>>
      %dma_wait3A_116 = arith.constant 0 : i32
      %dma_wait3A_117 = arith.constant 0 : i32
      %dma_wait3A_118 = tpu.memref_slice %arg10[%run_scoped3A_11, %dma_wait3A_116, %dma_wait3A_117] : memref<4x100x64xf32, #tpu.memory_space<vmem>> -> memref<1x100x64xf32, #tpu.memory_space<vmem>>
      %dma_wait3A_119 = tpu.memref_squeeze %dma_wait3A_118 : memref<1x100x64xf32, #tpu.memory_space<vmem>> -> memref<100x64xf32, #tpu.memory_space<vmem>>
      tpu.wait_dma2 semaphore(%run_scoped3A_96 : memref<!tpu.dma_semaphore, #tpu.memory_space<semaphore_mem>>) src(%dma_wait3A_119 : memref<100x64xf32, #tpu.memory_space<vmem>>) dst(%dma_wait3A_115 : memref<100x64xf32, #tpu.memory_space<vmem_shared>>)
      tpu.yield
    }) : () -> ()
    %add3A_12 = arith.constant 200 : i32
    %add3A_13 = arith.addi %mul3A_7, %add3A_12 : i32
    %run_scoped3A_14 = arith.constant 0 : i32
    "tpu.region"() ({
      %run_scoped3A_96 = tpu.sem_alloc : memref<!tpu.dma_semaphore, #tpu.memory_space<semaphore_mem>>
      %dma_start3A_97 = arith.constant 0 : i32
      %dma_start3A_98 = arith.constant 0 : i32
      %dma_start3A_99 = tpu.memref_slice %arg10[%run_scoped3A_14, %dma_start3A_97, %dma_start3A_98] : memref<4x100x64xf32, #tpu.memory_space<vmem>> -> memref<1x100x64xf32, #tpu.memory_space<vmem>>
      %dma_start3A_100 = tpu.memref_squeeze %dma_start3A_99 : memref<1x100x64xf32, #tpu.memory_space<vmem>> -> memref<100x64xf32, #tpu.memory_space<vmem>>
      %dma_start3A_101 = arith.constant 0 : i32
      %dma_start3A_102 = tpu.memref_slice %arg16[%add3A_13, %dma_start3A_101] : memref<10000x64xf32, #tpu.memory_space<vmem_shared>> -> memref<100x64xf32, #tpu.memory_space<vmem_shared>>
      %dma_start3A_103 = arith.constant 0 : i32
      %dma_start3A_104 = tpu.memref_slice %arg16[%add3A_13, %dma_start3A_103] : memref<10000x64xf32, #tpu.memory_space<vmem_shared>> -> memref<100x64xf32, #tpu.memory_space<vmem_shared>>
      %dma_start3A_105 = arith.constant 0 : i32
      %dma_start3A_106 = arith.constant 0 : i32
      %dma_start3A_107 = tpu.memref_slice %arg10[%run_scoped3A_14, %dma_start3A_105, %dma_start3A_106] : memref<4x100x64xf32, #tpu.memory_space<vmem>> -> memref<1x100x64xf32, #tpu.memory_space<vmem>>
      %dma_start3A_108 = tpu.memref_squeeze %dma_start3A_107 : memref<1x100x64xf32, #tpu.memory_space<vmem>> -> memref<100x64xf32, #tpu.memory_space<vmem>>
      tpu.enqueue_dma source(%dma_start3A_108 : memref<100x64xf32, #tpu.memory_space<vmem>>) target(%dma_start3A_104 : memref<100x64xf32, #tpu.memory_space<vmem_shared>>) target_semaphore(%run_scoped3A_96 : memref<!tpu.dma_semaphore, #tpu.memory_space<semaphore_mem>>)
      %dma_wait3A = arith.constant 0 : i32
      %dma_wait3A_109 = arith.constant 0 : i32
      %dma_wait3A_110 = tpu.memref_slice %arg10[%run_scoped3A_14, %dma_wait3A, %dma_wait3A_109] : memref<4x100x64xf32, #tpu.memory_space<vmem>> -> memref<1x100x64xf32, #tpu.memory_space<vmem>>
      %dma_wait3A_111 = tpu.memref_squeeze %dma_wait3A_110 : memref<1x100x64xf32, #tpu.memory_space<vmem>> -> memref<100x64xf32, #tpu.memory_space<vmem>>
      %dma_wait3A_112 = arith.constant 0 : i32
      %dma_wait3A_113 = tpu.memref_slice %arg16[%add3A_13, %dma_wait3A_112] : memref<10000x64xf32, #tpu.memory_space<vmem_shared>> -> memref<100x64xf32, #tpu.memory_space<vmem_shared>>
      %dma_wait3A_114 = arith.constant 0 : i32
      %dma_wait3A_115 = tpu.memref_slice %arg16[%add3A_13, %dma_wait3A_114] : memref<10000x64xf32, #tpu.memory_space<vmem_shared>> -> memref<100x64xf32, #tpu.memory_space<vmem_shared>>
      %dma_wait3A_116 = arith.constant 0 : i32
      %dma_wait3A_117 = arith.constant 0 : i32
      %dma_wait3A_118 = tpu.memref_slice %arg10[%run_scoped3A_14, %dma_wait3A_116, %dma_wait3A_117] : memref<4x100x64xf32, #tpu.memory_space<vmem>> -> memref<1x100x64xf32, #tpu.memory_space<vmem>>
      %dma_wait3A_119 = tpu.memref_squeeze %dma_wait3A_118 : memref<1x100x64xf32, #tpu.memory_space<vmem>> -> memref<100x64xf32, #tpu.memory_space<vmem>>
      tpu.wait_dma2 semaphore(%run_scoped3A_96 : memref<!tpu.dma_semaphore, #tpu.memory_space<semaphore_mem>>) src(%dma_wait3A_119 : memref<100x64xf32, #tpu.memory_space<vmem>>) dst(%dma_wait3A_115 : memref<100x64xf32, #tpu.memory_space<vmem_shared>>)
      tpu.yield
    }) : () -> ()
    %add3A_15 = arith.constant 300 : i32
    %add3A_16 = arith.addi %mul3A_7, %add3A_15 : i32
    %run_scoped3A_17 = arith.constant 0 : i32
    "tpu.region"() ({
      %run_scoped3A_96 = tpu.sem_alloc : memref<!tpu.dma_semaphore, #tpu.memory_space<semaphore_mem>>
      %dma_start3A_97 = arith.constant 0 : i32
      %dma_start3A_98 = arith.constant 0 : i32
      %dma_start3A_99 = tpu.memref_slice %arg10[%run_scoped3A_17, %dma_start3A_97, %dma_start3A_98] : memref<4x100x64xf32, #tpu.memory_space<vmem>> -> memref<1x100x64xf32, #tpu.memory_space<vmem>>
      %dma_start3A_100 = tpu.memref_squeeze %dma_start3A_99 : memref<1x100x64xf32, #tpu.memory_space<vmem>> -> memref<100x64xf32, #tpu.memory_space<vmem>>
      %dma_start3A_101 = arith.constant 0 : i32
      %dma_start3A_102 = tpu.memref_slice %arg16[%add3A_16, %dma_start3A_101] : memref<10000x64xf32, #tpu.memory_space<vmem_shared>> -> memref<100x64xf32, #tpu.memory_space<vmem_shared>>
      %dma_start3A_103 = arith.constant 0 : i32
      %dma_start3A_104 = tpu.memref_slice %arg16[%add3A_16, %dma_start3A_103] : memref<10000x64xf32, #tpu.memory_space<vmem_shared>> -> memref<100x64xf32, #tpu.memory_space<vmem_shared>>
      %dma_start3A_105 = arith.constant 0 : i32
      %dma_start3A_106 = arith.constant 0 : i32
      %dma_start3A_107 = tpu.memref_slice %arg10[%run_scoped3A_17, %dma_start3A_105, %dma_start3A_106] : memref<4x100x64xf32, #tpu.memory_space<vmem>> -> memref<1x100x64xf32, #tpu.memory_space<vmem>>
      %dma_start3A_108 = tpu.memref_squeeze %dma_start3A_107 : memref<1x100x64xf32, #tpu.memory_space<vmem>> -> memref<100x64xf32, #tpu.memory_space<vmem>>
      tpu.enqueue_dma source(%dma_start3A_108 : memref<100x64xf32, #tpu.memory_space<vmem>>) target(%dma_start3A_104 : memref<100x64xf32, #tpu.memory_space<vmem_shared>>) target_semaphore(%run_scoped3A_96 : memref<!tpu.dma_semaphore, #tpu.memory_space<semaphore_mem>>)
      %dma_wait3A = arith.constant 0 : i32
      %dma_wait3A_109 = arith.constant 0 : i32
      %dma_wait3A_110 = tpu.memref_slice %arg10[%run_scoped3A_17, %dma_wait3A, %dma_wait3A_109] : memref<4x100x64xf32, #tpu.memory_space<vmem>> -> memref<1x100x64xf32, #tpu.memory_space<vmem>>
      %dma_wait3A_111 = tpu.memref_squeeze %dma_wait3A_110 : memref<1x100x64xf32, #tpu.memory_space<vmem>> -> memref<100x64xf32, #tpu.memory_space<vmem>>
      %dma_wait3A_112 = arith.constant 0 : i32
      %dma_wait3A_113 = tpu.memref_slice %arg16[%add3A_16, %dma_wait3A_112] : memref<10000x64xf32, #tpu.memory_space<vmem_shared>> -> memref<100x64xf32, #tpu.memory_space<vmem_shared>>
      %dma_wait3A_114 = arith.constant 0 : i32
      %dma_wait3A_115 = tpu.memref_slice %arg16[%add3A_16, %dma_wait3A_114] : memref<10000x64xf32, #tpu.memory_space<vmem_shared>> -> memref<100x64xf32, #tpu.memory_space<vmem_shared>>
      %dma_wait3A_116 = arith.constant 0 : i32
      %dma_wait3A_117 = arith.constant 0 : i32
      %dma_wait3A_118 = tpu.memref_slice %arg10[%run_scoped3A_17, %dma_wait3A_116, %dma_wait3A_117] : memref<4x100x64xf32, #tpu.memory_space<vmem>> -> memref<1x100x64xf32, #tpu.memory_space<vmem>>
      %dma_wait3A_119 = tpu.memref_squeeze %dma_wait3A_118 : memref<1x100x64xf32, #tpu.memory_space<vmem>> -> memref<100x64xf32, #tpu.memory_space<vmem>>
      tpu.wait_dma2 semaphore(%run_scoped3A_96 : memref<!tpu.dma_semaphore, #tpu.memory_space<semaphore_mem>>) src(%dma_wait3A_119 : memref<100x64xf32, #tpu.memory_space<vmem>>) dst(%dma_wait3A_115 : memref<100x64xf32, #tpu.memory_space<vmem_shared>>)
      tpu.yield
    }) : () -> ()
    %add3A_18 = arith.constant 400 : i32
    %add3A_19 = arith.addi %mul3A_7, %add3A_18 : i32
    %run_scoped3A_20 = arith.constant 0 : i32
    "tpu.region"() ({
      %run_scoped3A_96 = tpu.sem_alloc : memref<!tpu.dma_semaphore, #tpu.memory_space<semaphore_mem>>
      %dma_start3A_97 = arith.constant 0 : i32
      %dma_start3A_98 = arith.constant 0 : i32
      %dma_start3A_99 = tpu.memref_slice %arg10[%run_scoped3A_20, %dma_start3A_97, %dma_start3A_98] : memref<4x100x64xf32, #tpu.memory_space<vmem>> -> memref<1x100x64xf32, #tpu.memory_space<vmem>>
      %dma_start3A_100 = tpu.memref_squeeze %dma_start3A_99 : memref<1x100x64xf32, #tpu.memory_space<vmem>> -> memref<100x64xf32, #tpu.memory_space<vmem>>
      %dma_start3A_101 = arith.constant 0 : i32
      %dma_start3A_102 = tpu.memref_slice %arg16[%add3A_19, %dma_start3A_101] : memref<10000x64xf32, #tpu.memory_space<vmem_shared>> -> memref<100x64xf32, #tpu.memory_space<vmem_shared>>
      %dma_start3A_103 = arith.constant 0 : i32
      %dma_start3A_104 = tpu.memref_slice %arg16[%add3A_19, %dma_start3A_103] : memref<10000x64xf32, #tpu.memory_space<vmem_shared>> -> memref<100x64xf32, #tpu.memory_space<vmem_shared>>
      %dma_start3A_105 = arith.constant 0 : i32
      %dma_start3A_106 = arith.constant 0 : i32
      %dma_start3A_107 = tpu.memref_slice %arg10[%run_scoped3A_20, %dma_start3A_105, %dma_start3A_106] : memref<4x100x64xf32, #tpu.memory_space<vmem>> -> memref<1x100x64xf32, #tpu.memory_space<vmem>>
      %dma_start3A_108 = tpu.memref_squeeze %dma_start3A_107 : memref<1x100x64xf32, #tpu.memory_space<vmem>> -> memref<100x64xf32, #tpu.memory_space<vmem>>
      tpu.enqueue_dma source(%dma_start3A_108 : memref<100x64xf32, #tpu.memory_space<vmem>>) target(%dma_start3A_104 : memref<100x64xf32, #tpu.memory_space<vmem_shared>>) target_semaphore(%run_scoped3A_96 : memref<!tpu.dma_semaphore, #tpu.memory_space<semaphore_mem>>)
      %dma_wait3A = arith.constant 0 : i32
      %dma_wait3A_109 = arith.constant 0 : i32
      %dma_wait3A_110 = tpu.memref_slice %arg10[%run_scoped3A_20, %dma_wait3A, %dma_wait3A_109] : memref<4x100x64xf32, #tpu.memory_space<vmem>> -> memref<1x100x64xf32, #tpu.memory_space<vmem>>
      %dma_wait3A_111 = tpu.memref_squeeze %dma_wait3A_110 : memref<1x100x64xf32, #tpu.memory_space<vmem>> -> memref<100x64xf32, #tpu.memory_space<vmem>>
      %dma_wait3A_112 = arith.constant 0 : i32
      %dma_wait3A_113 = tpu.memref_slice %arg16[%add3A_19, %dma_wait3A_112] : memref<10000x64xf32, #tpu.memory_space<vmem_shared>> -> memref<100x64xf32, #tpu.memory_space<vmem_shared>>
      %dma_wait3A_114 = arith.constant 0 : i32
      %dma_wait3A_115 = tpu.memref_slice %arg16[%add3A_19, %dma_wait3A_114] : memref<10000x64xf32, #tpu.memory_space<vmem_shared>> -> memref<100x64xf32, #tpu.memory_space<vmem_shared>>
      %dma_wait3A_116 = arith.constant 0 : i32
      %dma_wait3A_117 = arith.constant 0 : i32
      %dma_wait3A_118 = tpu.memref_slice %arg10[%run_scoped3A_20, %dma_wait3A_116, %dma_wait3A_117] : memref<4x100x64xf32, #tpu.memory_space<vmem>> -> memref<1x100x64xf32, #tpu.memory_space<vmem>>
      %dma_wait3A_119 = tpu.memref_squeeze %dma_wait3A_118 : memref<1x100x64xf32, #tpu.memory_space<vmem>> -> memref<100x64xf32, #tpu.memory_space<vmem>>
      tpu.wait_dma2 semaphore(%run_scoped3A_96 : memref<!tpu.dma_semaphore, #tpu.memory_space<semaphore_mem>>) src(%dma_wait3A_119 : memref<100x64xf32, #tpu.memory_space<vmem>>) dst(%dma_wait3A_115 : memref<100x64xf32, #tpu.memory_space<vmem_shared>>)
      tpu.yield
    }) : () -> ()
    %add3A_21 = arith.constant 500 : i32
    %add3A_22 = arith.addi %mul3A_7, %add3A_21 : i32
    %run_scoped3A_23 = arith.constant 0 : i32
    "tpu.region"() ({
      %run_scoped3A_96 = tpu.sem_alloc : memref<!tpu.dma_semaphore, #tpu.memory_space<semaphore_mem>>
      %dma_start3A_97 = arith.constant 0 : i32
      %dma_start3A_98 = arith.constant 0 : i32
      %dma_start3A_99 = tpu.memref_slice %arg10[%run_scoped3A_23, %dma_start3A_97, %dma_start3A_98] : memref<4x100x64xf32, #tpu.memory_space<vmem>> -> memref<1x100x64xf32, #tpu.memory_space<vmem>>
      %dma_start3A_100 = tpu.memref_squeeze %dma_start3A_99 : memref<1x100x64xf32, #tpu.memory_space<vmem>> -> memref<100x64xf32, #tpu.memory_space<vmem>>
      %dma_start3A_101 = arith.constant 0 : i32
      %dma_start3A_102 = tpu.memref_slice %arg16[%add3A_22, %dma_start3A_101] : memref<10000x64xf32, #tpu.memory_space<vmem_shared>> -> memref<100x64xf32, #tpu.memory_space<vmem_shared>>
      %dma_start3A_103 = arith.constant 0 : i32
      %dma_start3A_104 = tpu.memref_slice %arg16[%add3A_22, %dma_start3A_103] : memref<10000x64xf32, #tpu.memory_space<vmem_shared>> -> memref<100x64xf32, #tpu.memory_space<vmem_shared>>
      %dma_start3A_105 = arith.constant 0 : i32
      %dma_start3A_106 = arith.constant 0 : i32
      %dma_start3A_107 = tpu.memref_slice %arg10[%run_scoped3A_23, %dma_start3A_105, %dma_start3A_106] : memref<4x100x64xf32, #tpu.memory_space<vmem>> -> memref<1x100x64xf32, #tpu.memory_space<vmem>>
      %dma_start3A_108 = tpu.memref_squeeze %dma_start3A_107 : memref<1x100x64xf32, #tpu.memory_space<vmem>> -> memref<100x64xf32, #tpu.memory_space<vmem>>
      tpu.enqueue_dma source(%dma_start3A_108 : memref<100x64xf32, #tpu.memory_space<vmem>>) target(%dma_start3A_104 : memref<100x64xf32, #tpu.memory_space<vmem_shared>>) target_semaphore(%run_scoped3A_96 : memref<!tpu.dma_semaphore, #tpu.memory_space<semaphore_mem>>)
      %dma_wait3A = arith.constant 0 : i32
      %dma_wait3A_109 = arith.constant 0 : i32
      %dma_wait3A_110 = tpu.memref_slice %arg10[%run_scoped3A_23, %dma_wait3A, %dma_wait3A_109] : memref<4x100x64xf32, #tpu.memory_space<vmem>> -> memref<1x100x64xf32, #tpu.memory_space<vmem>>
      %dma_wait3A_111 = tpu.memref_squeeze %dma_wait3A_110 : memref<1x100x64xf32, #tpu.memory_space<vmem>> -> memref<100x64xf32, #tpu.memory_space<vmem>>
      %dma_wait3A_112 = arith.constant 0 : i32
      %dma_wait3A_113 = tpu.memref_slice %arg16[%add3A_22, %dma_wait3A_112] : memref<10000x64xf32, #tpu.memory_space<vmem_shared>> -> memref<100x64xf32, #tpu.memory_space<vmem_shared>>
      %dma_wait3A_114 = arith.constant 0 : i32
      %dma_wait3A_115 = tpu.memref_slice %arg16[%add3A_22, %dma_wait3A_114] : memref<10000x64xf32, #tpu.memory_space<vmem_shared>> -> memref<100x64xf32, #tpu.memory_space<vmem_shared>>
      %dma_wait3A_116 = arith.constant 0 : i32
      %dma_wait3A_117 = arith.constant 0 : i32
      %dma_wait3A_118 = tpu.memref_slice %arg10[%run_scoped3A_23, %dma_wait3A_116, %dma_wait3A_117] : memref<4x100x64xf32, #tpu.memory_space<vmem>> -> memref<1x100x64xf32, #tpu.memory_space<vmem>>
      %dma_wait3A_119 = tpu.memref_squeeze %dma_wait3A_118 : memref<1x100x64xf32, #tpu.memory_space<vmem>> -> memref<100x64xf32, #tpu.memory_space<vmem>>
      tpu.wait_dma2 semaphore(%run_scoped3A_96 : memref<!tpu.dma_semaphore, #tpu.memory_space<semaphore_mem>>) src(%dma_wait3A_119 : memref<100x64xf32, #tpu.memory_space<vmem>>) dst(%dma_wait3A_115 : memref<100x64xf32, #tpu.memory_space<vmem_shared>>)
      tpu.yield
    }) : () -> ()
    %add3A_24 = arith.constant 600 : i32
    %add3A_25 = arith.addi %mul3A_7, %add3A_24 : i32
    %run_scoped3A_26 = arith.constant 0 : i32
    "tpu.region"() ({
      %run_scoped3A_96 = tpu.sem_alloc : memref<!tpu.dma_semaphore, #tpu.memory_space<semaphore_mem>>
      %dma_start3A_97 = arith.constant 0 : i32
      %dma_start3A_98 = arith.constant 0 : i32
      %dma_start3A_99 = tpu.memref_slice %arg10[%run_scoped3A_26, %dma_start3A_97, %dma_start3A_98] : memref<4x100x64xf32, #tpu.memory_space<vmem>> -> memref<1x40x64xf32, #tpu.memory_space<vmem>>
      %dma_start3A_100 = tpu.memref_squeeze %dma_start3A_99 : memref<1x40x64xf32, #tpu.memory_space<vmem>> -> memref<40x64xf32, #tpu.memory_space<vmem>>
      %dma_start3A_101 = arith.constant 0 : i32
      %dma_start3A_102 = tpu.memref_slice %arg16[%add3A_25, %dma_start3A_101] : memref<10000x64xf32, #tpu.memory_space<vmem_shared>> -> memref<40x64xf32, #tpu.memory_space<vmem_shared>>
      %dma_start3A_103 = arith.constant 0 : i32
      %dma_start3A_104 = tpu.memref_slice %arg16[%add3A_25, %dma_start3A_103] : memref<10000x64xf32, #tpu.memory_space<vmem_shared>> -> memref<40x64xf32, #tpu.memory_space<vmem_shared>>
      %dma_start3A_105 = arith.constant 0 : i32
      %dma_start3A_106 = arith.constant 0 : i32
      %dma_start3A_107 = tpu.memref_slice %arg10[%run_scoped3A_26, %dma_start3A_105, %dma_start3A_106] : memref<4x100x64xf32, #tpu.memory_space<vmem>> -> memref<1x40x64xf32, #tpu.memory_space<vmem>>
      %dma_start3A_108 = tpu.memref_squeeze %dma_start3A_107 : memref<1x40x64xf32, #tpu.memory_space<vmem>> -> memref<40x64xf32, #tpu.memory_space<vmem>>
      tpu.enqueue_dma source(%dma_start3A_108 : memref<40x64xf32, #tpu.memory_space<vmem>>) target(%dma_start3A_104 : memref<40x64xf32, #tpu.memory_space<vmem_shared>>) target_semaphore(%run_scoped3A_96 : memref<!tpu.dma_semaphore, #tpu.memory_space<semaphore_mem>>)
      %dma_wait3A = arith.constant 0 : i32
      %dma_wait3A_109 = arith.constant 0 : i32
      %dma_wait3A_110 = tpu.memref_slice %arg10[%run_scoped3A_26, %dma_wait3A, %dma_wait3A_109] : memref<4x100x64xf32, #tpu.memory_space<vmem>> -> memref<1x40x64xf32, #tpu.memory_space<vmem>>
      %dma_wait3A_111 = tpu.memref_squeeze %dma_wait3A_110 : memref<1x40x64xf32, #tpu.memory_space<vmem>> -> memref<40x64xf32, #tpu.memory_space<vmem>>
      %dma_wait3A_112 = arith.constant 0 : i32
      %dma_wait3A_113 = tpu.memref_slice %arg16[%add3A_25, %dma_wait3A_112] : memref<10000x64xf32, #tpu.memory_space<vmem_shared>> -> memref<40x64xf32, #tpu.memory_space<vmem_shared>>
      %dma_wait3A_114 = arith.constant 0 : i32
      %dma_wait3A_115 = tpu.memref_slice %arg16[%add3A_25, %dma_wait3A_114] : memref<10000x64xf32, #tpu.memory_space<vmem_shared>> -> memref<40x64xf32, #tpu.memory_space<vmem_shared>>
      %dma_wait3A_116 = arith.constant 0 : i32
      %dma_wait3A_117 = arith.constant 0 : i32
      %dma_wait3A_118 = tpu.memref_slice %arg10[%run_scoped3A_26, %dma_wait3A_116, %dma_wait3A_117] : memref<4x100x64xf32, #tpu.memory_space<vmem>> -> memref<1x40x64xf32, #tpu.memory_space<vmem>>
      %dma_wait3A_119 = tpu.memref_squeeze %dma_wait3A_118 : memref<1x40x64xf32, #tpu.memory_space<vmem>> -> memref<40x64xf32, #tpu.memory_space<vmem>>
      tpu.wait_dma2 semaphore(%run_scoped3A_96 : memref<!tpu.dma_semaphore, #tpu.memory_space<semaphore_mem>>) src(%dma_wait3A_119 : memref<40x64xf32, #tpu.memory_space<vmem>>) dst(%dma_wait3A_115 : memref<40x64xf32, #tpu.memory_space<vmem_shared>>)
      tpu.yield
    }) : () -> ()
    %barrier3A = arith.constant 0 : index
    tpu.barrier barrier_id(%barrier3A)
    %dma_start3A = arith.constant 0 : i32
    %dma_start3A_27 = arith.constant 0 : i32
    %dma_start3A_28 = arith.constant 0 : i32
    %dma_start3A_29 = arith.constant 0 : i32
    %dma_start3A_30 = tpu.memref_slice %arg10[%dma_start3A_27, %dma_start3A_28, %dma_start3A_29] : memref<4x100x64xf32, #tpu.memory_space<vmem>> -> memref<1x100x64xf32, #tpu.memory_space<vmem>>
    %dma_start3A_31 = tpu.memref_squeeze %dma_start3A_30 : memref<1x100x64xf32, #tpu.memory_space<vmem>> -> memref<100x64xf32, #tpu.memory_space<vmem>>
    %dma_start3A_32 = arith.constant 0 : i32
    %dma_start3A_33 = tpu.memref_slice %arg7[%dma_start3A, %dma_start3A_32] : memref<200x100xi32, #tpu.memory_space<vmem>> -> memref<1x100xi32, #tpu.memory_space<vmem>>
    %dma_start3A_34 = tpu.memref_squeeze %dma_start3A_33 : memref<1x100xi32, #tpu.memory_space<vmem>> -> memref<100xi32, #tpu.memory_space<vmem>>
    %dma_start3A_35 = arith.constant 0 : i32
    %dma_start3A_36 = arith.constant 0 : i32
    %dma_start3A_37 = tpu.memref_slice %arg2[%arg0, %dma_start3A_35, %dma_start3A_36] : memref<2x10000x64xf32, #tpu.memory_space<hbm>> -> memref<1x10000x64xf32, #tpu.memory_space<hbm>>
    %dma_start3A_38 = tpu.memref_squeeze %dma_start3A_37 : memref<1x10000x64xf32, #tpu.memory_space<hbm>> -> memref<10000x64xf32, #tpu.memory_space<hbm>>
    %dma_start3A_39 = arith.constant 0 : i32
    %dma_start3A_40 = arith.constant 0 : i32
    %dma_start3A_41 = tpu.memref_slice %dma_start3A_38[%dma_start3A_39, %dma_start3A_40] : memref<10000x64xf32, #tpu.memory_space<hbm>> -> memref<10000x64xf32, #tpu.memory_space<hbm>>
    tpu.enqueue_indirect_dma source(%dma_start3A_41 : memref<10000x64xf32, #tpu.memory_space<hbm>>) target(%dma_start3A_31 : memref<100x64xf32, #tpu.memory_space<vmem>>) offsets(%dma_start3A_34 : memref<100xi32, #tpu.memory_space<vmem>>) semaphore(%arg11 : memref<!tpu.dma_semaphore, #tpu.memory_space<semaphore_mem>>)
    %dma_start3A_42 = arith.constant 1 : i32
    %dma_start3A_43 = arith.constant 1 : i32
    %dma_start3A_44 = arith.constant 0 : i32
    %dma_start3A_45 = arith.constant 0 : i32
    %dma_start3A_46 = tpu.memref_slice %arg10[%dma_start3A_43, %dma_start3A_44, %dma_start3A_45] : memref<4x100x64xf32, #tpu.memory_space<vmem>> -> memref<1x100x64xf32, #tpu.memory_space<vmem>>
    %dma_start3A_47 = tpu.memref_squeeze %dma_start3A_46 : memref<1x100x64xf32, #tpu.memory_space<vmem>> -> memref<100x64xf32, #tpu.memory_space<vmem>>
    %dma_start3A_48 = arith.constant 0 : i32
    %dma_start3A_49 = tpu.memref_slice %arg7[%dma_start3A_42, %dma_start3A_48] : memref<200x100xi32, #tpu.memory_space<vmem>> -> memref<1x100xi32, #tpu.memory_space<vmem>>
    %dma_start3A_50 = tpu.memref_squeeze %dma_start3A_49 : memref<1x100xi32, #tpu.memory_space<vmem>> -> memref<100xi32, #tpu.memory_space<vmem>>
    %dma_start3A_51 = arith.constant 0 : i32
    %dma_start3A_52 = arith.constant 0 : i32
    %dma_start3A_53 = tpu.memref_slice %arg2[%arg0, %dma_start3A_51, %dma_start3A_52] : memref<2x10000x64xf32, #tpu.memory_space<hbm>> -> memref<1x10000x64xf32, #tpu.memory_space<hbm>>
    %dma_start3A_54 = tpu.memref_squeeze %dma_start3A_53 : memref<1x10000x64xf32, #tpu.memory_space<hbm>> -> memref<10000x64xf32, #tpu.memory_space<hbm>>
    %dma_start3A_55 = arith.constant 0 : i32
    %dma_start3A_56 = arith.constant 0 : i32
    %dma_start3A_57 = tpu.memref_slice %dma_start3A_54[%dma_start3A_55, %dma_start3A_56] : memref<10000x64xf32, #tpu.memory_space<hbm>> -> memref<10000x64xf32, #tpu.memory_space<hbm>>
    tpu.enqueue_indirect_dma source(%dma_start3A_57 : memref<10000x64xf32, #tpu.memory_space<hbm>>) target(%dma_start3A_47 : memref<100x64xf32, #tpu.memory_space<vmem>>) offsets(%dma_start3A_50 : memref<100xi32, #tpu.memory_space<vmem>>) semaphore(%arg12 : memref<!tpu.dma_semaphore, #tpu.memory_space<semaphore_mem>>)
    %dma_start3A_58 = arith.constant 2 : i32
    %dma_start3A_59 = arith.constant 2 : i32
    %dma_start3A_60 = arith.constant 0 : i32
    %dma_start3A_61 = arith.constant 0 : i32
    %dma_start3A_62 = tpu.memref_slice %arg10[%dma_start3A_59, %dma_start3A_60, %dma_start3A_61] : memref<4x100x64xf32, #tpu.memory_space<vmem>> -> memref<1x100x64xf32, #tpu.memory_space<vmem>>
    %dma_start3A_63 = tpu.memref_squeeze %dma_start3A_62 : memref<1x100x64xf32, #tpu.memory_space<vmem>> -> memref<100x64xf32, #tpu.memory_space<vmem>>
    %dma_start3A_64 = arith.constant 0 : i32
    %dma_start3A_65 = tpu.memref_slice %arg7[%dma_start3A_58, %dma_start3A_64] : memref<200x100xi32, #tpu.memory_space<vmem>> -> memref<1x100xi32, #tpu.memory_space<vmem>>
    %dma_start3A_66 = tpu.memref_squeeze %dma_start3A_65 : memref<1x100xi32, #tpu.memory_space<vmem>> -> memref<100xi32, #tpu.memory_space<vmem>>
    %dma_start3A_67 = arith.constant 0 : i32
    %dma_start3A_68 = arith.constant 0 : i32
    %dma_start3A_69 = tpu.memref_slice %arg2[%arg0, %dma_start3A_67, %dma_start3A_68] : memref<2x10000x64xf32, #tpu.memory_space<hbm>> -> memref<1x10000x64xf32, #tpu.memory_space<hbm>>
    %dma_start3A_70 = tpu.memref_squeeze %dma_start3A_69 : memref<1x10000x64xf32, #tpu.memory_space<hbm>> -> memref<10000x64xf32, #tpu.memory_space<hbm>>
    %dma_start3A_71 = arith.constant 0 : i32
    %dma_start3A_72 = arith.constant 0 : i32
    %dma_start3A_73 = tpu.memref_slice %dma_start3A_70[%dma_start3A_71, %dma_start3A_72] : memref<10000x64xf32, #tpu.memory_space<hbm>> -> memref<10000x64xf32, #tpu.memory_space<hbm>>
    tpu.enqueue_indirect_dma source(%dma_start3A_73 : memref<10000x64xf32, #tpu.memory_space<hbm>>) target(%dma_start3A_63 : memref<100x64xf32, #tpu.memory_space<vmem>>) offsets(%dma_start3A_66 : memref<100xi32, #tpu.memory_space<vmem>>) semaphore(%arg13 : memref<!tpu.dma_semaphore, #tpu.memory_space<semaphore_mem>>)
    %dma_start3A_74 = arith.constant 3 : i32
    %dma_start3A_75 = arith.constant 3 : i32
    %dma_start3A_76 = arith.constant 0 : i32
    %dma_start3A_77 = arith.constant 0 : i32
    %dma_start3A_78 = tpu.memref_slice %arg10[%dma_start3A_75, %dma_start3A_76, %dma_start3A_77] : memref<4x100x64xf32, #tpu.memory_space<vmem>> -> memref<1x100x64xf32, #tpu.memory_space<vmem>>
    %dma_start3A_79 = tpu.memref_squeeze %dma_start3A_78 : memref<1x100x64xf32, #tpu.memory_space<vmem>> -> memref<100x64xf32, #tpu.memory_space<vmem>>
    %dma_start3A_80 = arith.constant 0 : i32
    %dma_start3A_81 = tpu.memref_slice %arg7[%dma_start3A_74, %dma_start3A_80] : memref<200x100xi32, #tpu.memory_space<vmem>> -> memref<1x100xi32, #tpu.memory_space<vmem>>
    %dma_start3A_82 = tpu.memref_squeeze %dma_start3A_81 : memref<1x100xi32, #tpu.memory_space<vmem>> -> memref<100xi32, #tpu.memory_space<vmem>>
    %dma_start3A_83 = arith.constant 0 : i32
    %dma_start3A_84 = arith.constant 0 : i32
    %dma_start3A_85 = tpu.memref_slice %arg2[%arg0, %dma_start3A_83, %dma_start3A_84] : memref<2x10000x64xf32, #tpu.memory_space<hbm>> -> memref<1x10000x64xf32, #tpu.memory_space<hbm>>
    %dma_start3A_86 = tpu.memref_squeeze %dma_start3A_85 : memref<1x10000x64xf32, #tpu.memory_space<hbm>> -> memref<10000x64xf32, #tpu.memory_space<hbm>>
    %dma_start3A_87 = arith.constant 0 : i32
    %dma_start3A_88 = arith.constant 0 : i32
    %dma_start3A_89 = tpu.memref_slice %dma_start3A_86[%dma_start3A_87, %dma_start3A_88] : memref<10000x64xf32, #tpu.memory_space<hbm>> -> memref<10000x64xf32, #tpu.memory_space<hbm>>
    tpu.enqueue_indirect_dma source(%dma_start3A_89 : memref<10000x64xf32, #tpu.memory_space<hbm>>) target(%dma_start3A_79 : memref<100x64xf32, #tpu.memory_space<vmem>>) offsets(%dma_start3A_82 : memref<100xi32, #tpu.memory_space<vmem>>) semaphore(%arg14 : memref<!tpu.dma_semaphore, #tpu.memory_space<semaphore_mem>>)
    %scan3A_90 = arith.constant 0 : i32
    %scan3A_91 = arith.constant 50 : i32
    %scan3A_92 = arith.addi %scan3A_90, %scan3A_91 : i32
    %scan3A_93 = arith.constant 1 : i32
    scf.for %scan3A_96 = %scan3A_90 to %scan3A_92 step %scan3A_93  : i32 {
      %mul3A_97 = arith.constant 1 : i32
      %mul3A_98 = arith.muli %scan3A_96, %mul3A_97 : i32
      %add3A_99 = arith.constant 0 : i32
      %add3A_100 = arith.addi %add3A_99, %mul3A_98 : i32
      %mul3A_101 = arith.constant 4 : i32
      %mul3A_102 = arith.muli %mul3A_101, %add3A_100 : i32
      %add3A_103 = arith.constant 0 : i32
      %add3A_104 = arith.addi %mul3A_102, %add3A_103 : i32
      %dma_wait3A = arith.constant 0 : i32
      %dma_wait3A_105 = arith.constant 0 : i32
      %dma_wait3A_106 = arith.constant 0 : i32
      %dma_wait3A_107 = tpu.memref_slice %arg10[%dma_wait3A, %dma_wait3A_105, %dma_wait3A_106] : memref<4x100x64xf32, #tpu.memory_space<vmem>> -> memref<1x100x64xf32, #tpu.memory_space<vmem>>
      %dma_wait3A_108 = tpu.memref_squeeze %dma_wait3A_107 : memref<1x100x64xf32, #tpu.memory_space<vmem>> -> memref<100x64xf32, #tpu.memory_space<vmem>>
      %dma_wait3A_109 = arith.constant 0 : i32
      %dma_wait3A_110 = tpu.memref_slice %arg7[%add3A_104, %dma_wait3A_109] : memref<200x100xi32, #tpu.memory_space<vmem>> -> memref<1x100xi32, #tpu.memory_space<vmem>>
      %dma_wait3A_111 = tpu.memref_squeeze %dma_wait3A_110 : memref<1x100xi32, #tpu.memory_space<vmem>> -> memref<100xi32, #tpu.memory_space<vmem>>
      %dma_wait3A_112 = arith.constant 0 : i32
      %dma_wait3A_113 = arith.constant 0 : i32
      %dma_wait3A_114 = tpu.memref_slice %arg2[%arg0, %dma_wait3A_112, %dma_wait3A_113] : memref<2x10000x64xf32, #tpu.memory_space<hbm>> -> memref<1x10000x64xf32, #tpu.memory_space<hbm>>
      %dma_wait3A_115 = tpu.memref_squeeze %dma_wait3A_114 : memref<1x10000x64xf32, #tpu.memory_space<hbm>> -> memref<10000x64xf32, #tpu.memory_space<hbm>>
      %dma_wait3A_116 = arith.constant 0 : i32
      %dma_wait3A_117 = arith.constant 0 : i32
      %dma_wait3A_118 = tpu.memref_slice %dma_wait3A_115[%dma_wait3A_116, %dma_wait3A_117] : memref<10000x64xf32, #tpu.memory_space<hbm>> -> memref<10000x64xf32, #tpu.memory_space<hbm>>
      tpu.wait_indirect_dma semaphore(%arg11 : memref<!tpu.dma_semaphore, #tpu.memory_space<semaphore_mem>>) src(%dma_wait3A_118 : memref<10000x64xf32, #tpu.memory_space<hbm>>) dst(%dma_wait3A_108 : memref<100x64xf32, #tpu.memory_space<vmem>>)
      %scan3A_119 = arith.constant 0 : i32
      %scan3A_120 = arith.constant 100 : i32
      %scan3A_121 = arith.addi %scan3A_119, %scan3A_120 : i32
      %scan3A_122 = arith.constant 1 : i32
      scf.for %scan3A_309 = %scan3A_119 to %scan3A_121 step %scan3A_122  : i32 {
        %mul3A_310 = arith.constant 1 : i32
        %mul3A_311 = arith.muli %scan3A_309, %mul3A_310 : i32
        %add3A_312 = arith.constant 0 : i32
        %add3A_313 = arith.addi %add3A_312, %mul3A_311 : i32
        %mul3A_314 = arith.constant 100 : i32
        %mul3A_315 = arith.muli %add3A_104, %mul3A_314 : i32
        %add3A_316 = arith.addi %mul3A_315, %add3A_313 : i32
        %broadcast_in_dim3A_317 = vector.broadcast %add3A_316 : i32 to vector<16xi32>
        %gather3A = tpu.vector_load_idx %arg9[%broadcast_in_dim3A_317] : memref<20000xf32, #tpu.memory_space<vmem>>[vector<16xi32>], vector<16xf32>,
        %get3A = arith.constant 0 : i32
        %get3A_318 = arith.index_cast %get3A : i32 to index
        %get3A_319 = arith.index_cast %add3A_313 : i32 to index
        %get3A_320 = arith.constant 0 : index
        %get3A_321 = tpu.vector_load %arg10[%get3A_318, %get3A_319, %get3A_320] {strides = array<i32>} : memref<4x100x64xf32, #tpu.memory_space<vmem>>, vector<16xf32>,
        %mul3A_322 = arith.mulf %get3A_321, %gather3A : vector<16xf32>
        %swap3A = arith.constant 0 : i32
        %swap3A_323 = arith.index_cast %swap3A : i32 to index
        %swap3A_324 = arith.index_cast %add3A_313 : i32 to index
        %swap3A_325 = arith.constant 0 : index
        %swap3A_326 = tpu.vector_load %arg10[%swap3A_323, %swap3A_324, %swap3A_325] {strides = array<i32>} : memref<4x100x64xf32, #tpu.memory_space<vmem>>, vector<16xf32>,
        tpu.vector_store %arg10[%swap3A_323, %swap3A_324, %swap3A_325], %mul3A_322 {strides = array<i32>} : memref<4x100x64xf32, #tpu.memory_space<vmem>>, vector<16xf32>,
        %get3A_327 = arith.constant 0 : i32
        %get3A_328 = arith.index_cast %get3A_327 : i32 to index
        %get3A_329 = arith.index_cast %add3A_313 : i32 to index
        %get3A_330 = arith.constant 16 : index
        %get3A_331 = tpu.vector_load %arg10[%get3A_328, %get3A_329, %get3A_330] {strides = array<i32>} : memref<4x100x64xf32, #tpu.memory_space<vmem>>, vector<16xf32>,
        %mul3A_332 = arith.mulf %get3A_331, %gather3A : vector<16xf32>
        %swap3A_333 = arith.constant 0 : i32
        %swap3A_334 = arith.index_cast %swap3A_333 : i32 to index
        %swap3A_335 = arith.index_cast %add3A_313 : i32 to index
        %swap3A_336 = arith.constant 16 : index
        %swap3A_337 = tpu.vector_load %arg10[%swap3A_334, %swap3A_335, %swap3A_336] {strides = array<i32>} : memref<4x100x64xf32, #tpu.memory_space<vmem>>, vector<16xf32>,
        tpu.vector_store %arg10[%swap3A_334, %swap3A_335, %swap3A_336], %mul3A_332 {strides = array<i32>} : memref<4x100x64xf32, #tpu.memory_space<vmem>>, vector<16xf32>,
        %get3A_338 = arith.constant 0 : i32
        %get3A_339 = arith.index_cast %get3A_338 : i32 to index
        %get3A_340 = arith.index_cast %add3A_313 : i32 to index
        %get3A_341 = arith.constant 32 : index
        %get3A_342 = tpu.vector_load %arg10[%get3A_339, %get3A_340, %get3A_341] {strides = array<i32>} : memref<4x100x64xf32, #tpu.memory_space<vmem>>, vector<16xf32>,
        %mul3A_343 = arith.mulf %get3A_342, %gather3A : vector<16xf32>
        %swap3A_344 = arith.constant 0 : i32
        %swap3A_345 = arith.index_cast %swap3A_344 : i32 to index
        %swap3A_346 = arith.index_cast %add3A_313 : i32 to index
        %swap3A_347 = arith.constant 32 : index
        %swap3A_348 = tpu.vector_load %arg10[%swap3A_345, %swap3A_346, %swap3A_347] {strides = array<i32>} : memref<4x100x64xf32, #tpu.memory_space<vmem>>, vector<16xf32>,
        tpu.vector_store %arg10[%swap3A_345, %swap3A_346, %swap3A_347], %mul3A_343 {strides = array<i32>} : memref<4x100x64xf32, #tpu.memory_space<vmem>>, vector<16xf32>,
        %get3A_349 = arith.constant 0 : i32
        %get3A_350 = arith.index_cast %get3A_349 : i32 to index
        %get3A_351 = arith.index_cast %add3A_313 : i32 to index
        %get3A_352 = arith.constant 48 : index
        %get3A_353 = tpu.vector_load %arg10[%get3A_350, %get3A_351, %get3A_352] {strides = array<i32>} : memref<4x100x64xf32, #tpu.memory_space<vmem>>, vector<16xf32>,
        %mul3A_354 = arith.mulf %get3A_353, %gather3A : vector<16xf32>
        %swap3A_355 = arith.constant 0 : i32
        %swap3A_356 = arith.index_cast %swap3A_355 : i32 to index
        %swap3A_357 = arith.index_cast %add3A_313 : i32 to index
        %swap3A_358 = arith.constant 48 : index
        %swap3A_359 = tpu.vector_load %arg10[%swap3A_356, %swap3A_357, %swap3A_358] {strides = array<i32>} : memref<4x100x64xf32, #tpu.memory_space<vmem>>, vector<16xf32>,
        tpu.vector_store %arg10[%swap3A_356, %swap3A_357, %swap3A_358], %mul3A_354 {strides = array<i32>} : memref<4x100x64xf32, #tpu.memory_space<vmem>>, vector<16xf32>,
      }
      %scan3A_123 = arith.constant 100 : i32
      %dma_start3A_124 = arith.constant 0 : i32
      %dma_start3A_125 = arith.constant 0 : i32
      %dma_start3A_126 = arith.constant 0 : i32
      %dma_start3A_127 = tpu.memref_slice %arg10[%dma_start3A_124, %dma_start3A_125, %dma_start3A_126] : memref<4x100x64xf32, #tpu.memory_space<vmem>> -> memref<1x100x64xf32, #tpu.memory_space<vmem>>
      %dma_start3A_128 = tpu.memref_squeeze %dma_start3A_127 : memref<1x100x64xf32, #tpu.memory_space<vmem>> -> memref<100x64xf32, #tpu.memory_space<vmem>>
      %dma_start3A_129 = arith.constant 0 : i32
      %dma_start3A_130 = tpu.memref_slice %arg8[%add3A_104, %dma_start3A_129] : memref<200x100xi32, #tpu.memory_space<vmem>> -> memref<1x100xi32, #tpu.memory_space<vmem>>
      %dma_start3A_131 = tpu.memref_squeeze %dma_start3A_130 : memref<1x100xi32, #tpu.memory_space<vmem>> -> memref<100xi32, #tpu.memory_space<vmem>>
      %dma_start3A_132 = arith.constant 0 : i32
      %dma_start3A_133 = arith.constant 0 : i32
      %dma_start3A_134 = tpu.memref_slice %arg16[%dma_start3A_132, %dma_start3A_133] : memref<10000x64xf32, #tpu.memory_space<vmem_shared>> -> memref<10000x64xf32, #tpu.memory_space<vmem_shared>>
      tpu.enqueue_indirect_dma source(%dma_start3A_128 : memref<100x64xf32, #tpu.memory_space<vmem>>) target(%dma_start3A_134 : memref<10000x64xf32, #tpu.memory_space<vmem_shared>>) offsets(%dma_start3A_131 : memref<100xi32, #tpu.memory_space<vmem>>) semaphore(%arg15 : memref<!tpu.dma_semaphore, #tpu.memory_space<semaphore_mem>>) {add = true}
      %dma_wait3A_135 = arith.constant 0 : i32
      %dma_wait3A_136 = arith.constant 0 : i32
      %dma_wait3A_137 = arith.constant 0 : i32
      %dma_wait3A_138 = tpu.memref_slice %arg10[%dma_wait3A_135, %dma_wait3A_136, %dma_wait3A_137] : memref<4x100x64xf32, #tpu.memory_space<vmem>> -> memref<1x100x64xf32, #tpu.memory_space<vmem>>
      %dma_wait3A_139 = tpu.memref_squeeze %dma_wait3A_138 : memref<1x100x64xf32, #tpu.memory_space<vmem>> -> memref<100x64xf32, #tpu.memory_space<vmem>>
      %dma_wait3A_140 = arith.constant 0 : i32
      %dma_wait3A_141 = tpu.memref_slice %arg8[%add3A_104, %dma_wait3A_140] : memref<200x100xi32, #tpu.memory_space<vmem>> -> memref<1x100xi32, #tpu.memory_space<vmem>>
      %dma_wait3A_142 = tpu.memref_squeeze %dma_wait3A_141 : memref<1x100xi32, #tpu.memory_space<vmem>> -> memref<100xi32, #tpu.memory_space<vmem>>
      %dma_wait3A_143 = arith.constant 0 : i32
      %dma_wait3A_144 = arith.constant 0 : i32
      %dma_wait3A_145 = tpu.memref_slice %arg16[%dma_wait3A_143, %dma_wait3A_144] : memref<10000x64xf32, #tpu.memory_space<vmem_shared>> -> memref<10000x64xf32, #tpu.memory_space<vmem_shared>>
      tpu.wait_indirect_dma semaphore(%arg15 : memref<!tpu.dma_semaphore, #tpu.memory_space<semaphore_mem>>) src(%dma_wait3A_139 : memref<100x64xf32, #tpu.memory_space<vmem>>) dst(%dma_wait3A_145 : memref<10000x64xf32, #tpu.memory_space<vmem_shared>>)
      %add3A_146 = arith.constant 4 : i32
      %add3A_147 = arith.addi %add3A_104, %add3A_146 : i32
      %lt3A = arith.constant 200 : i32
      %lt3A_148 = arith.cmpi slt, %add3A_147, %lt3A : i32
      %convert_element_type3A = arith.extui %lt3A_148 : i1 to i32
      %cond3A = arith.constant 0 : i32
      %cond3A_149 = arith.cmpi ne, %convert_element_type3A, %cond3A : i32
      scf.if %cond3A_149 {
        %add3A_309 = arith.constant 4 : i32
        %add3A_310 = arith.addi %add3A_104, %add3A_309 : i32
        %dma_start3A_311 = arith.constant 0 : i32
        %dma_start3A_312 = arith.constant 0 : i32
        %dma_start3A_313 = arith.constant 0 : i32
        %dma_start3A_314 = tpu.memref_slice %arg10[%dma_start3A_311, %dma_start3A_312, %dma_start3A_313] : memref<4x100x64xf32, #tpu.memory_space<vmem>> -> memref<1x100x64xf32, #tpu.memory_space<vmem>>
        %dma_start3A_315 = tpu.memref_squeeze %dma_start3A_314 : memref<1x100x64xf32, #tpu.memory_space<vmem>> -> memref<100x64xf32, #tpu.memory_space<vmem>>
        %dma_start3A_316 = arith.constant 0 : i32
        %dma_start3A_317 = tpu.memref_slice %arg7[%add3A_310, %dma_start3A_316] : memref<200x100xi32, #tpu.memory_space<vmem>> -> memref<1x100xi32, #tpu.memory_space<vmem>>
        %dma_start3A_318 = tpu.memref_squeeze %dma_start3A_317 : memref<1x100xi32, #tpu.memory_space<vmem>> -> memref<100xi32, #tpu.memory_space<vmem>>
        %dma_start3A_319 = arith.constant 0 : i32
        %dma_start3A_320 = arith.constant 0 : i32
        %dma_start3A_321 = tpu.memref_slice %arg2[%arg0, %dma_start3A_319, %dma_start3A_320] : memref<2x10000x64xf32, #tpu.memory_space<hbm>> -> memref<1x10000x64xf32, #tpu.memory_space<hbm>>
        %dma_start3A_322 = tpu.memref_squeeze %dma_start3A_321 : memref<1x10000x64xf32, #tpu.memory_space<hbm>> -> memref<10000x64xf32, #tpu.memory_space<hbm>>
        %dma_start3A_323 = arith.constant 0 : i32
        %dma_start3A_324 = arith.constant 0 : i32
        %dma_start3A_325 = tpu.memref_slice %dma_start3A_322[%dma_start3A_323, %dma_start3A_324] : memref<10000x64xf32, #tpu.memory_space<hbm>> -> memref<10000x64xf32, #tpu.memory_space<hbm>>
        tpu.enqueue_indirect_dma source(%dma_start3A_325 : memref<10000x64xf32, #tpu.memory_space<hbm>>) target(%dma_start3A_315 : memref<100x64xf32, #tpu.memory_space<vmem>>) offsets(%dma_start3A_318 : memref<100xi32, #tpu.memory_space<vmem>>) semaphore(%arg11 : memref<!tpu.dma_semaphore, #tpu.memory_space<semaphore_mem>>)
      } else {
      }
      %mul3A_150 = arith.constant 4 : i32
      %mul3A_151 = arith.muli %mul3A_150, %add3A_100 : i32
      %add3A_152 = arith.constant 1 : i32
      %add3A_153 = arith.addi %mul3A_151, %add3A_152 : i32
      %dma_wait3A_154 = arith.constant 1 : i32
      %dma_wait3A_155 = arith.constant 0 : i32
      %dma_wait3A_156 = arith.constant 0 : i32
      %dma_wait3A_157 = tpu.memref_slice %arg10[%dma_wait3A_154, %dma_wait3A_155, %dma_wait3A_156] : memref<4x100x64xf32, #tpu.memory_space<vmem>> -> memref<1x100x64xf32, #tpu.memory_space<vmem>>
      %dma_wait3A_158 = tpu.memref_squeeze %dma_wait3A_157 : memref<1x100x64xf32, #tpu.memory_space<vmem>> -> memref<100x64xf32, #tpu.memory_space<vmem>>
      %dma_wait3A_159 = arith.constant 0 : i32
      %dma_wait3A_160 = tpu.memref_slice %arg7[%add3A_153, %dma_wait3A_159] : memref<200x100xi32, #tpu.memory_space<vmem>> -> memref<1x100xi32, #tpu.memory_space<vmem>>
      %dma_wait3A_161 = tpu.memref_squeeze %dma_wait3A_160 : memref<1x100xi32, #tpu.memory_space<vmem>> -> memref<100xi32, #tpu.memory_space<vmem>>
      %dma_wait3A_162 = arith.constant 0 : i32
      %dma_wait3A_163 = arith.constant 0 : i32
      %dma_wait3A_164 = tpu.memref_slice %arg2[%arg0, %dma_wait3A_162, %dma_wait3A_163] : memref<2x10000x64xf32, #tpu.memory_space<hbm>> -> memref<1x10000x64xf32, #tpu.memory_space<hbm>>
      %dma_wait3A_165 = tpu.memref_squeeze %dma_wait3A_164 : memref<1x10000x64xf32, #tpu.memory_space<hbm>> -> memref<10000x64xf32, #tpu.memory_space<hbm>>
      %dma_wait3A_166 = arith.constant 0 : i32
      %dma_wait3A_167 = arith.constant 0 : i32
      %dma_wait3A_168 = tpu.memref_slice %dma_wait3A_165[%dma_wait3A_166, %dma_wait3A_167] : memref<10000x64xf32, #tpu.memory_space<hbm>> -> memref<10000x64xf32, #tpu.memory_space<hbm>>
      tpu.wait_indirect_dma semaphore(%arg12 : memref<!tpu.dma_semaphore, #tpu.memory_space<semaphore_mem>>) src(%dma_wait3A_168 : memref<10000x64xf32, #tpu.memory_space<hbm>>) dst(%dma_wait3A_158 : memref<100x64xf32, #tpu.memory_space<vmem>>)
      %scan3A_169 = arith.constant 0 : i32
      %scan3A_170 = arith.constant 100 : i32
      %scan3A_171 = arith.addi %scan3A_169, %scan3A_170 : i32
      %scan3A_172 = arith.constant 1 : i32
      scf.for %scan3A_309 = %scan3A_169 to %scan3A_171 step %scan3A_172  : i32 {
        %mul3A_310 = arith.constant 1 : i32
        %mul3A_311 = arith.muli %scan3A_309, %mul3A_310 : i32
        %add3A_312 = arith.constant 0 : i32
        %add3A_313 = arith.addi %add3A_312, %mul3A_311 : i32
        %mul3A_314 = arith.constant 100 : i32
        %mul3A_315 = arith.muli %add3A_153, %mul3A_314 : i32
        %add3A_316 = arith.addi %mul3A_315, %add3A_313 : i32
        %broadcast_in_dim3A_317 = vector.broadcast %add3A_316 : i32 to vector<16xi32>
        %gather3A = tpu.vector_load_idx %arg9[%broadcast_in_dim3A_317] : memref<20000xf32, #tpu.memory_space<vmem>>[vector<16xi32>], vector<16xf32>,
        %get3A = arith.constant 1 : i32
        %get3A_318 = arith.index_cast %get3A : i32 to index
        %get3A_319 = arith.index_cast %add3A_313 : i32 to index
        %get3A_320 = arith.constant 0 : index
        %get3A_321 = tpu.vector_load %arg10[%get3A_318, %get3A_319, %get3A_320] {strides = array<i32>} : memref<4x100x64xf32, #tpu.memory_space<vmem>>, vector<16xf32>,
        %mul3A_322 = arith.mulf %get3A_321, %gather3A : vector<16xf32>
        %swap3A = arith.constant 1 : i32
        %swap3A_323 = arith.index_cast %swap3A : i32 to index
        %swap3A_324 = arith.index_cast %add3A_313 : i32 to index
        %swap3A_325 = arith.constant 0 : index
        %swap3A_326 = tpu.vector_load %arg10[%swap3A_323, %swap3A_324, %swap3A_325] {strides = array<i32>} : memref<4x100x64xf32, #tpu.memory_space<vmem>>, vector<16xf32>,
        tpu.vector_store %arg10[%swap3A_323, %swap3A_324, %swap3A_325], %mul3A_322 {strides = array<i32>} : memref<4x100x64xf32, #tpu.memory_space<vmem>>, vector<16xf32>,
        %get3A_327 = arith.constant 1 : i32
        %get3A_328 = arith.index_cast %get3A_327 : i32 to index
        %get3A_329 = arith.index_cast %add3A_313 : i32 to index
        %get3A_330 = arith.constant 16 : index
        %get3A_331 = tpu.vector_load %arg10[%get3A_328, %get3A_329, %get3A_330] {strides = array<i32>} : memref<4x100x64xf32, #tpu.memory_space<vmem>>, vector<16xf32>,
        %mul3A_332 = arith.mulf %get3A_331, %gather3A : vector<16xf32>
        %swap3A_333 = arith.constant 1 : i32
        %swap3A_334 = arith.index_cast %swap3A_333 : i32 to index
        %swap3A_335 = arith.index_cast %add3A_313 : i32 to index
        %swap3A_336 = arith.constant 16 : index
        %swap3A_337 = tpu.vector_load %arg10[%swap3A_334, %swap3A_335, %swap3A_336] {strides = array<i32>} : memref<4x100x64xf32, #tpu.memory_space<vmem>>, vector<16xf32>,
        tpu.vector_store %arg10[%swap3A_334, %swap3A_335, %swap3A_336], %mul3A_332 {strides = array<i32>} : memref<4x100x64xf32, #tpu.memory_space<vmem>>, vector<16xf32>,
        %get3A_338 = arith.constant 1 : i32
        %get3A_339 = arith.index_cast %get3A_338 : i32 to index
        %get3A_340 = arith.index_cast %add3A_313 : i32 to index
        %get3A_341 = arith.constant 32 : index
        %get3A_342 = tpu.vector_load %arg10[%get3A_339, %get3A_340, %get3A_341] {strides = array<i32>} : memref<4x100x64xf32, #tpu.memory_space<vmem>>, vector<16xf32>,
        %mul3A_343 = arith.mulf %get3A_342, %gather3A : vector<16xf32>
        %swap3A_344 = arith.constant 1 : i32
        %swap3A_345 = arith.index_cast %swap3A_344 : i32 to index
        %swap3A_346 = arith.index_cast %add3A_313 : i32 to index
        %swap3A_347 = arith.constant 32 : index
        %swap3A_348 = tpu.vector_load %arg10[%swap3A_345, %swap3A_346, %swap3A_347] {strides = array<i32>} : memref<4x100x64xf32, #tpu.memory_space<vmem>>, vector<16xf32>,
        tpu.vector_store %arg10[%swap3A_345, %swap3A_346, %swap3A_347], %mul3A_343 {strides = array<i32>} : memref<4x100x64xf32, #tpu.memory_space<vmem>>, vector<16xf32>,
        %get3A_349 = arith.constant 1 : i32
        %get3A_350 = arith.index_cast %get3A_349 : i32 to index
        %get3A_351 = arith.index_cast %add3A_313 : i32 to index
        %get3A_352 = arith.constant 48 : index
        %get3A_353 = tpu.vector_load %arg10[%get3A_350, %get3A_351, %get3A_352] {strides = array<i32>} : memref<4x100x64xf32, #tpu.memory_space<vmem>>, vector<16xf32>,
        %mul3A_354 = arith.mulf %get3A_353, %gather3A : vector<16xf32>
        %swap3A_355 = arith.constant 1 : i32
        %swap3A_356 = arith.index_cast %swap3A_355 : i32 to index
        %swap3A_357 = arith.index_cast %add3A_313 : i32 to index
        %swap3A_358 = arith.constant 48 : index
        %swap3A_359 = tpu.vector_load %arg10[%swap3A_356, %swap3A_357, %swap3A_358] {strides = array<i32>} : memref<4x100x64xf32, #tpu.memory_space<vmem>>, vector<16xf32>,
        tpu.vector_store %arg10[%swap3A_356, %swap3A_357, %swap3A_358], %mul3A_354 {strides = array<i32>} : memref<4x100x64xf32, #tpu.memory_space<vmem>>, vector<16xf32>,
      }
      %scan3A_173 = arith.constant 100 : i32
      %dma_start3A_174 = arith.constant 1 : i32
      %dma_start3A_175 = arith.constant 0 : i32
      %dma_start3A_176 = arith.constant 0 : i32
      %dma_start3A_177 = tpu.memref_slice %arg10[%dma_start3A_174, %dma_start3A_175, %dma_start3A_176] : memref<4x100x64xf32, #tpu.memory_space<vmem>> -> memref<1x100x64xf32, #tpu.memory_space<vmem>>
      %dma_start3A_178 = tpu.memref_squeeze %dma_start3A_177 : memref<1x100x64xf32, #tpu.memory_space<vmem>> -> memref<100x64xf32, #tpu.memory_space<vmem>>
      %dma_start3A_179 = arith.constant 0 : i32
      %dma_start3A_180 = tpu.memref_slice %arg8[%add3A_153, %dma_start3A_179] : memref<200x100xi32, #tpu.memory_space<vmem>> -> memref<1x100xi32, #tpu.memory_space<vmem>>
      %dma_start3A_181 = tpu.memref_squeeze %dma_start3A_180 : memref<1x100xi32, #tpu.memory_space<vmem>> -> memref<100xi32, #tpu.memory_space<vmem>>
      %dma_start3A_182 = arith.constant 0 : i32
      %dma_start3A_183 = arith.constant 0 : i32
      %dma_start3A_184 = tpu.memref_slice %arg16[%dma_start3A_182, %dma_start3A_183] : memref<10000x64xf32, #tpu.memory_space<vmem_shared>> -> memref<10000x64xf32, #tpu.memory_space<vmem_shared>>
      tpu.enqueue_indirect_dma source(%dma_start3A_178 : memref<100x64xf32, #tpu.memory_space<vmem>>) target(%dma_start3A_184 : memref<10000x64xf32, #tpu.memory_space<vmem_shared>>) offsets(%dma_start3A_181 : memref<100xi32, #tpu.memory_space<vmem>>) semaphore(%arg15 : memref<!tpu.dma_semaphore, #tpu.memory_space<semaphore_mem>>) {add = true}
      %dma_wait3A_185 = arith.constant 1 : i32
      %dma_wait3A_186 = arith.constant 0 : i32
      %dma_wait3A_187 = arith.constant 0 : i32
      %dma_wait3A_188 = tpu.memref_slice %arg10[%dma_wait3A_185, %dma_wait3A_186, %dma_wait3A_187] : memref<4x100x64xf32, #tpu.memory_space<vmem>> -> memref<1x100x64xf32, #tpu.memory_space<vmem>>
      %dma_wait3A_189 = tpu.memref_squeeze %dma_wait3A_188 : memref<1x100x64xf32, #tpu.memory_space<vmem>> -> memref<100x64xf32, #tpu.memory_space<vmem>>
      %dma_wait3A_190 = arith.constant 0 : i32
      %dma_wait3A_191 = tpu.memref_slice %arg8[%add3A_153, %dma_wait3A_190] : memref<200x100xi32, #tpu.memory_space<vmem>> -> memref<1x100xi32, #tpu.memory_space<vmem>>
      %dma_wait3A_192 = tpu.memref_squeeze %dma_wait3A_191 : memref<1x100xi32, #tpu.memory_space<vmem>> -> memref<100xi32, #tpu.memory_space<vmem>>
      %dma_wait3A_193 = arith.constant 0 : i32
      %dma_wait3A_194 = arith.constant 0 : i32
      %dma_wait3A_195 = tpu.memref_slice %arg16[%dma_wait3A_193, %dma_wait3A_194] : memref<10000x64xf32, #tpu.memory_space<vmem_shared>> -> memref<10000x64xf32, #tpu.memory_space<vmem_shared>>
      tpu.wait_indirect_dma semaphore(%arg15 : memref<!tpu.dma_semaphore, #tpu.memory_space<semaphore_mem>>) src(%dma_wait3A_189 : memref<100x64xf32, #tpu.memory_space<vmem>>) dst(%dma_wait3A_195 : memref<10000x64xf32, #tpu.memory_space<vmem_shared>>)
      %add3A_196 = arith.constant 4 : i32
      %add3A_197 = arith.addi %add3A_153, %add3A_196 : i32
      %lt3A_198 = arith.constant 200 : i32
      %lt3A_199 = arith.cmpi slt, %add3A_197, %lt3A_198 : i32
      %convert_element_type3A_200 = arith.extui %lt3A_199 : i1 to i32
      %cond3A_201 = arith.constant 0 : i32
      %cond3A_202 = arith.cmpi ne, %convert_element_type3A_200, %cond3A_201 : i32
      scf.if %cond3A_202 {
        %add3A_309 = arith.constant 4 : i32
        %add3A_310 = arith.addi %add3A_153, %add3A_309 : i32
        %dma_start3A_311 = arith.constant 1 : i32
        %dma_start3A_312 = arith.constant 0 : i32
        %dma_start3A_313 = arith.constant 0 : i32
        %dma_start3A_314 = tpu.memref_slice %arg10[%dma_start3A_311, %dma_start3A_312, %dma_start3A_313] : memref<4x100x64xf32, #tpu.memory_space<vmem>> -> memref<1x100x64xf32, #tpu.memory_space<vmem>>
        %dma_start3A_315 = tpu.memref_squeeze %dma_start3A_314 : memref<1x100x64xf32, #tpu.memory_space<vmem>> -> memref<100x64xf32, #tpu.memory_space<vmem>>
        %dma_start3A_316 = arith.constant 0 : i32
        %dma_start3A_317 = tpu.memref_slice %arg7[%add3A_310, %dma_start3A_316] : memref<200x100xi32, #tpu.memory_space<vmem>> -> memref<1x100xi32, #tpu.memory_space<vmem>>
        %dma_start3A_318 = tpu.memref_squeeze %dma_start3A_317 : memref<1x100xi32, #tpu.memory_space<vmem>> -> memref<100xi32, #tpu.memory_space<vmem>>
        %dma_start3A_319 = arith.constant 0 : i32
        %dma_start3A_320 = arith.constant 0 : i32
        %dma_start3A_321 = tpu.memref_slice %arg2[%arg0, %dma_start3A_319, %dma_start3A_320] : memref<2x10000x64xf32, #tpu.memory_space<hbm>> -> memref<1x10000x64xf32, #tpu.memory_space<hbm>>
        %dma_start3A_322 = tpu.memref_squeeze %dma_start3A_321 : memref<1x10000x64xf32, #tpu.memory_space<hbm>> -> memref<10000x64xf32, #tpu.memory_space<hbm>>
        %dma_start3A_323 = arith.constant 0 : i32
        %dma_start3A_324 = arith.constant 0 : i32
        %dma_start3A_325 = tpu.memref_slice %dma_start3A_322[%dma_start3A_323, %dma_start3A_324] : memref<10000x64xf32, #tpu.memory_space<hbm>> -> memref<10000x64xf32, #tpu.memory_space<hbm>>
        tpu.enqueue_indirect_dma source(%dma_start3A_325 : memref<10000x64xf32, #tpu.memory_space<hbm>>) target(%dma_start3A_315 : memref<100x64xf32, #tpu.memory_space<vmem>>) offsets(%dma_start3A_318 : memref<100xi32, #tpu.memory_space<vmem>>) semaphore(%arg12 : memref<!tpu.dma_semaphore, #tpu.memory_space<semaphore_mem>>)
      } else {
      }
      %mul3A_203 = arith.constant 4 : i32
      %mul3A_204 = arith.muli %mul3A_203, %add3A_100 : i32
      %add3A_205 = arith.constant 2 : i32
      %add3A_206 = arith.addi %mul3A_204, %add3A_205 : i32
      %dma_wait3A_207 = arith.constant 2 : i32
      %dma_wait3A_208 = arith.constant 0 : i32
      %dma_wait3A_209 = arith.constant 0 : i32
      %dma_wait3A_210 = tpu.memref_slice %arg10[%dma_wait3A_207, %dma_wait3A_208, %dma_wait3A_209] : memref<4x100x64xf32, #tpu.memory_space<vmem>> -> memref<1x100x64xf32, #tpu.memory_space<vmem>>
      %dma_wait3A_211 = tpu.memref_squeeze %dma_wait3A_210 : memref<1x100x64xf32, #tpu.memory_space<vmem>> -> memref<100x64xf32, #tpu.memory_space<vmem>>
      %dma_wait3A_212 = arith.constant 0 : i32
      %dma_wait3A_213 = tpu.memref_slice %arg7[%add3A_206, %dma_wait3A_212] : memref<200x100xi32, #tpu.memory_space<vmem>> -> memref<1x100xi32, #tpu.memory_space<vmem>>
      %dma_wait3A_214 = tpu.memref_squeeze %dma_wait3A_213 : memref<1x100xi32, #tpu.memory_space<vmem>> -> memref<100xi32, #tpu.memory_space<vmem>>
      %dma_wait3A_215 = arith.constant 0 : i32
      %dma_wait3A_216 = arith.constant 0 : i32
      %dma_wait3A_217 = tpu.memref_slice %arg2[%arg0, %dma_wait3A_215, %dma_wait3A_216] : memref<2x10000x64xf32, #tpu.memory_space<hbm>> -> memref<1x10000x64xf32, #tpu.memory_space<hbm>>
      %dma_wait3A_218 = tpu.memref_squeeze %dma_wait3A_217 : memref<1x10000x64xf32, #tpu.memory_space<hbm>> -> memref<10000x64xf32, #tpu.memory_space<hbm>>
      %dma_wait3A_219 = arith.constant 0 : i32
      %dma_wait3A_220 = arith.constant 0 : i32
      %dma_wait3A_221 = tpu.memref_slice %dma_wait3A_218[%dma_wait3A_219, %dma_wait3A_220] : memref<10000x64xf32, #tpu.memory_space<hbm>> -> memref<10000x64xf32, #tpu.memory_space<hbm>>
      tpu.wait_indirect_dma semaphore(%arg13 : memref<!tpu.dma_semaphore, #tpu.memory_space<semaphore_mem>>) src(%dma_wait3A_221 : memref<10000x64xf32, #tpu.memory_space<hbm>>) dst(%dma_wait3A_211 : memref<100x64xf32, #tpu.memory_space<vmem>>)
      %scan3A_222 = arith.constant 0 : i32
      %scan3A_223 = arith.constant 100 : i32
      %scan3A_224 = arith.addi %scan3A_222, %scan3A_223 : i32
      %scan3A_225 = arith.constant 1 : i32
      scf.for %scan3A_309 = %scan3A_222 to %scan3A_224 step %scan3A_225  : i32 {
        %mul3A_310 = arith.constant 1 : i32
        %mul3A_311 = arith.muli %scan3A_309, %mul3A_310 : i32
        %add3A_312 = arith.constant 0 : i32
        %add3A_313 = arith.addi %add3A_312, %mul3A_311 : i32
        %mul3A_314 = arith.constant 100 : i32
        %mul3A_315 = arith.muli %add3A_206, %mul3A_314 : i32
        %add3A_316 = arith.addi %mul3A_315, %add3A_313 : i32
        %broadcast_in_dim3A_317 = vector.broadcast %add3A_316 : i32 to vector<16xi32>
        %gather3A = tpu.vector_load_idx %arg9[%broadcast_in_dim3A_317] : memref<20000xf32, #tpu.memory_space<vmem>>[vector<16xi32>], vector<16xf32>,
        %get3A = arith.constant 2 : i32
        %get3A_318 = arith.index_cast %get3A : i32 to index
        %get3A_319 = arith.index_cast %add3A_313 : i32 to index
        %get3A_320 = arith.constant 0 : index
        %get3A_321 = tpu.vector_load %arg10[%get3A_318, %get3A_319, %get3A_320] {strides = array<i32>} : memref<4x100x64xf32, #tpu.memory_space<vmem>>, vector<16xf32>,
        %mul3A_322 = arith.mulf %get3A_321, %gather3A : vector<16xf32>
        %swap3A = arith.constant 2 : i32
        %swap3A_323 = arith.index_cast %swap3A : i32 to index
        %swap3A_324 = arith.index_cast %add3A_313 : i32 to index
        %swap3A_325 = arith.constant 0 : index
        %swap3A_326 = tpu.vector_load %arg10[%swap3A_323, %swap3A_324, %swap3A_325] {strides = array<i32>} : memref<4x100x64xf32, #tpu.memory_space<vmem>>, vector<16xf32>,
        tpu.vector_store %arg10[%swap3A_323, %swap3A_324, %swap3A_325], %mul3A_322 {strides = array<i32>} : memref<4x100x64xf32, #tpu.memory_space<vmem>>, vector<16xf32>,
        %get3A_327 = arith.constant 2 : i32
        %get3A_328 = arith.index_cast %get3A_327 : i32 to index
        %get3A_329 = arith.index_cast %add3A_313 : i32 to index
        %get3A_330 = arith.constant 16 : index
        %get3A_331 = tpu.vector_load %arg10[%get3A_328, %get3A_329, %get3A_330] {strides = array<i32>} : memref<4x100x64xf32, #tpu.memory_space<vmem>>, vector<16xf32>,
        %mul3A_332 = arith.mulf %get3A_331, %gather3A : vector<16xf32>
        %swap3A_333 = arith.constant 2 : i32
        %swap3A_334 = arith.index_cast %swap3A_333 : i32 to index
        %swap3A_335 = arith.index_cast %add3A_313 : i32 to index
        %swap3A_336 = arith.constant 16 : index
        %swap3A_337 = tpu.vector_load %arg10[%swap3A_334, %swap3A_335, %swap3A_336] {strides = array<i32>} : memref<4x100x64xf32, #tpu.memory_space<vmem>>, vector<16xf32>,
        tpu.vector_store %arg10[%swap3A_334, %swap3A_335, %swap3A_336], %mul3A_332 {strides = array<i32>} : memref<4x100x64xf32, #tpu.memory_space<vmem>>, vector<16xf32>,
        %get3A_338 = arith.constant 2 : i32
        %get3A_339 = arith.index_cast %get3A_338 : i32 to index
        %get3A_340 = arith.index_cast %add3A_313 : i32 to index
        %get3A_341 = arith.constant 32 : index
        %get3A_342 = tpu.vector_load %arg10[%get3A_339, %get3A_340, %get3A_341] {strides = array<i32>} : memref<4x100x64xf32, #tpu.memory_space<vmem>>, vector<16xf32>,
        %mul3A_343 = arith.mulf %get3A_342, %gather3A : vector<16xf32>
        %swap3A_344 = arith.constant 2 : i32
        %swap3A_345 = arith.index_cast %swap3A_344 : i32 to index
        %swap3A_346 = arith.index_cast %add3A_313 : i32 to index
        %swap3A_347 = arith.constant 32 : index
        %swap3A_348 = tpu.vector_load %arg10[%swap3A_345, %swap3A_346, %swap3A_347] {strides = array<i32>} : memref<4x100x64xf32, #tpu.memory_space<vmem>>, vector<16xf32>,
        tpu.vector_store %arg10[%swap3A_345, %swap3A_346, %swap3A_347], %mul3A_343 {strides = array<i32>} : memref<4x100x64xf32, #tpu.memory_space<vmem>>, vector<16xf32>,
        %get3A_349 = arith.constant 2 : i32
        %get3A_350 = arith.index_cast %get3A_349 : i32 to index
        %get3A_351 = arith.index_cast %add3A_313 : i32 to index
        %get3A_352 = arith.constant 48 : index
        %get3A_353 = tpu.vector_load %arg10[%get3A_350, %get3A_351, %get3A_352] {strides = array<i32>} : memref<4x100x64xf32, #tpu.memory_space<vmem>>, vector<16xf32>,
        %mul3A_354 = arith.mulf %get3A_353, %gather3A : vector<16xf32>
        %swap3A_355 = arith.constant 2 : i32
        %swap3A_356 = arith.index_cast %swap3A_355 : i32 to index
        %swap3A_357 = arith.index_cast %add3A_313 : i32 to index
        %swap3A_358 = arith.constant 48 : index
        %swap3A_359 = tpu.vector_load %arg10[%swap3A_356, %swap3A_357, %swap3A_358] {strides = array<i32>} : memref<4x100x64xf32, #tpu.memory_space<vmem>>, vector<16xf32>,
        tpu.vector_store %arg10[%swap3A_356, %swap3A_357, %swap3A_358], %mul3A_354 {strides = array<i32>} : memref<4x100x64xf32, #tpu.memory_space<vmem>>, vector<16xf32>,
      }
      %scan3A_226 = arith.constant 100 : i32
      %dma_start3A_227 = arith.constant 2 : i32
      %dma_start3A_228 = arith.constant 0 : i32
      %dma_start3A_229 = arith.constant 0 : i32
      %dma_start3A_230 = tpu.memref_slice %arg10[%dma_start3A_227, %dma_start3A_228, %dma_start3A_229] : memref<4x100x64xf32, #tpu.memory_space<vmem>> -> memref<1x100x64xf32, #tpu.memory_space<vmem>>
      %dma_start3A_231 = tpu.memref_squeeze %dma_start3A_230 : memref<1x100x64xf32, #tpu.memory_space<vmem>> -> memref<100x64xf32, #tpu.memory_space<vmem>>
      %dma_start3A_232 = arith.constant 0 : i32
      %dma_start3A_233 = tpu.memref_slice %arg8[%add3A_206, %dma_start3A_232] : memref<200x100xi32, #tpu.memory_space<vmem>> -> memref<1x100xi32, #tpu.memory_space<vmem>>
      %dma_start3A_234 = tpu.memref_squeeze %dma_start3A_233 : memref<1x100xi32, #tpu.memory_space<vmem>> -> memref<100xi32, #tpu.memory_space<vmem>>
      %dma_start3A_235 = arith.constant 0 : i32
      %dma_start3A_236 = arith.constant 0 : i32
      %dma_start3A_237 = tpu.memref_slice %arg16[%dma_start3A_235, %dma_start3A_236] : memref<10000x64xf32, #tpu.memory_space<vmem_shared>> -> memref<10000x64xf32, #tpu.memory_space<vmem_shared>>
      tpu.enqueue_indirect_dma source(%dma_start3A_231 : memref<100x64xf32, #tpu.memory_space<vmem>>) target(%dma_start3A_237 : memref<10000x64xf32, #tpu.memory_space<vmem_shared>>) offsets(%dma_start3A_234 : memref<100xi32, #tpu.memory_space<vmem>>) semaphore(%arg15 : memref<!tpu.dma_semaphore, #tpu.memory_space<semaphore_mem>>) {add = true}
      %dma_wait3A_238 = arith.constant 2 : i32
      %dma_wait3A_239 = arith.constant 0 : i32
      %dma_wait3A_240 = arith.constant 0 : i32
      %dma_wait3A_241 = tpu.memref_slice %arg10[%dma_wait3A_238, %dma_wait3A_239, %dma_wait3A_240] : memref<4x100x64xf32, #tpu.memory_space<vmem>> -> memref<1x100x64xf32, #tpu.memory_space<vmem>>
      %dma_wait3A_242 = tpu.memref_squeeze %dma_wait3A_241 : memref<1x100x64xf32, #tpu.memory_space<vmem>> -> memref<100x64xf32, #tpu.memory_space<vmem>>
      %dma_wait3A_243 = arith.constant 0 : i32
      %dma_wait3A_244 = tpu.memref_slice %arg8[%add3A_206, %dma_wait3A_243] : memref<200x100xi32, #tpu.memory_space<vmem>> -> memref<1x100xi32, #tpu.memory_space<vmem>>
      %dma_wait3A_245 = tpu.memref_squeeze %dma_wait3A_244 : memref<1x100xi32, #tpu.memory_space<vmem>> -> memref<100xi32, #tpu.memory_space<vmem>>
      %dma_wait3A_246 = arith.constant 0 : i32
      %dma_wait3A_247 = arith.constant 0 : i32
      %dma_wait3A_248 = tpu.memref_slice %arg16[%dma_wait3A_246, %dma_wait3A_247] : memref<10000x64xf32, #tpu.memory_space<vmem_shared>> -> memref<10000x64xf32, #tpu.memory_space<vmem_shared>>
      tpu.wait_indirect_dma semaphore(%arg15 : memref<!tpu.dma_semaphore, #tpu.memory_space<semaphore_mem>>) src(%dma_wait3A_242 : memref<100x64xf32, #tpu.memory_space<vmem>>) dst(%dma_wait3A_248 : memref<10000x64xf32, #tpu.memory_space<vmem_shared>>)
      %add3A_249 = arith.constant 4 : i32
      %add3A_250 = arith.addi %add3A_206, %add3A_249 : i32
      %lt3A_251 = arith.constant 200 : i32
      %lt3A_252 = arith.cmpi slt, %add3A_250, %lt3A_251 : i32
      %convert_element_type3A_253 = arith.extui %lt3A_252 : i1 to i32
      %cond3A_254 = arith.constant 0 : i32
      %cond3A_255 = arith.cmpi ne, %convert_element_type3A_253, %cond3A_254 : i32
      scf.if %cond3A_255 {
        %add3A_309 = arith.constant 4 : i32
        %add3A_310 = arith.addi %add3A_206, %add3A_309 : i32
        %dma_start3A_311 = arith.constant 2 : i32
        %dma_start3A_312 = arith.constant 0 : i32
        %dma_start3A_313 = arith.constant 0 : i32
        %dma_start3A_314 = tpu.memref_slice %arg10[%dma_start3A_311, %dma_start3A_312, %dma_start3A_313] : memref<4x100x64xf32, #tpu.memory_space<vmem>> -> memref<1x100x64xf32, #tpu.memory_space<vmem>>
        %dma_start3A_315 = tpu.memref_squeeze %dma_start3A_314 : memref<1x100x64xf32, #tpu.memory_space<vmem>> -> memref<100x64xf32, #tpu.memory_space<vmem>>
        %dma_start3A_316 = arith.constant 0 : i32
        %dma_start3A_317 = tpu.memref_slice %arg7[%add3A_310, %dma_start3A_316] : memref<200x100xi32, #tpu.memory_space<vmem>> -> memref<1x100xi32, #tpu.memory_space<vmem>>
        %dma_start3A_318 = tpu.memref_squeeze %dma_start3A_317 : memref<1x100xi32, #tpu.memory_space<vmem>> -> memref<100xi32, #tpu.memory_space<vmem>>
        %dma_start3A_319 = arith.constant 0 : i32
        %dma_start3A_320 = arith.constant 0 : i32
        %dma_start3A_321 = tpu.memref_slice %arg2[%arg0, %dma_start3A_319, %dma_start3A_320] : memref<2x10000x64xf32, #tpu.memory_space<hbm>> -> memref<1x10000x64xf32, #tpu.memory_space<hbm>>
        %dma_start3A_322 = tpu.memref_squeeze %dma_start3A_321 : memref<1x10000x64xf32, #tpu.memory_space<hbm>> -> memref<10000x64xf32, #tpu.memory_space<hbm>>
        %dma_start3A_323 = arith.constant 0 : i32
        %dma_start3A_324 = arith.constant 0 : i32
        %dma_start3A_325 = tpu.memref_slice %dma_start3A_322[%dma_start3A_323, %dma_start3A_324] : memref<10000x64xf32, #tpu.memory_space<hbm>> -> memref<10000x64xf32, #tpu.memory_space<hbm>>
        tpu.enqueue_indirect_dma source(%dma_start3A_325 : memref<10000x64xf32, #tpu.memory_space<hbm>>) target(%dma_start3A_315 : memref<100x64xf32, #tpu.memory_space<vmem>>) offsets(%dma_start3A_318 : memref<100xi32, #tpu.memory_space<vmem>>) semaphore(%arg13 : memref<!tpu.dma_semaphore, #tpu.memory_space<semaphore_mem>>)
      } else {
      }
      %mul3A_256 = arith.constant 4 : i32
      %mul3A_257 = arith.muli %mul3A_256, %add3A_100 : i32
      %add3A_258 = arith.constant 3 : i32
      %add3A_259 = arith.addi %mul3A_257, %add3A_258 : i32
      %dma_wait3A_260 = arith.constant 3 : i32
      %dma_wait3A_261 = arith.constant 0 : i32
      %dma_wait3A_262 = arith.constant 0 : i32
      %dma_wait3A_263 = tpu.memref_slice %arg10[%dma_wait3A_260, %dma_wait3A_261, %dma_wait3A_262] : memref<4x100x64xf32, #tpu.memory_space<vmem>> -> memref<1x100x64xf32, #tpu.memory_space<vmem>>
      %dma_wait3A_264 = tpu.memref_squeeze %dma_wait3A_263 : memref<1x100x64xf32, #tpu.memory_space<vmem>> -> memref<100x64xf32, #tpu.memory_space<vmem>>
      %dma_wait3A_265 = arith.constant 0 : i32
      %dma_wait3A_266 = tpu.memref_slice %arg7[%add3A_259, %dma_wait3A_265] : memref<200x100xi32, #tpu.memory_space<vmem>> -> memref<1x100xi32, #tpu.memory_space<vmem>>
      %dma_wait3A_267 = tpu.memref_squeeze %dma_wait3A_266 : memref<1x100xi32, #tpu.memory_space<vmem>> -> memref<100xi32, #tpu.memory_space<vmem>>
      %dma_wait3A_268 = arith.constant 0 : i32
      %dma_wait3A_269 = arith.constant 0 : i32
      %dma_wait3A_270 = tpu.memref_slice %arg2[%arg0, %dma_wait3A_268, %dma_wait3A_269] : memref<2x10000x64xf32, #tpu.memory_space<hbm>> -> memref<1x10000x64xf32, #tpu.memory_space<hbm>>
      %dma_wait3A_271 = tpu.memref_squeeze %dma_wait3A_270 : memref<1x10000x64xf32, #tpu.memory_space<hbm>> -> memref<10000x64xf32, #tpu.memory_space<hbm>>
      %dma_wait3A_272 = arith.constant 0 : i32
      %dma_wait3A_273 = arith.constant 0 : i32
      %dma_wait3A_274 = tpu.memref_slice %dma_wait3A_271[%dma_wait3A_272, %dma_wait3A_273] : memref<10000x64xf32, #tpu.memory_space<hbm>> -> memref<10000x64xf32, #tpu.memory_space<hbm>>
      tpu.wait_indirect_dma semaphore(%arg14 : memref<!tpu.dma_semaphore, #tpu.memory_space<semaphore_mem>>) src(%dma_wait3A_274 : memref<10000x64xf32, #tpu.memory_space<hbm>>) dst(%dma_wait3A_264 : memref<100x64xf32, #tpu.memory_space<vmem>>)
      %scan3A_275 = arith.constant 0 : i32
      %scan3A_276 = arith.constant 100 : i32
      %scan3A_277 = arith.addi %scan3A_275, %scan3A_276 : i32
      %scan3A_278 = arith.constant 1 : i32
      scf.for %scan3A_309 = %scan3A_275 to %scan3A_277 step %scan3A_278  : i32 {
        %mul3A_310 = arith.constant 1 : i32
        %mul3A_311 = arith.muli %scan3A_309, %mul3A_310 : i32
        %add3A_312 = arith.constant 0 : i32
        %add3A_313 = arith.addi %add3A_312, %mul3A_311 : i32
        %mul3A_314 = arith.constant 100 : i32
        %mul3A_315 = arith.muli %add3A_259, %mul3A_314 : i32
        %add3A_316 = arith.addi %mul3A_315, %add3A_313 : i32
        %broadcast_in_dim3A_317 = vector.broadcast %add3A_316 : i32 to vector<16xi32>
        %gather3A = tpu.vector_load_idx %arg9[%broadcast_in_dim3A_317] : memref<20000xf32, #tpu.memory_space<vmem>>[vector<16xi32>], vector<16xf32>,
        %get3A = arith.constant 3 : i32
        %get3A_318 = arith.index_cast %get3A : i32 to index
        %get3A_319 = arith.index_cast %add3A_313 : i32 to index
        %get3A_320 = arith.constant 0 : index
        %get3A_321 = tpu.vector_load %arg10[%get3A_318, %get3A_319, %get3A_320] {strides = array<i32>} : memref<4x100x64xf32, #tpu.memory_space<vmem>>, vector<16xf32>,
        %mul3A_322 = arith.mulf %get3A_321, %gather3A : vector<16xf32>
        %swap3A = arith.constant 3 : i32
        %swap3A_323 = arith.index_cast %swap3A : i32 to index
        %swap3A_324 = arith.index_cast %add3A_313 : i32 to index
        %swap3A_325 = arith.constant 0 : index
        %swap3A_326 = tpu.vector_load %arg10[%swap3A_323, %swap3A_324, %swap3A_325] {strides = array<i32>} : memref<4x100x64xf32, #tpu.memory_space<vmem>>, vector<16xf32>,
        tpu.vector_store %arg10[%swap3A_323, %swap3A_324, %swap3A_325], %mul3A_322 {strides = array<i32>} : memref<4x100x64xf32, #tpu.memory_space<vmem>>, vector<16xf32>,
        %get3A_327 = arith.constant 3 : i32
        %get3A_328 = arith.index_cast %get3A_327 : i32 to index
        %get3A_329 = arith.index_cast %add3A_313 : i32 to index
        %get3A_330 = arith.constant 16 : index
        %get3A_331 = tpu.vector_load %arg10[%get3A_328, %get3A_329, %get3A_330] {strides = array<i32>} : memref<4x100x64xf32, #tpu.memory_space<vmem>>, vector<16xf32>,
        %mul3A_332 = arith.mulf %get3A_331, %gather3A : vector<16xf32>
        %swap3A_333 = arith.constant 3 : i32
        %swap3A_334 = arith.index_cast %swap3A_333 : i32 to index
        %swap3A_335 = arith.index_cast %add3A_313 : i32 to index
        %swap3A_336 = arith.constant 16 : index
        %swap3A_337 = tpu.vector_load %arg10[%swap3A_334, %swap3A_335, %swap3A_336] {strides = array<i32>} : memref<4x100x64xf32, #tpu.memory_space<vmem>>, vector<16xf32>,
        tpu.vector_store %arg10[%swap3A_334, %swap3A_335, %swap3A_336], %mul3A_332 {strides = array<i32>} : memref<4x100x64xf32, #tpu.memory_space<vmem>>, vector<16xf32>,
        %get3A_338 = arith.constant 3 : i32
        %get3A_339 = arith.index_cast %get3A_338 : i32 to index
        %get3A_340 = arith.index_cast %add3A_313 : i32 to index
        %get3A_341 = arith.constant 32 : index
        %get3A_342 = tpu.vector_load %arg10[%get3A_339, %get3A_340, %get3A_341] {strides = array<i32>} : memref<4x100x64xf32, #tpu.memory_space<vmem>>, vector<16xf32>,
        %mul3A_343 = arith.mulf %get3A_342, %gather3A : vector<16xf32>
        %swap3A_344 = arith.constant 3 : i32
        %swap3A_345 = arith.index_cast %swap3A_344 : i32 to index
        %swap3A_346 = arith.index_cast %add3A_313 : i32 to index
        %swap3A_347 = arith.constant 32 : index
        %swap3A_348 = tpu.vector_load %arg10[%swap3A_345, %swap3A_346, %swap3A_347] {strides = array<i32>} : memref<4x100x64xf32, #tpu.memory_space<vmem>>, vector<16xf32>,
        tpu.vector_store %arg10[%swap3A_345, %swap3A_346, %swap3A_347], %mul3A_343 {strides = array<i32>} : memref<4x100x64xf32, #tpu.memory_space<vmem>>, vector<16xf32>,
        %get3A_349 = arith.constant 3 : i32
        %get3A_350 = arith.index_cast %get3A_349 : i32 to index
        %get3A_351 = arith.index_cast %add3A_313 : i32 to index
        %get3A_352 = arith.constant 48 : index
        %get3A_353 = tpu.vector_load %arg10[%get3A_350, %get3A_351, %get3A_352] {strides = array<i32>} : memref<4x100x64xf32, #tpu.memory_space<vmem>>, vector<16xf32>,
        %mul3A_354 = arith.mulf %get3A_353, %gather3A : vector<16xf32>
        %swap3A_355 = arith.constant 3 : i32
        %swap3A_356 = arith.index_cast %swap3A_355 : i32 to index
        %swap3A_357 = arith.index_cast %add3A_313 : i32 to index
        %swap3A_358 = arith.constant 48 : index
        %swap3A_359 = tpu.vector_load %arg10[%swap3A_356, %swap3A_357, %swap3A_358] {strides = array<i32>} : memref<4x100x64xf32, #tpu.memory_space<vmem>>, vector<16xf32>,
        tpu.vector_store %arg10[%swap3A_356, %swap3A_357, %swap3A_358], %mul3A_354 {strides = array<i32>} : memref<4x100x64xf32, #tpu.memory_space<vmem>>, vector<16xf32>,
      }
      %scan3A_279 = arith.constant 100 : i32
      %dma_start3A_280 = arith.constant 3 : i32
      %dma_start3A_281 = arith.constant 0 : i32
      %dma_start3A_282 = arith.constant 0 : i32
      %dma_start3A_283 = tpu.memref_slice %arg10[%dma_start3A_280, %dma_start3A_281, %dma_start3A_282] : memref<4x100x64xf32, #tpu.memory_space<vmem>> -> memref<1x100x64xf32, #tpu.memory_space<vmem>>
      %dma_start3A_284 = tpu.memref_squeeze %dma_start3A_283 : memref<1x100x64xf32, #tpu.memory_space<vmem>> -> memref<100x64xf32, #tpu.memory_space<vmem>>
      %dma_start3A_285 = arith.constant 0 : i32
      %dma_start3A_286 = tpu.memref_slice %arg8[%add3A_259, %dma_start3A_285] : memref<200x100xi32, #tpu.memory_space<vmem>> -> memref<1x100xi32, #tpu.memory_space<vmem>>
      %dma_start3A_287 = tpu.memref_squeeze %dma_start3A_286 : memref<1x100xi32, #tpu.memory_space<vmem>> -> memref<100xi32, #tpu.memory_space<vmem>>
      %dma_start3A_288 = arith.constant 0 : i32
      %dma_start3A_289 = arith.constant 0 : i32
      %dma_start3A_290 = tpu.memref_slice %arg16[%dma_start3A_288, %dma_start3A_289] : memref<10000x64xf32, #tpu.memory_space<vmem_shared>> -> memref<10000x64xf32, #tpu.memory_space<vmem_shared>>
      tpu.enqueue_indirect_dma source(%dma_start3A_284 : memref<100x64xf32, #tpu.memory_space<vmem>>) target(%dma_start3A_290 : memref<10000x64xf32, #tpu.memory_space<vmem_shared>>) offsets(%dma_start3A_287 : memref<100xi32, #tpu.memory_space<vmem>>) semaphore(%arg15 : memref<!tpu.dma_semaphore, #tpu.memory_space<semaphore_mem>>) {add = true}
      %dma_wait3A_291 = arith.constant 3 : i32
      %dma_wait3A_292 = arith.constant 0 : i32
      %dma_wait3A_293 = arith.constant 0 : i32
      %dma_wait3A_294 = tpu.memref_slice %arg10[%dma_wait3A_291, %dma_wait3A_292, %dma_wait3A_293] : memref<4x100x64xf32, #tpu.memory_space<vmem>> -> memref<1x100x64xf32, #tpu.memory_space<vmem>>
      %dma_wait3A_295 = tpu.memref_squeeze %dma_wait3A_294 : memref<1x100x64xf32, #tpu.memory_space<vmem>> -> memref<100x64xf32, #tpu.memory_space<vmem>>
      %dma_wait3A_296 = arith.constant 0 : i32
      %dma_wait3A_297 = tpu.memref_slice %arg8[%add3A_259, %dma_wait3A_296] : memref<200x100xi32, #tpu.memory_space<vmem>> -> memref<1x100xi32, #tpu.memory_space<vmem>>
      %dma_wait3A_298 = tpu.memref_squeeze %dma_wait3A_297 : memref<1x100xi32, #tpu.memory_space<vmem>> -> memref<100xi32, #tpu.memory_space<vmem>>
      %dma_wait3A_299 = arith.constant 0 : i32
      %dma_wait3A_300 = arith.constant 0 : i32
      %dma_wait3A_301 = tpu.memref_slice %arg16[%dma_wait3A_299, %dma_wait3A_300] : memref<10000x64xf32, #tpu.memory_space<vmem_shared>> -> memref<10000x64xf32, #tpu.memory_space<vmem_shared>>
      tpu.wait_indirect_dma semaphore(%arg15 : memref<!tpu.dma_semaphore, #tpu.memory_space<semaphore_mem>>) src(%dma_wait3A_295 : memref<100x64xf32, #tpu.memory_space<vmem>>) dst(%dma_wait3A_301 : memref<10000x64xf32, #tpu.memory_space<vmem_shared>>)
      %add3A_302 = arith.constant 4 : i32
      %add3A_303 = arith.addi %add3A_259, %add3A_302 : i32
      %lt3A_304 = arith.constant 200 : i32
      %lt3A_305 = arith.cmpi slt, %add3A_303, %lt3A_304 : i32
      %convert_element_type3A_306 = arith.extui %lt3A_305 : i1 to i32
      %cond3A_307 = arith.constant 0 : i32
      %cond3A_308 = arith.cmpi ne, %convert_element_type3A_306, %cond3A_307 : i32
      scf.if %cond3A_308 {
        %add3A_309 = arith.constant 4 : i32
        %add3A_310 = arith.addi %add3A_259, %add3A_309 : i32
        %dma_start3A_311 = arith.constant 3 : i32
        %dma_start3A_312 = arith.constant 0 : i32
        %dma_start3A_313 = arith.constant 0 : i32
        %dma_start3A_314 = tpu.memref_slice %arg10[%dma_start3A_311, %dma_start3A_312, %dma_start3A_313] : memref<4x100x64xf32, #tpu.memory_space<vmem>> -> memref<1x100x64xf32, #tpu.memory_space<vmem>>
        %dma_start3A_315 = tpu.memref_squeeze %dma_start3A_314 : memref<1x100x64xf32, #tpu.memory_space<vmem>> -> memref<100x64xf32, #tpu.memory_space<vmem>>
        %dma_start3A_316 = arith.constant 0 : i32
        %dma_start3A_317 = tpu.memref_slice %arg7[%add3A_310, %dma_start3A_316] : memref<200x100xi32, #tpu.memory_space<vmem>> -> memref<1x100xi32, #tpu.memory_space<vmem>>
        %dma_start3A_318 = tpu.memref_squeeze %dma_start3A_317 : memref<1x100xi32, #tpu.memory_space<vmem>> -> memref<100xi32, #tpu.memory_space<vmem>>
        %dma_start3A_319 = arith.constant 0 : i32
        %dma_start3A_320 = arith.constant 0 : i32
        %dma_start3A_321 = tpu.memref_slice %arg2[%arg0, %dma_start3A_319, %dma_start3A_320] : memref<2x10000x64xf32, #tpu.memory_space<hbm>> -> memref<1x10000x64xf32, #tpu.memory_space<hbm>>
        %dma_start3A_322 = tpu.memref_squeeze %dma_start3A_321 : memref<1x10000x64xf32, #tpu.memory_space<hbm>> -> memref<10000x64xf32, #tpu.memory_space<hbm>>
        %dma_start3A_323 = arith.constant 0 : i32
        %dma_start3A_324 = arith.constant 0 : i32
        %dma_start3A_325 = tpu.memref_slice %dma_start3A_322[%dma_start3A_323, %dma_start3A_324] : memref<10000x64xf32, #tpu.memory_space<hbm>> -> memref<10000x64xf32, #tpu.memory_space<hbm>>
        tpu.enqueue_indirect_dma source(%dma_start3A_325 : memref<10000x64xf32, #tpu.memory_space<hbm>>) target(%dma_start3A_315 : memref<100x64xf32, #tpu.memory_space<vmem>>) offsets(%dma_start3A_318 : memref<100xi32, #tpu.memory_space<vmem>>) semaphore(%arg14 : memref<!tpu.dma_semaphore, #tpu.memory_space<semaphore_mem>>)
      } else {
      }
    }
    %scan3A_94 = arith.constant 50 : i32
    %barrier3A_95 = arith.constant 0 : index
    tpu.barrier barrier_id(%barrier3A_95)
    "tpu.region"() ({
      %run_scoped3A_96 = tpu.sem_alloc : memref<!tpu.dma_semaphore, #tpu.memory_space<semaphore_mem>>
      %dma_start3A_97 = arith.constant 0 : i32
      %dma_start3A_98 = tpu.memref_slice %arg6[%arg0, %mul3A_7, %dma_start3A_97] : memref<2x10000x64xf32, #tpu.memory_space<hbm>> -> memref<1x640x64xf32, #tpu.memory_space<hbm>>
      %dma_start3A_99 = tpu.memref_squeeze %dma_start3A_98 : memref<1x640x64xf32, #tpu.memory_space<hbm>> -> memref<640x64xf32, #tpu.memory_space<hbm>>
      %dma_start3A_100 = arith.constant 0 : i32
      %dma_start3A_101 = tpu.memref_slice %arg16[%mul3A_7, %dma_start3A_100] : memref<10000x64xf32, #tpu.memory_space<vmem_shared>> -> memref<640x64xf32, #tpu.memory_space<vmem_shared>>
      tpu.enqueue_dma source(%dma_start3A_101 : memref<640x64xf32, #tpu.memory_space<vmem_shared>>) target(%dma_start3A_99 : memref<640x64xf32, #tpu.memory_space<hbm>>) target_semaphore(%run_scoped3A_96 : memref<!tpu.dma_semaphore, #tpu.memory_space<semaphore_mem>>)
      %dma_wait3A = arith.constant 0 : i32
      %dma_wait3A_102 = tpu.memref_slice %arg6[%arg0, %mul3A_7, %dma_wait3A] : memref<2x10000x64xf32, #tpu.memory_space<hbm>> -> memref<1x640x64xf32, #tpu.memory_space<hbm>>
      %dma_wait3A_103 = tpu.memref_squeeze %dma_wait3A_102 : memref<1x640x64xf32, #tpu.memory_space<hbm>> -> memref<640x64xf32, #tpu.memory_space<hbm>>
      %dma_wait3A_104 = arith.constant 0 : i32
      %dma_wait3A_105 = tpu.memref_slice %arg16[%mul3A_7, %dma_wait3A_104] : memref<10000x64xf32, #tpu.memory_space<vmem_shared>> -> memref<640x64xf32, #tpu.memory_space<vmem_shared>>
      tpu.wait_dma2 semaphore(%run_scoped3A_96 : memref<!tpu.dma_semaphore, #tpu.memory_space<semaphore_mem>>) src(%dma_wait3A_105 : memref<640x64xf32, #tpu.memory_space<vmem_shared>>) dst(%dma_wait3A_103 : memref<640x64xf32, #tpu.memory_space<hbm>>)
      tpu.yield
    }) : () -> ()
    return
  }
}

#map = affine_map<(d0, d1) -> (0)>
#map1 = affine_map<(d0, d1) -> (0, 0)>
module attributes {stable_mosaic.version = 14 : i64} {
  func.func @_deg_kernel(%arg0: i32, %arg1: i32, %arg2: memref<320000xi32, #tpu.memory_space<hbm>>, %arg3: memref<32x10240xf32, #tpu.memory_space<hbm>>, %arg4: memref<10000xi32, #tpu.memory_space<vmem>>, %arg5: memref<10240xf32, #tpu.memory_space<vmem>>) attributes {dimension_semantics = [#tpu.dimension_semantics<core_parallel>, #tpu.dimension_semantics<subcore_parallel>], iteration_bounds = array<i64: 2, 16>, scalar_prefetch = 0 : i64, scratch_operands = 2 : i64, tpu.core_type = #tpu.core_type<sc_vector_subcore>, window_params = [{transform_indices = #map}, {transform_indices = #map1}]} {
    %mul3A = arith.constant 2 : i32
    %mul3A_0 = arith.muli %arg1, %mul3A : i32
    %add3A = arith.addi %mul3A_0, %arg0 : i32
    %mul3A_1 = arith.constant 10000 : i32
    %mul3A_2 = arith.muli %add3A, %mul3A_1 : i32
    "tpu.region"() ({
      %run_scoped3A = tpu.sem_alloc : memref<!tpu.dma_semaphore, #tpu.memory_space<semaphore_mem>>
      %dma_start3A = tpu.memref_slice %arg2[%mul3A_2] : memref<320000xi32, #tpu.memory_space<hbm>> -> memref<10000xi32, #tpu.memory_space<hbm>>
      %dma_start3A_15 = tpu.memref_slice %arg2[%mul3A_2] : memref<320000xi32, #tpu.memory_space<hbm>> -> memref<10000xi32, #tpu.memory_space<hbm>>
      tpu.enqueue_dma source(%dma_start3A_15 : memref<10000xi32, #tpu.memory_space<hbm>>) target(%arg4 : memref<10000xi32, #tpu.memory_space<vmem>>) target_semaphore(%run_scoped3A : memref<!tpu.dma_semaphore, #tpu.memory_space<semaphore_mem>>)
      %dma_wait3A = tpu.memref_slice %arg2[%mul3A_2] : memref<320000xi32, #tpu.memory_space<hbm>> -> memref<10000xi32, #tpu.memory_space<hbm>>
      %dma_wait3A_16 = tpu.memref_slice %arg2[%mul3A_2] : memref<320000xi32, #tpu.memory_space<hbm>> -> memref<10000xi32, #tpu.memory_space<hbm>>
      tpu.wait_dma2 semaphore(%run_scoped3A : memref<!tpu.dma_semaphore, #tpu.memory_space<semaphore_mem>>) src(%dma_wait3A_16 : memref<10000xi32, #tpu.memory_space<hbm>>) dst(%arg4 : memref<10000xi32, #tpu.memory_space<vmem>>)
      tpu.yield
    }) : () -> ()
    %broadcast_in_dim3A = arith.constant 0.000000e+00 : f32
    %broadcast_in_dim3A_3 = vector.broadcast %broadcast_in_dim3A : f32 to vector<16xf32>
    %broadcast_in_dim3A_4 = arith.constant 1.000000e+00 : f32
    %broadcast_in_dim3A_5 = vector.broadcast %broadcast_in_dim3A_4 : f32 to vector<16xf32>
    %scan3A = arith.constant 0 : i32
    %scan3A_6 = arith.constant 640 : i32
    %scan3A_7 = arith.addi %scan3A, %scan3A_6 : i32
    %scan3A_8 = arith.constant 1 : i32
    scf.for %scan3A_15 = %scan3A to %scan3A_7 step %scan3A_8  : i32 {
      %mul3A_16 = arith.constant 1 : i32
      %mul3A_17 = arith.muli %scan3A_15, %mul3A_16 : i32
      %add3A_18 = arith.constant 0 : i32
      %add3A_19 = arith.addi %add3A_18, %mul3A_17 : i32
      %mul3A_20 = arith.constant 16 : i32
      %mul3A_21 = arith.muli %add3A_19, %mul3A_20 : i32
      %swap3A = arith.index_cast %mul3A_21 : i32 to index
      %swap3A_22 = tpu.vector_load %arg5[%swap3A] {strides = array<i32>} : memref<10240xf32, #tpu.memory_space<vmem>>, vector<16xf32>,
      tpu.vector_store %arg5[%swap3A], %broadcast_in_dim3A_3 {strides = array<i32>} : memref<10240xf32, #tpu.memory_space<vmem>>, vector<16xf32>,
    }
    %scan3A_9 = arith.constant 640 : i32
    %scan3A_10 = arith.constant 0 : i32
    %scan3A_11 = arith.constant 625 : i32
    %scan3A_12 = arith.addi %scan3A_10, %scan3A_11 : i32
    %scan3A_13 = arith.constant 1 : i32
    scf.for %scan3A_15 = %scan3A_10 to %scan3A_12 step %scan3A_13  : i32 {
      %mul3A_16 = arith.constant 1 : i32
      %mul3A_17 = arith.muli %scan3A_15, %mul3A_16 : i32
      %add3A_18 = arith.constant 0 : i32
      %add3A_19 = arith.addi %add3A_18, %mul3A_17 : i32
      %mul3A_20 = arith.constant 16 : i32
      %mul3A_21 = arith.muli %add3A_19, %mul3A_20 : i32
      %get3A = arith.index_cast %mul3A_21 : i32 to index
      %get3A_22 = tpu.vector_load %arg4[%get3A] {strides = array<i32>} : memref<10000xi32, #tpu.memory_space<vmem>>, vector<16xi32>,
      tpu.vector_store_idx %arg5[%get3A_22], %broadcast_in_dim3A_5 {add = true} : memref<10240xf32, #tpu.memory_space<vmem>>[vector<16xi32>], vector<16xf32>,
    }
    %scan3A_14 = arith.constant 625 : i32
    "tpu.region"() ({
      %run_scoped3A = tpu.sem_alloc : memref<!tpu.dma_semaphore, #tpu.memory_space<semaphore_mem>>
      %dma_start3A = arith.constant 0 : i32
      %dma_start3A_15 = tpu.memref_slice %arg3[%add3A, %dma_start3A] : memref<32x10240xf32, #tpu.memory_space<hbm>> -> memref<1x10240xf32, #tpu.memory_space<hbm>>
      %dma_start3A_16 = tpu.memref_squeeze %dma_start3A_15 : memref<1x10240xf32, #tpu.memory_space<hbm>> -> memref<10240xf32, #tpu.memory_space<hbm>>
      %dma_start3A_17 = arith.constant 0 : i32
      %dma_start3A_18 = tpu.memref_slice %arg3[%add3A, %dma_start3A_17] : memref<32x10240xf32, #tpu.memory_space<hbm>> -> memref<1x10240xf32, #tpu.memory_space<hbm>>
      %dma_start3A_19 = tpu.memref_squeeze %dma_start3A_18 : memref<1x10240xf32, #tpu.memory_space<hbm>> -> memref<10240xf32, #tpu.memory_space<hbm>>
      tpu.enqueue_dma source(%arg5 : memref<10240xf32, #tpu.memory_space<vmem>>) target(%dma_start3A_19 : memref<10240xf32, #tpu.memory_space<hbm>>) target_semaphore(%run_scoped3A : memref<!tpu.dma_semaphore, #tpu.memory_space<semaphore_mem>>)
      %dma_wait3A = arith.constant 0 : i32
      %dma_wait3A_20 = tpu.memref_slice %arg3[%add3A, %dma_wait3A] : memref<32x10240xf32, #tpu.memory_space<hbm>> -> memref<1x10240xf32, #tpu.memory_space<hbm>>
      %dma_wait3A_21 = tpu.memref_squeeze %dma_wait3A_20 : memref<1x10240xf32, #tpu.memory_space<hbm>> -> memref<10240xf32, #tpu.memory_space<hbm>>
      %dma_wait3A_22 = arith.constant 0 : i32
      %dma_wait3A_23 = tpu.memref_slice %arg3[%add3A, %dma_wait3A_22] : memref<32x10240xf32, #tpu.memory_space<hbm>> -> memref<1x10240xf32, #tpu.memory_space<hbm>>
      %dma_wait3A_24 = tpu.memref_squeeze %dma_wait3A_23 : memref<1x10240xf32, #tpu.memory_space<hbm>> -> memref<10240xf32, #tpu.memory_space<hbm>>
      tpu.wait_dma2 semaphore(%run_scoped3A : memref<!tpu.dma_semaphore, #tpu.memory_space<semaphore_mem>>) src(%arg5 : memref<10240xf32, #tpu.memory_space<vmem>>) dst(%dma_wait3A_24 : memref<10240xf32, #tpu.memory_space<hbm>>)
      tpu.yield
    }) : () -> ()
    return
  }
}

#map = affine_map<(d0, d1) -> (0, 0, 0)>
#map1 = affine_map<(d0, d1) -> (0)>
module attributes {stable_mosaic.version = 14 : i64} {
  func.func @_mp_kernel(%arg0: i32, %arg1: i32, %arg2: memref<2x10000x64xf32, #tpu.memory_space<hbm>>, %arg3: memref<16x200x100xi32, #tpu.memory_space<hbm>>, %arg4: memref<16x200x100xi32, #tpu.memory_space<hbm>>, %arg5: memref<320000xf32, #tpu.memory_space<hbm>>, %arg6: memref<2x10000x64xf32, #tpu.memory_space<hbm>>, %arg7: memref<200x100xi32, #tpu.memory_space<vmem>>, %arg8: memref<200x100xi32, #tpu.memory_space<vmem>>, %arg9: memref<20000xf32, #tpu.memory_space<vmem>>, %arg10: memref<4x100x64xf32, #tpu.memory_space<vmem>>, %arg11: memref<!tpu.dma_semaphore, #tpu.memory_space<semaphore_mem>>, %arg12: memref<!tpu.dma_semaphore, #tpu.memory_space<semaphore_mem>>, %arg13: memref<!tpu.dma_semaphore, #tpu.memory_space<semaphore_mem>>, %arg14: memref<!tpu.dma_semaphore, #tpu.memory_space<semaphore_mem>>, %arg15: memref<!tpu.dma_semaphore, #tpu.memory_space<semaphore_mem>>, %arg16: memref<10000x64xf32, #tpu.memory_space<vmem_shared>>) attributes {dimension_semantics = [#tpu.dimension_semantics<core_parallel>, #tpu.dimension_semantics<subcore_parallel>], iteration_bounds = array<i64: 2, 16>, scalar_prefetch = 0 : i64, scratch_operands = 10 : i64, tpu.core_type = #tpu.core_type<sc_vector_subcore>, window_params = [{transform_indices = #map}, {transform_indices = #map}, {transform_indices = #map}, {transform_indices = #map1}, {transform_indices = #map}]} {
    "tpu.region"() ({
      %run_scoped3A_96 = tpu.sem_alloc : memref<!tpu.dma_semaphore, #tpu.memory_space<semaphore_mem>>
      %dma_start3A_97 = arith.constant 0 : i32
      %dma_start3A_98 = arith.constant 0 : i32
      %dma_start3A_99 = tpu.memref_slice %arg3[%arg1, %dma_start3A_97, %dma_start3A_98] : memref<16x200x100xi32, #tpu.memory_space<hbm>> -> memref<1x200x100xi32, #tpu.memory_space<hbm>>
      %dma_start3A_100 = tpu.memref_squeeze %dma_start3A_99 : memref<1x200x100xi32, #tpu.memory_space<hbm>> -> memref<200x100xi32, #tpu.memory_space<hbm>>
      %dma_start3A_101 = arith.constant 0 : i32
      %dma_start3A_102 = arith.constant 0 : i32
      %dma_start3A_103 = tpu.memref_slice %arg3[%arg1, %dma_start3A_101, %dma_start3A_102] : memref<16x200x100xi32, #tpu.memory_space<hbm>> -> memref<1x200x100xi32, #tpu.memory_space<hbm>>
      %dma_start3A_104 = tpu.memref_squeeze %dma_start3A_103 : memref<1x200x100xi32, #tpu.memory_space<hbm>> -> memref<200x100xi32, #tpu.memory_space<hbm>>
      tpu.enqueue_dma source(%dma_start3A_104 : memref<200x100xi32, #tpu.memory_space<hbm>>) target(%arg7 : memref<200x100xi32, #tpu.memory_space<vmem>>) target_semaphore(%run_scoped3A_96 : memref<!tpu.dma_semaphore, #tpu.memory_space<semaphore_mem>>)
      %dma_wait3A = arith.constant 0 : i32
      %dma_wait3A_105 = arith.constant 0 : i32
      %dma_wait3A_106 = tpu.memref_slice %arg3[%arg1, %dma_wait3A, %dma_wait3A_105] : memref<16x200x100xi32, #tpu.memory_space<hbm>> -> memref<1x200x100xi32, #tpu.memory_space<hbm>>
      %dma_wait3A_107 = tpu.memref_squeeze %dma_wait3A_106 : memref<1x200x100xi32, #tpu.memory_space<hbm>> -> memref<200x100xi32, #tpu.memory_space<hbm>>
      %dma_wait3A_108 = arith.constant 0 : i32
      %dma_wait3A_109 = arith.constant 0 : i32
      %dma_wait3A_110 = tpu.memref_slice %arg3[%arg1, %dma_wait3A_108, %dma_wait3A_109] : memref<16x200x100xi32, #tpu.memory_space<hbm>> -> memref<1x200x100xi32, #tpu.memory_space<hbm>>
      %dma_wait3A_111 = tpu.memref_squeeze %dma_wait3A_110 : memref<1x200x100xi32, #tpu.memory_space<hbm>> -> memref<200x100xi32, #tpu.memory_space<hbm>>
      tpu.wait_dma2 semaphore(%run_scoped3A_96 : memref<!tpu.dma_semaphore, #tpu.memory_space<semaphore_mem>>) src(%dma_wait3A_111 : memref<200x100xi32, #tpu.memory_space<hbm>>) dst(%arg7 : memref<200x100xi32, #tpu.memory_space<vmem>>)
      tpu.yield
    }) : () -> ()
    "tpu.region"() ({
      %run_scoped3A_96 = tpu.sem_alloc : memref<!tpu.dma_semaphore, #tpu.memory_space<semaphore_mem>>
      %dma_start3A_97 = arith.constant 0 : i32
      %dma_start3A_98 = arith.constant 0 : i32
      %dma_start3A_99 = tpu.memref_slice %arg4[%arg1, %dma_start3A_97, %dma_start3A_98] : memref<16x200x100xi32, #tpu.memory_space<hbm>> -> memref<1x200x100xi32, #tpu.memory_space<hbm>>
      %dma_start3A_100 = tpu.memref_squeeze %dma_start3A_99 : memref<1x200x100xi32, #tpu.memory_space<hbm>> -> memref<200x100xi32, #tpu.memory_space<hbm>>
      %dma_start3A_101 = arith.constant 0 : i32
      %dma_start3A_102 = arith.constant 0 : i32
      %dma_start3A_103 = tpu.memref_slice %arg4[%arg1, %dma_start3A_101, %dma_start3A_102] : memref<16x200x100xi32, #tpu.memory_space<hbm>> -> memref<1x200x100xi32, #tpu.memory_space<hbm>>
      %dma_start3A_104 = tpu.memref_squeeze %dma_start3A_103 : memref<1x200x100xi32, #tpu.memory_space<hbm>> -> memref<200x100xi32, #tpu.memory_space<hbm>>
      tpu.enqueue_dma source(%dma_start3A_104 : memref<200x100xi32, #tpu.memory_space<hbm>>) target(%arg8 : memref<200x100xi32, #tpu.memory_space<vmem>>) target_semaphore(%run_scoped3A_96 : memref<!tpu.dma_semaphore, #tpu.memory_space<semaphore_mem>>)
      %dma_wait3A = arith.constant 0 : i32
      %dma_wait3A_105 = arith.constant 0 : i32
      %dma_wait3A_106 = tpu.memref_slice %arg4[%arg1, %dma_wait3A, %dma_wait3A_105] : memref<16x200x100xi32, #tpu.memory_space<hbm>> -> memref<1x200x100xi32, #tpu.memory_space<hbm>>
      %dma_wait3A_107 = tpu.memref_squeeze %dma_wait3A_106 : memref<1x200x100xi32, #tpu.memory_space<hbm>> -> memref<200x100xi32, #tpu.memory_space<hbm>>
      %dma_wait3A_108 = arith.constant 0 : i32
      %dma_wait3A_109 = arith.constant 0 : i32
      %dma_wait3A_110 = tpu.memref_slice %arg4[%arg1, %dma_wait3A_108, %dma_wait3A_109] : memref<16x200x100xi32, #tpu.memory_space<hbm>> -> memref<1x200x100xi32, #tpu.memory_space<hbm>>
      %dma_wait3A_111 = tpu.memref_squeeze %dma_wait3A_110 : memref<1x200x100xi32, #tpu.memory_space<hbm>> -> memref<200x100xi32, #tpu.memory_space<hbm>>
      tpu.wait_dma2 semaphore(%run_scoped3A_96 : memref<!tpu.dma_semaphore, #tpu.memory_space<semaphore_mem>>) src(%dma_wait3A_111 : memref<200x100xi32, #tpu.memory_space<hbm>>) dst(%arg8 : memref<200x100xi32, #tpu.memory_space<vmem>>)
      tpu.yield
    }) : () -> ()
    %mul3A = arith.constant 20000 : i32
    %mul3A_0 = arith.muli %arg1, %mul3A : i32
    "tpu.region"() ({
      %run_scoped3A_96 = tpu.sem_alloc : memref<!tpu.dma_semaphore, #tpu.memory_space<semaphore_mem>>
      %dma_start3A_97 = tpu.memref_slice %arg5[%mul3A_0] : memref<320000xf32, #tpu.memory_space<hbm>> -> memref<20000xf32, #tpu.memory_space<hbm>>
      %dma_start3A_98 = tpu.memref_slice %arg5[%mul3A_0] : memref<320000xf32, #tpu.memory_space<hbm>> -> memref<20000xf32, #tpu.memory_space<hbm>>
      tpu.enqueue_dma source(%dma_start3A_98 : memref<20000xf32, #tpu.memory_space<hbm>>) target(%arg9 : memref<20000xf32, #tpu.memory_space<vmem>>) target_semaphore(%run_scoped3A_96 : memref<!tpu.dma_semaphore, #tpu.memory_space<semaphore_mem>>)
      %dma_wait3A = tpu.memref_slice %arg5[%mul3A_0] : memref<320000xf32, #tpu.memory_space<hbm>> -> memref<20000xf32, #tpu.memory_space<hbm>>
      %dma_wait3A_99 = tpu.memref_slice %arg5[%mul3A_0] : memref<320000xf32, #tpu.memory_space<hbm>> -> memref<20000xf32, #tpu.memory_space<hbm>>
      tpu.wait_dma2 semaphore(%run_scoped3A_96 : memref<!tpu.dma_semaphore, #tpu.memory_space<semaphore_mem>>) src(%dma_wait3A_99 : memref<20000xf32, #tpu.memory_space<hbm>>) dst(%arg9 : memref<20000xf32, #tpu.memory_space<vmem>>)
      tpu.yield
    }) : () -> ()
    %broadcast_in_dim3A = arith.constant 0.000000e+00 : f32
    %broadcast_in_dim3A_1 = vector.broadcast %broadcast_in_dim3A : f32 to vector<16xf32>
    %scan3A = arith.constant 0 : i32
    %scan3A_2 = arith.constant 100 : i32
    %scan3A_3 = arith.addi %scan3A, %scan3A_2 : i32
    %scan3A_4 = arith.constant 1 : i32
    scf.for %scan3A_96 = %scan3A to %scan3A_3 step %scan3A_4  : i32 {
      %mul3A_97 = arith.constant 1 : i32
      %mul3A_98 = arith.muli %scan3A_96, %mul3A_97 : i32
      %add3A_99 = arith.constant 0 : i32
      %add3A_100 = arith.addi %add3A_99, %mul3A_98 : i32
      %swap3A = arith.constant 0 : i32
      %swap3A_101 = arith.index_cast %swap3A : i32 to index
      %swap3A_102 = arith.index_cast %add3A_100 : i32 to index
      %swap3A_103 = arith.constant 0 : index
      %swap3A_104 = tpu.vector_load %arg10[%swap3A_101, %swap3A_102, %swap3A_103] {strides = array<i32>} : memref<4x100x64xf32, #tpu.memory_space<vmem>>, vector<16xf32>,
      tpu.vector_store %arg10[%swap3A_101, %swap3A_102, %swap3A_103], %broadcast_in_dim3A_1 {strides = array<i32>} : memref<4x100x64xf32, #tpu.memory_space<vmem>>, vector<16xf32>,
      %swap3A_105 = arith.constant 0 : i32
      %swap3A_106 = arith.index_cast %swap3A_105 : i32 to index
      %swap3A_107 = arith.index_cast %add3A_100 : i32 to index
      %swap3A_108 = arith.constant 16 : index
      %swap3A_109 = tpu.vector_load %arg10[%swap3A_106, %swap3A_107, %swap3A_108] {strides = array<i32>} : memref<4x100x64xf32, #tpu.memory_space<vmem>>, vector<16xf32>,
      tpu.vector_store %arg10[%swap3A_106, %swap3A_107, %swap3A_108], %broadcast_in_dim3A_1 {strides = array<i32>} : memref<4x100x64xf32, #tpu.memory_space<vmem>>, vector<16xf32>,
      %swap3A_110 = arith.constant 0 : i32
      %swap3A_111 = arith.index_cast %swap3A_110 : i32 to index
      %swap3A_112 = arith.index_cast %add3A_100 : i32 to index
      %swap3A_113 = arith.constant 32 : index
      %swap3A_114 = tpu.vector_load %arg10[%swap3A_111, %swap3A_112, %swap3A_113] {strides = array<i32>} : memref<4x100x64xf32, #tpu.memory_space<vmem>>, vector<16xf32>,
      tpu.vector_store %arg10[%swap3A_111, %swap3A_112, %swap3A_113], %broadcast_in_dim3A_1 {strides = array<i32>} : memref<4x100x64xf32, #tpu.memory_space<vmem>>, vector<16xf32>,
      %swap3A_115 = arith.constant 0 : i32
      %swap3A_116 = arith.index_cast %swap3A_115 : i32 to index
      %swap3A_117 = arith.index_cast %add3A_100 : i32 to index
      %swap3A_118 = arith.constant 48 : index
      %swap3A_119 = tpu.vector_load %arg10[%swap3A_116, %swap3A_117, %swap3A_118] {strides = array<i32>} : memref<4x100x64xf32, #tpu.memory_space<vmem>>, vector<16xf32>,
      tpu.vector_store %arg10[%swap3A_116, %swap3A_117, %swap3A_118], %broadcast_in_dim3A_1 {strides = array<i32>} : memref<4x100x64xf32, #tpu.memory_space<vmem>>, vector<16xf32>,
    }
    %scan3A_5 = arith.constant 100 : i32
    %mul3A_6 = arith.constant 624 : i32
    %mul3A_7 = arith.muli %arg1, %mul3A_6 : i32
    %add3A = arith.constant 0 : i32
    %add3A_8 = arith.addi %mul3A_7, %add3A : i32
    %run_scoped3A = arith.constant 0 : i32
    "tpu.region"() ({
      %run_scoped3A_96 = tpu.sem_alloc : memref<!tpu.dma_semaphore, #tpu.memory_space<semaphore_mem>>
      %dma_start3A_97 = arith.constant 0 : i32
      %dma_start3A_98 = arith.constant 0 : i32
      %dma_start3A_99 = tpu.memref_slice %arg10[%run_scoped3A, %dma_start3A_97, %dma_start3A_98] : memref<4x100x64xf32, #tpu.memory_space<vmem>> -> memref<1x100x64xf32, #tpu.memory_space<vmem>>
      %dma_start3A_100 = tpu.memref_squeeze %dma_start3A_99 : memref<1x100x64xf32, #tpu.memory_space<vmem>> -> memref<100x64xf32, #tpu.memory_space<vmem>>
      %dma_start3A_101 = arith.constant 0 : i32
      %dma_start3A_102 = tpu.memref_slice %arg16[%add3A_8, %dma_start3A_101] : memref<10000x64xf32, #tpu.memory_space<vmem_shared>> -> memref<100x64xf32, #tpu.memory_space<vmem_shared>>
      %dma_start3A_103 = arith.constant 0 : i32
      %dma_start3A_104 = tpu.memref_slice %arg16[%add3A_8, %dma_start3A_103] : memref<10000x64xf32, #tpu.memory_space<vmem_shared>> -> memref<100x64xf32, #tpu.memory_space<vmem_shared>>
      %dma_start3A_105 = arith.constant 0 : i32
      %dma_start3A_106 = arith.constant 0 : i32
      %dma_start3A_107 = tpu.memref_slice %arg10[%run_scoped3A, %dma_start3A_105, %dma_start3A_106] : memref<4x100x64xf32, #tpu.memory_space<vmem>> -> memref<1x100x64xf32, #tpu.memory_space<vmem>>
      %dma_start3A_108 = tpu.memref_squeeze %dma_start3A_107 : memref<1x100x64xf32, #tpu.memory_space<vmem>> -> memref<100x64xf32, #tpu.memory_space<vmem>>
      tpu.enqueue_dma source(%dma_start3A_108 : memref<100x64xf32, #tpu.memory_space<vmem>>) target(%dma_start3A_104 : memref<100x64xf32, #tpu.memory_space<vmem_shared>>) target_semaphore(%run_scoped3A_96 : memref<!tpu.dma_semaphore, #tpu.memory_space<semaphore_mem>>)
      %dma_wait3A = arith.constant 0 : i32
      %dma_wait3A_109 = arith.constant 0 : i32
      %dma_wait3A_110 = tpu.memref_slice %arg10[%run_scoped3A, %dma_wait3A, %dma_wait3A_109] : memref<4x100x64xf32, #tpu.memory_space<vmem>> -> memref<1x100x64xf32, #tpu.memory_space<vmem>>
      %dma_wait3A_111 = tpu.memref_squeeze %dma_wait3A_110 : memref<1x100x64xf32, #tpu.memory_space<vmem>> -> memref<100x64xf32, #tpu.memory_space<vmem>>
      %dma_wait3A_112 = arith.constant 0 : i32
      %dma_wait3A_113 = tpu.memref_slice %arg16[%add3A_8, %dma_wait3A_112] : memref<10000x64xf32, #tpu.memory_space<vmem_shared>> -> memref<100x64xf32, #tpu.memory_space<vmem_shared>>
      %dma_wait3A_114 = arith.constant 0 : i32
      %dma_wait3A_115 = tpu.memref_slice %arg16[%add3A_8, %dma_wait3A_114] : memref<10000x64xf32, #tpu.memory_space<vmem_shared>> -> memref<100x64xf32, #tpu.memory_space<vmem_shared>>
      %dma_wait3A_116 = arith.constant 0 : i32
      %dma_wait3A_117 = arith.constant 0 : i32
      %dma_wait3A_118 = tpu.memref_slice %arg10[%run_scoped3A, %dma_wait3A_116, %dma_wait3A_117] : memref<4x100x64xf32, #tpu.memory_space<vmem>> -> memref<1x100x64xf32, #tpu.memory_space<vmem>>
      %dma_wait3A_119 = tpu.memref_squeeze %dma_wait3A_118 : memref<1x100x64xf32, #tpu.memory_space<vmem>> -> memref<100x64xf32, #tpu.memory_space<vmem>>
      tpu.wait_dma2 semaphore(%run_scoped3A_96 : memref<!tpu.dma_semaphore, #tpu.memory_space<semaphore_mem>>) src(%dma_wait3A_119 : memref<100x64xf32, #tpu.memory_space<vmem>>) dst(%dma_wait3A_115 : memref<100x64xf32, #tpu.memory_space<vmem_shared>>)
      tpu.yield
    }) : () -> ()
    %add3A_9 = arith.constant 100 : i32
    %add3A_10 = arith.addi %mul3A_7, %add3A_9 : i32
    %run_scoped3A_11 = arith.constant 0 : i32
    "tpu.region"() ({
      %run_scoped3A_96 = tpu.sem_alloc : memref<!tpu.dma_semaphore, #tpu.memory_space<semaphore_mem>>
      %dma_start3A_97 = arith.constant 0 : i32
      %dma_start3A_98 = arith.constant 0 : i32
      %dma_start3A_99 = tpu.memref_slice %arg10[%run_scoped3A_11, %dma_start3A_97, %dma_start3A_98] : memref<4x100x64xf32, #tpu.memory_space<vmem>> -> memref<1x100x64xf32, #tpu.memory_space<vmem>>
      %dma_start3A_100 = tpu.memref_squeeze %dma_start3A_99 : memref<1x100x64xf32, #tpu.memory_space<vmem>> -> memref<100x64xf32, #tpu.memory_space<vmem>>
      %dma_start3A_101 = arith.constant 0 : i32
      %dma_start3A_102 = tpu.memref_slice %arg16[%add3A_10, %dma_start3A_101] : memref<10000x64xf32, #tpu.memory_space<vmem_shared>> -> memref<100x64xf32, #tpu.memory_space<vmem_shared>>
      %dma_start3A_103 = arith.constant 0 : i32
      %dma_start3A_104 = tpu.memref_slice %arg16[%add3A_10, %dma_start3A_103] : memref<10000x64xf32, #tpu.memory_space<vmem_shared>> -> memref<100x64xf32, #tpu.memory_space<vmem_shared>>
      %dma_start3A_105 = arith.constant 0 : i32
      %dma_start3A_106 = arith.constant 0 : i32
      %dma_start3A_107 = tpu.memref_slice %arg10[%run_scoped3A_11, %dma_start3A_105, %dma_start3A_106] : memref<4x100x64xf32, #tpu.memory_space<vmem>> -> memref<1x100x64xf32, #tpu.memory_space<vmem>>
      %dma_start3A_108 = tpu.memref_squeeze %dma_start3A_107 : memref<1x100x64xf32, #tpu.memory_space<vmem>> -> memref<100x64xf32, #tpu.memory_space<vmem>>
      tpu.enqueue_dma source(%dma_start3A_108 : memref<100x64xf32, #tpu.memory_space<vmem>>) target(%dma_start3A_104 : memref<100x64xf32, #tpu.memory_space<vmem_shared>>) target_semaphore(%run_scoped3A_96 : memref<!tpu.dma_semaphore, #tpu.memory_space<semaphore_mem>>)
      %dma_wait3A = arith.constant 0 : i32
      %dma_wait3A_109 = arith.constant 0 : i32
      %dma_wait3A_110 = tpu.memref_slice %arg10[%run_scoped3A_11, %dma_wait3A, %dma_wait3A_109] : memref<4x100x64xf32, #tpu.memory_space<vmem>> -> memref<1x100x64xf32, #tpu.memory_space<vmem>>
      %dma_wait3A_111 = tpu.memref_squeeze %dma_wait3A_110 : memref<1x100x64xf32, #tpu.memory_space<vmem>> -> memref<100x64xf32, #tpu.memory_space<vmem>>
      %dma_wait3A_112 = arith.constant 0 : i32
      %dma_wait3A_113 = tpu.memref_slice %arg16[%add3A_10, %dma_wait3A_112] : memref<10000x64xf32, #tpu.memory_space<vmem_shared>> -> memref<100x64xf32, #tpu.memory_space<vmem_shared>>
      %dma_wait3A_114 = arith.constant 0 : i32
      %dma_wait3A_115 = tpu.memref_slice %arg16[%add3A_10, %dma_wait3A_114] : memref<10000x64xf32, #tpu.memory_space<vmem_shared>> -> memref<100x64xf32, #tpu.memory_space<vmem_shared>>
      %dma_wait3A_116 = arith.constant 0 : i32
      %dma_wait3A_117 = arith.constant 0 : i32
      %dma_wait3A_118 = tpu.memref_slice %arg10[%run_scoped3A_11, %dma_wait3A_116, %dma_wait3A_117] : memref<4x100x64xf32, #tpu.memory_space<vmem>> -> memref<1x100x64xf32, #tpu.memory_space<vmem>>
      %dma_wait3A_119 = tpu.memref_squeeze %dma_wait3A_118 : memref<1x100x64xf32, #tpu.memory_space<vmem>> -> memref<100x64xf32, #tpu.memory_space<vmem>>
      tpu.wait_dma2 semaphore(%run_scoped3A_96 : memref<!tpu.dma_semaphore, #tpu.memory_space<semaphore_mem>>) src(%dma_wait3A_119 : memref<100x64xf32, #tpu.memory_space<vmem>>) dst(%dma_wait3A_115 : memref<100x64xf32, #tpu.memory_space<vmem_shared>>)
      tpu.yield
    }) : () -> ()
    %add3A_12 = arith.constant 200 : i32
    %add3A_13 = arith.addi %mul3A_7, %add3A_12 : i32
    %run_scoped3A_14 = arith.constant 0 : i32
    "tpu.region"() ({
      %run_scoped3A_96 = tpu.sem_alloc : memref<!tpu.dma_semaphore, #tpu.memory_space<semaphore_mem>>
      %dma_start3A_97 = arith.constant 0 : i32
      %dma_start3A_98 = arith.constant 0 : i32
      %dma_start3A_99 = tpu.memref_slice %arg10[%run_scoped3A_14, %dma_start3A_97, %dma_start3A_98] : memref<4x100x64xf32, #tpu.memory_space<vmem>> -> memref<1x100x64xf32, #tpu.memory_space<vmem>>
      %dma_start3A_100 = tpu.memref_squeeze %dma_start3A_99 : memref<1x100x64xf32, #tpu.memory_space<vmem>> -> memref<100x64xf32, #tpu.memory_space<vmem>>
      %dma_start3A_101 = arith.constant 0 : i32
      %dma_start3A_102 = tpu.memref_slice %arg16[%add3A_13, %dma_start3A_101] : memref<10000x64xf32, #tpu.memory_space<vmem_shared>> -> memref<100x64xf32, #tpu.memory_space<vmem_shared>>
      %dma_start3A_103 = arith.constant 0 : i32
      %dma_start3A_104 = tpu.memref_slice %arg16[%add3A_13, %dma_start3A_103] : memref<10000x64xf32, #tpu.memory_space<vmem_shared>> -> memref<100x64xf32, #tpu.memory_space<vmem_shared>>
      %dma_start3A_105 = arith.constant 0 : i32
      %dma_start3A_106 = arith.constant 0 : i32
      %dma_start3A_107 = tpu.memref_slice %arg10[%run_scoped3A_14, %dma_start3A_105, %dma_start3A_106] : memref<4x100x64xf32, #tpu.memory_space<vmem>> -> memref<1x100x64xf32, #tpu.memory_space<vmem>>
      %dma_start3A_108 = tpu.memref_squeeze %dma_start3A_107 : memref<1x100x64xf32, #tpu.memory_space<vmem>> -> memref<100x64xf32, #tpu.memory_space<vmem>>
      tpu.enqueue_dma source(%dma_start3A_108 : memref<100x64xf32, #tpu.memory_space<vmem>>) target(%dma_start3A_104 : memref<100x64xf32, #tpu.memory_space<vmem_shared>>) target_semaphore(%run_scoped3A_96 : memref<!tpu.dma_semaphore, #tpu.memory_space<semaphore_mem>>)
      %dma_wait3A = arith.constant 0 : i32
      %dma_wait3A_109 = arith.constant 0 : i32
      %dma_wait3A_110 = tpu.memref_slice %arg10[%run_scoped3A_14, %dma_wait3A, %dma_wait3A_109] : memref<4x100x64xf32, #tpu.memory_space<vmem>> -> memref<1x100x64xf32, #tpu.memory_space<vmem>>
      %dma_wait3A_111 = tpu.memref_squeeze %dma_wait3A_110 : memref<1x100x64xf32, #tpu.memory_space<vmem>> -> memref<100x64xf32, #tpu.memory_space<vmem>>
      %dma_wait3A_112 = arith.constant 0 : i32
      %dma_wait3A_113 = tpu.memref_slice %arg16[%add3A_13, %dma_wait3A_112] : memref<10000x64xf32, #tpu.memory_space<vmem_shared>> -> memref<100x64xf32, #tpu.memory_space<vmem_shared>>
      %dma_wait3A_114 = arith.constant 0 : i32
      %dma_wait3A_115 = tpu.memref_slice %arg16[%add3A_13, %dma_wait3A_114] : memref<10000x64xf32, #tpu.memory_space<vmem_shared>> -> memref<100x64xf32, #tpu.memory_space<vmem_shared>>
      %dma_wait3A_116 = arith.constant 0 : i32
      %dma_wait3A_117 = arith.constant 0 : i32
      %dma_wait3A_118 = tpu.memref_slice %arg10[%run_scoped3A_14, %dma_wait3A_116, %dma_wait3A_117] : memref<4x100x64xf32, #tpu.memory_space<vmem>> -> memref<1x100x64xf32, #tpu.memory_space<vmem>>
      %dma_wait3A_119 = tpu.memref_squeeze %dma_wait3A_118 : memref<1x100x64xf32, #tpu.memory_space<vmem>> -> memref<100x64xf32, #tpu.memory_space<vmem>>
      tpu.wait_dma2 semaphore(%run_scoped3A_96 : memref<!tpu.dma_semaphore, #tpu.memory_space<semaphore_mem>>) src(%dma_wait3A_119 : memref<100x64xf32, #tpu.memory_space<vmem>>) dst(%dma_wait3A_115 : memref<100x64xf32, #tpu.memory_space<vmem_shared>>)
      tpu.yield
    }) : () -> ()
    %add3A_15 = arith.constant 300 : i32
    %add3A_16 = arith.addi %mul3A_7, %add3A_15 : i32
    %run_scoped3A_17 = arith.constant 0 : i32
    "tpu.region"() ({
      %run_scoped3A_96 = tpu.sem_alloc : memref<!tpu.dma_semaphore, #tpu.memory_space<semaphore_mem>>
      %dma_start3A_97 = arith.constant 0 : i32
      %dma_start3A_98 = arith.constant 0 : i32
      %dma_start3A_99 = tpu.memref_slice %arg10[%run_scoped3A_17, %dma_start3A_97, %dma_start3A_98] : memref<4x100x64xf32, #tpu.memory_space<vmem>> -> memref<1x100x64xf32, #tpu.memory_space<vmem>>
      %dma_start3A_100 = tpu.memref_squeeze %dma_start3A_99 : memref<1x100x64xf32, #tpu.memory_space<vmem>> -> memref<100x64xf32, #tpu.memory_space<vmem>>
      %dma_start3A_101 = arith.constant 0 : i32
      %dma_start3A_102 = tpu.memref_slice %arg16[%add3A_16, %dma_start3A_101] : memref<10000x64xf32, #tpu.memory_space<vmem_shared>> -> memref<100x64xf32, #tpu.memory_space<vmem_shared>>
      %dma_start3A_103 = arith.constant 0 : i32
      %dma_start3A_104 = tpu.memref_slice %arg16[%add3A_16, %dma_start3A_103] : memref<10000x64xf32, #tpu.memory_space<vmem_shared>> -> memref<100x64xf32, #tpu.memory_space<vmem_shared>>
      %dma_start3A_105 = arith.constant 0 : i32
      %dma_start3A_106 = arith.constant 0 : i32
      %dma_start3A_107 = tpu.memref_slice %arg10[%run_scoped3A_17, %dma_start3A_105, %dma_start3A_106] : memref<4x100x64xf32, #tpu.memory_space<vmem>> -> memref<1x100x64xf32, #tpu.memory_space<vmem>>
      %dma_start3A_108 = tpu.memref_squeeze %dma_start3A_107 : memref<1x100x64xf32, #tpu.memory_space<vmem>> -> memref<100x64xf32, #tpu.memory_space<vmem>>
      tpu.enqueue_dma source(%dma_start3A_108 : memref<100x64xf32, #tpu.memory_space<vmem>>) target(%dma_start3A_104 : memref<100x64xf32, #tpu.memory_space<vmem_shared>>) target_semaphore(%run_scoped3A_96 : memref<!tpu.dma_semaphore, #tpu.memory_space<semaphore_mem>>)
      %dma_wait3A = arith.constant 0 : i32
      %dma_wait3A_109 = arith.constant 0 : i32
      %dma_wait3A_110 = tpu.memref_slice %arg10[%run_scoped3A_17, %dma_wait3A, %dma_wait3A_109] : memref<4x100x64xf32, #tpu.memory_space<vmem>> -> memref<1x100x64xf32, #tpu.memory_space<vmem>>
      %dma_wait3A_111 = tpu.memref_squeeze %dma_wait3A_110 : memref<1x100x64xf32, #tpu.memory_space<vmem>> -> memref<100x64xf32, #tpu.memory_space<vmem>>
      %dma_wait3A_112 = arith.constant 0 : i32
      %dma_wait3A_113 = tpu.memref_slice %arg16[%add3A_16, %dma_wait3A_112] : memref<10000x64xf32, #tpu.memory_space<vmem_shared>> -> memref<100x64xf32, #tpu.memory_space<vmem_shared>>
      %dma_wait3A_114 = arith.constant 0 : i32
      %dma_wait3A_115 = tpu.memref_slice %arg16[%add3A_16, %dma_wait3A_114] : memref<10000x64xf32, #tpu.memory_space<vmem_shared>> -> memref<100x64xf32, #tpu.memory_space<vmem_shared>>
      %dma_wait3A_116 = arith.constant 0 : i32
      %dma_wait3A_117 = arith.constant 0 : i32
      %dma_wait3A_118 = tpu.memref_slice %arg10[%run_scoped3A_17, %dma_wait3A_116, %dma_wait3A_117] : memref<4x100x64xf32, #tpu.memory_space<vmem>> -> memref<1x100x64xf32, #tpu.memory_space<vmem>>
      %dma_wait3A_119 = tpu.memref_squeeze %dma_wait3A_118 : memref<1x100x64xf32, #tpu.memory_space<vmem>> -> memref<100x64xf32, #tpu.memory_space<vmem>>
      tpu.wait_dma2 semaphore(%run_scoped3A_96 : memref<!tpu.dma_semaphore, #tpu.memory_space<semaphore_mem>>) src(%dma_wait3A_119 : memref<100x64xf32, #tpu.memory_space<vmem>>) dst(%dma_wait3A_115 : memref<100x64xf32, #tpu.memory_space<vmem_shared>>)
      tpu.yield
    }) : () -> ()
    %add3A_18 = arith.constant 400 : i32
    %add3A_19 = arith.addi %mul3A_7, %add3A_18 : i32
    %run_scoped3A_20 = arith.constant 0 : i32
    "tpu.region"() ({
      %run_scoped3A_96 = tpu.sem_alloc : memref<!tpu.dma_semaphore, #tpu.memory_space<semaphore_mem>>
      %dma_start3A_97 = arith.constant 0 : i32
      %dma_start3A_98 = arith.constant 0 : i32
      %dma_start3A_99 = tpu.memref_slice %arg10[%run_scoped3A_20, %dma_start3A_97, %dma_start3A_98] : memref<4x100x64xf32, #tpu.memory_space<vmem>> -> memref<1x100x64xf32, #tpu.memory_space<vmem>>
      %dma_start3A_100 = tpu.memref_squeeze %dma_start3A_99 : memref<1x100x64xf32, #tpu.memory_space<vmem>> -> memref<100x64xf32, #tpu.memory_space<vmem>>
      %dma_start3A_101 = arith.constant 0 : i32
      %dma_start3A_102 = tpu.memref_slice %arg16[%add3A_19, %dma_start3A_101] : memref<10000x64xf32, #tpu.memory_space<vmem_shared>> -> memref<100x64xf32, #tpu.memory_space<vmem_shared>>
      %dma_start3A_103 = arith.constant 0 : i32
      %dma_start3A_104 = tpu.memref_slice %arg16[%add3A_19, %dma_start3A_103] : memref<10000x64xf32, #tpu.memory_space<vmem_shared>> -> memref<100x64xf32, #tpu.memory_space<vmem_shared>>
      %dma_start3A_105 = arith.constant 0 : i32
      %dma_start3A_106 = arith.constant 0 : i32
      %dma_start3A_107 = tpu.memref_slice %arg10[%run_scoped3A_20, %dma_start3A_105, %dma_start3A_106] : memref<4x100x64xf32, #tpu.memory_space<vmem>> -> memref<1x100x64xf32, #tpu.memory_space<vmem>>
      %dma_start3A_108 = tpu.memref_squeeze %dma_start3A_107 : memref<1x100x64xf32, #tpu.memory_space<vmem>> -> memref<100x64xf32, #tpu.memory_space<vmem>>
      tpu.enqueue_dma source(%dma_start3A_108 : memref<100x64xf32, #tpu.memory_space<vmem>>) target(%dma_start3A_104 : memref<100x64xf32, #tpu.memory_space<vmem_shared>>) target_semaphore(%run_scoped3A_96 : memref<!tpu.dma_semaphore, #tpu.memory_space<semaphore_mem>>)
      %dma_wait3A = arith.constant 0 : i32
      %dma_wait3A_109 = arith.constant 0 : i32
      %dma_wait3A_110 = tpu.memref_slice %arg10[%run_scoped3A_20, %dma_wait3A, %dma_wait3A_109] : memref<4x100x64xf32, #tpu.memory_space<vmem>> -> memref<1x100x64xf32, #tpu.memory_space<vmem>>
      %dma_wait3A_111 = tpu.memref_squeeze %dma_wait3A_110 : memref<1x100x64xf32, #tpu.memory_space<vmem>> -> memref<100x64xf32, #tpu.memory_space<vmem>>
      %dma_wait3A_112 = arith.constant 0 : i32
      %dma_wait3A_113 = tpu.memref_slice %arg16[%add3A_19, %dma_wait3A_112] : memref<10000x64xf32, #tpu.memory_space<vmem_shared>> -> memref<100x64xf32, #tpu.memory_space<vmem_shared>>
      %dma_wait3A_114 = arith.constant 0 : i32
      %dma_wait3A_115 = tpu.memref_slice %arg16[%add3A_19, %dma_wait3A_114] : memref<10000x64xf32, #tpu.memory_space<vmem_shared>> -> memref<100x64xf32, #tpu.memory_space<vmem_shared>>
      %dma_wait3A_116 = arith.constant 0 : i32
      %dma_wait3A_117 = arith.constant 0 : i32
      %dma_wait3A_118 = tpu.memref_slice %arg10[%run_scoped3A_20, %dma_wait3A_116, %dma_wait3A_117] : memref<4x100x64xf32, #tpu.memory_space<vmem>> -> memref<1x100x64xf32, #tpu.memory_space<vmem>>
      %dma_wait3A_119 = tpu.memref_squeeze %dma_wait3A_118 : memref<1x100x64xf32, #tpu.memory_space<vmem>> -> memref<100x64xf32, #tpu.memory_space<vmem>>
      tpu.wait_dma2 semaphore(%run_scoped3A_96 : memref<!tpu.dma_semaphore, #tpu.memory_space<semaphore_mem>>) src(%dma_wait3A_119 : memref<100x64xf32, #tpu.memory_space<vmem>>) dst(%dma_wait3A_115 : memref<100x64xf32, #tpu.memory_space<vmem_shared>>)
      tpu.yield
    }) : () -> ()
    %add3A_21 = arith.constant 500 : i32
    %add3A_22 = arith.addi %mul3A_7, %add3A_21 : i32
    %run_scoped3A_23 = arith.constant 0 : i32
    "tpu.region"() ({
      %run_scoped3A_96 = tpu.sem_alloc : memref<!tpu.dma_semaphore, #tpu.memory_space<semaphore_mem>>
      %dma_start3A_97 = arith.constant 0 : i32
      %dma_start3A_98 = arith.constant 0 : i32
      %dma_start3A_99 = tpu.memref_slice %arg10[%run_scoped3A_23, %dma_start3A_97, %dma_start3A_98] : memref<4x100x64xf32, #tpu.memory_space<vmem>> -> memref<1x100x64xf32, #tpu.memory_space<vmem>>
      %dma_start3A_100 = tpu.memref_squeeze %dma_start3A_99 : memref<1x100x64xf32, #tpu.memory_space<vmem>> -> memref<100x64xf32, #tpu.memory_space<vmem>>
      %dma_start3A_101 = arith.constant 0 : i32
      %dma_start3A_102 = tpu.memref_slice %arg16[%add3A_22, %dma_start3A_101] : memref<10000x64xf32, #tpu.memory_space<vmem_shared>> -> memref<100x64xf32, #tpu.memory_space<vmem_shared>>
      %dma_start3A_103 = arith.constant 0 : i32
      %dma_start3A_104 = tpu.memref_slice %arg16[%add3A_22, %dma_start3A_103] : memref<10000x64xf32, #tpu.memory_space<vmem_shared>> -> memref<100x64xf32, #tpu.memory_space<vmem_shared>>
      %dma_start3A_105 = arith.constant 0 : i32
      %dma_start3A_106 = arith.constant 0 : i32
      %dma_start3A_107 = tpu.memref_slice %arg10[%run_scoped3A_23, %dma_start3A_105, %dma_start3A_106] : memref<4x100x64xf32, #tpu.memory_space<vmem>> -> memref<1x100x64xf32, #tpu.memory_space<vmem>>
      %dma_start3A_108 = tpu.memref_squeeze %dma_start3A_107 : memref<1x100x64xf32, #tpu.memory_space<vmem>> -> memref<100x64xf32, #tpu.memory_space<vmem>>
      tpu.enqueue_dma source(%dma_start3A_108 : memref<100x64xf32, #tpu.memory_space<vmem>>) target(%dma_start3A_104 : memref<100x64xf32, #tpu.memory_space<vmem_shared>>) target_semaphore(%run_scoped3A_96 : memref<!tpu.dma_semaphore, #tpu.memory_space<semaphore_mem>>)
      %dma_wait3A = arith.constant 0 : i32
      %dma_wait3A_109 = arith.constant 0 : i32
      %dma_wait3A_110 = tpu.memref_slice %arg10[%run_scoped3A_23, %dma_wait3A, %dma_wait3A_109] : memref<4x100x64xf32, #tpu.memory_space<vmem>> -> memref<1x100x64xf32, #tpu.memory_space<vmem>>
      %dma_wait3A_111 = tpu.memref_squeeze %dma_wait3A_110 : memref<1x100x64xf32, #tpu.memory_space<vmem>> -> memref<100x64xf32, #tpu.memory_space<vmem>>
      %dma_wait3A_112 = arith.constant 0 : i32
      %dma_wait3A_113 = tpu.memref_slice %arg16[%add3A_22, %dma_wait3A_112] : memref<10000x64xf32, #tpu.memory_space<vmem_shared>> -> memref<100x64xf32, #tpu.memory_space<vmem_shared>>
      %dma_wait3A_114 = arith.constant 0 : i32
      %dma_wait3A_115 = tpu.memref_slice %arg16[%add3A_22, %dma_wait3A_114] : memref<10000x64xf32, #tpu.memory_space<vmem_shared>> -> memref<100x64xf32, #tpu.memory_space<vmem_shared>>
      %dma_wait3A_116 = arith.constant 0 : i32
      %dma_wait3A_117 = arith.constant 0 : i32
      %dma_wait3A_118 = tpu.memref_slice %arg10[%run_scoped3A_23, %dma_wait3A_116, %dma_wait3A_117] : memref<4x100x64xf32, #tpu.memory_space<vmem>> -> memref<1x100x64xf32, #tpu.memory_space<vmem>>
      %dma_wait3A_119 = tpu.memref_squeeze %dma_wait3A_118 : memref<1x100x64xf32, #tpu.memory_space<vmem>> -> memref<100x64xf32, #tpu.memory_space<vmem>>
      tpu.wait_dma2 semaphore(%run_scoped3A_96 : memref<!tpu.dma_semaphore, #tpu.memory_space<semaphore_mem>>) src(%dma_wait3A_119 : memref<100x64xf32, #tpu.memory_space<vmem>>) dst(%dma_wait3A_115 : memref<100x64xf32, #tpu.memory_space<vmem_shared>>)
      tpu.yield
    }) : () -> ()
    %add3A_24 = arith.constant 600 : i32
    %add3A_25 = arith.addi %mul3A_7, %add3A_24 : i32
    %run_scoped3A_26 = arith.constant 0 : i32
    "tpu.region"() ({
      %run_scoped3A_96 = tpu.sem_alloc : memref<!tpu.dma_semaphore, #tpu.memory_space<semaphore_mem>>
      %dma_start3A_97 = arith.constant 0 : i32
      %dma_start3A_98 = arith.constant 0 : i32
      %dma_start3A_99 = tpu.memref_slice %arg10[%run_scoped3A_26, %dma_start3A_97, %dma_start3A_98] : memref<4x100x64xf32, #tpu.memory_space<vmem>> -> memref<1x40x64xf32, #tpu.memory_space<vmem>>
      %dma_start3A_100 = tpu.memref_squeeze %dma_start3A_99 : memref<1x40x64xf32, #tpu.memory_space<vmem>> -> memref<40x64xf32, #tpu.memory_space<vmem>>
      %dma_start3A_101 = arith.constant 0 : i32
      %dma_start3A_102 = tpu.memref_slice %arg16[%add3A_25, %dma_start3A_101] : memref<10000x64xf32, #tpu.memory_space<vmem_shared>> -> memref<40x64xf32, #tpu.memory_space<vmem_shared>>
      %dma_start3A_103 = arith.constant 0 : i32
      %dma_start3A_104 = tpu.memref_slice %arg16[%add3A_25, %dma_start3A_103] : memref<10000x64xf32, #tpu.memory_space<vmem_shared>> -> memref<40x64xf32, #tpu.memory_space<vmem_shared>>
      %dma_start3A_105 = arith.constant 0 : i32
      %dma_start3A_106 = arith.constant 0 : i32
      %dma_start3A_107 = tpu.memref_slice %arg10[%run_scoped3A_26, %dma_start3A_105, %dma_start3A_106] : memref<4x100x64xf32, #tpu.memory_space<vmem>> -> memref<1x40x64xf32, #tpu.memory_space<vmem>>
      %dma_start3A_108 = tpu.memref_squeeze %dma_start3A_107 : memref<1x40x64xf32, #tpu.memory_space<vmem>> -> memref<40x64xf32, #tpu.memory_space<vmem>>
      tpu.enqueue_dma source(%dma_start3A_108 : memref<40x64xf32, #tpu.memory_space<vmem>>) target(%dma_start3A_104 : memref<40x64xf32, #tpu.memory_space<vmem_shared>>) target_semaphore(%run_scoped3A_96 : memref<!tpu.dma_semaphore, #tpu.memory_space<semaphore_mem>>)
      %dma_wait3A = arith.constant 0 : i32
      %dma_wait3A_109 = arith.constant 0 : i32
      %dma_wait3A_110 = tpu.memref_slice %arg10[%run_scoped3A_26, %dma_wait3A, %dma_wait3A_109] : memref<4x100x64xf32, #tpu.memory_space<vmem>> -> memref<1x40x64xf32, #tpu.memory_space<vmem>>
      %dma_wait3A_111 = tpu.memref_squeeze %dma_wait3A_110 : memref<1x40x64xf32, #tpu.memory_space<vmem>> -> memref<40x64xf32, #tpu.memory_space<vmem>>
      %dma_wait3A_112 = arith.constant 0 : i32
      %dma_wait3A_113 = tpu.memref_slice %arg16[%add3A_25, %dma_wait3A_112] : memref<10000x64xf32, #tpu.memory_space<vmem_shared>> -> memref<40x64xf32, #tpu.memory_space<vmem_shared>>
      %dma_wait3A_114 = arith.constant 0 : i32
      %dma_wait3A_115 = tpu.memref_slice %arg16[%add3A_25, %dma_wait3A_114] : memref<10000x64xf32, #tpu.memory_space<vmem_shared>> -> memref<40x64xf32, #tpu.memory_space<vmem_shared>>
      %dma_wait3A_116 = arith.constant 0 : i32
      %dma_wait3A_117 = arith.constant 0 : i32
      %dma_wait3A_118 = tpu.memref_slice %arg10[%run_scoped3A_26, %dma_wait3A_116, %dma_wait3A_117] : memref<4x100x64xf32, #tpu.memory_space<vmem>> -> memref<1x40x64xf32, #tpu.memory_space<vmem>>
      %dma_wait3A_119 = tpu.memref_squeeze %dma_wait3A_118 : memref<1x40x64xf32, #tpu.memory_space<vmem>> -> memref<40x64xf32, #tpu.memory_space<vmem>>
      tpu.wait_dma2 semaphore(%run_scoped3A_96 : memref<!tpu.dma_semaphore, #tpu.memory_space<semaphore_mem>>) src(%dma_wait3A_119 : memref<40x64xf32, #tpu.memory_space<vmem>>) dst(%dma_wait3A_115 : memref<40x64xf32, #tpu.memory_space<vmem_shared>>)
      tpu.yield
    }) : () -> ()
    %barrier3A = arith.constant 0 : index
    tpu.barrier barrier_id(%barrier3A)
    %dma_start3A = arith.constant 0 : i32
    %dma_start3A_27 = arith.constant 0 : i32
    %dma_start3A_28 = arith.constant 0 : i32
    %dma_start3A_29 = arith.constant 0 : i32
    %dma_start3A_30 = tpu.memref_slice %arg10[%dma_start3A_27, %dma_start3A_28, %dma_start3A_29] : memref<4x100x64xf32, #tpu.memory_space<vmem>> -> memref<1x100x64xf32, #tpu.memory_space<vmem>>
    %dma_start3A_31 = tpu.memref_squeeze %dma_start3A_30 : memref<1x100x64xf32, #tpu.memory_space<vmem>> -> memref<100x64xf32, #tpu.memory_space<vmem>>
    %dma_start3A_32 = arith.constant 0 : i32
    %dma_start3A_33 = tpu.memref_slice %arg7[%dma_start3A, %dma_start3A_32] : memref<200x100xi32, #tpu.memory_space<vmem>> -> memref<1x100xi32, #tpu.memory_space<vmem>>
    %dma_start3A_34 = tpu.memref_squeeze %dma_start3A_33 : memref<1x100xi32, #tpu.memory_space<vmem>> -> memref<100xi32, #tpu.memory_space<vmem>>
    %dma_start3A_35 = arith.constant 0 : i32
    %dma_start3A_36 = arith.constant 0 : i32
    %dma_start3A_37 = tpu.memref_slice %arg2[%arg0, %dma_start3A_35, %dma_start3A_36] : memref<2x10000x64xf32, #tpu.memory_space<hbm>> -> memref<1x10000x64xf32, #tpu.memory_space<hbm>>
    %dma_start3A_38 = tpu.memref_squeeze %dma_start3A_37 : memref<1x10000x64xf32, #tpu.memory_space<hbm>> -> memref<10000x64xf32, #tpu.memory_space<hbm>>
    %dma_start3A_39 = arith.constant 0 : i32
    %dma_start3A_40 = arith.constant 0 : i32
    %dma_start3A_41 = tpu.memref_slice %dma_start3A_38[%dma_start3A_39, %dma_start3A_40] : memref<10000x64xf32, #tpu.memory_space<hbm>> -> memref<10000x64xf32, #tpu.memory_space<hbm>>
    tpu.enqueue_indirect_dma source(%dma_start3A_41 : memref<10000x64xf32, #tpu.memory_space<hbm>>) target(%dma_start3A_31 : memref<100x64xf32, #tpu.memory_space<vmem>>) offsets(%dma_start3A_34 : memref<100xi32, #tpu.memory_space<vmem>>) semaphore(%arg11 : memref<!tpu.dma_semaphore, #tpu.memory_space<semaphore_mem>>)
    %dma_start3A_42 = arith.constant 1 : i32
    %dma_start3A_43 = arith.constant 1 : i32
    %dma_start3A_44 = arith.constant 0 : i32
    %dma_start3A_45 = arith.constant 0 : i32
    %dma_start3A_46 = tpu.memref_slice %arg10[%dma_start3A_43, %dma_start3A_44, %dma_start3A_45] : memref<4x100x64xf32, #tpu.memory_space<vmem>> -> memref<1x100x64xf32, #tpu.memory_space<vmem>>
    %dma_start3A_47 = tpu.memref_squeeze %dma_start3A_46 : memref<1x100x64xf32, #tpu.memory_space<vmem>> -> memref<100x64xf32, #tpu.memory_space<vmem>>
    %dma_start3A_48 = arith.constant 0 : i32
    %dma_start3A_49 = tpu.memref_slice %arg7[%dma_start3A_42, %dma_start3A_48] : memref<200x100xi32, #tpu.memory_space<vmem>> -> memref<1x100xi32, #tpu.memory_space<vmem>>
    %dma_start3A_50 = tpu.memref_squeeze %dma_start3A_49 : memref<1x100xi32, #tpu.memory_space<vmem>> -> memref<100xi32, #tpu.memory_space<vmem>>
    %dma_start3A_51 = arith.constant 0 : i32
    %dma_start3A_52 = arith.constant 0 : i32
    %dma_start3A_53 = tpu.memref_slice %arg2[%arg0, %dma_start3A_51, %dma_start3A_52] : memref<2x10000x64xf32, #tpu.memory_space<hbm>> -> memref<1x10000x64xf32, #tpu.memory_space<hbm>>
    %dma_start3A_54 = tpu.memref_squeeze %dma_start3A_53 : memref<1x10000x64xf32, #tpu.memory_space<hbm>> -> memref<10000x64xf32, #tpu.memory_space<hbm>>
    %dma_start3A_55 = arith.constant 0 : i32
    %dma_start3A_56 = arith.constant 0 : i32
    %dma_start3A_57 = tpu.memref_slice %dma_start3A_54[%dma_start3A_55, %dma_start3A_56] : memref<10000x64xf32, #tpu.memory_space<hbm>> -> memref<10000x64xf32, #tpu.memory_space<hbm>>
    tpu.enqueue_indirect_dma source(%dma_start3A_57 : memref<10000x64xf32, #tpu.memory_space<hbm>>) target(%dma_start3A_47 : memref<100x64xf32, #tpu.memory_space<vmem>>) offsets(%dma_start3A_50 : memref<100xi32, #tpu.memory_space<vmem>>) semaphore(%arg12 : memref<!tpu.dma_semaphore, #tpu.memory_space<semaphore_mem>>)
    %dma_start3A_58 = arith.constant 2 : i32
    %dma_start3A_59 = arith.constant 2 : i32
    %dma_start3A_60 = arith.constant 0 : i32
    %dma_start3A_61 = arith.constant 0 : i32
    %dma_start3A_62 = tpu.memref_slice %arg10[%dma_start3A_59, %dma_start3A_60, %dma_start3A_61] : memref<4x100x64xf32, #tpu.memory_space<vmem>> -> memref<1x100x64xf32, #tpu.memory_space<vmem>>
    %dma_start3A_63 = tpu.memref_squeeze %dma_start3A_62 : memref<1x100x64xf32, #tpu.memory_space<vmem>> -> memref<100x64xf32, #tpu.memory_space<vmem>>
    %dma_start3A_64 = arith.constant 0 : i32
    %dma_start3A_65 = tpu.memref_slice %arg7[%dma_start3A_58, %dma_start3A_64] : memref<200x100xi32, #tpu.memory_space<vmem>> -> memref<1x100xi32, #tpu.memory_space<vmem>>
    %dma_start3A_66 = tpu.memref_squeeze %dma_start3A_65 : memref<1x100xi32, #tpu.memory_space<vmem>> -> memref<100xi32, #tpu.memory_space<vmem>>
    %dma_start3A_67 = arith.constant 0 : i32
    %dma_start3A_68 = arith.constant 0 : i32
    %dma_start3A_69 = tpu.memref_slice %arg2[%arg0, %dma_start3A_67, %dma_start3A_68] : memref<2x10000x64xf32, #tpu.memory_space<hbm>> -> memref<1x10000x64xf32, #tpu.memory_space<hbm>>
    %dma_start3A_70 = tpu.memref_squeeze %dma_start3A_69 : memref<1x10000x64xf32, #tpu.memory_space<hbm>> -> memref<10000x64xf32, #tpu.memory_space<hbm>>
    %dma_start3A_71 = arith.constant 0 : i32
    %dma_start3A_72 = arith.constant 0 : i32
    %dma_start3A_73 = tpu.memref_slice %dma_start3A_70[%dma_start3A_71, %dma_start3A_72] : memref<10000x64xf32, #tpu.memory_space<hbm>> -> memref<10000x64xf32, #tpu.memory_space<hbm>>
    tpu.enqueue_indirect_dma source(%dma_start3A_73 : memref<10000x64xf32, #tpu.memory_space<hbm>>) target(%dma_start3A_63 : memref<100x64xf32, #tpu.memory_space<vmem>>) offsets(%dma_start3A_66 : memref<100xi32, #tpu.memory_space<vmem>>) semaphore(%arg13 : memref<!tpu.dma_semaphore, #tpu.memory_space<semaphore_mem>>)
    %dma_start3A_74 = arith.constant 3 : i32
    %dma_start3A_75 = arith.constant 3 : i32
    %dma_start3A_76 = arith.constant 0 : i32
    %dma_start3A_77 = arith.constant 0 : i32
    %dma_start3A_78 = tpu.memref_slice %arg10[%dma_start3A_75, %dma_start3A_76, %dma_start3A_77] : memref<4x100x64xf32, #tpu.memory_space<vmem>> -> memref<1x100x64xf32, #tpu.memory_space<vmem>>
    %dma_start3A_79 = tpu.memref_squeeze %dma_start3A_78 : memref<1x100x64xf32, #tpu.memory_space<vmem>> -> memref<100x64xf32, #tpu.memory_space<vmem>>
    %dma_start3A_80 = arith.constant 0 : i32
    %dma_start3A_81 = tpu.memref_slice %arg7[%dma_start3A_74, %dma_start3A_80] : memref<200x100xi32, #tpu.memory_space<vmem>> -> memref<1x100xi32, #tpu.memory_space<vmem>>
    %dma_start3A_82 = tpu.memref_squeeze %dma_start3A_81 : memref<1x100xi32, #tpu.memory_space<vmem>> -> memref<100xi32, #tpu.memory_space<vmem>>
    %dma_start3A_83 = arith.constant 0 : i32
    %dma_start3A_84 = arith.constant 0 : i32
    %dma_start3A_85 = tpu.memref_slice %arg2[%arg0, %dma_start3A_83, %dma_start3A_84] : memref<2x10000x64xf32, #tpu.memory_space<hbm>> -> memref<1x10000x64xf32, #tpu.memory_space<hbm>>
    %dma_start3A_86 = tpu.memref_squeeze %dma_start3A_85 : memref<1x10000x64xf32, #tpu.memory_space<hbm>> -> memref<10000x64xf32, #tpu.memory_space<hbm>>
    %dma_start3A_87 = arith.constant 0 : i32
    %dma_start3A_88 = arith.constant 0 : i32
    %dma_start3A_89 = tpu.memref_slice %dma_start3A_86[%dma_start3A_87, %dma_start3A_88] : memref<10000x64xf32, #tpu.memory_space<hbm>> -> memref<10000x64xf32, #tpu.memory_space<hbm>>
    tpu.enqueue_indirect_dma source(%dma_start3A_89 : memref<10000x64xf32, #tpu.memory_space<hbm>>) target(%dma_start3A_79 : memref<100x64xf32, #tpu.memory_space<vmem>>) offsets(%dma_start3A_82 : memref<100xi32, #tpu.memory_space<vmem>>) semaphore(%arg14 : memref<!tpu.dma_semaphore, #tpu.memory_space<semaphore_mem>>)
    %scan3A_90 = arith.constant 0 : i32
    %scan3A_91 = arith.constant 50 : i32
    %scan3A_92 = arith.addi %scan3A_90, %scan3A_91 : i32
    %scan3A_93 = arith.constant 1 : i32
    scf.for %scan3A_96 = %scan3A_90 to %scan3A_92 step %scan3A_93  : i32 {
      %mul3A_97 = arith.constant 1 : i32
      %mul3A_98 = arith.muli %scan3A_96, %mul3A_97 : i32
      %add3A_99 = arith.constant 0 : i32
      %add3A_100 = arith.addi %add3A_99, %mul3A_98 : i32
      %mul3A_101 = arith.constant 4 : i32
      %mul3A_102 = arith.muli %mul3A_101, %add3A_100 : i32
      %add3A_103 = arith.constant 0 : i32
      %add3A_104 = arith.addi %mul3A_102, %add3A_103 : i32
      %dma_wait3A = arith.constant 0 : i32
      %dma_wait3A_105 = arith.constant 0 : i32
      %dma_wait3A_106 = arith.constant 0 : i32
      %dma_wait3A_107 = tpu.memref_slice %arg10[%dma_wait3A, %dma_wait3A_105, %dma_wait3A_106] : memref<4x100x64xf32, #tpu.memory_space<vmem>> -> memref<1x100x64xf32, #tpu.memory_space<vmem>>
      %dma_wait3A_108 = tpu.memref_squeeze %dma_wait3A_107 : memref<1x100x64xf32, #tpu.memory_space<vmem>> -> memref<100x64xf32, #tpu.memory_space<vmem>>
      %dma_wait3A_109 = arith.constant 0 : i32
      %dma_wait3A_110 = tpu.memref_slice %arg7[%add3A_104, %dma_wait3A_109] : memref<200x100xi32, #tpu.memory_space<vmem>> -> memref<1x100xi32, #tpu.memory_space<vmem>>
      %dma_wait3A_111 = tpu.memref_squeeze %dma_wait3A_110 : memref<1x100xi32, #tpu.memory_space<vmem>> -> memref<100xi32, #tpu.memory_space<vmem>>
      %dma_wait3A_112 = arith.constant 0 : i32
      %dma_wait3A_113 = arith.constant 0 : i32
      %dma_wait3A_114 = tpu.memref_slice %arg2[%arg0, %dma_wait3A_112, %dma_wait3A_113] : memref<2x10000x64xf32, #tpu.memory_space<hbm>> -> memref<1x10000x64xf32, #tpu.memory_space<hbm>>
      %dma_wait3A_115 = tpu.memref_squeeze %dma_wait3A_114 : memref<1x10000x64xf32, #tpu.memory_space<hbm>> -> memref<10000x64xf32, #tpu.memory_space<hbm>>
      %dma_wait3A_116 = arith.constant 0 : i32
      %dma_wait3A_117 = arith.constant 0 : i32
      %dma_wait3A_118 = tpu.memref_slice %dma_wait3A_115[%dma_wait3A_116, %dma_wait3A_117] : memref<10000x64xf32, #tpu.memory_space<hbm>> -> memref<10000x64xf32, #tpu.memory_space<hbm>>
      tpu.wait_indirect_dma semaphore(%arg11 : memref<!tpu.dma_semaphore, #tpu.memory_space<semaphore_mem>>) src(%dma_wait3A_118 : memref<10000x64xf32, #tpu.memory_space<hbm>>) dst(%dma_wait3A_108 : memref<100x64xf32, #tpu.memory_space<vmem>>)
      %scan3A_119 = arith.constant 0 : i32
      %scan3A_120 = arith.constant 100 : i32
      %scan3A_121 = arith.addi %scan3A_119, %scan3A_120 : i32
      %scan3A_122 = arith.constant 1 : i32
      scf.for %scan3A_309 = %scan3A_119 to %scan3A_121 step %scan3A_122  : i32 {
        %mul3A_310 = arith.constant 1 : i32
        %mul3A_311 = arith.muli %scan3A_309, %mul3A_310 : i32
        %add3A_312 = arith.constant 0 : i32
        %add3A_313 = arith.addi %add3A_312, %mul3A_311 : i32
        %mul3A_314 = arith.constant 100 : i32
        %mul3A_315 = arith.muli %add3A_104, %mul3A_314 : i32
        %add3A_316 = arith.addi %mul3A_315, %add3A_313 : i32
        %broadcast_in_dim3A_317 = vector.broadcast %add3A_316 : i32 to vector<16xi32>
        %gather3A = tpu.vector_load_idx %arg9[%broadcast_in_dim3A_317] : memref<20000xf32, #tpu.memory_space<vmem>>[vector<16xi32>], vector<16xf32>,
        %get3A = arith.constant 0 : i32
        %get3A_318 = arith.index_cast %get3A : i32 to index
        %get3A_319 = arith.index_cast %add3A_313 : i32 to index
        %get3A_320 = arith.constant 0 : index
        %get3A_321 = tpu.vector_load %arg10[%get3A_318, %get3A_319, %get3A_320] {strides = array<i32>} : memref<4x100x64xf32, #tpu.memory_space<vmem>>, vector<16xf32>,
        %mul3A_322 = arith.mulf %get3A_321, %gather3A : vector<16xf32>
        %swap3A = arith.constant 0 : i32
        %swap3A_323 = arith.index_cast %swap3A : i32 to index
        %swap3A_324 = arith.index_cast %add3A_313 : i32 to index
        %swap3A_325 = arith.constant 0 : index
        %swap3A_326 = tpu.vector_load %arg10[%swap3A_323, %swap3A_324, %swap3A_325] {strides = array<i32>} : memref<4x100x64xf32, #tpu.memory_space<vmem>>, vector<16xf32>,
        tpu.vector_store %arg10[%swap3A_323, %swap3A_324, %swap3A_325], %mul3A_322 {strides = array<i32>} : memref<4x100x64xf32, #tpu.memory_space<vmem>>, vector<16xf32>,
        %get3A_327 = arith.constant 0 : i32
        %get3A_328 = arith.index_cast %get3A_327 : i32 to index
        %get3A_329 = arith.index_cast %add3A_313 : i32 to index
        %get3A_330 = arith.constant 16 : index
        %get3A_331 = tpu.vector_load %arg10[%get3A_328, %get3A_329, %get3A_330] {strides = array<i32>} : memref<4x100x64xf32, #tpu.memory_space<vmem>>, vector<16xf32>,
        %mul3A_332 = arith.mulf %get3A_331, %gather3A : vector<16xf32>
        %swap3A_333 = arith.constant 0 : i32
        %swap3A_334 = arith.index_cast %swap3A_333 : i32 to index
        %swap3A_335 = arith.index_cast %add3A_313 : i32 to index
        %swap3A_336 = arith.constant 16 : index
        %swap3A_337 = tpu.vector_load %arg10[%swap3A_334, %swap3A_335, %swap3A_336] {strides = array<i32>} : memref<4x100x64xf32, #tpu.memory_space<vmem>>, vector<16xf32>,
        tpu.vector_store %arg10[%swap3A_334, %swap3A_335, %swap3A_336], %mul3A_332 {strides = array<i32>} : memref<4x100x64xf32, #tpu.memory_space<vmem>>, vector<16xf32>,
        %get3A_338 = arith.constant 0 : i32
        %get3A_339 = arith.index_cast %get3A_338 : i32 to index
        %get3A_340 = arith.index_cast %add3A_313 : i32 to index
        %get3A_341 = arith.constant 32 : index
        %get3A_342 = tpu.vector_load %arg10[%get3A_339, %get3A_340, %get3A_341] {strides = array<i32>} : memref<4x100x64xf32, #tpu.memory_space<vmem>>, vector<16xf32>,
        %mul3A_343 = arith.mulf %get3A_342, %gather3A : vector<16xf32>
        %swap3A_344 = arith.constant 0 : i32
        %swap3A_345 = arith.index_cast %swap3A_344 : i32 to index
        %swap3A_346 = arith.index_cast %add3A_313 : i32 to index
        %swap3A_347 = arith.constant 32 : index
        %swap3A_348 = tpu.vector_load %arg10[%swap3A_345, %swap3A_346, %swap3A_347] {strides = array<i32>} : memref<4x100x64xf32, #tpu.memory_space<vmem>>, vector<16xf32>,
        tpu.vector_store %arg10[%swap3A_345, %swap3A_346, %swap3A_347], %mul3A_343 {strides = array<i32>} : memref<4x100x64xf32, #tpu.memory_space<vmem>>, vector<16xf32>,
        %get3A_349 = arith.constant 0 : i32
        %get3A_350 = arith.index_cast %get3A_349 : i32 to index
        %get3A_351 = arith.index_cast %add3A_313 : i32 to index
        %get3A_352 = arith.constant 48 : index
        %get3A_353 = tpu.vector_load %arg10[%get3A_350, %get3A_351, %get3A_352] {strides = array<i32>} : memref<4x100x64xf32, #tpu.memory_space<vmem>>, vector<16xf32>,
        %mul3A_354 = arith.mulf %get3A_353, %gather3A : vector<16xf32>
        %swap3A_355 = arith.constant 0 : i32
        %swap3A_356 = arith.index_cast %swap3A_355 : i32 to index
        %swap3A_357 = arith.index_cast %add3A_313 : i32 to index
        %swap3A_358 = arith.constant 48 : index
        %swap3A_359 = tpu.vector_load %arg10[%swap3A_356, %swap3A_357, %swap3A_358] {strides = array<i32>} : memref<4x100x64xf32, #tpu.memory_space<vmem>>, vector<16xf32>,
        tpu.vector_store %arg10[%swap3A_356, %swap3A_357, %swap3A_358], %mul3A_354 {strides = array<i32>} : memref<4x100x64xf32, #tpu.memory_space<vmem>>, vector<16xf32>,
      }
      %scan3A_123 = arith.constant 100 : i32
      %dma_start3A_124 = arith.constant 0 : i32
      %dma_start3A_125 = arith.constant 0 : i32
      %dma_start3A_126 = arith.constant 0 : i32
      %dma_start3A_127 = tpu.memref_slice %arg10[%dma_start3A_124, %dma_start3A_125, %dma_start3A_126] : memref<4x100x64xf32, #tpu.memory_space<vmem>> -> memref<1x100x64xf32, #tpu.memory_space<vmem>>
      %dma_start3A_128 = tpu.memref_squeeze %dma_start3A_127 : memref<1x100x64xf32, #tpu.memory_space<vmem>> -> memref<100x64xf32, #tpu.memory_space<vmem>>
      %dma_start3A_129 = arith.constant 0 : i32
      %dma_start3A_130 = tpu.memref_slice %arg8[%add3A_104, %dma_start3A_129] : memref<200x100xi32, #tpu.memory_space<vmem>> -> memref<1x100xi32, #tpu.memory_space<vmem>>
      %dma_start3A_131 = tpu.memref_squeeze %dma_start3A_130 : memref<1x100xi32, #tpu.memory_space<vmem>> -> memref<100xi32, #tpu.memory_space<vmem>>
      %dma_start3A_132 = arith.constant 0 : i32
      %dma_start3A_133 = arith.constant 0 : i32
      %dma_start3A_134 = tpu.memref_slice %arg16[%dma_start3A_132, %dma_start3A_133] : memref<10000x64xf32, #tpu.memory_space<vmem_shared>> -> memref<10000x64xf32, #tpu.memory_space<vmem_shared>>
      tpu.enqueue_indirect_dma source(%dma_start3A_128 : memref<100x64xf32, #tpu.memory_space<vmem>>) target(%dma_start3A_134 : memref<10000x64xf32, #tpu.memory_space<vmem_shared>>) offsets(%dma_start3A_131 : memref<100xi32, #tpu.memory_space<vmem>>) semaphore(%arg15 : memref<!tpu.dma_semaphore, #tpu.memory_space<semaphore_mem>>) {add = true}
      %dma_wait3A_135 = arith.constant 0 : i32
      %dma_wait3A_136 = arith.constant 0 : i32
      %dma_wait3A_137 = arith.constant 0 : i32
      %dma_wait3A_138 = tpu.memref_slice %arg10[%dma_wait3A_135, %dma_wait3A_136, %dma_wait3A_137] : memref<4x100x64xf32, #tpu.memory_space<vmem>> -> memref<1x100x64xf32, #tpu.memory_space<vmem>>
      %dma_wait3A_139 = tpu.memref_squeeze %dma_wait3A_138 : memref<1x100x64xf32, #tpu.memory_space<vmem>> -> memref<100x64xf32, #tpu.memory_space<vmem>>
      %dma_wait3A_140 = arith.constant 0 : i32
      %dma_wait3A_141 = tpu.memref_slice %arg8[%add3A_104, %dma_wait3A_140] : memref<200x100xi32, #tpu.memory_space<vmem>> -> memref<1x100xi32, #tpu.memory_space<vmem>>
      %dma_wait3A_142 = tpu.memref_squeeze %dma_wait3A_141 : memref<1x100xi32, #tpu.memory_space<vmem>> -> memref<100xi32, #tpu.memory_space<vmem>>
      %dma_wait3A_143 = arith.constant 0 : i32
      %dma_wait3A_144 = arith.constant 0 : i32
      %dma_wait3A_145 = tpu.memref_slice %arg16[%dma_wait3A_143, %dma_wait3A_144] : memref<10000x64xf32, #tpu.memory_space<vmem_shared>> -> memref<10000x64xf32, #tpu.memory_space<vmem_shared>>
      tpu.wait_indirect_dma semaphore(%arg15 : memref<!tpu.dma_semaphore, #tpu.memory_space<semaphore_mem>>) src(%dma_wait3A_139 : memref<100x64xf32, #tpu.memory_space<vmem>>) dst(%dma_wait3A_145 : memref<10000x64xf32, #tpu.memory_space<vmem_shared>>)
      %add3A_146 = arith.constant 4 : i32
      %add3A_147 = arith.addi %add3A_104, %add3A_146 : i32
      %lt3A = arith.constant 200 : i32
      %lt3A_148 = arith.cmpi slt, %add3A_147, %lt3A : i32
      %convert_element_type3A = arith.extui %lt3A_148 : i1 to i32
      %cond3A = arith.constant 0 : i32
      %cond3A_149 = arith.cmpi ne, %convert_element_type3A, %cond3A : i32
      scf.if %cond3A_149 {
        %add3A_309 = arith.constant 4 : i32
        %add3A_310 = arith.addi %add3A_104, %add3A_309 : i32
        %dma_start3A_311 = arith.constant 0 : i32
        %dma_start3A_312 = arith.constant 0 : i32
        %dma_start3A_313 = arith.constant 0 : i32
        %dma_start3A_314 = tpu.memref_slice %arg10[%dma_start3A_311, %dma_start3A_312, %dma_start3A_313] : memref<4x100x64xf32, #tpu.memory_space<vmem>> -> memref<1x100x64xf32, #tpu.memory_space<vmem>>
        %dma_start3A_315 = tpu.memref_squeeze %dma_start3A_314 : memref<1x100x64xf32, #tpu.memory_space<vmem>> -> memref<100x64xf32, #tpu.memory_space<vmem>>
        %dma_start3A_316 = arith.constant 0 : i32
        %dma_start3A_317 = tpu.memref_slice %arg7[%add3A_310, %dma_start3A_316] : memref<200x100xi32, #tpu.memory_space<vmem>> -> memref<1x100xi32, #tpu.memory_space<vmem>>
        %dma_start3A_318 = tpu.memref_squeeze %dma_start3A_317 : memref<1x100xi32, #tpu.memory_space<vmem>> -> memref<100xi32, #tpu.memory_space<vmem>>
        %dma_start3A_319 = arith.constant 0 : i32
        %dma_start3A_320 = arith.constant 0 : i32
        %dma_start3A_321 = tpu.memref_slice %arg2[%arg0, %dma_start3A_319, %dma_start3A_320] : memref<2x10000x64xf32, #tpu.memory_space<hbm>> -> memref<1x10000x64xf32, #tpu.memory_space<hbm>>
        %dma_start3A_322 = tpu.memref_squeeze %dma_start3A_321 : memref<1x10000x64xf32, #tpu.memory_space<hbm>> -> memref<10000x64xf32, #tpu.memory_space<hbm>>
        %dma_start3A_323 = arith.constant 0 : i32
        %dma_start3A_324 = arith.constant 0 : i32
        %dma_start3A_325 = tpu.memref_slice %dma_start3A_322[%dma_start3A_323, %dma_start3A_324] : memref<10000x64xf32, #tpu.memory_space<hbm>> -> memref<10000x64xf32, #tpu.memory_space<hbm>>
        tpu.enqueue_indirect_dma source(%dma_start3A_325 : memref<10000x64xf32, #tpu.memory_space<hbm>>) target(%dma_start3A_315 : memref<100x64xf32, #tpu.memory_space<vmem>>) offsets(%dma_start3A_318 : memref<100xi32, #tpu.memory_space<vmem>>) semaphore(%arg11 : memref<!tpu.dma_semaphore, #tpu.memory_space<semaphore_mem>>)
      } else {
      }
      %mul3A_150 = arith.constant 4 : i32
      %mul3A_151 = arith.muli %mul3A_150, %add3A_100 : i32
      %add3A_152 = arith.constant 1 : i32
      %add3A_153 = arith.addi %mul3A_151, %add3A_152 : i32
      %dma_wait3A_154 = arith.constant 1 : i32
      %dma_wait3A_155 = arith.constant 0 : i32
      %dma_wait3A_156 = arith.constant 0 : i32
      %dma_wait3A_157 = tpu.memref_slice %arg10[%dma_wait3A_154, %dma_wait3A_155, %dma_wait3A_156] : memref<4x100x64xf32, #tpu.memory_space<vmem>> -> memref<1x100x64xf32, #tpu.memory_space<vmem>>
      %dma_wait3A_158 = tpu.memref_squeeze %dma_wait3A_157 : memref<1x100x64xf32, #tpu.memory_space<vmem>> -> memref<100x64xf32, #tpu.memory_space<vmem>>
      %dma_wait3A_159 = arith.constant 0 : i32
      %dma_wait3A_160 = tpu.memref_slice %arg7[%add3A_153, %dma_wait3A_159] : memref<200x100xi32, #tpu.memory_space<vmem>> -> memref<1x100xi32, #tpu.memory_space<vmem>>
      %dma_wait3A_161 = tpu.memref_squeeze %dma_wait3A_160 : memref<1x100xi32, #tpu.memory_space<vmem>> -> memref<100xi32, #tpu.memory_space<vmem>>
      %dma_wait3A_162 = arith.constant 0 : i32
      %dma_wait3A_163 = arith.constant 0 : i32
      %dma_wait3A_164 = tpu.memref_slice %arg2[%arg0, %dma_wait3A_162, %dma_wait3A_163] : memref<2x10000x64xf32, #tpu.memory_space<hbm>> -> memref<1x10000x64xf32, #tpu.memory_space<hbm>>
      %dma_wait3A_165 = tpu.memref_squeeze %dma_wait3A_164 : memref<1x10000x64xf32, #tpu.memory_space<hbm>> -> memref<10000x64xf32, #tpu.memory_space<hbm>>
      %dma_wait3A_166 = arith.constant 0 : i32
      %dma_wait3A_167 = arith.constant 0 : i32
      %dma_wait3A_168 = tpu.memref_slice %dma_wait3A_165[%dma_wait3A_166, %dma_wait3A_167] : memref<10000x64xf32, #tpu.memory_space<hbm>> -> memref<10000x64xf32, #tpu.memory_space<hbm>>
      tpu.wait_indirect_dma semaphore(%arg12 : memref<!tpu.dma_semaphore, #tpu.memory_space<semaphore_mem>>) src(%dma_wait3A_168 : memref<10000x64xf32, #tpu.memory_space<hbm>>) dst(%dma_wait3A_158 : memref<100x64xf32, #tpu.memory_space<vmem>>)
      %scan3A_169 = arith.constant 0 : i32
      %scan3A_170 = arith.constant 100 : i32
      %scan3A_171 = arith.addi %scan3A_169, %scan3A_170 : i32
      %scan3A_172 = arith.constant 1 : i32
      scf.for %scan3A_309 = %scan3A_169 to %scan3A_171 step %scan3A_172  : i32 {
        %mul3A_310 = arith.constant 1 : i32
        %mul3A_311 = arith.muli %scan3A_309, %mul3A_310 : i32
        %add3A_312 = arith.constant 0 : i32
        %add3A_313 = arith.addi %add3A_312, %mul3A_311 : i32
        %mul3A_314 = arith.constant 100 : i32
        %mul3A_315 = arith.muli %add3A_153, %mul3A_314 : i32
        %add3A_316 = arith.addi %mul3A_315, %add3A_313 : i32
        %broadcast_in_dim3A_317 = vector.broadcast %add3A_316 : i32 to vector<16xi32>
        %gather3A = tpu.vector_load_idx %arg9[%broadcast_in_dim3A_317] : memref<20000xf32, #tpu.memory_space<vmem>>[vector<16xi32>], vector<16xf32>,
        %get3A = arith.constant 1 : i32
        %get3A_318 = arith.index_cast %get3A : i32 to index
        %get3A_319 = arith.index_cast %add3A_313 : i32 to index
        %get3A_320 = arith.constant 0 : index
        %get3A_321 = tpu.vector_load %arg10[%get3A_318, %get3A_319, %get3A_320] {strides = array<i32>} : memref<4x100x64xf32, #tpu.memory_space<vmem>>, vector<16xf32>,
        %mul3A_322 = arith.mulf %get3A_321, %gather3A : vector<16xf32>
        %swap3A = arith.constant 1 : i32
        %swap3A_323 = arith.index_cast %swap3A : i32 to index
        %swap3A_324 = arith.index_cast %add3A_313 : i32 to index
        %swap3A_325 = arith.constant 0 : index
        %swap3A_326 = tpu.vector_load %arg10[%swap3A_323, %swap3A_324, %swap3A_325] {strides = array<i32>} : memref<4x100x64xf32, #tpu.memory_space<vmem>>, vector<16xf32>,
        tpu.vector_store %arg10[%swap3A_323, %swap3A_324, %swap3A_325], %mul3A_322 {strides = array<i32>} : memref<4x100x64xf32, #tpu.memory_space<vmem>>, vector<16xf32>,
        %get3A_327 = arith.constant 1 : i32
        %get3A_328 = arith.index_cast %get3A_327 : i32 to index
        %get3A_329 = arith.index_cast %add3A_313 : i32 to index
        %get3A_330 = arith.constant 16 : index
        %get3A_331 = tpu.vector_load %arg10[%get3A_328, %get3A_329, %get3A_330] {strides = array<i32>} : memref<4x100x64xf32, #tpu.memory_space<vmem>>, vector<16xf32>,
        %mul3A_332 = arith.mulf %get3A_331, %gather3A : vector<16xf32>
        %swap3A_333 = arith.constant 1 : i32
        %swap3A_334 = arith.index_cast %swap3A_333 : i32 to index
        %swap3A_335 = arith.index_cast %add3A_313 : i32 to index
        %swap3A_336 = arith.constant 16 : index
        %swap3A_337 = tpu.vector_load %arg10[%swap3A_334, %swap3A_335, %swap3A_336] {strides = array<i32>} : memref<4x100x64xf32, #tpu.memory_space<vmem>>, vector<16xf32>,
        tpu.vector_store %arg10[%swap3A_334, %swap3A_335, %swap3A_336], %mul3A_332 {strides = array<i32>} : memref<4x100x64xf32, #tpu.memory_space<vmem>>, vector<16xf32>,
        %get3A_338 = arith.constant 1 : i32
        %get3A_339 = arith.index_cast %get3A_338 : i32 to index
        %get3A_340 = arith.index_cast %add3A_313 : i32 to index
        %get3A_341 = arith.constant 32 : index
        %get3A_342 = tpu.vector_load %arg10[%get3A_339, %get3A_340, %get3A_341] {strides = array<i32>} : memref<4x100x64xf32, #tpu.memory_space<vmem>>, vector<16xf32>,
        %mul3A_343 = arith.mulf %get3A_342, %gather3A : vector<16xf32>
        %swap3A_344 = arith.constant 1 : i32
        %swap3A_345 = arith.index_cast %swap3A_344 : i32 to index
        %swap3A_346 = arith.index_cast %add3A_313 : i32 to index
        %swap3A_347 = arith.constant 32 : index
        %swap3A_348 = tpu.vector_load %arg10[%swap3A_345, %swap3A_346, %swap3A_347] {strides = array<i32>} : memref<4x100x64xf32, #tpu.memory_space<vmem>>, vector<16xf32>,
        tpu.vector_store %arg10[%swap3A_345, %swap3A_346, %swap3A_347], %mul3A_343 {strides = array<i32>} : memref<4x100x64xf32, #tpu.memory_space<vmem>>, vector<16xf32>,
        %get3A_349 = arith.constant 1 : i32
        %get3A_350 = arith.index_cast %get3A_349 : i32 to index
        %get3A_351 = arith.index_cast %add3A_313 : i32 to index
        %get3A_352 = arith.constant 48 : index
        %get3A_353 = tpu.vector_load %arg10[%get3A_350, %get3A_351, %get3A_352] {strides = array<i32>} : memref<4x100x64xf32, #tpu.memory_space<vmem>>, vector<16xf32>,
        %mul3A_354 = arith.mulf %get3A_353, %gather3A : vector<16xf32>
        %swap3A_355 = arith.constant 1 : i32
        %swap3A_356 = arith.index_cast %swap3A_355 : i32 to index
        %swap3A_357 = arith.index_cast %add3A_313 : i32 to index
        %swap3A_358 = arith.constant 48 : index
        %swap3A_359 = tpu.vector_load %arg10[%swap3A_356, %swap3A_357, %swap3A_358] {strides = array<i32>} : memref<4x100x64xf32, #tpu.memory_space<vmem>>, vector<16xf32>,
        tpu.vector_store %arg10[%swap3A_356, %swap3A_357, %swap3A_358], %mul3A_354 {strides = array<i32>} : memref<4x100x64xf32, #tpu.memory_space<vmem>>, vector<16xf32>,
      }
      %scan3A_173 = arith.constant 100 : i32
      %dma_start3A_174 = arith.constant 1 : i32
      %dma_start3A_175 = arith.constant 0 : i32
      %dma_start3A_176 = arith.constant 0 : i32
      %dma_start3A_177 = tpu.memref_slice %arg10[%dma_start3A_174, %dma_start3A_175, %dma_start3A_176] : memref<4x100x64xf32, #tpu.memory_space<vmem>> -> memref<1x100x64xf32, #tpu.memory_space<vmem>>
      %dma_start3A_178 = tpu.memref_squeeze %dma_start3A_177 : memref<1x100x64xf32, #tpu.memory_space<vmem>> -> memref<100x64xf32, #tpu.memory_space<vmem>>
      %dma_start3A_179 = arith.constant 0 : i32
      %dma_start3A_180 = tpu.memref_slice %arg8[%add3A_153, %dma_start3A_179] : memref<200x100xi32, #tpu.memory_space<vmem>> -> memref<1x100xi32, #tpu.memory_space<vmem>>
      %dma_start3A_181 = tpu.memref_squeeze %dma_start3A_180 : memref<1x100xi32, #tpu.memory_space<vmem>> -> memref<100xi32, #tpu.memory_space<vmem>>
      %dma_start3A_182 = arith.constant 0 : i32
      %dma_start3A_183 = arith.constant 0 : i32
      %dma_start3A_184 = tpu.memref_slice %arg16[%dma_start3A_182, %dma_start3A_183] : memref<10000x64xf32, #tpu.memory_space<vmem_shared>> -> memref<10000x64xf32, #tpu.memory_space<vmem_shared>>
      tpu.enqueue_indirect_dma source(%dma_start3A_178 : memref<100x64xf32, #tpu.memory_space<vmem>>) target(%dma_start3A_184 : memref<10000x64xf32, #tpu.memory_space<vmem_shared>>) offsets(%dma_start3A_181 : memref<100xi32, #tpu.memory_space<vmem>>) semaphore(%arg15 : memref<!tpu.dma_semaphore, #tpu.memory_space<semaphore_mem>>) {add = true}
      %dma_wait3A_185 = arith.constant 1 : i32
      %dma_wait3A_186 = arith.constant 0 : i32
      %dma_wait3A_187 = arith.constant 0 : i32
      %dma_wait3A_188 = tpu.memref_slice %arg10[%dma_wait3A_185, %dma_wait3A_186, %dma_wait3A_187] : memref<4x100x64xf32, #tpu.memory_space<vmem>> -> memref<1x100x64xf32, #tpu.memory_space<vmem>>
      %dma_wait3A_189 = tpu.memref_squeeze %dma_wait3A_188 : memref<1x100x64xf32, #tpu.memory_space<vmem>> -> memref<100x64xf32, #tpu.memory_space<vmem>>
      %dma_wait3A_190 = arith.constant 0 : i32
      %dma_wait3A_191 = tpu.memref_slice %arg8[%add3A_153, %dma_wait3A_190] : memref<200x100xi32, #tpu.memory_space<vmem>> -> memref<1x100xi32, #tpu.memory_space<vmem>>
      %dma_wait3A_192 = tpu.memref_squeeze %dma_wait3A_191 : memref<1x100xi32, #tpu.memory_space<vmem>> -> memref<100xi32, #tpu.memory_space<vmem>>
      %dma_wait3A_193 = arith.constant 0 : i32
      %dma_wait3A_194 = arith.constant 0 : i32
      %dma_wait3A_195 = tpu.memref_slice %arg16[%dma_wait3A_193, %dma_wait3A_194] : memref<10000x64xf32, #tpu.memory_space<vmem_shared>> -> memref<10000x64xf32, #tpu.memory_space<vmem_shared>>
      tpu.wait_indirect_dma semaphore(%arg15 : memref<!tpu.dma_semaphore, #tpu.memory_space<semaphore_mem>>) src(%dma_wait3A_189 : memref<100x64xf32, #tpu.memory_space<vmem>>) dst(%dma_wait3A_195 : memref<10000x64xf32, #tpu.memory_space<vmem_shared>>)
      %add3A_196 = arith.constant 4 : i32
      %add3A_197 = arith.addi %add3A_153, %add3A_196 : i32
      %lt3A_198 = arith.constant 200 : i32
      %lt3A_199 = arith.cmpi slt, %add3A_197, %lt3A_198 : i32
      %convert_element_type3A_200 = arith.extui %lt3A_199 : i1 to i32
      %cond3A_201 = arith.constant 0 : i32
      %cond3A_202 = arith.cmpi ne, %convert_element_type3A_200, %cond3A_201 : i32
      scf.if %cond3A_202 {
        %add3A_309 = arith.constant 4 : i32
        %add3A_310 = arith.addi %add3A_153, %add3A_309 : i32
        %dma_start3A_311 = arith.constant 1 : i32
        %dma_start3A_312 = arith.constant 0 : i32
        %dma_start3A_313 = arith.constant 0 : i32
        %dma_start3A_314 = tpu.memref_slice %arg10[%dma_start3A_311, %dma_start3A_312, %dma_start3A_313] : memref<4x100x64xf32, #tpu.memory_space<vmem>> -> memref<1x100x64xf32, #tpu.memory_space<vmem>>
        %dma_start3A_315 = tpu.memref_squeeze %dma_start3A_314 : memref<1x100x64xf32, #tpu.memory_space<vmem>> -> memref<100x64xf32, #tpu.memory_space<vmem>>
        %dma_start3A_316 = arith.constant 0 : i32
        %dma_start3A_317 = tpu.memref_slice %arg7[%add3A_310, %dma_start3A_316] : memref<200x100xi32, #tpu.memory_space<vmem>> -> memref<1x100xi32, #tpu.memory_space<vmem>>
        %dma_start3A_318 = tpu.memref_squeeze %dma_start3A_317 : memref<1x100xi32, #tpu.memory_space<vmem>> -> memref<100xi32, #tpu.memory_space<vmem>>
        %dma_start3A_319 = arith.constant 0 : i32
        %dma_start3A_320 = arith.constant 0 : i32
        %dma_start3A_321 = tpu.memref_slice %arg2[%arg0, %dma_start3A_319, %dma_start3A_320] : memref<2x10000x64xf32, #tpu.memory_space<hbm>> -> memref<1x10000x64xf32, #tpu.memory_space<hbm>>
        %dma_start3A_322 = tpu.memref_squeeze %dma_start3A_321 : memref<1x10000x64xf32, #tpu.memory_space<hbm>> -> memref<10000x64xf32, #tpu.memory_space<hbm>>
        %dma_start3A_323 = arith.constant 0 : i32
        %dma_start3A_324 = arith.constant 0 : i32
        %dma_start3A_325 = tpu.memref_slice %dma_start3A_322[%dma_start3A_323, %dma_start3A_324] : memref<10000x64xf32, #tpu.memory_space<hbm>> -> memref<10000x64xf32, #tpu.memory_space<hbm>>
        tpu.enqueue_indirect_dma source(%dma_start3A_325 : memref<10000x64xf32, #tpu.memory_space<hbm>>) target(%dma_start3A_315 : memref<100x64xf32, #tpu.memory_space<vmem>>) offsets(%dma_start3A_318 : memref<100xi32, #tpu.memory_space<vmem>>) semaphore(%arg12 : memref<!tpu.dma_semaphore, #tpu.memory_space<semaphore_mem>>)
      } else {
      }
      %mul3A_203 = arith.constant 4 : i32
      %mul3A_204 = arith.muli %mul3A_203, %add3A_100 : i32
      %add3A_205 = arith.constant 2 : i32
      %add3A_206 = arith.addi %mul3A_204, %add3A_205 : i32
      %dma_wait3A_207 = arith.constant 2 : i32
      %dma_wait3A_208 = arith.constant 0 : i32
      %dma_wait3A_209 = arith.constant 0 : i32
      %dma_wait3A_210 = tpu.memref_slice %arg10[%dma_wait3A_207, %dma_wait3A_208, %dma_wait3A_209] : memref<4x100x64xf32, #tpu.memory_space<vmem>> -> memref<1x100x64xf32, #tpu.memory_space<vmem>>
      %dma_wait3A_211 = tpu.memref_squeeze %dma_wait3A_210 : memref<1x100x64xf32, #tpu.memory_space<vmem>> -> memref<100x64xf32, #tpu.memory_space<vmem>>
      %dma_wait3A_212 = arith.constant 0 : i32
      %dma_wait3A_213 = tpu.memref_slice %arg7[%add3A_206, %dma_wait3A_212] : memref<200x100xi32, #tpu.memory_space<vmem>> -> memref<1x100xi32, #tpu.memory_space<vmem>>
      %dma_wait3A_214 = tpu.memref_squeeze %dma_wait3A_213 : memref<1x100xi32, #tpu.memory_space<vmem>> -> memref<100xi32, #tpu.memory_space<vmem>>
      %dma_wait3A_215 = arith.constant 0 : i32
      %dma_wait3A_216 = arith.constant 0 : i32
      %dma_wait3A_217 = tpu.memref_slice %arg2[%arg0, %dma_wait3A_215, %dma_wait3A_216] : memref<2x10000x64xf32, #tpu.memory_space<hbm>> -> memref<1x10000x64xf32, #tpu.memory_space<hbm>>
      %dma_wait3A_218 = tpu.memref_squeeze %dma_wait3A_217 : memref<1x10000x64xf32, #tpu.memory_space<hbm>> -> memref<10000x64xf32, #tpu.memory_space<hbm>>
      %dma_wait3A_219 = arith.constant 0 : i32
      %dma_wait3A_220 = arith.constant 0 : i32
      %dma_wait3A_221 = tpu.memref_slice %dma_wait3A_218[%dma_wait3A_219, %dma_wait3A_220] : memref<10000x64xf32, #tpu.memory_space<hbm>> -> memref<10000x64xf32, #tpu.memory_space<hbm>>
      tpu.wait_indirect_dma semaphore(%arg13 : memref<!tpu.dma_semaphore, #tpu.memory_space<semaphore_mem>>) src(%dma_wait3A_221 : memref<10000x64xf32, #tpu.memory_space<hbm>>) dst(%dma_wait3A_211 : memref<100x64xf32, #tpu.memory_space<vmem>>)
      %scan3A_222 = arith.constant 0 : i32
      %scan3A_223 = arith.constant 100 : i32
      %scan3A_224 = arith.addi %scan3A_222, %scan3A_223 : i32
      %scan3A_225 = arith.constant 1 : i32
      scf.for %scan3A_309 = %scan3A_222 to %scan3A_224 step %scan3A_225  : i32 {
        %mul3A_310 = arith.constant 1 : i32
        %mul3A_311 = arith.muli %scan3A_309, %mul3A_310 : i32
        %add3A_312 = arith.constant 0 : i32
        %add3A_313 = arith.addi %add3A_312, %mul3A_311 : i32
        %mul3A_314 = arith.constant 100 : i32
        %mul3A_315 = arith.muli %add3A_206, %mul3A_314 : i32
        %add3A_316 = arith.addi %mul3A_315, %add3A_313 : i32
        %broadcast_in_dim3A_317 = vector.broadcast %add3A_316 : i32 to vector<16xi32>
        %gather3A = tpu.vector_load_idx %arg9[%broadcast_in_dim3A_317] : memref<20000xf32, #tpu.memory_space<vmem>>[vector<16xi32>], vector<16xf32>,
        %get3A = arith.constant 2 : i32
        %get3A_318 = arith.index_cast %get3A : i32 to index
        %get3A_319 = arith.index_cast %add3A_313 : i32 to index
        %get3A_320 = arith.constant 0 : index
        %get3A_321 = tpu.vector_load %arg10[%get3A_318, %get3A_319, %get3A_320] {strides = array<i32>} : memref<4x100x64xf32, #tpu.memory_space<vmem>>, vector<16xf32>,
        %mul3A_322 = arith.mulf %get3A_321, %gather3A : vector<16xf32>
        %swap3A = arith.constant 2 : i32
        %swap3A_323 = arith.index_cast %swap3A : i32 to index
        %swap3A_324 = arith.index_cast %add3A_313 : i32 to index
        %swap3A_325 = arith.constant 0 : index
        %swap3A_326 = tpu.vector_load %arg10[%swap3A_323, %swap3A_324, %swap3A_325] {strides = array<i32>} : memref<4x100x64xf32, #tpu.memory_space<vmem>>, vector<16xf32>,
        tpu.vector_store %arg10[%swap3A_323, %swap3A_324, %swap3A_325], %mul3A_322 {strides = array<i32>} : memref<4x100x64xf32, #tpu.memory_space<vmem>>, vector<16xf32>,
        %get3A_327 = arith.constant 2 : i32
        %get3A_328 = arith.index_cast %get3A_327 : i32 to index
        %get3A_329 = arith.index_cast %add3A_313 : i32 to index
        %get3A_330 = arith.constant 16 : index
        %get3A_331 = tpu.vector_load %arg10[%get3A_328, %get3A_329, %get3A_330] {strides = array<i32>} : memref<4x100x64xf32, #tpu.memory_space<vmem>>, vector<16xf32>,
        %mul3A_332 = arith.mulf %get3A_331, %gather3A : vector<16xf32>
        %swap3A_333 = arith.constant 2 : i32
        %swap3A_334 = arith.index_cast %swap3A_333 : i32 to index
        %swap3A_335 = arith.index_cast %add3A_313 : i32 to index
        %swap3A_336 = arith.constant 16 : index
        %swap3A_337 = tpu.vector_load %arg10[%swap3A_334, %swap3A_335, %swap3A_336] {strides = array<i32>} : memref<4x100x64xf32, #tpu.memory_space<vmem>>, vector<16xf32>,
        tpu.vector_store %arg10[%swap3A_334, %swap3A_335, %swap3A_336], %mul3A_332 {strides = array<i32>} : memref<4x100x64xf32, #tpu.memory_space<vmem>>, vector<16xf32>,
        %get3A_338 = arith.constant 2 : i32
        %get3A_339 = arith.index_cast %get3A_338 : i32 to index
        %get3A_340 = arith.index_cast %add3A_313 : i32 to index
        %get3A_341 = arith.constant 32 : index
        %get3A_342 = tpu.vector_load %arg10[%get3A_339, %get3A_340, %get3A_341] {strides = array<i32>} : memref<4x100x64xf32, #tpu.memory_space<vmem>>, vector<16xf32>,
        %mul3A_343 = arith.mulf %get3A_342, %gather3A : vector<16xf32>
        %swap3A_344 = arith.constant 2 : i32
        %swap3A_345 = arith.index_cast %swap3A_344 : i32 to index
        %swap3A_346 = arith.index_cast %add3A_313 : i32 to index
        %swap3A_347 = arith.constant 32 : index
        %swap3A_348 = tpu.vector_load %arg10[%swap3A_345, %swap3A_346, %swap3A_347] {strides = array<i32>} : memref<4x100x64xf32, #tpu.memory_space<vmem>>, vector<16xf32>,
        tpu.vector_store %arg10[%swap3A_345, %swap3A_346, %swap3A_347], %mul3A_343 {strides = array<i32>} : memref<4x100x64xf32, #tpu.memory_space<vmem>>, vector<16xf32>,
        %get3A_349 = arith.constant 2 : i32
        %get3A_350 = arith.index_cast %get3A_349 : i32 to index
        %get3A_351 = arith.index_cast %add3A_313 : i32 to index
        %get3A_352 = arith.constant 48 : index
        %get3A_353 = tpu.vector_load %arg10[%get3A_350, %get3A_351, %get3A_352] {strides = array<i32>} : memref<4x100x64xf32, #tpu.memory_space<vmem>>, vector<16xf32>,
        %mul3A_354 = arith.mulf %get3A_353, %gather3A : vector<16xf32>
        %swap3A_355 = arith.constant 2 : i32
        %swap3A_356 = arith.index_cast %swap3A_355 : i32 to index
        %swap3A_357 = arith.index_cast %add3A_313 : i32 to index
        %swap3A_358 = arith.constant 48 : index
        %swap3A_359 = tpu.vector_load %arg10[%swap3A_356, %swap3A_357, %swap3A_358] {strides = array<i32>} : memref<4x100x64xf32, #tpu.memory_space<vmem>>, vector<16xf32>,
        tpu.vector_store %arg10[%swap3A_356, %swap3A_357, %swap3A_358], %mul3A_354 {strides = array<i32>} : memref<4x100x64xf32, #tpu.memory_space<vmem>>, vector<16xf32>,
      }
      %scan3A_226 = arith.constant 100 : i32
      %dma_start3A_227 = arith.constant 2 : i32
      %dma_start3A_228 = arith.constant 0 : i32
      %dma_start3A_229 = arith.constant 0 : i32
      %dma_start3A_230 = tpu.memref_slice %arg10[%dma_start3A_227, %dma_start3A_228, %dma_start3A_229] : memref<4x100x64xf32, #tpu.memory_space<vmem>> -> memref<1x100x64xf32, #tpu.memory_space<vmem>>
      %dma_start3A_231 = tpu.memref_squeeze %dma_start3A_230 : memref<1x100x64xf32, #tpu.memory_space<vmem>> -> memref<100x64xf32, #tpu.memory_space<vmem>>
      %dma_start3A_232 = arith.constant 0 : i32
      %dma_start3A_233 = tpu.memref_slice %arg8[%add3A_206, %dma_start3A_232] : memref<200x100xi32, #tpu.memory_space<vmem>> -> memref<1x100xi32, #tpu.memory_space<vmem>>
      %dma_start3A_234 = tpu.memref_squeeze %dma_start3A_233 : memref<1x100xi32, #tpu.memory_space<vmem>> -> memref<100xi32, #tpu.memory_space<vmem>>
      %dma_start3A_235 = arith.constant 0 : i32
      %dma_start3A_236 = arith.constant 0 : i32
      %dma_start3A_237 = tpu.memref_slice %arg16[%dma_start3A_235, %dma_start3A_236] : memref<10000x64xf32, #tpu.memory_space<vmem_shared>> -> memref<10000x64xf32, #tpu.memory_space<vmem_shared>>
      tpu.enqueue_indirect_dma source(%dma_start3A_231 : memref<100x64xf32, #tpu.memory_space<vmem>>) target(%dma_start3A_237 : memref<10000x64xf32, #tpu.memory_space<vmem_shared>>) offsets(%dma_start3A_234 : memref<100xi32, #tpu.memory_space<vmem>>) semaphore(%arg15 : memref<!tpu.dma_semaphore, #tpu.memory_space<semaphore_mem>>) {add = true}
      %dma_wait3A_238 = arith.constant 2 : i32
      %dma_wait3A_239 = arith.constant 0 : i32
      %dma_wait3A_240 = arith.constant 0 : i32
      %dma_wait3A_241 = tpu.memref_slice %arg10[%dma_wait3A_238, %dma_wait3A_239, %dma_wait3A_240] : memref<4x100x64xf32, #tpu.memory_space<vmem>> -> memref<1x100x64xf32, #tpu.memory_space<vmem>>
      %dma_wait3A_242 = tpu.memref_squeeze %dma_wait3A_241 : memref<1x100x64xf32, #tpu.memory_space<vmem>> -> memref<100x64xf32, #tpu.memory_space<vmem>>
      %dma_wait3A_243 = arith.constant 0 : i32
      %dma_wait3A_244 = tpu.memref_slice %arg8[%add3A_206, %dma_wait3A_243] : memref<200x100xi32, #tpu.memory_space<vmem>> -> memref<1x100xi32, #tpu.memory_space<vmem>>
      %dma_wait3A_245 = tpu.memref_squeeze %dma_wait3A_244 : memref<1x100xi32, #tpu.memory_space<vmem>> -> memref<100xi32, #tpu.memory_space<vmem>>
      %dma_wait3A_246 = arith.constant 0 : i32
      %dma_wait3A_247 = arith.constant 0 : i32
      %dma_wait3A_248 = tpu.memref_slice %arg16[%dma_wait3A_246, %dma_wait3A_247] : memref<10000x64xf32, #tpu.memory_space<vmem_shared>> -> memref<10000x64xf32, #tpu.memory_space<vmem_shared>>
      tpu.wait_indirect_dma semaphore(%arg15 : memref<!tpu.dma_semaphore, #tpu.memory_space<semaphore_mem>>) src(%dma_wait3A_242 : memref<100x64xf32, #tpu.memory_space<vmem>>) dst(%dma_wait3A_248 : memref<10000x64xf32, #tpu.memory_space<vmem_shared>>)
      %add3A_249 = arith.constant 4 : i32
      %add3A_250 = arith.addi %add3A_206, %add3A_249 : i32
      %lt3A_251 = arith.constant 200 : i32
      %lt3A_252 = arith.cmpi slt, %add3A_250, %lt3A_251 : i32
      %convert_element_type3A_253 = arith.extui %lt3A_252 : i1 to i32
      %cond3A_254 = arith.constant 0 : i32
      %cond3A_255 = arith.cmpi ne, %convert_element_type3A_253, %cond3A_254 : i32
      scf.if %cond3A_255 {
        %add3A_309 = arith.constant 4 : i32
        %add3A_310 = arith.addi %add3A_206, %add3A_309 : i32
        %dma_start3A_311 = arith.constant 2 : i32
        %dma_start3A_312 = arith.constant 0 : i32
        %dma_start3A_313 = arith.constant 0 : i32
        %dma_start3A_314 = tpu.memref_slice %arg10[%dma_start3A_311, %dma_start3A_312, %dma_start3A_313] : memref<4x100x64xf32, #tpu.memory_space<vmem>> -> memref<1x100x64xf32, #tpu.memory_space<vmem>>
        %dma_start3A_315 = tpu.memref_squeeze %dma_start3A_314 : memref<1x100x64xf32, #tpu.memory_space<vmem>> -> memref<100x64xf32, #tpu.memory_space<vmem>>
        %dma_start3A_316 = arith.constant 0 : i32
        %dma_start3A_317 = tpu.memref_slice %arg7[%add3A_310, %dma_start3A_316] : memref<200x100xi32, #tpu.memory_space<vmem>> -> memref<1x100xi32, #tpu.memory_space<vmem>>
        %dma_start3A_318 = tpu.memref_squeeze %dma_start3A_317 : memref<1x100xi32, #tpu.memory_space<vmem>> -> memref<100xi32, #tpu.memory_space<vmem>>
        %dma_start3A_319 = arith.constant 0 : i32
        %dma_start3A_320 = arith.constant 0 : i32
        %dma_start3A_321 = tpu.memref_slice %arg2[%arg0, %dma_start3A_319, %dma_start3A_320] : memref<2x10000x64xf32, #tpu.memory_space<hbm>> -> memref<1x10000x64xf32, #tpu.memory_space<hbm>>
        %dma_start3A_322 = tpu.memref_squeeze %dma_start3A_321 : memref<1x10000x64xf32, #tpu.memory_space<hbm>> -> memref<10000x64xf32, #tpu.memory_space<hbm>>
        %dma_start3A_323 = arith.constant 0 : i32
        %dma_start3A_324 = arith.constant 0 : i32
        %dma_start3A_325 = tpu.memref_slice %dma_start3A_322[%dma_start3A_323, %dma_start3A_324] : memref<10000x64xf32, #tpu.memory_space<hbm>> -> memref<10000x64xf32, #tpu.memory_space<hbm>>
        tpu.enqueue_indirect_dma source(%dma_start3A_325 : memref<10000x64xf32, #tpu.memory_space<hbm>>) target(%dma_start3A_315 : memref<100x64xf32, #tpu.memory_space<vmem>>) offsets(%dma_start3A_318 : memref<100xi32, #tpu.memory_space<vmem>>) semaphore(%arg13 : memref<!tpu.dma_semaphore, #tpu.memory_space<semaphore_mem>>)
      } else {
      }
      %mul3A_256 = arith.constant 4 : i32
      %mul3A_257 = arith.muli %mul3A_256, %add3A_100 : i32
      %add3A_258 = arith.constant 3 : i32
      %add3A_259 = arith.addi %mul3A_257, %add3A_258 : i32
      %dma_wait3A_260 = arith.constant 3 : i32
      %dma_wait3A_261 = arith.constant 0 : i32
      %dma_wait3A_262 = arith.constant 0 : i32
      %dma_wait3A_263 = tpu.memref_slice %arg10[%dma_wait3A_260, %dma_wait3A_261, %dma_wait3A_262] : memref<4x100x64xf32, #tpu.memory_space<vmem>> -> memref<1x100x64xf32, #tpu.memory_space<vmem>>
      %dma_wait3A_264 = tpu.memref_squeeze %dma_wait3A_263 : memref<1x100x64xf32, #tpu.memory_space<vmem>> -> memref<100x64xf32, #tpu.memory_space<vmem>>
      %dma_wait3A_265 = arith.constant 0 : i32
      %dma_wait3A_266 = tpu.memref_slice %arg7[%add3A_259, %dma_wait3A_265] : memref<200x100xi32, #tpu.memory_space<vmem>> -> memref<1x100xi32, #tpu.memory_space<vmem>>
      %dma_wait3A_267 = tpu.memref_squeeze %dma_wait3A_266 : memref<1x100xi32, #tpu.memory_space<vmem>> -> memref<100xi32, #tpu.memory_space<vmem>>
      %dma_wait3A_268 = arith.constant 0 : i32
      %dma_wait3A_269 = arith.constant 0 : i32
      %dma_wait3A_270 = tpu.memref_slice %arg2[%arg0, %dma_wait3A_268, %dma_wait3A_269] : memref<2x10000x64xf32, #tpu.memory_space<hbm>> -> memref<1x10000x64xf32, #tpu.memory_space<hbm>>
      %dma_wait3A_271 = tpu.memref_squeeze %dma_wait3A_270 : memref<1x10000x64xf32, #tpu.memory_space<hbm>> -> memref<10000x64xf32, #tpu.memory_space<hbm>>
      %dma_wait3A_272 = arith.constant 0 : i32
      %dma_wait3A_273 = arith.constant 0 : i32
      %dma_wait3A_274 = tpu.memref_slice %dma_wait3A_271[%dma_wait3A_272, %dma_wait3A_273] : memref<10000x64xf32, #tpu.memory_space<hbm>> -> memref<10000x64xf32, #tpu.memory_space<hbm>>
      tpu.wait_indirect_dma semaphore(%arg14 : memref<!tpu.dma_semaphore, #tpu.memory_space<semaphore_mem>>) src(%dma_wait3A_274 : memref<10000x64xf32, #tpu.memory_space<hbm>>) dst(%dma_wait3A_264 : memref<100x64xf32, #tpu.memory_space<vmem>>)
      %scan3A_275 = arith.constant 0 : i32
      %scan3A_276 = arith.constant 100 : i32
      %scan3A_277 = arith.addi %scan3A_275, %scan3A_276 : i32
      %scan3A_278 = arith.constant 1 : i32
      scf.for %scan3A_309 = %scan3A_275 to %scan3A_277 step %scan3A_278  : i32 {
        %mul3A_310 = arith.constant 1 : i32
        %mul3A_311 = arith.muli %scan3A_309, %mul3A_310 : i32
        %add3A_312 = arith.constant 0 : i32
        %add3A_313 = arith.addi %add3A_312, %mul3A_311 : i32
        %mul3A_314 = arith.constant 100 : i32
        %mul3A_315 = arith.muli %add3A_259, %mul3A_314 : i32
        %add3A_316 = arith.addi %mul3A_315, %add3A_313 : i32
        %broadcast_in_dim3A_317 = vector.broadcast %add3A_316 : i32 to vector<16xi32>
        %gather3A = tpu.vector_load_idx %arg9[%broadcast_in_dim3A_317] : memref<20000xf32, #tpu.memory_space<vmem>>[vector<16xi32>], vector<16xf32>,
        %get3A = arith.constant 3 : i32
        %get3A_318 = arith.index_cast %get3A : i32 to index
        %get3A_319 = arith.index_cast %add3A_313 : i32 to index
        %get3A_320 = arith.constant 0 : index
        %get3A_321 = tpu.vector_load %arg10[%get3A_318, %get3A_319, %get3A_320] {strides = array<i32>} : memref<4x100x64xf32, #tpu.memory_space<vmem>>, vector<16xf32>,
        %mul3A_322 = arith.mulf %get3A_321, %gather3A : vector<16xf32>
        %swap3A = arith.constant 3 : i32
        %swap3A_323 = arith.index_cast %swap3A : i32 to index
        %swap3A_324 = arith.index_cast %add3A_313 : i32 to index
        %swap3A_325 = arith.constant 0 : index
        %swap3A_326 = tpu.vector_load %arg10[%swap3A_323, %swap3A_324, %swap3A_325] {strides = array<i32>} : memref<4x100x64xf32, #tpu.memory_space<vmem>>, vector<16xf32>,
        tpu.vector_store %arg10[%swap3A_323, %swap3A_324, %swap3A_325], %mul3A_322 {strides = array<i32>} : memref<4x100x64xf32, #tpu.memory_space<vmem>>, vector<16xf32>,
        %get3A_327 = arith.constant 3 : i32
        %get3A_328 = arith.index_cast %get3A_327 : i32 to index
        %get3A_329 = arith.index_cast %add3A_313 : i32 to index
        %get3A_330 = arith.constant 16 : index
        %get3A_331 = tpu.vector_load %arg10[%get3A_328, %get3A_329, %get3A_330] {strides = array<i32>} : memref<4x100x64xf32, #tpu.memory_space<vmem>>, vector<16xf32>,
        %mul3A_332 = arith.mulf %get3A_331, %gather3A : vector<16xf32>
        %swap3A_333 = arith.constant 3 : i32
        %swap3A_334 = arith.index_cast %swap3A_333 : i32 to index
        %swap3A_335 = arith.index_cast %add3A_313 : i32 to index
        %swap3A_336 = arith.constant 16 : index
        %swap3A_337 = tpu.vector_load %arg10[%swap3A_334, %swap3A_335, %swap3A_336] {strides = array<i32>} : memref<4x100x64xf32, #tpu.memory_space<vmem>>, vector<16xf32>,
        tpu.vector_store %arg10[%swap3A_334, %swap3A_335, %swap3A_336], %mul3A_332 {strides = array<i32>} : memref<4x100x64xf32, #tpu.memory_space<vmem>>, vector<16xf32>,
        %get3A_338 = arith.constant 3 : i32
        %get3A_339 = arith.index_cast %get3A_338 : i32 to index
        %get3A_340 = arith.index_cast %add3A_313 : i32 to index
        %get3A_341 = arith.constant 32 : index
        %get3A_342 = tpu.vector_load %arg10[%get3A_339, %get3A_340, %get3A_341] {strides = array<i32>} : memref<4x100x64xf32, #tpu.memory_space<vmem>>, vector<16xf32>,
        %mul3A_343 = arith.mulf %get3A_342, %gather3A : vector<16xf32>
        %swap3A_344 = arith.constant 3 : i32
        %swap3A_345 = arith.index_cast %swap3A_344 : i32 to index
        %swap3A_346 = arith.index_cast %add3A_313 : i32 to index
        %swap3A_347 = arith.constant 32 : index
        %swap3A_348 = tpu.vector_load %arg10[%swap3A_345, %swap3A_346, %swap3A_347] {strides = array<i32>} : memref<4x100x64xf32, #tpu.memory_space<vmem>>, vector<16xf32>,
        tpu.vector_store %arg10[%swap3A_345, %swap3A_346, %swap3A_347], %mul3A_343 {strides = array<i32>} : memref<4x100x64xf32, #tpu.memory_space<vmem>>, vector<16xf32>,
        %get3A_349 = arith.constant 3 : i32
        %get3A_350 = arith.index_cast %get3A_349 : i32 to index
        %get3A_351 = arith.index_cast %add3A_313 : i32 to index
        %get3A_352 = arith.constant 48 : index
        %get3A_353 = tpu.vector_load %arg10[%get3A_350, %get3A_351, %get3A_352] {strides = array<i32>} : memref<4x100x64xf32, #tpu.memory_space<vmem>>, vector<16xf32>,
        %mul3A_354 = arith.mulf %get3A_353, %gather3A : vector<16xf32>
        %swap3A_355 = arith.constant 3 : i32
        %swap3A_356 = arith.index_cast %swap3A_355 : i32 to index
        %swap3A_357 = arith.index_cast %add3A_313 : i32 to index
        %swap3A_358 = arith.constant 48 : index
        %swap3A_359 = tpu.vector_load %arg10[%swap3A_356, %swap3A_357, %swap3A_358] {strides = array<i32>} : memref<4x100x64xf32, #tpu.memory_space<vmem>>, vector<16xf32>,
        tpu.vector_store %arg10[%swap3A_356, %swap3A_357, %swap3A_358], %mul3A_354 {strides = array<i32>} : memref<4x100x64xf32, #tpu.memory_space<vmem>>, vector<16xf32>,
      }
      %scan3A_279 = arith.constant 100 : i32
      %dma_start3A_280 = arith.constant 3 : i32
      %dma_start3A_281 = arith.constant 0 : i32
      %dma_start3A_282 = arith.constant 0 : i32
      %dma_start3A_283 = tpu.memref_slice %arg10[%dma_start3A_280, %dma_start3A_281, %dma_start3A_282] : memref<4x100x64xf32, #tpu.memory_space<vmem>> -> memref<1x100x64xf32, #tpu.memory_space<vmem>>
      %dma_start3A_284 = tpu.memref_squeeze %dma_start3A_283 : memref<1x100x64xf32, #tpu.memory_space<vmem>> -> memref<100x64xf32, #tpu.memory_space<vmem>>
      %dma_start3A_285 = arith.constant 0 : i32
      %dma_start3A_286 = tpu.memref_slice %arg8[%add3A_259, %dma_start3A_285] : memref<200x100xi32, #tpu.memory_space<vmem>> -> memref<1x100xi32, #tpu.memory_space<vmem>>
      %dma_start3A_287 = tpu.memref_squeeze %dma_start3A_286 : memref<1x100xi32, #tpu.memory_space<vmem>> -> memref<100xi32, #tpu.memory_space<vmem>>
      %dma_start3A_288 = arith.constant 0 : i32
      %dma_start3A_289 = arith.constant 0 : i32
      %dma_start3A_290 = tpu.memref_slice %arg16[%dma_start3A_288, %dma_start3A_289] : memref<10000x64xf32, #tpu.memory_space<vmem_shared>> -> memref<10000x64xf32, #tpu.memory_space<vmem_shared>>
      tpu.enqueue_indirect_dma source(%dma_start3A_284 : memref<100x64xf32, #tpu.memory_space<vmem>>) target(%dma_start3A_290 : memref<10000x64xf32, #tpu.memory_space<vmem_shared>>) offsets(%dma_start3A_287 : memref<100xi32, #tpu.memory_space<vmem>>) semaphore(%arg15 : memref<!tpu.dma_semaphore, #tpu.memory_space<semaphore_mem>>) {add = true}
      %dma_wait3A_291 = arith.constant 3 : i32
      %dma_wait3A_292 = arith.constant 0 : i32
      %dma_wait3A_293 = arith.constant 0 : i32
      %dma_wait3A_294 = tpu.memref_slice %arg10[%dma_wait3A_291, %dma_wait3A_292, %dma_wait3A_293] : memref<4x100x64xf32, #tpu.memory_space<vmem>> -> memref<1x100x64xf32, #tpu.memory_space<vmem>>
      %dma_wait3A_295 = tpu.memref_squeeze %dma_wait3A_294 : memref<1x100x64xf32, #tpu.memory_space<vmem>> -> memref<100x64xf32, #tpu.memory_space<vmem>>
      %dma_wait3A_296 = arith.constant 0 : i32
      %dma_wait3A_297 = tpu.memref_slice %arg8[%add3A_259, %dma_wait3A_296] : memref<200x100xi32, #tpu.memory_space<vmem>> -> memref<1x100xi32, #tpu.memory_space<vmem>>
      %dma_wait3A_298 = tpu.memref_squeeze %dma_wait3A_297 : memref<1x100xi32, #tpu.memory_space<vmem>> -> memref<100xi32, #tpu.memory_space<vmem>>
      %dma_wait3A_299 = arith.constant 0 : i32
      %dma_wait3A_300 = arith.constant 0 : i32
      %dma_wait3A_301 = tpu.memref_slice %arg16[%dma_wait3A_299, %dma_wait3A_300] : memref<10000x64xf32, #tpu.memory_space<vmem_shared>> -> memref<10000x64xf32, #tpu.memory_space<vmem_shared>>
      tpu.wait_indirect_dma semaphore(%arg15 : memref<!tpu.dma_semaphore, #tpu.memory_space<semaphore_mem>>) src(%dma_wait3A_295 : memref<100x64xf32, #tpu.memory_space<vmem>>) dst(%dma_wait3A_301 : memref<10000x64xf32, #tpu.memory_space<vmem_shared>>)
      %add3A_302 = arith.constant 4 : i32
      %add3A_303 = arith.addi %add3A_259, %add3A_302 : i32
      %lt3A_304 = arith.constant 200 : i32
      %lt3A_305 = arith.cmpi slt, %add3A_303, %lt3A_304 : i32
      %convert_element_type3A_306 = arith.extui %lt3A_305 : i1 to i32
      %cond3A_307 = arith.constant 0 : i32
      %cond3A_308 = arith.cmpi ne, %convert_element_type3A_306, %cond3A_307 : i32
      scf.if %cond3A_308 {
        %add3A_309 = arith.constant 4 : i32
        %add3A_310 = arith.addi %add3A_259, %add3A_309 : i32
        %dma_start3A_311 = arith.constant 3 : i32
        %dma_start3A_312 = arith.constant 0 : i32
        %dma_start3A_313 = arith.constant 0 : i32
        %dma_start3A_314 = tpu.memref_slice %arg10[%dma_start3A_311, %dma_start3A_312, %dma_start3A_313] : memref<4x100x64xf32, #tpu.memory_space<vmem>> -> memref<1x100x64xf32, #tpu.memory_space<vmem>>
        %dma_start3A_315 = tpu.memref_squeeze %dma_start3A_314 : memref<1x100x64xf32, #tpu.memory_space<vmem>> -> memref<100x64xf32, #tpu.memory_space<vmem>>
        %dma_start3A_316 = arith.constant 0 : i32
        %dma_start3A_317 = tpu.memref_slice %arg7[%add3A_310, %dma_start3A_316] : memref<200x100xi32, #tpu.memory_space<vmem>> -> memref<1x100xi32, #tpu.memory_space<vmem>>
        %dma_start3A_318 = tpu.memref_squeeze %dma_start3A_317 : memref<1x100xi32, #tpu.memory_space<vmem>> -> memref<100xi32, #tpu.memory_space<vmem>>
        %dma_start3A_319 = arith.constant 0 : i32
        %dma_start3A_320 = arith.constant 0 : i32
        %dma_start3A_321 = tpu.memref_slice %arg2[%arg0, %dma_start3A_319, %dma_start3A_320] : memref<2x10000x64xf32, #tpu.memory_space<hbm>> -> memref<1x10000x64xf32, #tpu.memory_space<hbm>>
        %dma_start3A_322 = tpu.memref_squeeze %dma_start3A_321 : memref<1x10000x64xf32, #tpu.memory_space<hbm>> -> memref<10000x64xf32, #tpu.memory_space<hbm>>
        %dma_start3A_323 = arith.constant 0 : i32
        %dma_start3A_324 = arith.constant 0 : i32
        %dma_start3A_325 = tpu.memref_slice %dma_start3A_322[%dma_start3A_323, %dma_start3A_324] : memref<10000x64xf32, #tpu.memory_space<hbm>> -> memref<10000x64xf32, #tpu.memory_space<hbm>>
        tpu.enqueue_indirect_dma source(%dma_start3A_325 : memref<10000x64xf32, #tpu.memory_space<hbm>>) target(%dma_start3A_315 : memref<100x64xf32, #tpu.memory_space<vmem>>) offsets(%dma_start3A_318 : memref<100xi32, #tpu.memory_space<vmem>>) semaphore(%arg14 : memref<!tpu.dma_semaphore, #tpu.memory_space<semaphore_mem>>)
      } else {
      }
    }
    %scan3A_94 = arith.constant 50 : i32
    %barrier3A_95 = arith.constant 0 : index
    tpu.barrier barrier_id(%barrier3A_95)
    "tpu.region"() ({
      %run_scoped3A_96 = tpu.sem_alloc : memref<!tpu.dma_semaphore, #tpu.memory_space<semaphore_mem>>
      %dma_start3A_97 = arith.constant 0 : i32
      %dma_start3A_98 = tpu.memref_slice %arg6[%arg0, %mul3A_7, %dma_start3A_97] : memref<2x10000x64xf32, #tpu.memory_space<hbm>> -> memref<1x640x64xf32, #tpu.memory_space<hbm>>
      %dma_start3A_99 = tpu.memref_squeeze %dma_start3A_98 : memref<1x640x64xf32, #tpu.memory_space<hbm>> -> memref<640x64xf32, #tpu.memory_space<hbm>>
      %dma_start3A_100 = arith.constant 0 : i32
      %dma_start3A_101 = tpu.memref_slice %arg16[%mul3A_7, %dma_start3A_100] : memref<10000x64xf32, #tpu.memory_space<vmem_shared>> -> memref<640x64xf32, #tpu.memory_space<vmem_shared>>
      tpu.enqueue_dma source(%dma_start3A_101 : memref<640x64xf32, #tpu.memory_space<vmem_shared>>) target(%dma_start3A_99 : memref<640x64xf32, #tpu.memory_space<hbm>>) target_semaphore(%run_scoped3A_96 : memref<!tpu.dma_semaphore, #tpu.memory_space<semaphore_mem>>)
      %dma_wait3A = arith.constant 0 : i32
      %dma_wait3A_102 = tpu.memref_slice %arg6[%arg0, %mul3A_7, %dma_wait3A] : memref<2x10000x64xf32, #tpu.memory_space<hbm>> -> memref<1x640x64xf32, #tpu.memory_space<hbm>>
      %dma_wait3A_103 = tpu.memref_squeeze %dma_wait3A_102 : memref<1x640x64xf32, #tpu.memory_space<hbm>> -> memref<640x64xf32, #tpu.memory_space<hbm>>
      %dma_wait3A_104 = arith.constant 0 : i32
      %dma_wait3A_105 = tpu.memref_slice %arg16[%mul3A_7, %dma_wait3A_104] : memref<10000x64xf32, #tpu.memory_space<vmem_shared>> -> memref<640x64xf32, #tpu.memory_space<vmem_shared>>
      tpu.wait_dma2 semaphore(%run_scoped3A_96 : memref<!tpu.dma_semaphore, #tpu.memory_space<semaphore_mem>>) src(%dma_wait3A_105 : memref<640x64xf32, #tpu.memory_space<vmem_shared>>) dst(%dma_wait3A_103 : memref<640x64xf32, #tpu.memory_space<hbm>>)
      tpu.yield
    }) : () -> ()
    return
  }
}

#map = affine_map<(d0, d1) -> (0, 0, 0)>
#map1 = affine_map<(d0, d1) -> (0)>
module attributes {stable_mosaic.version = 14 : i64} {
  func.func @_mp_kernel(%arg0: i32, %arg1: i32, %arg2: memref<2x10000x64xf32, #tpu.memory_space<hbm>>, %arg3: memref<16x200x100xi32, #tpu.memory_space<hbm>>, %arg4: memref<16x200x100xi32, #tpu.memory_space<hbm>>, %arg5: memref<320000xf32, #tpu.memory_space<hbm>>, %arg6: memref<2x10000x64xf32, #tpu.memory_space<hbm>>, %arg7: memref<200x100xi32, #tpu.memory_space<vmem>>, %arg8: memref<200x100xi32, #tpu.memory_space<vmem>>, %arg9: memref<20000xf32, #tpu.memory_space<vmem>>, %arg10: memref<4x100x64xf32, #tpu.memory_space<vmem>>, %arg11: memref<!tpu.dma_semaphore, #tpu.memory_space<semaphore_mem>>, %arg12: memref<!tpu.dma_semaphore, #tpu.memory_space<semaphore_mem>>, %arg13: memref<!tpu.dma_semaphore, #tpu.memory_space<semaphore_mem>>, %arg14: memref<!tpu.dma_semaphore, #tpu.memory_space<semaphore_mem>>, %arg15: memref<!tpu.dma_semaphore, #tpu.memory_space<semaphore_mem>>, %arg16: memref<10000x64xf32, #tpu.memory_space<vmem_shared>>) attributes {dimension_semantics = [#tpu.dimension_semantics<core_parallel>, #tpu.dimension_semantics<subcore_parallel>], iteration_bounds = array<i64: 2, 16>, scalar_prefetch = 0 : i64, scratch_operands = 10 : i64, tpu.core_type = #tpu.core_type<sc_vector_subcore>, window_params = [{transform_indices = #map}, {transform_indices = #map}, {transform_indices = #map}, {transform_indices = #map1}, {transform_indices = #map}]} {
    "tpu.region"() ({
      %run_scoped3A_96 = tpu.sem_alloc : memref<!tpu.dma_semaphore, #tpu.memory_space<semaphore_mem>>
      %dma_start3A_97 = arith.constant 0 : i32
      %dma_start3A_98 = arith.constant 0 : i32
      %dma_start3A_99 = tpu.memref_slice %arg3[%arg1, %dma_start3A_97, %dma_start3A_98] : memref<16x200x100xi32, #tpu.memory_space<hbm>> -> memref<1x200x100xi32, #tpu.memory_space<hbm>>
      %dma_start3A_100 = tpu.memref_squeeze %dma_start3A_99 : memref<1x200x100xi32, #tpu.memory_space<hbm>> -> memref<200x100xi32, #tpu.memory_space<hbm>>
      %dma_start3A_101 = arith.constant 0 : i32
      %dma_start3A_102 = arith.constant 0 : i32
      %dma_start3A_103 = tpu.memref_slice %arg3[%arg1, %dma_start3A_101, %dma_start3A_102] : memref<16x200x100xi32, #tpu.memory_space<hbm>> -> memref<1x200x100xi32, #tpu.memory_space<hbm>>
      %dma_start3A_104 = tpu.memref_squeeze %dma_start3A_103 : memref<1x200x100xi32, #tpu.memory_space<hbm>> -> memref<200x100xi32, #tpu.memory_space<hbm>>
      tpu.enqueue_dma source(%dma_start3A_104 : memref<200x100xi32, #tpu.memory_space<hbm>>) target(%arg7 : memref<200x100xi32, #tpu.memory_space<vmem>>) target_semaphore(%run_scoped3A_96 : memref<!tpu.dma_semaphore, #tpu.memory_space<semaphore_mem>>)
      %dma_wait3A = arith.constant 0 : i32
      %dma_wait3A_105 = arith.constant 0 : i32
      %dma_wait3A_106 = tpu.memref_slice %arg3[%arg1, %dma_wait3A, %dma_wait3A_105] : memref<16x200x100xi32, #tpu.memory_space<hbm>> -> memref<1x200x100xi32, #tpu.memory_space<hbm>>
      %dma_wait3A_107 = tpu.memref_squeeze %dma_wait3A_106 : memref<1x200x100xi32, #tpu.memory_space<hbm>> -> memref<200x100xi32, #tpu.memory_space<hbm>>
      %dma_wait3A_108 = arith.constant 0 : i32
      %dma_wait3A_109 = arith.constant 0 : i32
      %dma_wait3A_110 = tpu.memref_slice %arg3[%arg1, %dma_wait3A_108, %dma_wait3A_109] : memref<16x200x100xi32, #tpu.memory_space<hbm>> -> memref<1x200x100xi32, #tpu.memory_space<hbm>>
      %dma_wait3A_111 = tpu.memref_squeeze %dma_wait3A_110 : memref<1x200x100xi32, #tpu.memory_space<hbm>> -> memref<200x100xi32, #tpu.memory_space<hbm>>
      tpu.wait_dma2 semaphore(%run_scoped3A_96 : memref<!tpu.dma_semaphore, #tpu.memory_space<semaphore_mem>>) src(%dma_wait3A_111 : memref<200x100xi32, #tpu.memory_space<hbm>>) dst(%arg7 : memref<200x100xi32, #tpu.memory_space<vmem>>)
      tpu.yield
    }) : () -> ()
    "tpu.region"() ({
      %run_scoped3A_96 = tpu.sem_alloc : memref<!tpu.dma_semaphore, #tpu.memory_space<semaphore_mem>>
      %dma_start3A_97 = arith.constant 0 : i32
      %dma_start3A_98 = arith.constant 0 : i32
      %dma_start3A_99 = tpu.memref_slice %arg4[%arg1, %dma_start3A_97, %dma_start3A_98] : memref<16x200x100xi32, #tpu.memory_space<hbm>> -> memref<1x200x100xi32, #tpu.memory_space<hbm>>
      %dma_start3A_100 = tpu.memref_squeeze %dma_start3A_99 : memref<1x200x100xi32, #tpu.memory_space<hbm>> -> memref<200x100xi32, #tpu.memory_space<hbm>>
      %dma_start3A_101 = arith.constant 0 : i32
      %dma_start3A_102 = arith.constant 0 : i32
      %dma_start3A_103 = tpu.memref_slice %arg4[%arg1, %dma_start3A_101, %dma_start3A_102] : memref<16x200x100xi32, #tpu.memory_space<hbm>> -> memref<1x200x100xi32, #tpu.memory_space<hbm>>
      %dma_start3A_104 = tpu.memref_squeeze %dma_start3A_103 : memref<1x200x100xi32, #tpu.memory_space<hbm>> -> memref<200x100xi32, #tpu.memory_space<hbm>>
      tpu.enqueue_dma source(%dma_start3A_104 : memref<200x100xi32, #tpu.memory_space<hbm>>) target(%arg8 : memref<200x100xi32, #tpu.memory_space<vmem>>) target_semaphore(%run_scoped3A_96 : memref<!tpu.dma_semaphore, #tpu.memory_space<semaphore_mem>>)
      %dma_wait3A = arith.constant 0 : i32
      %dma_wait3A_105 = arith.constant 0 : i32
      %dma_wait3A_106 = tpu.memref_slice %arg4[%arg1, %dma_wait3A, %dma_wait3A_105] : memref<16x200x100xi32, #tpu.memory_space<hbm>> -> memref<1x200x100xi32, #tpu.memory_space<hbm>>
      %dma_wait3A_107 = tpu.memref_squeeze %dma_wait3A_106 : memref<1x200x100xi32, #tpu.memory_space<hbm>> -> memref<200x100xi32, #tpu.memory_space<hbm>>
      %dma_wait3A_108 = arith.constant 0 : i32
      %dma_wait3A_109 = arith.constant 0 : i32
      %dma_wait3A_110 = tpu.memref_slice %arg4[%arg1, %dma_wait3A_108, %dma_wait3A_109] : memref<16x200x100xi32, #tpu.memory_space<hbm>> -> memref<1x200x100xi32, #tpu.memory_space<hbm>>
      %dma_wait3A_111 = tpu.memref_squeeze %dma_wait3A_110 : memref<1x200x100xi32, #tpu.memory_space<hbm>> -> memref<200x100xi32, #tpu.memory_space<hbm>>
      tpu.wait_dma2 semaphore(%run_scoped3A_96 : memref<!tpu.dma_semaphore, #tpu.memory_space<semaphore_mem>>) src(%dma_wait3A_111 : memref<200x100xi32, #tpu.memory_space<hbm>>) dst(%arg8 : memref<200x100xi32, #tpu.memory_space<vmem>>)
      tpu.yield
    }) : () -> ()
    %mul3A = arith.constant 20000 : i32
    %mul3A_0 = arith.muli %arg1, %mul3A : i32
    "tpu.region"() ({
      %run_scoped3A_96 = tpu.sem_alloc : memref<!tpu.dma_semaphore, #tpu.memory_space<semaphore_mem>>
      %dma_start3A_97 = tpu.memref_slice %arg5[%mul3A_0] : memref<320000xf32, #tpu.memory_space<hbm>> -> memref<20000xf32, #tpu.memory_space<hbm>>
      %dma_start3A_98 = tpu.memref_slice %arg5[%mul3A_0] : memref<320000xf32, #tpu.memory_space<hbm>> -> memref<20000xf32, #tpu.memory_space<hbm>>
      tpu.enqueue_dma source(%dma_start3A_98 : memref<20000xf32, #tpu.memory_space<hbm>>) target(%arg9 : memref<20000xf32, #tpu.memory_space<vmem>>) target_semaphore(%run_scoped3A_96 : memref<!tpu.dma_semaphore, #tpu.memory_space<semaphore_mem>>)
      %dma_wait3A = tpu.memref_slice %arg5[%mul3A_0] : memref<320000xf32, #tpu.memory_space<hbm>> -> memref<20000xf32, #tpu.memory_space<hbm>>
      %dma_wait3A_99 = tpu.memref_slice %arg5[%mul3A_0] : memref<320000xf32, #tpu.memory_space<hbm>> -> memref<20000xf32, #tpu.memory_space<hbm>>
      tpu.wait_dma2 semaphore(%run_scoped3A_96 : memref<!tpu.dma_semaphore, #tpu.memory_space<semaphore_mem>>) src(%dma_wait3A_99 : memref<20000xf32, #tpu.memory_space<hbm>>) dst(%arg9 : memref<20000xf32, #tpu.memory_space<vmem>>)
      tpu.yield
    }) : () -> ()
    %broadcast_in_dim3A = arith.constant 0.000000e+00 : f32
    %broadcast_in_dim3A_1 = vector.broadcast %broadcast_in_dim3A : f32 to vector<16xf32>
    %scan3A = arith.constant 0 : i32
    %scan3A_2 = arith.constant 100 : i32
    %scan3A_3 = arith.addi %scan3A, %scan3A_2 : i32
    %scan3A_4 = arith.constant 1 : i32
    scf.for %scan3A_96 = %scan3A to %scan3A_3 step %scan3A_4  : i32 {
      %mul3A_97 = arith.constant 1 : i32
      %mul3A_98 = arith.muli %scan3A_96, %mul3A_97 : i32
      %add3A_99 = arith.constant 0 : i32
      %add3A_100 = arith.addi %add3A_99, %mul3A_98 : i32
      %swap3A = arith.constant 0 : i32
      %swap3A_101 = arith.index_cast %swap3A : i32 to index
      %swap3A_102 = arith.index_cast %add3A_100 : i32 to index
      %swap3A_103 = arith.constant 0 : index
      %swap3A_104 = tpu.vector_load %arg10[%swap3A_101, %swap3A_102, %swap3A_103] {strides = array<i32>} : memref<4x100x64xf32, #tpu.memory_space<vmem>>, vector<16xf32>,
      tpu.vector_store %arg10[%swap3A_101, %swap3A_102, %swap3A_103], %broadcast_in_dim3A_1 {strides = array<i32>} : memref<4x100x64xf32, #tpu.memory_space<vmem>>, vector<16xf32>,
      %swap3A_105 = arith.constant 0 : i32
      %swap3A_106 = arith.index_cast %swap3A_105 : i32 to index
      %swap3A_107 = arith.index_cast %add3A_100 : i32 to index
      %swap3A_108 = arith.constant 16 : index
      %swap3A_109 = tpu.vector_load %arg10[%swap3A_106, %swap3A_107, %swap3A_108] {strides = array<i32>} : memref<4x100x64xf32, #tpu.memory_space<vmem>>, vector<16xf32>,
      tpu.vector_store %arg10[%swap3A_106, %swap3A_107, %swap3A_108], %broadcast_in_dim3A_1 {strides = array<i32>} : memref<4x100x64xf32, #tpu.memory_space<vmem>>, vector<16xf32>,
      %swap3A_110 = arith.constant 0 : i32
      %swap3A_111 = arith.index_cast %swap3A_110 : i32 to index
      %swap3A_112 = arith.index_cast %add3A_100 : i32 to index
      %swap3A_113 = arith.constant 32 : index
      %swap3A_114 = tpu.vector_load %arg10[%swap3A_111, %swap3A_112, %swap3A_113] {strides = array<i32>} : memref<4x100x64xf32, #tpu.memory_space<vmem>>, vector<16xf32>,
      tpu.vector_store %arg10[%swap3A_111, %swap3A_112, %swap3A_113], %broadcast_in_dim3A_1 {strides = array<i32>} : memref<4x100x64xf32, #tpu.memory_space<vmem>>, vector<16xf32>,
      %swap3A_115 = arith.constant 0 : i32
      %swap3A_116 = arith.index_cast %swap3A_115 : i32 to index
      %swap3A_117 = arith.index_cast %add3A_100 : i32 to index
      %swap3A_118 = arith.constant 48 : index
      %swap3A_119 = tpu.vector_load %arg10[%swap3A_116, %swap3A_117, %swap3A_118] {strides = array<i32>} : memref<4x100x64xf32, #tpu.memory_space<vmem>>, vector<16xf32>,
      tpu.vector_store %arg10[%swap3A_116, %swap3A_117, %swap3A_118], %broadcast_in_dim3A_1 {strides = array<i32>} : memref<4x100x64xf32, #tpu.memory_space<vmem>>, vector<16xf32>,
    }
    %scan3A_5 = arith.constant 100 : i32
    %mul3A_6 = arith.constant 624 : i32
    %mul3A_7 = arith.muli %arg1, %mul3A_6 : i32
    %add3A = arith.constant 0 : i32
    %add3A_8 = arith.addi %mul3A_7, %add3A : i32
    %run_scoped3A = arith.constant 0 : i32
    "tpu.region"() ({
      %run_scoped3A_96 = tpu.sem_alloc : memref<!tpu.dma_semaphore, #tpu.memory_space<semaphore_mem>>
      %dma_start3A_97 = arith.constant 0 : i32
      %dma_start3A_98 = arith.constant 0 : i32
      %dma_start3A_99 = tpu.memref_slice %arg10[%run_scoped3A, %dma_start3A_97, %dma_start3A_98] : memref<4x100x64xf32, #tpu.memory_space<vmem>> -> memref<1x100x64xf32, #tpu.memory_space<vmem>>
      %dma_start3A_100 = tpu.memref_squeeze %dma_start3A_99 : memref<1x100x64xf32, #tpu.memory_space<vmem>> -> memref<100x64xf32, #tpu.memory_space<vmem>>
      %dma_start3A_101 = arith.constant 0 : i32
      %dma_start3A_102 = tpu.memref_slice %arg16[%add3A_8, %dma_start3A_101] : memref<10000x64xf32, #tpu.memory_space<vmem_shared>> -> memref<100x64xf32, #tpu.memory_space<vmem_shared>>
      %dma_start3A_103 = arith.constant 0 : i32
      %dma_start3A_104 = tpu.memref_slice %arg16[%add3A_8, %dma_start3A_103] : memref<10000x64xf32, #tpu.memory_space<vmem_shared>> -> memref<100x64xf32, #tpu.memory_space<vmem_shared>>
      %dma_start3A_105 = arith.constant 0 : i32
      %dma_start3A_106 = arith.constant 0 : i32
      %dma_start3A_107 = tpu.memref_slice %arg10[%run_scoped3A, %dma_start3A_105, %dma_start3A_106] : memref<4x100x64xf32, #tpu.memory_space<vmem>> -> memref<1x100x64xf32, #tpu.memory_space<vmem>>
      %dma_start3A_108 = tpu.memref_squeeze %dma_start3A_107 : memref<1x100x64xf32, #tpu.memory_space<vmem>> -> memref<100x64xf32, #tpu.memory_space<vmem>>
      tpu.enqueue_dma source(%dma_start3A_108 : memref<100x64xf32, #tpu.memory_space<vmem>>) target(%dma_start3A_104 : memref<100x64xf32, #tpu.memory_space<vmem_shared>>) target_semaphore(%run_scoped3A_96 : memref<!tpu.dma_semaphore, #tpu.memory_space<semaphore_mem>>)
      %dma_wait3A = arith.constant 0 : i32
      %dma_wait3A_109 = arith.constant 0 : i32
      %dma_wait3A_110 = tpu.memref_slice %arg10[%run_scoped3A, %dma_wait3A, %dma_wait3A_109] : memref<4x100x64xf32, #tpu.memory_space<vmem>> -> memref<1x100x64xf32, #tpu.memory_space<vmem>>
      %dma_wait3A_111 = tpu.memref_squeeze %dma_wait3A_110 : memref<1x100x64xf32, #tpu.memory_space<vmem>> -> memref<100x64xf32, #tpu.memory_space<vmem>>
      %dma_wait3A_112 = arith.constant 0 : i32
      %dma_wait3A_113 = tpu.memref_slice %arg16[%add3A_8, %dma_wait3A_112] : memref<10000x64xf32, #tpu.memory_space<vmem_shared>> -> memref<100x64xf32, #tpu.memory_space<vmem_shared>>
      %dma_wait3A_114 = arith.constant 0 : i32
      %dma_wait3A_115 = tpu.memref_slice %arg16[%add3A_8, %dma_wait3A_114] : memref<10000x64xf32, #tpu.memory_space<vmem_shared>> -> memref<100x64xf32, #tpu.memory_space<vmem_shared>>
      %dma_wait3A_116 = arith.constant 0 : i32
      %dma_wait3A_117 = arith.constant 0 : i32
      %dma_wait3A_118 = tpu.memref_slice %arg10[%run_scoped3A, %dma_wait3A_116, %dma_wait3A_117] : memref<4x100x64xf32, #tpu.memory_space<vmem>> -> memref<1x100x64xf32, #tpu.memory_space<vmem>>
      %dma_wait3A_119 = tpu.memref_squeeze %dma_wait3A_118 : memref<1x100x64xf32, #tpu.memory_space<vmem>> -> memref<100x64xf32, #tpu.memory_space<vmem>>
      tpu.wait_dma2 semaphore(%run_scoped3A_96 : memref<!tpu.dma_semaphore, #tpu.memory_space<semaphore_mem>>) src(%dma_wait3A_119 : memref<100x64xf32, #tpu.memory_space<vmem>>) dst(%dma_wait3A_115 : memref<100x64xf32, #tpu.memory_space<vmem_shared>>)
      tpu.yield
    }) : () -> ()
    %add3A_9 = arith.constant 100 : i32
    %add3A_10 = arith.addi %mul3A_7, %add3A_9 : i32
    %run_scoped3A_11 = arith.constant 0 : i32
    "tpu.region"() ({
      %run_scoped3A_96 = tpu.sem_alloc : memref<!tpu.dma_semaphore, #tpu.memory_space<semaphore_mem>>
      %dma_start3A_97 = arith.constant 0 : i32
      %dma_start3A_98 = arith.constant 0 : i32
      %dma_start3A_99 = tpu.memref_slice %arg10[%run_scoped3A_11, %dma_start3A_97, %dma_start3A_98] : memref<4x100x64xf32, #tpu.memory_space<vmem>> -> memref<1x100x64xf32, #tpu.memory_space<vmem>>
      %dma_start3A_100 = tpu.memref_squeeze %dma_start3A_99 : memref<1x100x64xf32, #tpu.memory_space<vmem>> -> memref<100x64xf32, #tpu.memory_space<vmem>>
      %dma_start3A_101 = arith.constant 0 : i32
      %dma_start3A_102 = tpu.memref_slice %arg16[%add3A_10, %dma_start3A_101] : memref<10000x64xf32, #tpu.memory_space<vmem_shared>> -> memref<100x64xf32, #tpu.memory_space<vmem_shared>>
      %dma_start3A_103 = arith.constant 0 : i32
      %dma_start3A_104 = tpu.memref_slice %arg16[%add3A_10, %dma_start3A_103] : memref<10000x64xf32, #tpu.memory_space<vmem_shared>> -> memref<100x64xf32, #tpu.memory_space<vmem_shared>>
      %dma_start3A_105 = arith.constant 0 : i32
      %dma_start3A_106 = arith.constant 0 : i32
      %dma_start3A_107 = tpu.memref_slice %arg10[%run_scoped3A_11, %dma_start3A_105, %dma_start3A_106] : memref<4x100x64xf32, #tpu.memory_space<vmem>> -> memref<1x100x64xf32, #tpu.memory_space<vmem>>
      %dma_start3A_108 = tpu.memref_squeeze %dma_start3A_107 : memref<1x100x64xf32, #tpu.memory_space<vmem>> -> memref<100x64xf32, #tpu.memory_space<vmem>>
      tpu.enqueue_dma source(%dma_start3A_108 : memref<100x64xf32, #tpu.memory_space<vmem>>) target(%dma_start3A_104 : memref<100x64xf32, #tpu.memory_space<vmem_shared>>) target_semaphore(%run_scoped3A_96 : memref<!tpu.dma_semaphore, #tpu.memory_space<semaphore_mem>>)
      %dma_wait3A = arith.constant 0 : i32
      %dma_wait3A_109 = arith.constant 0 : i32
      %dma_wait3A_110 = tpu.memref_slice %arg10[%run_scoped3A_11, %dma_wait3A, %dma_wait3A_109] : memref<4x100x64xf32, #tpu.memory_space<vmem>> -> memref<1x100x64xf32, #tpu.memory_space<vmem>>
      %dma_wait3A_111 = tpu.memref_squeeze %dma_wait3A_110 : memref<1x100x64xf32, #tpu.memory_space<vmem>> -> memref<100x64xf32, #tpu.memory_space<vmem>>
      %dma_wait3A_112 = arith.constant 0 : i32
      %dma_wait3A_113 = tpu.memref_slice %arg16[%add3A_10, %dma_wait3A_112] : memref<10000x64xf32, #tpu.memory_space<vmem_shared>> -> memref<100x64xf32, #tpu.memory_space<vmem_shared>>
      %dma_wait3A_114 = arith.constant 0 : i32
      %dma_wait3A_115 = tpu.memref_slice %arg16[%add3A_10, %dma_wait3A_114] : memref<10000x64xf32, #tpu.memory_space<vmem_shared>> -> memref<100x64xf32, #tpu.memory_space<vmem_shared>>
      %dma_wait3A_116 = arith.constant 0 : i32
      %dma_wait3A_117 = arith.constant 0 : i32
      %dma_wait3A_118 = tpu.memref_slice %arg10[%run_scoped3A_11, %dma_wait3A_116, %dma_wait3A_117] : memref<4x100x64xf32, #tpu.memory_space<vmem>> -> memref<1x100x64xf32, #tpu.memory_space<vmem>>
      %dma_wait3A_119 = tpu.memref_squeeze %dma_wait3A_118 : memref<1x100x64xf32, #tpu.memory_space<vmem>> -> memref<100x64xf32, #tpu.memory_space<vmem>>
      tpu.wait_dma2 semaphore(%run_scoped3A_96 : memref<!tpu.dma_semaphore, #tpu.memory_space<semaphore_mem>>) src(%dma_wait3A_119 : memref<100x64xf32, #tpu.memory_space<vmem>>) dst(%dma_wait3A_115 : memref<100x64xf32, #tpu.memory_space<vmem_shared>>)
      tpu.yield
    }) : () -> ()
    %add3A_12 = arith.constant 200 : i32
    %add3A_13 = arith.addi %mul3A_7, %add3A_12 : i32
    %run_scoped3A_14 = arith.constant 0 : i32
    "tpu.region"() ({
      %run_scoped3A_96 = tpu.sem_alloc : memref<!tpu.dma_semaphore, #tpu.memory_space<semaphore_mem>>
      %dma_start3A_97 = arith.constant 0 : i32
      %dma_start3A_98 = arith.constant 0 : i32
      %dma_start3A_99 = tpu.memref_slice %arg10[%run_scoped3A_14, %dma_start3A_97, %dma_start3A_98] : memref<4x100x64xf32, #tpu.memory_space<vmem>> -> memref<1x100x64xf32, #tpu.memory_space<vmem>>
      %dma_start3A_100 = tpu.memref_squeeze %dma_start3A_99 : memref<1x100x64xf32, #tpu.memory_space<vmem>> -> memref<100x64xf32, #tpu.memory_space<vmem>>
      %dma_start3A_101 = arith.constant 0 : i32
      %dma_start3A_102 = tpu.memref_slice %arg16[%add3A_13, %dma_start3A_101] : memref<10000x64xf32, #tpu.memory_space<vmem_shared>> -> memref<100x64xf32, #tpu.memory_space<vmem_shared>>
      %dma_start3A_103 = arith.constant 0 : i32
      %dma_start3A_104 = tpu.memref_slice %arg16[%add3A_13, %dma_start3A_103] : memref<10000x64xf32, #tpu.memory_space<vmem_shared>> -> memref<100x64xf32, #tpu.memory_space<vmem_shared>>
      %dma_start3A_105 = arith.constant 0 : i32
      %dma_start3A_106 = arith.constant 0 : i32
      %dma_start3A_107 = tpu.memref_slice %arg10[%run_scoped3A_14, %dma_start3A_105, %dma_start3A_106] : memref<4x100x64xf32, #tpu.memory_space<vmem>> -> memref<1x100x64xf32, #tpu.memory_space<vmem>>
      %dma_start3A_108 = tpu.memref_squeeze %dma_start3A_107 : memref<1x100x64xf32, #tpu.memory_space<vmem>> -> memref<100x64xf32, #tpu.memory_space<vmem>>
      tpu.enqueue_dma source(%dma_start3A_108 : memref<100x64xf32, #tpu.memory_space<vmem>>) target(%dma_start3A_104 : memref<100x64xf32, #tpu.memory_space<vmem_shared>>) target_semaphore(%run_scoped3A_96 : memref<!tpu.dma_semaphore, #tpu.memory_space<semaphore_mem>>)
      %dma_wait3A = arith.constant 0 : i32
      %dma_wait3A_109 = arith.constant 0 : i32
      %dma_wait3A_110 = tpu.memref_slice %arg10[%run_scoped3A_14, %dma_wait3A, %dma_wait3A_109] : memref<4x100x64xf32, #tpu.memory_space<vmem>> -> memref<1x100x64xf32, #tpu.memory_space<vmem>>
      %dma_wait3A_111 = tpu.memref_squeeze %dma_wait3A_110 : memref<1x100x64xf32, #tpu.memory_space<vmem>> -> memref<100x64xf32, #tpu.memory_space<vmem>>
      %dma_wait3A_112 = arith.constant 0 : i32
      %dma_wait3A_113 = tpu.memref_slice %arg16[%add3A_13, %dma_wait3A_112] : memref<10000x64xf32, #tpu.memory_space<vmem_shared>> -> memref<100x64xf32, #tpu.memory_space<vmem_shared>>
      %dma_wait3A_114 = arith.constant 0 : i32
      %dma_wait3A_115 = tpu.memref_slice %arg16[%add3A_13, %dma_wait3A_114] : memref<10000x64xf32, #tpu.memory_space<vmem_shared>> -> memref<100x64xf32, #tpu.memory_space<vmem_shared>>
      %dma_wait3A_116 = arith.constant 0 : i32
      %dma_wait3A_117 = arith.constant 0 : i32
      %dma_wait3A_118 = tpu.memref_slice %arg10[%run_scoped3A_14, %dma_wait3A_116, %dma_wait3A_117] : memref<4x100x64xf32, #tpu.memory_space<vmem>> -> memref<1x100x64xf32, #tpu.memory_space<vmem>>
      %dma_wait3A_119 = tpu.memref_squeeze %dma_wait3A_118 : memref<1x100x64xf32, #tpu.memory_space<vmem>> -> memref<100x64xf32, #tpu.memory_space<vmem>>
      tpu.wait_dma2 semaphore(%run_scoped3A_96 : memref<!tpu.dma_semaphore, #tpu.memory_space<semaphore_mem>>) src(%dma_wait3A_119 : memref<100x64xf32, #tpu.memory_space<vmem>>) dst(%dma_wait3A_115 : memref<100x64xf32, #tpu.memory_space<vmem_shared>>)
      tpu.yield
    }) : () -> ()
    %add3A_15 = arith.constant 300 : i32
    %add3A_16 = arith.addi %mul3A_7, %add3A_15 : i32
    %run_scoped3A_17 = arith.constant 0 : i32
    "tpu.region"() ({
      %run_scoped3A_96 = tpu.sem_alloc : memref<!tpu.dma_semaphore, #tpu.memory_space<semaphore_mem>>
      %dma_start3A_97 = arith.constant 0 : i32
      %dma_start3A_98 = arith.constant 0 : i32
      %dma_start3A_99 = tpu.memref_slice %arg10[%run_scoped3A_17, %dma_start3A_97, %dma_start3A_98] : memref<4x100x64xf32, #tpu.memory_space<vmem>> -> memref<1x100x64xf32, #tpu.memory_space<vmem>>
      %dma_start3A_100 = tpu.memref_squeeze %dma_start3A_99 : memref<1x100x64xf32, #tpu.memory_space<vmem>> -> memref<100x64xf32, #tpu.memory_space<vmem>>
      %dma_start3A_101 = arith.constant 0 : i32
      %dma_start3A_102 = tpu.memref_slice %arg16[%add3A_16, %dma_start3A_101] : memref<10000x64xf32, #tpu.memory_space<vmem_shared>> -> memref<100x64xf32, #tpu.memory_space<vmem_shared>>
      %dma_start3A_103 = arith.constant 0 : i32
      %dma_start3A_104 = tpu.memref_slice %arg16[%add3A_16, %dma_start3A_103] : memref<10000x64xf32, #tpu.memory_space<vmem_shared>> -> memref<100x64xf32, #tpu.memory_space<vmem_shared>>
      %dma_start3A_105 = arith.constant 0 : i32
      %dma_start3A_106 = arith.constant 0 : i32
      %dma_start3A_107 = tpu.memref_slice %arg10[%run_scoped3A_17, %dma_start3A_105, %dma_start3A_106] : memref<4x100x64xf32, #tpu.memory_space<vmem>> -> memref<1x100x64xf32, #tpu.memory_space<vmem>>
      %dma_start3A_108 = tpu.memref_squeeze %dma_start3A_107 : memref<1x100x64xf32, #tpu.memory_space<vmem>> -> memref<100x64xf32, #tpu.memory_space<vmem>>
      tpu.enqueue_dma source(%dma_start3A_108 : memref<100x64xf32, #tpu.memory_space<vmem>>) target(%dma_start3A_104 : memref<100x64xf32, #tpu.memory_space<vmem_shared>>) target_semaphore(%run_scoped3A_96 : memref<!tpu.dma_semaphore, #tpu.memory_space<semaphore_mem>>)
      %dma_wait3A = arith.constant 0 : i32
      %dma_wait3A_109 = arith.constant 0 : i32
      %dma_wait3A_110 = tpu.memref_slice %arg10[%run_scoped3A_17, %dma_wait3A, %dma_wait3A_109] : memref<4x100x64xf32, #tpu.memory_space<vmem>> -> memref<1x100x64xf32, #tpu.memory_space<vmem>>
      %dma_wait3A_111 = tpu.memref_squeeze %dma_wait3A_110 : memref<1x100x64xf32, #tpu.memory_space<vmem>> -> memref<100x64xf32, #tpu.memory_space<vmem>>
      %dma_wait3A_112 = arith.constant 0 : i32
      %dma_wait3A_113 = tpu.memref_slice %arg16[%add3A_16, %dma_wait3A_112] : memref<10000x64xf32, #tpu.memory_space<vmem_shared>> -> memref<100x64xf32, #tpu.memory_space<vmem_shared>>
      %dma_wait3A_114 = arith.constant 0 : i32
      %dma_wait3A_115 = tpu.memref_slice %arg16[%add3A_16, %dma_wait3A_114] : memref<10000x64xf32, #tpu.memory_space<vmem_shared>> -> memref<100x64xf32, #tpu.memory_space<vmem_shared>>
      %dma_wait3A_116 = arith.constant 0 : i32
      %dma_wait3A_117 = arith.constant 0 : i32
      %dma_wait3A_118 = tpu.memref_slice %arg10[%run_scoped3A_17, %dma_wait3A_116, %dma_wait3A_117] : memref<4x100x64xf32, #tpu.memory_space<vmem>> -> memref<1x100x64xf32, #tpu.memory_space<vmem>>
      %dma_wait3A_119 = tpu.memref_squeeze %dma_wait3A_118 : memref<1x100x64xf32, #tpu.memory_space<vmem>> -> memref<100x64xf32, #tpu.memory_space<vmem>>
      tpu.wait_dma2 semaphore(%run_scoped3A_96 : memref<!tpu.dma_semaphore, #tpu.memory_space<semaphore_mem>>) src(%dma_wait3A_119 : memref<100x64xf32, #tpu.memory_space<vmem>>) dst(%dma_wait3A_115 : memref<100x64xf32, #tpu.memory_space<vmem_shared>>)
      tpu.yield
    }) : () -> ()
    %add3A_18 = arith.constant 400 : i32
    %add3A_19 = arith.addi %mul3A_7, %add3A_18 : i32
    %run_scoped3A_20 = arith.constant 0 : i32
    "tpu.region"() ({
      %run_scoped3A_96 = tpu.sem_alloc : memref<!tpu.dma_semaphore, #tpu.memory_space<semaphore_mem>>
      %dma_start3A_97 = arith.constant 0 : i32
      %dma_start3A_98 = arith.constant 0 : i32
      %dma_start3A_99 = tpu.memref_slice %arg10[%run_scoped3A_20, %dma_start3A_97, %dma_start3A_98] : memref<4x100x64xf32, #tpu.memory_space<vmem>> -> memref<1x100x64xf32, #tpu.memory_space<vmem>>
      %dma_start3A_100 = tpu.memref_squeeze %dma_start3A_99 : memref<1x100x64xf32, #tpu.memory_space<vmem>> -> memref<100x64xf32, #tpu.memory_space<vmem>>
      %dma_start3A_101 = arith.constant 0 : i32
      %dma_start3A_102 = tpu.memref_slice %arg16[%add3A_19, %dma_start3A_101] : memref<10000x64xf32, #tpu.memory_space<vmem_shared>> -> memref<100x64xf32, #tpu.memory_space<vmem_shared>>
      %dma_start3A_103 = arith.constant 0 : i32
      %dma_start3A_104 = tpu.memref_slice %arg16[%add3A_19, %dma_start3A_103] : memref<10000x64xf32, #tpu.memory_space<vmem_shared>> -> memref<100x64xf32, #tpu.memory_space<vmem_shared>>
      %dma_start3A_105 = arith.constant 0 : i32
      %dma_start3A_106 = arith.constant 0 : i32
      %dma_start3A_107 = tpu.memref_slice %arg10[%run_scoped3A_20, %dma_start3A_105, %dma_start3A_106] : memref<4x100x64xf32, #tpu.memory_space<vmem>> -> memref<1x100x64xf32, #tpu.memory_space<vmem>>
      %dma_start3A_108 = tpu.memref_squeeze %dma_start3A_107 : memref<1x100x64xf32, #tpu.memory_space<vmem>> -> memref<100x64xf32, #tpu.memory_space<vmem>>
      tpu.enqueue_dma source(%dma_start3A_108 : memref<100x64xf32, #tpu.memory_space<vmem>>) target(%dma_start3A_104 : memref<100x64xf32, #tpu.memory_space<vmem_shared>>) target_semaphore(%run_scoped3A_96 : memref<!tpu.dma_semaphore, #tpu.memory_space<semaphore_mem>>)
      %dma_wait3A = arith.constant 0 : i32
      %dma_wait3A_109 = arith.constant 0 : i32
      %dma_wait3A_110 = tpu.memref_slice %arg10[%run_scoped3A_20, %dma_wait3A, %dma_wait3A_109] : memref<4x100x64xf32, #tpu.memory_space<vmem>> -> memref<1x100x64xf32, #tpu.memory_space<vmem>>
      %dma_wait3A_111 = tpu.memref_squeeze %dma_wait3A_110 : memref<1x100x64xf32, #tpu.memory_space<vmem>> -> memref<100x64xf32, #tpu.memory_space<vmem>>
      %dma_wait3A_112 = arith.constant 0 : i32
      %dma_wait3A_113 = tpu.memref_slice %arg16[%add3A_19, %dma_wait3A_112] : memref<10000x64xf32, #tpu.memory_space<vmem_shared>> -> memref<100x64xf32, #tpu.memory_space<vmem_shared>>
      %dma_wait3A_114 = arith.constant 0 : i32
      %dma_wait3A_115 = tpu.memref_slice %arg16[%add3A_19, %dma_wait3A_114] : memref<10000x64xf32, #tpu.memory_space<vmem_shared>> -> memref<100x64xf32, #tpu.memory_space<vmem_shared>>
      %dma_wait3A_116 = arith.constant 0 : i32
      %dma_wait3A_117 = arith.constant 0 : i32
      %dma_wait3A_118 = tpu.memref_slice %arg10[%run_scoped3A_20, %dma_wait3A_116, %dma_wait3A_117] : memref<4x100x64xf32, #tpu.memory_space<vmem>> -> memref<1x100x64xf32, #tpu.memory_space<vmem>>
      %dma_wait3A_119 = tpu.memref_squeeze %dma_wait3A_118 : memref<1x100x64xf32, #tpu.memory_space<vmem>> -> memref<100x64xf32, #tpu.memory_space<vmem>>
      tpu.wait_dma2 semaphore(%run_scoped3A_96 : memref<!tpu.dma_semaphore, #tpu.memory_space<semaphore_mem>>) src(%dma_wait3A_119 : memref<100x64xf32, #tpu.memory_space<vmem>>) dst(%dma_wait3A_115 : memref<100x64xf32, #tpu.memory_space<vmem_shared>>)
      tpu.yield
    }) : () -> ()
    %add3A_21 = arith.constant 500 : i32
    %add3A_22 = arith.addi %mul3A_7, %add3A_21 : i32
    %run_scoped3A_23 = arith.constant 0 : i32
    "tpu.region"() ({
      %run_scoped3A_96 = tpu.sem_alloc : memref<!tpu.dma_semaphore, #tpu.memory_space<semaphore_mem>>
      %dma_start3A_97 = arith.constant 0 : i32
      %dma_start3A_98 = arith.constant 0 : i32
      %dma_start3A_99 = tpu.memref_slice %arg10[%run_scoped3A_23, %dma_start3A_97, %dma_start3A_98] : memref<4x100x64xf32, #tpu.memory_space<vmem>> -> memref<1x100x64xf32, #tpu.memory_space<vmem>>
      %dma_start3A_100 = tpu.memref_squeeze %dma_start3A_99 : memref<1x100x64xf32, #tpu.memory_space<vmem>> -> memref<100x64xf32, #tpu.memory_space<vmem>>
      %dma_start3A_101 = arith.constant 0 : i32
      %dma_start3A_102 = tpu.memref_slice %arg16[%add3A_22, %dma_start3A_101] : memref<10000x64xf32, #tpu.memory_space<vmem_shared>> -> memref<100x64xf32, #tpu.memory_space<vmem_shared>>
      %dma_start3A_103 = arith.constant 0 : i32
      %dma_start3A_104 = tpu.memref_slice %arg16[%add3A_22, %dma_start3A_103] : memref<10000x64xf32, #tpu.memory_space<vmem_shared>> -> memref<100x64xf32, #tpu.memory_space<vmem_shared>>
      %dma_start3A_105 = arith.constant 0 : i32
      %dma_start3A_106 = arith.constant 0 : i32
      %dma_start3A_107 = tpu.memref_slice %arg10[%run_scoped3A_23, %dma_start3A_105, %dma_start3A_106] : memref<4x100x64xf32, #tpu.memory_space<vmem>> -> memref<1x100x64xf32, #tpu.memory_space<vmem>>
      %dma_start3A_108 = tpu.memref_squeeze %dma_start3A_107 : memref<1x100x64xf32, #tpu.memory_space<vmem>> -> memref<100x64xf32, #tpu.memory_space<vmem>>
      tpu.enqueue_dma source(%dma_start3A_108 : memref<100x64xf32, #tpu.memory_space<vmem>>) target(%dma_start3A_104 : memref<100x64xf32, #tpu.memory_space<vmem_shared>>) target_semaphore(%run_scoped3A_96 : memref<!tpu.dma_semaphore, #tpu.memory_space<semaphore_mem>>)
      %dma_wait3A = arith.constant 0 : i32
      %dma_wait3A_109 = arith.constant 0 : i32
      %dma_wait3A_110 = tpu.memref_slice %arg10[%run_scoped3A_23, %dma_wait3A, %dma_wait3A_109] : memref<4x100x64xf32, #tpu.memory_space<vmem>> -> memref<1x100x64xf32, #tpu.memory_space<vmem>>
      %dma_wait3A_111 = tpu.memref_squeeze %dma_wait3A_110 : memref<1x100x64xf32, #tpu.memory_space<vmem>> -> memref<100x64xf32, #tpu.memory_space<vmem>>
      %dma_wait3A_112 = arith.constant 0 : i32
      %dma_wait3A_113 = tpu.memref_slice %arg16[%add3A_22, %dma_wait3A_112] : memref<10000x64xf32, #tpu.memory_space<vmem_shared>> -> memref<100x64xf32, #tpu.memory_space<vmem_shared>>
      %dma_wait3A_114 = arith.constant 0 : i32
      %dma_wait3A_115 = tpu.memref_slice %arg16[%add3A_22, %dma_wait3A_114] : memref<10000x64xf32, #tpu.memory_space<vmem_shared>> -> memref<100x64xf32, #tpu.memory_space<vmem_shared>>
      %dma_wait3A_116 = arith.constant 0 : i32
      %dma_wait3A_117 = arith.constant 0 : i32
      %dma_wait3A_118 = tpu.memref_slice %arg10[%run_scoped3A_23, %dma_wait3A_116, %dma_wait3A_117] : memref<4x100x64xf32, #tpu.memory_space<vmem>> -> memref<1x100x64xf32, #tpu.memory_space<vmem>>
      %dma_wait3A_119 = tpu.memref_squeeze %dma_wait3A_118 : memref<1x100x64xf32, #tpu.memory_space<vmem>> -> memref<100x64xf32, #tpu.memory_space<vmem>>
      tpu.wait_dma2 semaphore(%run_scoped3A_96 : memref<!tpu.dma_semaphore, #tpu.memory_space<semaphore_mem>>) src(%dma_wait3A_119 : memref<100x64xf32, #tpu.memory_space<vmem>>) dst(%dma_wait3A_115 : memref<100x64xf32, #tpu.memory_space<vmem_shared>>)
      tpu.yield
    }) : () -> ()
    %add3A_24 = arith.constant 600 : i32
    %add3A_25 = arith.addi %mul3A_7, %add3A_24 : i32
    %run_scoped3A_26 = arith.constant 0 : i32
    "tpu.region"() ({
      %run_scoped3A_96 = tpu.sem_alloc : memref<!tpu.dma_semaphore, #tpu.memory_space<semaphore_mem>>
      %dma_start3A_97 = arith.constant 0 : i32
      %dma_start3A_98 = arith.constant 0 : i32
      %dma_start3A_99 = tpu.memref_slice %arg10[%run_scoped3A_26, %dma_start3A_97, %dma_start3A_98] : memref<4x100x64xf32, #tpu.memory_space<vmem>> -> memref<1x40x64xf32, #tpu.memory_space<vmem>>
      %dma_start3A_100 = tpu.memref_squeeze %dma_start3A_99 : memref<1x40x64xf32, #tpu.memory_space<vmem>> -> memref<40x64xf32, #tpu.memory_space<vmem>>
      %dma_start3A_101 = arith.constant 0 : i32
      %dma_start3A_102 = tpu.memref_slice %arg16[%add3A_25, %dma_start3A_101] : memref<10000x64xf32, #tpu.memory_space<vmem_shared>> -> memref<40x64xf32, #tpu.memory_space<vmem_shared>>
      %dma_start3A_103 = arith.constant 0 : i32
      %dma_start3A_104 = tpu.memref_slice %arg16[%add3A_25, %dma_start3A_103] : memref<10000x64xf32, #tpu.memory_space<vmem_shared>> -> memref<40x64xf32, #tpu.memory_space<vmem_shared>>
      %dma_start3A_105 = arith.constant 0 : i32
      %dma_start3A_106 = arith.constant 0 : i32
      %dma_start3A_107 = tpu.memref_slice %arg10[%run_scoped3A_26, %dma_start3A_105, %dma_start3A_106] : memref<4x100x64xf32, #tpu.memory_space<vmem>> -> memref<1x40x64xf32, #tpu.memory_space<vmem>>
      %dma_start3A_108 = tpu.memref_squeeze %dma_start3A_107 : memref<1x40x64xf32, #tpu.memory_space<vmem>> -> memref<40x64xf32, #tpu.memory_space<vmem>>
      tpu.enqueue_dma source(%dma_start3A_108 : memref<40x64xf32, #tpu.memory_space<vmem>>) target(%dma_start3A_104 : memref<40x64xf32, #tpu.memory_space<vmem_shared>>) target_semaphore(%run_scoped3A_96 : memref<!tpu.dma_semaphore, #tpu.memory_space<semaphore_mem>>)
      %dma_wait3A = arith.constant 0 : i32
      %dma_wait3A_109 = arith.constant 0 : i32
      %dma_wait3A_110 = tpu.memref_slice %arg10[%run_scoped3A_26, %dma_wait3A, %dma_wait3A_109] : memref<4x100x64xf32, #tpu.memory_space<vmem>> -> memref<1x40x64xf32, #tpu.memory_space<vmem>>
      %dma_wait3A_111 = tpu.memref_squeeze %dma_wait3A_110 : memref<1x40x64xf32, #tpu.memory_space<vmem>> -> memref<40x64xf32, #tpu.memory_space<vmem>>
      %dma_wait3A_112 = arith.constant 0 : i32
      %dma_wait3A_113 = tpu.memref_slice %arg16[%add3A_25, %dma_wait3A_112] : memref<10000x64xf32, #tpu.memory_space<vmem_shared>> -> memref<40x64xf32, #tpu.memory_space<vmem_shared>>
      %dma_wait3A_114 = arith.constant 0 : i32
      %dma_wait3A_115 = tpu.memref_slice %arg16[%add3A_25, %dma_wait3A_114] : memref<10000x64xf32, #tpu.memory_space<vmem_shared>> -> memref<40x64xf32, #tpu.memory_space<vmem_shared>>
      %dma_wait3A_116 = arith.constant 0 : i32
      %dma_wait3A_117 = arith.constant 0 : i32
      %dma_wait3A_118 = tpu.memref_slice %arg10[%run_scoped3A_26, %dma_wait3A_116, %dma_wait3A_117] : memref<4x100x64xf32, #tpu.memory_space<vmem>> -> memref<1x40x64xf32, #tpu.memory_space<vmem>>
      %dma_wait3A_119 = tpu.memref_squeeze %dma_wait3A_118 : memref<1x40x64xf32, #tpu.memory_space<vmem>> -> memref<40x64xf32, #tpu.memory_space<vmem>>
      tpu.wait_dma2 semaphore(%run_scoped3A_96 : memref<!tpu.dma_semaphore, #tpu.memory_space<semaphore_mem>>) src(%dma_wait3A_119 : memref<40x64xf32, #tpu.memory_space<vmem>>) dst(%dma_wait3A_115 : memref<40x64xf32, #tpu.memory_space<vmem_shared>>)
      tpu.yield
    }) : () -> ()
    %barrier3A = arith.constant 0 : index
    tpu.barrier barrier_id(%barrier3A)
    %dma_start3A = arith.constant 0 : i32
    %dma_start3A_27 = arith.constant 0 : i32
    %dma_start3A_28 = arith.constant 0 : i32
    %dma_start3A_29 = arith.constant 0 : i32
    %dma_start3A_30 = tpu.memref_slice %arg10[%dma_start3A_27, %dma_start3A_28, %dma_start3A_29] : memref<4x100x64xf32, #tpu.memory_space<vmem>> -> memref<1x100x64xf32, #tpu.memory_space<vmem>>
    %dma_start3A_31 = tpu.memref_squeeze %dma_start3A_30 : memref<1x100x64xf32, #tpu.memory_space<vmem>> -> memref<100x64xf32, #tpu.memory_space<vmem>>
    %dma_start3A_32 = arith.constant 0 : i32
    %dma_start3A_33 = tpu.memref_slice %arg7[%dma_start3A, %dma_start3A_32] : memref<200x100xi32, #tpu.memory_space<vmem>> -> memref<1x100xi32, #tpu.memory_space<vmem>>
    %dma_start3A_34 = tpu.memref_squeeze %dma_start3A_33 : memref<1x100xi32, #tpu.memory_space<vmem>> -> memref<100xi32, #tpu.memory_space<vmem>>
    %dma_start3A_35 = arith.constant 0 : i32
    %dma_start3A_36 = arith.constant 0 : i32
    %dma_start3A_37 = tpu.memref_slice %arg2[%arg0, %dma_start3A_35, %dma_start3A_36] : memref<2x10000x64xf32, #tpu.memory_space<hbm>> -> memref<1x10000x64xf32, #tpu.memory_space<hbm>>
    %dma_start3A_38 = tpu.memref_squeeze %dma_start3A_37 : memref<1x10000x64xf32, #tpu.memory_space<hbm>> -> memref<10000x64xf32, #tpu.memory_space<hbm>>
    %dma_start3A_39 = arith.constant 0 : i32
    %dma_start3A_40 = arith.constant 0 : i32
    %dma_start3A_41 = tpu.memref_slice %dma_start3A_38[%dma_start3A_39, %dma_start3A_40] : memref<10000x64xf32, #tpu.memory_space<hbm>> -> memref<10000x64xf32, #tpu.memory_space<hbm>>
    tpu.enqueue_indirect_dma source(%dma_start3A_41 : memref<10000x64xf32, #tpu.memory_space<hbm>>) target(%dma_start3A_31 : memref<100x64xf32, #tpu.memory_space<vmem>>) offsets(%dma_start3A_34 : memref<100xi32, #tpu.memory_space<vmem>>) semaphore(%arg11 : memref<!tpu.dma_semaphore, #tpu.memory_space<semaphore_mem>>)
    %dma_start3A_42 = arith.constant 1 : i32
    %dma_start3A_43 = arith.constant 1 : i32
    %dma_start3A_44 = arith.constant 0 : i32
    %dma_start3A_45 = arith.constant 0 : i32
    %dma_start3A_46 = tpu.memref_slice %arg10[%dma_start3A_43, %dma_start3A_44, %dma_start3A_45] : memref<4x100x64xf32, #tpu.memory_space<vmem>> -> memref<1x100x64xf32, #tpu.memory_space<vmem>>
    %dma_start3A_47 = tpu.memref_squeeze %dma_start3A_46 : memref<1x100x64xf32, #tpu.memory_space<vmem>> -> memref<100x64xf32, #tpu.memory_space<vmem>>
    %dma_start3A_48 = arith.constant 0 : i32
    %dma_start3A_49 = tpu.memref_slice %arg7[%dma_start3A_42, %dma_start3A_48] : memref<200x100xi32, #tpu.memory_space<vmem>> -> memref<1x100xi32, #tpu.memory_space<vmem>>
    %dma_start3A_50 = tpu.memref_squeeze %dma_start3A_49 : memref<1x100xi32, #tpu.memory_space<vmem>> -> memref<100xi32, #tpu.memory_space<vmem>>
    %dma_start3A_51 = arith.constant 0 : i32
    %dma_start3A_52 = arith.constant 0 : i32
    %dma_start3A_53 = tpu.memref_slice %arg2[%arg0, %dma_start3A_51, %dma_start3A_52] : memref<2x10000x64xf32, #tpu.memory_space<hbm>> -> memref<1x10000x64xf32, #tpu.memory_space<hbm>>
    %dma_start3A_54 = tpu.memref_squeeze %dma_start3A_53 : memref<1x10000x64xf32, #tpu.memory_space<hbm>> -> memref<10000x64xf32, #tpu.memory_space<hbm>>
    %dma_start3A_55 = arith.constant 0 : i32
    %dma_start3A_56 = arith.constant 0 : i32
    %dma_start3A_57 = tpu.memref_slice %dma_start3A_54[%dma_start3A_55, %dma_start3A_56] : memref<10000x64xf32, #tpu.memory_space<hbm>> -> memref<10000x64xf32, #tpu.memory_space<hbm>>
    tpu.enqueue_indirect_dma source(%dma_start3A_57 : memref<10000x64xf32, #tpu.memory_space<hbm>>) target(%dma_start3A_47 : memref<100x64xf32, #tpu.memory_space<vmem>>) offsets(%dma_start3A_50 : memref<100xi32, #tpu.memory_space<vmem>>) semaphore(%arg12 : memref<!tpu.dma_semaphore, #tpu.memory_space<semaphore_mem>>)
    %dma_start3A_58 = arith.constant 2 : i32
    %dma_start3A_59 = arith.constant 2 : i32
    %dma_start3A_60 = arith.constant 0 : i32
    %dma_start3A_61 = arith.constant 0 : i32
    %dma_start3A_62 = tpu.memref_slice %arg10[%dma_start3A_59, %dma_start3A_60, %dma_start3A_61] : memref<4x100x64xf32, #tpu.memory_space<vmem>> -> memref<1x100x64xf32, #tpu.memory_space<vmem>>
    %dma_start3A_63 = tpu.memref_squeeze %dma_start3A_62 : memref<1x100x64xf32, #tpu.memory_space<vmem>> -> memref<100x64xf32, #tpu.memory_space<vmem>>
    %dma_start3A_64 = arith.constant 0 : i32
    %dma_start3A_65 = tpu.memref_slice %arg7[%dma_start3A_58, %dma_start3A_64] : memref<200x100xi32, #tpu.memory_space<vmem>> -> memref<1x100xi32, #tpu.memory_space<vmem>>
    %dma_start3A_66 = tpu.memref_squeeze %dma_start3A_65 : memref<1x100xi32, #tpu.memory_space<vmem>> -> memref<100xi32, #tpu.memory_space<vmem>>
    %dma_start3A_67 = arith.constant 0 : i32
    %dma_start3A_68 = arith.constant 0 : i32
    %dma_start3A_69 = tpu.memref_slice %arg2[%arg0, %dma_start3A_67, %dma_start3A_68] : memref<2x10000x64xf32, #tpu.memory_space<hbm>> -> memref<1x10000x64xf32, #tpu.memory_space<hbm>>
    %dma_start3A_70 = tpu.memref_squeeze %dma_start3A_69 : memref<1x10000x64xf32, #tpu.memory_space<hbm>> -> memref<10000x64xf32, #tpu.memory_space<hbm>>
    %dma_start3A_71 = arith.constant 0 : i32
    %dma_start3A_72 = arith.constant 0 : i32
    %dma_start3A_73 = tpu.memref_slice %dma_start3A_70[%dma_start3A_71, %dma_start3A_72] : memref<10000x64xf32, #tpu.memory_space<hbm>> -> memref<10000x64xf32, #tpu.memory_space<hbm>>
    tpu.enqueue_indirect_dma source(%dma_start3A_73 : memref<10000x64xf32, #tpu.memory_space<hbm>>) target(%dma_start3A_63 : memref<100x64xf32, #tpu.memory_space<vmem>>) offsets(%dma_start3A_66 : memref<100xi32, #tpu.memory_space<vmem>>) semaphore(%arg13 : memref<!tpu.dma_semaphore, #tpu.memory_space<semaphore_mem>>)
    %dma_start3A_74 = arith.constant 3 : i32
    %dma_start3A_75 = arith.constant 3 : i32
    %dma_start3A_76 = arith.constant 0 : i32
    %dma_start3A_77 = arith.constant 0 : i32
    %dma_start3A_78 = tpu.memref_slice %arg10[%dma_start3A_75, %dma_start3A_76, %dma_start3A_77] : memref<4x100x64xf32, #tpu.memory_space<vmem>> -> memref<1x100x64xf32, #tpu.memory_space<vmem>>
    %dma_start3A_79 = tpu.memref_squeeze %dma_start3A_78 : memref<1x100x64xf32, #tpu.memory_space<vmem>> -> memref<100x64xf32, #tpu.memory_space<vmem>>
    %dma_start3A_80 = arith.constant 0 : i32
    %dma_start3A_81 = tpu.memref_slice %arg7[%dma_start3A_74, %dma_start3A_80] : memref<200x100xi32, #tpu.memory_space<vmem>> -> memref<1x100xi32, #tpu.memory_space<vmem>>
    %dma_start3A_82 = tpu.memref_squeeze %dma_start3A_81 : memref<1x100xi32, #tpu.memory_space<vmem>> -> memref<100xi32, #tpu.memory_space<vmem>>
    %dma_start3A_83 = arith.constant 0 : i32
    %dma_start3A_84 = arith.constant 0 : i32
    %dma_start3A_85 = tpu.memref_slice %arg2[%arg0, %dma_start3A_83, %dma_start3A_84] : memref<2x10000x64xf32, #tpu.memory_space<hbm>> -> memref<1x10000x64xf32, #tpu.memory_space<hbm>>
    %dma_start3A_86 = tpu.memref_squeeze %dma_start3A_85 : memref<1x10000x64xf32, #tpu.memory_space<hbm>> -> memref<10000x64xf32, #tpu.memory_space<hbm>>
    %dma_start3A_87 = arith.constant 0 : i32
    %dma_start3A_88 = arith.constant 0 : i32
    %dma_start3A_89 = tpu.memref_slice %dma_start3A_86[%dma_start3A_87, %dma_start3A_88] : memref<10000x64xf32, #tpu.memory_space<hbm>> -> memref<10000x64xf32, #tpu.memory_space<hbm>>
    tpu.enqueue_indirect_dma source(%dma_start3A_89 : memref<10000x64xf32, #tpu.memory_space<hbm>>) target(%dma_start3A_79 : memref<100x64xf32, #tpu.memory_space<vmem>>) offsets(%dma_start3A_82 : memref<100xi32, #tpu.memory_space<vmem>>) semaphore(%arg14 : memref<!tpu.dma_semaphore, #tpu.memory_space<semaphore_mem>>)
    %scan3A_90 = arith.constant 0 : i32
    %scan3A_91 = arith.constant 50 : i32
    %scan3A_92 = arith.addi %scan3A_90, %scan3A_91 : i32
    %scan3A_93 = arith.constant 1 : i32
    scf.for %scan3A_96 = %scan3A_90 to %scan3A_92 step %scan3A_93  : i32 {
      %mul3A_97 = arith.constant 1 : i32
      %mul3A_98 = arith.muli %scan3A_96, %mul3A_97 : i32
      %add3A_99 = arith.constant 0 : i32
      %add3A_100 = arith.addi %add3A_99, %mul3A_98 : i32
      %mul3A_101 = arith.constant 4 : i32
      %mul3A_102 = arith.muli %mul3A_101, %add3A_100 : i32
      %add3A_103 = arith.constant 0 : i32
      %add3A_104 = arith.addi %mul3A_102, %add3A_103 : i32
      %dma_wait3A = arith.constant 0 : i32
      %dma_wait3A_105 = arith.constant 0 : i32
      %dma_wait3A_106 = arith.constant 0 : i32
      %dma_wait3A_107 = tpu.memref_slice %arg10[%dma_wait3A, %dma_wait3A_105, %dma_wait3A_106] : memref<4x100x64xf32, #tpu.memory_space<vmem>> -> memref<1x100x64xf32, #tpu.memory_space<vmem>>
      %dma_wait3A_108 = tpu.memref_squeeze %dma_wait3A_107 : memref<1x100x64xf32, #tpu.memory_space<vmem>> -> memref<100x64xf32, #tpu.memory_space<vmem>>
      %dma_wait3A_109 = arith.constant 0 : i32
      %dma_wait3A_110 = tpu.memref_slice %arg7[%add3A_104, %dma_wait3A_109] : memref<200x100xi32, #tpu.memory_space<vmem>> -> memref<1x100xi32, #tpu.memory_space<vmem>>
      %dma_wait3A_111 = tpu.memref_squeeze %dma_wait3A_110 : memref<1x100xi32, #tpu.memory_space<vmem>> -> memref<100xi32, #tpu.memory_space<vmem>>
      %dma_wait3A_112 = arith.constant 0 : i32
      %dma_wait3A_113 = arith.constant 0 : i32
      %dma_wait3A_114 = tpu.memref_slice %arg2[%arg0, %dma_wait3A_112, %dma_wait3A_113] : memref<2x10000x64xf32, #tpu.memory_space<hbm>> -> memref<1x10000x64xf32, #tpu.memory_space<hbm>>
      %dma_wait3A_115 = tpu.memref_squeeze %dma_wait3A_114 : memref<1x10000x64xf32, #tpu.memory_space<hbm>> -> memref<10000x64xf32, #tpu.memory_space<hbm>>
      %dma_wait3A_116 = arith.constant 0 : i32
      %dma_wait3A_117 = arith.constant 0 : i32
      %dma_wait3A_118 = tpu.memref_slice %dma_wait3A_115[%dma_wait3A_116, %dma_wait3A_117] : memref<10000x64xf32, #tpu.memory_space<hbm>> -> memref<10000x64xf32, #tpu.memory_space<hbm>>
      tpu.wait_indirect_dma semaphore(%arg11 : memref<!tpu.dma_semaphore, #tpu.memory_space<semaphore_mem>>) src(%dma_wait3A_118 : memref<10000x64xf32, #tpu.memory_space<hbm>>) dst(%dma_wait3A_108 : memref<100x64xf32, #tpu.memory_space<vmem>>)
      %scan3A_119 = arith.constant 0 : i32
      %scan3A_120 = arith.constant 100 : i32
      %scan3A_121 = arith.addi %scan3A_119, %scan3A_120 : i32
      %scan3A_122 = arith.constant 1 : i32
      scf.for %scan3A_309 = %scan3A_119 to %scan3A_121 step %scan3A_122  : i32 {
        %mul3A_310 = arith.constant 1 : i32
        %mul3A_311 = arith.muli %scan3A_309, %mul3A_310 : i32
        %add3A_312 = arith.constant 0 : i32
        %add3A_313 = arith.addi %add3A_312, %mul3A_311 : i32
        %mul3A_314 = arith.constant 100 : i32
        %mul3A_315 = arith.muli %add3A_104, %mul3A_314 : i32
        %add3A_316 = arith.addi %mul3A_315, %add3A_313 : i32
        %broadcast_in_dim3A_317 = vector.broadcast %add3A_316 : i32 to vector<16xi32>
        %gather3A = tpu.vector_load_idx %arg9[%broadcast_in_dim3A_317] : memref<20000xf32, #tpu.memory_space<vmem>>[vector<16xi32>], vector<16xf32>,
        %get3A = arith.constant 0 : i32
        %get3A_318 = arith.index_cast %get3A : i32 to index
        %get3A_319 = arith.index_cast %add3A_313 : i32 to index
        %get3A_320 = arith.constant 0 : index
        %get3A_321 = tpu.vector_load %arg10[%get3A_318, %get3A_319, %get3A_320] {strides = array<i32>} : memref<4x100x64xf32, #tpu.memory_space<vmem>>, vector<16xf32>,
        %mul3A_322 = arith.mulf %get3A_321, %gather3A : vector<16xf32>
        %swap3A = arith.constant 0 : i32
        %swap3A_323 = arith.index_cast %swap3A : i32 to index
        %swap3A_324 = arith.index_cast %add3A_313 : i32 to index
        %swap3A_325 = arith.constant 0 : index
        %swap3A_326 = tpu.vector_load %arg10[%swap3A_323, %swap3A_324, %swap3A_325] {strides = array<i32>} : memref<4x100x64xf32, #tpu.memory_space<vmem>>, vector<16xf32>,
        tpu.vector_store %arg10[%swap3A_323, %swap3A_324, %swap3A_325], %mul3A_322 {strides = array<i32>} : memref<4x100x64xf32, #tpu.memory_space<vmem>>, vector<16xf32>,
        %get3A_327 = arith.constant 0 : i32
        %get3A_328 = arith.index_cast %get3A_327 : i32 to index
        %get3A_329 = arith.index_cast %add3A_313 : i32 to index
        %get3A_330 = arith.constant 16 : index
        %get3A_331 = tpu.vector_load %arg10[%get3A_328, %get3A_329, %get3A_330] {strides = array<i32>} : memref<4x100x64xf32, #tpu.memory_space<vmem>>, vector<16xf32>,
        %mul3A_332 = arith.mulf %get3A_331, %gather3A : vector<16xf32>
        %swap3A_333 = arith.constant 0 : i32
        %swap3A_334 = arith.index_cast %swap3A_333 : i32 to index
        %swap3A_335 = arith.index_cast %add3A_313 : i32 to index
        %swap3A_336 = arith.constant 16 : index
        %swap3A_337 = tpu.vector_load %arg10[%swap3A_334, %swap3A_335, %swap3A_336] {strides = array<i32>} : memref<4x100x64xf32, #tpu.memory_space<vmem>>, vector<16xf32>,
        tpu.vector_store %arg10[%swap3A_334, %swap3A_335, %swap3A_336], %mul3A_332 {strides = array<i32>} : memref<4x100x64xf32, #tpu.memory_space<vmem>>, vector<16xf32>,
        %get3A_338 = arith.constant 0 : i32
        %get3A_339 = arith.index_cast %get3A_338 : i32 to index
        %get3A_340 = arith.index_cast %add3A_313 : i32 to index
        %get3A_341 = arith.constant 32 : index
        %get3A_342 = tpu.vector_load %arg10[%get3A_339, %get3A_340, %get3A_341] {strides = array<i32>} : memref<4x100x64xf32, #tpu.memory_space<vmem>>, vector<16xf32>,
        %mul3A_343 = arith.mulf %get3A_342, %gather3A : vector<16xf32>
        %swap3A_344 = arith.constant 0 : i32
        %swap3A_345 = arith.index_cast %swap3A_344 : i32 to index
        %swap3A_346 = arith.index_cast %add3A_313 : i32 to index
        %swap3A_347 = arith.constant 32 : index
        %swap3A_348 = tpu.vector_load %arg10[%swap3A_345, %swap3A_346, %swap3A_347] {strides = array<i32>} : memref<4x100x64xf32, #tpu.memory_space<vmem>>, vector<16xf32>,
        tpu.vector_store %arg10[%swap3A_345, %swap3A_346, %swap3A_347], %mul3A_343 {strides = array<i32>} : memref<4x100x64xf32, #tpu.memory_space<vmem>>, vector<16xf32>,
        %get3A_349 = arith.constant 0 : i32
        %get3A_350 = arith.index_cast %get3A_349 : i32 to index
        %get3A_351 = arith.index_cast %add3A_313 : i32 to index
        %get3A_352 = arith.constant 48 : index
        %get3A_353 = tpu.vector_load %arg10[%get3A_350, %get3A_351, %get3A_352] {strides = array<i32>} : memref<4x100x64xf32, #tpu.memory_space<vmem>>, vector<16xf32>,
        %mul3A_354 = arith.mulf %get3A_353, %gather3A : vector<16xf32>
        %swap3A_355 = arith.constant 0 : i32
        %swap3A_356 = arith.index_cast %swap3A_355 : i32 to index
        %swap3A_357 = arith.index_cast %add3A_313 : i32 to index
        %swap3A_358 = arith.constant 48 : index
        %swap3A_359 = tpu.vector_load %arg10[%swap3A_356, %swap3A_357, %swap3A_358] {strides = array<i32>} : memref<4x100x64xf32, #tpu.memory_space<vmem>>, vector<16xf32>,
        tpu.vector_store %arg10[%swap3A_356, %swap3A_357, %swap3A_358], %mul3A_354 {strides = array<i32>} : memref<4x100x64xf32, #tpu.memory_space<vmem>>, vector<16xf32>,
      }
      %scan3A_123 = arith.constant 100 : i32
      %dma_start3A_124 = arith.constant 0 : i32
      %dma_start3A_125 = arith.constant 0 : i32
      %dma_start3A_126 = arith.constant 0 : i32
      %dma_start3A_127 = tpu.memref_slice %arg10[%dma_start3A_124, %dma_start3A_125, %dma_start3A_126] : memref<4x100x64xf32, #tpu.memory_space<vmem>> -> memref<1x100x64xf32, #tpu.memory_space<vmem>>
      %dma_start3A_128 = tpu.memref_squeeze %dma_start3A_127 : memref<1x100x64xf32, #tpu.memory_space<vmem>> -> memref<100x64xf32, #tpu.memory_space<vmem>>
      %dma_start3A_129 = arith.constant 0 : i32
      %dma_start3A_130 = tpu.memref_slice %arg8[%add3A_104, %dma_start3A_129] : memref<200x100xi32, #tpu.memory_space<vmem>> -> memref<1x100xi32, #tpu.memory_space<vmem>>
      %dma_start3A_131 = tpu.memref_squeeze %dma_start3A_130 : memref<1x100xi32, #tpu.memory_space<vmem>> -> memref<100xi32, #tpu.memory_space<vmem>>
      %dma_start3A_132 = arith.constant 0 : i32
      %dma_start3A_133 = arith.constant 0 : i32
      %dma_start3A_134 = tpu.memref_slice %arg16[%dma_start3A_132, %dma_start3A_133] : memref<10000x64xf32, #tpu.memory_space<vmem_shared>> -> memref<10000x64xf32, #tpu.memory_space<vmem_shared>>
      tpu.enqueue_indirect_dma source(%dma_start3A_128 : memref<100x64xf32, #tpu.memory_space<vmem>>) target(%dma_start3A_134 : memref<10000x64xf32, #tpu.memory_space<vmem_shared>>) offsets(%dma_start3A_131 : memref<100xi32, #tpu.memory_space<vmem>>) semaphore(%arg15 : memref<!tpu.dma_semaphore, #tpu.memory_space<semaphore_mem>>) {add = true}
      %dma_wait3A_135 = arith.constant 0 : i32
      %dma_wait3A_136 = arith.constant 0 : i32
      %dma_wait3A_137 = arith.constant 0 : i32
      %dma_wait3A_138 = tpu.memref_slice %arg10[%dma_wait3A_135, %dma_wait3A_136, %dma_wait3A_137] : memref<4x100x64xf32, #tpu.memory_space<vmem>> -> memref<1x100x64xf32, #tpu.memory_space<vmem>>
      %dma_wait3A_139 = tpu.memref_squeeze %dma_wait3A_138 : memref<1x100x64xf32, #tpu.memory_space<vmem>> -> memref<100x64xf32, #tpu.memory_space<vmem>>
      %dma_wait3A_140 = arith.constant 0 : i32
      %dma_wait3A_141 = tpu.memref_slice %arg8[%add3A_104, %dma_wait3A_140] : memref<200x100xi32, #tpu.memory_space<vmem>> -> memref<1x100xi32, #tpu.memory_space<vmem>>
      %dma_wait3A_142 = tpu.memref_squeeze %dma_wait3A_141 : memref<1x100xi32, #tpu.memory_space<vmem>> -> memref<100xi32, #tpu.memory_space<vmem>>
      %dma_wait3A_143 = arith.constant 0 : i32
      %dma_wait3A_144 = arith.constant 0 : i32
      %dma_wait3A_145 = tpu.memref_slice %arg16[%dma_wait3A_143, %dma_wait3A_144] : memref<10000x64xf32, #tpu.memory_space<vmem_shared>> -> memref<10000x64xf32, #tpu.memory_space<vmem_shared>>
      tpu.wait_indirect_dma semaphore(%arg15 : memref<!tpu.dma_semaphore, #tpu.memory_space<semaphore_mem>>) src(%dma_wait3A_139 : memref<100x64xf32, #tpu.memory_space<vmem>>) dst(%dma_wait3A_145 : memref<10000x64xf32, #tpu.memory_space<vmem_shared>>)
      %add3A_146 = arith.constant 4 : i32
      %add3A_147 = arith.addi %add3A_104, %add3A_146 : i32
      %lt3A = arith.constant 200 : i32
      %lt3A_148 = arith.cmpi slt, %add3A_147, %lt3A : i32
      %convert_element_type3A = arith.extui %lt3A_148 : i1 to i32
      %cond3A = arith.constant 0 : i32
      %cond3A_149 = arith.cmpi ne, %convert_element_type3A, %cond3A : i32
      scf.if %cond3A_149 {
        %add3A_309 = arith.constant 4 : i32
        %add3A_310 = arith.addi %add3A_104, %add3A_309 : i32
        %dma_start3A_311 = arith.constant 0 : i32
        %dma_start3A_312 = arith.constant 0 : i32
        %dma_start3A_313 = arith.constant 0 : i32
        %dma_start3A_314 = tpu.memref_slice %arg10[%dma_start3A_311, %dma_start3A_312, %dma_start3A_313] : memref<4x100x64xf32, #tpu.memory_space<vmem>> -> memref<1x100x64xf32, #tpu.memory_space<vmem>>
        %dma_start3A_315 = tpu.memref_squeeze %dma_start3A_314 : memref<1x100x64xf32, #tpu.memory_space<vmem>> -> memref<100x64xf32, #tpu.memory_space<vmem>>
        %dma_start3A_316 = arith.constant 0 : i32
        %dma_start3A_317 = tpu.memref_slice %arg7[%add3A_310, %dma_start3A_316] : memref<200x100xi32, #tpu.memory_space<vmem>> -> memref<1x100xi32, #tpu.memory_space<vmem>>
        %dma_start3A_318 = tpu.memref_squeeze %dma_start3A_317 : memref<1x100xi32, #tpu.memory_space<vmem>> -> memref<100xi32, #tpu.memory_space<vmem>>
        %dma_start3A_319 = arith.constant 0 : i32
        %dma_start3A_320 = arith.constant 0 : i32
        %dma_start3A_321 = tpu.memref_slice %arg2[%arg0, %dma_start3A_319, %dma_start3A_320] : memref<2x10000x64xf32, #tpu.memory_space<hbm>> -> memref<1x10000x64xf32, #tpu.memory_space<hbm>>
        %dma_start3A_322 = tpu.memref_squeeze %dma_start3A_321 : memref<1x10000x64xf32, #tpu.memory_space<hbm>> -> memref<10000x64xf32, #tpu.memory_space<hbm>>
        %dma_start3A_323 = arith.constant 0 : i32
        %dma_start3A_324 = arith.constant 0 : i32
        %dma_start3A_325 = tpu.memref_slice %dma_start3A_322[%dma_start3A_323, %dma_start3A_324] : memref<10000x64xf32, #tpu.memory_space<hbm>> -> memref<10000x64xf32, #tpu.memory_space<hbm>>
        tpu.enqueue_indirect_dma source(%dma_start3A_325 : memref<10000x64xf32, #tpu.memory_space<hbm>>) target(%dma_start3A_315 : memref<100x64xf32, #tpu.memory_space<vmem>>) offsets(%dma_start3A_318 : memref<100xi32, #tpu.memory_space<vmem>>) semaphore(%arg11 : memref<!tpu.dma_semaphore, #tpu.memory_space<semaphore_mem>>)
      } else {
      }
      %mul3A_150 = arith.constant 4 : i32
      %mul3A_151 = arith.muli %mul3A_150, %add3A_100 : i32
      %add3A_152 = arith.constant 1 : i32
      %add3A_153 = arith.addi %mul3A_151, %add3A_152 : i32
      %dma_wait3A_154 = arith.constant 1 : i32
      %dma_wait3A_155 = arith.constant 0 : i32
      %dma_wait3A_156 = arith.constant 0 : i32
      %dma_wait3A_157 = tpu.memref_slice %arg10[%dma_wait3A_154, %dma_wait3A_155, %dma_wait3A_156] : memref<4x100x64xf32, #tpu.memory_space<vmem>> -> memref<1x100x64xf32, #tpu.memory_space<vmem>>
      %dma_wait3A_158 = tpu.memref_squeeze %dma_wait3A_157 : memref<1x100x64xf32, #tpu.memory_space<vmem>> -> memref<100x64xf32, #tpu.memory_space<vmem>>
      %dma_wait3A_159 = arith.constant 0 : i32
      %dma_wait3A_160 = tpu.memref_slice %arg7[%add3A_153, %dma_wait3A_159] : memref<200x100xi32, #tpu.memory_space<vmem>> -> memref<1x100xi32, #tpu.memory_space<vmem>>
      %dma_wait3A_161 = tpu.memref_squeeze %dma_wait3A_160 : memref<1x100xi32, #tpu.memory_space<vmem>> -> memref<100xi32, #tpu.memory_space<vmem>>
      %dma_wait3A_162 = arith.constant 0 : i32
      %dma_wait3A_163 = arith.constant 0 : i32
      %dma_wait3A_164 = tpu.memref_slice %arg2[%arg0, %dma_wait3A_162, %dma_wait3A_163] : memref<2x10000x64xf32, #tpu.memory_space<hbm>> -> memref<1x10000x64xf32, #tpu.memory_space<hbm>>
      %dma_wait3A_165 = tpu.memref_squeeze %dma_wait3A_164 : memref<1x10000x64xf32, #tpu.memory_space<hbm>> -> memref<10000x64xf32, #tpu.memory_space<hbm>>
      %dma_wait3A_166 = arith.constant 0 : i32
      %dma_wait3A_167 = arith.constant 0 : i32
      %dma_wait3A_168 = tpu.memref_slice %dma_wait3A_165[%dma_wait3A_166, %dma_wait3A_167] : memref<10000x64xf32, #tpu.memory_space<hbm>> -> memref<10000x64xf32, #tpu.memory_space<hbm>>
      tpu.wait_indirect_dma semaphore(%arg12 : memref<!tpu.dma_semaphore, #tpu.memory_space<semaphore_mem>>) src(%dma_wait3A_168 : memref<10000x64xf32, #tpu.memory_space<hbm>>) dst(%dma_wait3A_158 : memref<100x64xf32, #tpu.memory_space<vmem>>)
      %scan3A_169 = arith.constant 0 : i32
      %scan3A_170 = arith.constant 100 : i32
      %scan3A_171 = arith.addi %scan3A_169, %scan3A_170 : i32
      %scan3A_172 = arith.constant 1 : i32
      scf.for %scan3A_309 = %scan3A_169 to %scan3A_171 step %scan3A_172  : i32 {
        %mul3A_310 = arith.constant 1 : i32
        %mul3A_311 = arith.muli %scan3A_309, %mul3A_310 : i32
        %add3A_312 = arith.constant 0 : i32
        %add3A_313 = arith.addi %add3A_312, %mul3A_311 : i32
        %mul3A_314 = arith.constant 100 : i32
        %mul3A_315 = arith.muli %add3A_153, %mul3A_314 : i32
        %add3A_316 = arith.addi %mul3A_315, %add3A_313 : i32
        %broadcast_in_dim3A_317 = vector.broadcast %add3A_316 : i32 to vector<16xi32>
        %gather3A = tpu.vector_load_idx %arg9[%broadcast_in_dim3A_317] : memref<20000xf32, #tpu.memory_space<vmem>>[vector<16xi32>], vector<16xf32>,
        %get3A = arith.constant 1 : i32
        %get3A_318 = arith.index_cast %get3A : i32 to index
        %get3A_319 = arith.index_cast %add3A_313 : i32 to index
        %get3A_320 = arith.constant 0 : index
        %get3A_321 = tpu.vector_load %arg10[%get3A_318, %get3A_319, %get3A_320] {strides = array<i32>} : memref<4x100x64xf32, #tpu.memory_space<vmem>>, vector<16xf32>,
        %mul3A_322 = arith.mulf %get3A_321, %gather3A : vector<16xf32>
        %swap3A = arith.constant 1 : i32
        %swap3A_323 = arith.index_cast %swap3A : i32 to index
        %swap3A_324 = arith.index_cast %add3A_313 : i32 to index
        %swap3A_325 = arith.constant 0 : index
        %swap3A_326 = tpu.vector_load %arg10[%swap3A_323, %swap3A_324, %swap3A_325] {strides = array<i32>} : memref<4x100x64xf32, #tpu.memory_space<vmem>>, vector<16xf32>,
        tpu.vector_store %arg10[%swap3A_323, %swap3A_324, %swap3A_325], %mul3A_322 {strides = array<i32>} : memref<4x100x64xf32, #tpu.memory_space<vmem>>, vector<16xf32>,
        %get3A_327 = arith.constant 1 : i32
        %get3A_328 = arith.index_cast %get3A_327 : i32 to index
        %get3A_329 = arith.index_cast %add3A_313 : i32 to index
        %get3A_330 = arith.constant 16 : index
        %get3A_331 = tpu.vector_load %arg10[%get3A_328, %get3A_329, %get3A_330] {strides = array<i32>} : memref<4x100x64xf32, #tpu.memory_space<vmem>>, vector<16xf32>,
        %mul3A_332 = arith.mulf %get3A_331, %gather3A : vector<16xf32>
        %swap3A_333 = arith.constant 1 : i32
        %swap3A_334 = arith.index_cast %swap3A_333 : i32 to index
        %swap3A_335 = arith.index_cast %add3A_313 : i32 to index
        %swap3A_336 = arith.constant 16 : index
        %swap3A_337 = tpu.vector_load %arg10[%swap3A_334, %swap3A_335, %swap3A_336] {strides = array<i32>} : memref<4x100x64xf32, #tpu.memory_space<vmem>>, vector<16xf32>,
        tpu.vector_store %arg10[%swap3A_334, %swap3A_335, %swap3A_336], %mul3A_332 {strides = array<i32>} : memref<4x100x64xf32, #tpu.memory_space<vmem>>, vector<16xf32>,
        %get3A_338 = arith.constant 1 : i32
        %get3A_339 = arith.index_cast %get3A_338 : i32 to index
        %get3A_340 = arith.index_cast %add3A_313 : i32 to index
        %get3A_341 = arith.constant 32 : index
        %get3A_342 = tpu.vector_load %arg10[%get3A_339, %get3A_340, %get3A_341] {strides = array<i32>} : memref<4x100x64xf32, #tpu.memory_space<vmem>>, vector<16xf32>,
        %mul3A_343 = arith.mulf %get3A_342, %gather3A : vector<16xf32>
        %swap3A_344 = arith.constant 1 : i32
        %swap3A_345 = arith.index_cast %swap3A_344 : i32 to index
        %swap3A_346 = arith.index_cast %add3A_313 : i32 to index
        %swap3A_347 = arith.constant 32 : index
        %swap3A_348 = tpu.vector_load %arg10[%swap3A_345, %swap3A_346, %swap3A_347] {strides = array<i32>} : memref<4x100x64xf32, #tpu.memory_space<vmem>>, vector<16xf32>,
        tpu.vector_store %arg10[%swap3A_345, %swap3A_346, %swap3A_347], %mul3A_343 {strides = array<i32>} : memref<4x100x64xf32, #tpu.memory_space<vmem>>, vector<16xf32>,
        %get3A_349 = arith.constant 1 : i32
        %get3A_350 = arith.index_cast %get3A_349 : i32 to index
        %get3A_351 = arith.index_cast %add3A_313 : i32 to index
        %get3A_352 = arith.constant 48 : index
        %get3A_353 = tpu.vector_load %arg10[%get3A_350, %get3A_351, %get3A_352] {strides = array<i32>} : memref<4x100x64xf32, #tpu.memory_space<vmem>>, vector<16xf32>,
        %mul3A_354 = arith.mulf %get3A_353, %gather3A : vector<16xf32>
        %swap3A_355 = arith.constant 1 : i32
        %swap3A_356 = arith.index_cast %swap3A_355 : i32 to index
        %swap3A_357 = arith.index_cast %add3A_313 : i32 to index
        %swap3A_358 = arith.constant 48 : index
        %swap3A_359 = tpu.vector_load %arg10[%swap3A_356, %swap3A_357, %swap3A_358] {strides = array<i32>} : memref<4x100x64xf32, #tpu.memory_space<vmem>>, vector<16xf32>,
        tpu.vector_store %arg10[%swap3A_356, %swap3A_357, %swap3A_358], %mul3A_354 {strides = array<i32>} : memref<4x100x64xf32, #tpu.memory_space<vmem>>, vector<16xf32>,
      }
      %scan3A_173 = arith.constant 100 : i32
      %dma_start3A_174 = arith.constant 1 : i32
      %dma_start3A_175 = arith.constant 0 : i32
      %dma_start3A_176 = arith.constant 0 : i32
      %dma_start3A_177 = tpu.memref_slice %arg10[%dma_start3A_174, %dma_start3A_175, %dma_start3A_176] : memref<4x100x64xf32, #tpu.memory_space<vmem>> -> memref<1x100x64xf32, #tpu.memory_space<vmem>>
      %dma_start3A_178 = tpu.memref_squeeze %dma_start3A_177 : memref<1x100x64xf32, #tpu.memory_space<vmem>> -> memref<100x64xf32, #tpu.memory_space<vmem>>
      %dma_start3A_179 = arith.constant 0 : i32
      %dma_start3A_180 = tpu.memref_slice %arg8[%add3A_153, %dma_start3A_179] : memref<200x100xi32, #tpu.memory_space<vmem>> -> memref<1x100xi32, #tpu.memory_space<vmem>>
      %dma_start3A_181 = tpu.memref_squeeze %dma_start3A_180 : memref<1x100xi32, #tpu.memory_space<vmem>> -> memref<100xi32, #tpu.memory_space<vmem>>
      %dma_start3A_182 = arith.constant 0 : i32
      %dma_start3A_183 = arith.constant 0 : i32
      %dma_start3A_184 = tpu.memref_slice %arg16[%dma_start3A_182, %dma_start3A_183] : memref<10000x64xf32, #tpu.memory_space<vmem_shared>> -> memref<10000x64xf32, #tpu.memory_space<vmem_shared>>
      tpu.enqueue_indirect_dma source(%dma_start3A_178 : memref<100x64xf32, #tpu.memory_space<vmem>>) target(%dma_start3A_184 : memref<10000x64xf32, #tpu.memory_space<vmem_shared>>) offsets(%dma_start3A_181 : memref<100xi32, #tpu.memory_space<vmem>>) semaphore(%arg15 : memref<!tpu.dma_semaphore, #tpu.memory_space<semaphore_mem>>) {add = true}
      %dma_wait3A_185 = arith.constant 1 : i32
      %dma_wait3A_186 = arith.constant 0 : i32
      %dma_wait3A_187 = arith.constant 0 : i32
      %dma_wait3A_188 = tpu.memref_slice %arg10[%dma_wait3A_185, %dma_wait3A_186, %dma_wait3A_187] : memref<4x100x64xf32, #tpu.memory_space<vmem>> -> memref<1x100x64xf32, #tpu.memory_space<vmem>>
      %dma_wait3A_189 = tpu.memref_squeeze %dma_wait3A_188 : memref<1x100x64xf32, #tpu.memory_space<vmem>> -> memref<100x64xf32, #tpu.memory_space<vmem>>
      %dma_wait3A_190 = arith.constant 0 : i32
      %dma_wait3A_191 = tpu.memref_slice %arg8[%add3A_153, %dma_wait3A_190] : memref<200x100xi32, #tpu.memory_space<vmem>> -> memref<1x100xi32, #tpu.memory_space<vmem>>
      %dma_wait3A_192 = tpu.memref_squeeze %dma_wait3A_191 : memref<1x100xi32, #tpu.memory_space<vmem>> -> memref<100xi32, #tpu.memory_space<vmem>>
      %dma_wait3A_193 = arith.constant 0 : i32
      %dma_wait3A_194 = arith.constant 0 : i32
      %dma_wait3A_195 = tpu.memref_slice %arg16[%dma_wait3A_193, %dma_wait3A_194] : memref<10000x64xf32, #tpu.memory_space<vmem_shared>> -> memref<10000x64xf32, #tpu.memory_space<vmem_shared>>
      tpu.wait_indirect_dma semaphore(%arg15 : memref<!tpu.dma_semaphore, #tpu.memory_space<semaphore_mem>>) src(%dma_wait3A_189 : memref<100x64xf32, #tpu.memory_space<vmem>>) dst(%dma_wait3A_195 : memref<10000x64xf32, #tpu.memory_space<vmem_shared>>)
      %add3A_196 = arith.constant 4 : i32
      %add3A_197 = arith.addi %add3A_153, %add3A_196 : i32
      %lt3A_198 = arith.constant 200 : i32
      %lt3A_199 = arith.cmpi slt, %add3A_197, %lt3A_198 : i32
      %convert_element_type3A_200 = arith.extui %lt3A_199 : i1 to i32
      %cond3A_201 = arith.constant 0 : i32
      %cond3A_202 = arith.cmpi ne, %convert_element_type3A_200, %cond3A_201 : i32
      scf.if %cond3A_202 {
        %add3A_309 = arith.constant 4 : i32
        %add3A_310 = arith.addi %add3A_153, %add3A_309 : i32
        %dma_start3A_311 = arith.constant 1 : i32
        %dma_start3A_312 = arith.constant 0 : i32
        %dma_start3A_313 = arith.constant 0 : i32
        %dma_start3A_314 = tpu.memref_slice %arg10[%dma_start3A_311, %dma_start3A_312, %dma_start3A_313] : memref<4x100x64xf32, #tpu.memory_space<vmem>> -> memref<1x100x64xf32, #tpu.memory_space<vmem>>
        %dma_start3A_315 = tpu.memref_squeeze %dma_start3A_314 : memref<1x100x64xf32, #tpu.memory_space<vmem>> -> memref<100x64xf32, #tpu.memory_space<vmem>>
        %dma_start3A_316 = arith.constant 0 : i32
        %dma_start3A_317 = tpu.memref_slice %arg7[%add3A_310, %dma_start3A_316] : memref<200x100xi32, #tpu.memory_space<vmem>> -> memref<1x100xi32, #tpu.memory_space<vmem>>
        %dma_start3A_318 = tpu.memref_squeeze %dma_start3A_317 : memref<1x100xi32, #tpu.memory_space<vmem>> -> memref<100xi32, #tpu.memory_space<vmem>>
        %dma_start3A_319 = arith.constant 0 : i32
        %dma_start3A_320 = arith.constant 0 : i32
        %dma_start3A_321 = tpu.memref_slice %arg2[%arg0, %dma_start3A_319, %dma_start3A_320] : memref<2x10000x64xf32, #tpu.memory_space<hbm>> -> memref<1x10000x64xf32, #tpu.memory_space<hbm>>
        %dma_start3A_322 = tpu.memref_squeeze %dma_start3A_321 : memref<1x10000x64xf32, #tpu.memory_space<hbm>> -> memref<10000x64xf32, #tpu.memory_space<hbm>>
        %dma_start3A_323 = arith.constant 0 : i32
        %dma_start3A_324 = arith.constant 0 : i32
        %dma_start3A_325 = tpu.memref_slice %dma_start3A_322[%dma_start3A_323, %dma_start3A_324] : memref<10000x64xf32, #tpu.memory_space<hbm>> -> memref<10000x64xf32, #tpu.memory_space<hbm>>
        tpu.enqueue_indirect_dma source(%dma_start3A_325 : memref<10000x64xf32, #tpu.memory_space<hbm>>) target(%dma_start3A_315 : memref<100x64xf32, #tpu.memory_space<vmem>>) offsets(%dma_start3A_318 : memref<100xi32, #tpu.memory_space<vmem>>) semaphore(%arg12 : memref<!tpu.dma_semaphore, #tpu.memory_space<semaphore_mem>>)
      } else {
      }
      %mul3A_203 = arith.constant 4 : i32
      %mul3A_204 = arith.muli %mul3A_203, %add3A_100 : i32
      %add3A_205 = arith.constant 2 : i32
      %add3A_206 = arith.addi %mul3A_204, %add3A_205 : i32
      %dma_wait3A_207 = arith.constant 2 : i32
      %dma_wait3A_208 = arith.constant 0 : i32
      %dma_wait3A_209 = arith.constant 0 : i32
      %dma_wait3A_210 = tpu.memref_slice %arg10[%dma_wait3A_207, %dma_wait3A_208, %dma_wait3A_209] : memref<4x100x64xf32, #tpu.memory_space<vmem>> -> memref<1x100x64xf32, #tpu.memory_space<vmem>>
      %dma_wait3A_211 = tpu.memref_squeeze %dma_wait3A_210 : memref<1x100x64xf32, #tpu.memory_space<vmem>> -> memref<100x64xf32, #tpu.memory_space<vmem>>
      %dma_wait3A_212 = arith.constant 0 : i32
      %dma_wait3A_213 = tpu.memref_slice %arg7[%add3A_206, %dma_wait3A_212] : memref<200x100xi32, #tpu.memory_space<vmem>> -> memref<1x100xi32, #tpu.memory_space<vmem>>
      %dma_wait3A_214 = tpu.memref_squeeze %dma_wait3A_213 : memref<1x100xi32, #tpu.memory_space<vmem>> -> memref<100xi32, #tpu.memory_space<vmem>>
      %dma_wait3A_215 = arith.constant 0 : i32
      %dma_wait3A_216 = arith.constant 0 : i32
      %dma_wait3A_217 = tpu.memref_slice %arg2[%arg0, %dma_wait3A_215, %dma_wait3A_216] : memref<2x10000x64xf32, #tpu.memory_space<hbm>> -> memref<1x10000x64xf32, #tpu.memory_space<hbm>>
      %dma_wait3A_218 = tpu.memref_squeeze %dma_wait3A_217 : memref<1x10000x64xf32, #tpu.memory_space<hbm>> -> memref<10000x64xf32, #tpu.memory_space<hbm>>
      %dma_wait3A_219 = arith.constant 0 : i32
      %dma_wait3A_220 = arith.constant 0 : i32
      %dma_wait3A_221 = tpu.memref_slice %dma_wait3A_218[%dma_wait3A_219, %dma_wait3A_220] : memref<10000x64xf32, #tpu.memory_space<hbm>> -> memref<10000x64xf32, #tpu.memory_space<hbm>>
      tpu.wait_indirect_dma semaphore(%arg13 : memref<!tpu.dma_semaphore, #tpu.memory_space<semaphore_mem>>) src(%dma_wait3A_221 : memref<10000x64xf32, #tpu.memory_space<hbm>>) dst(%dma_wait3A_211 : memref<100x64xf32, #tpu.memory_space<vmem>>)
      %scan3A_222 = arith.constant 0 : i32
      %scan3A_223 = arith.constant 100 : i32
      %scan3A_224 = arith.addi %scan3A_222, %scan3A_223 : i32
      %scan3A_225 = arith.constant 1 : i32
      scf.for %scan3A_309 = %scan3A_222 to %scan3A_224 step %scan3A_225  : i32 {
        %mul3A_310 = arith.constant 1 : i32
        %mul3A_311 = arith.muli %scan3A_309, %mul3A_310 : i32
        %add3A_312 = arith.constant 0 : i32
        %add3A_313 = arith.addi %add3A_312, %mul3A_311 : i32
        %mul3A_314 = arith.constant 100 : i32
        %mul3A_315 = arith.muli %add3A_206, %mul3A_314 : i32
        %add3A_316 = arith.addi %mul3A_315, %add3A_313 : i32
        %broadcast_in_dim3A_317 = vector.broadcast %add3A_316 : i32 to vector<16xi32>
        %gather3A = tpu.vector_load_idx %arg9[%broadcast_in_dim3A_317] : memref<20000xf32, #tpu.memory_space<vmem>>[vector<16xi32>], vector<16xf32>,
        %get3A = arith.constant 2 : i32
        %get3A_318 = arith.index_cast %get3A : i32 to index
        %get3A_319 = arith.index_cast %add3A_313 : i32 to index
        %get3A_320 = arith.constant 0 : index
        %get3A_321 = tpu.vector_load %arg10[%get3A_318, %get3A_319, %get3A_320] {strides = array<i32>} : memref<4x100x64xf32, #tpu.memory_space<vmem>>, vector<16xf32>,
        %mul3A_322 = arith.mulf %get3A_321, %gather3A : vector<16xf32>
        %swap3A = arith.constant 2 : i32
        %swap3A_323 = arith.index_cast %swap3A : i32 to index
        %swap3A_324 = arith.index_cast %add3A_313 : i32 to index
        %swap3A_325 = arith.constant 0 : index
        %swap3A_326 = tpu.vector_load %arg10[%swap3A_323, %swap3A_324, %swap3A_325] {strides = array<i32>} : memref<4x100x64xf32, #tpu.memory_space<vmem>>, vector<16xf32>,
        tpu.vector_store %arg10[%swap3A_323, %swap3A_324, %swap3A_325], %mul3A_322 {strides = array<i32>} : memref<4x100x64xf32, #tpu.memory_space<vmem>>, vector<16xf32>,
        %get3A_327 = arith.constant 2 : i32
        %get3A_328 = arith.index_cast %get3A_327 : i32 to index
        %get3A_329 = arith.index_cast %add3A_313 : i32 to index
        %get3A_330 = arith.constant 16 : index
        %get3A_331 = tpu.vector_load %arg10[%get3A_328, %get3A_329, %get3A_330] {strides = array<i32>} : memref<4x100x64xf32, #tpu.memory_space<vmem>>, vector<16xf32>,
        %mul3A_332 = arith.mulf %get3A_331, %gather3A : vector<16xf32>
        %swap3A_333 = arith.constant 2 : i32
        %swap3A_334 = arith.index_cast %swap3A_333 : i32 to index
        %swap3A_335 = arith.index_cast %add3A_313 : i32 to index
        %swap3A_336 = arith.constant 16 : index
        %swap3A_337 = tpu.vector_load %arg10[%swap3A_334, %swap3A_335, %swap3A_336] {strides = array<i32>} : memref<4x100x64xf32, #tpu.memory_space<vmem>>, vector<16xf32>,
        tpu.vector_store %arg10[%swap3A_334, %swap3A_335, %swap3A_336], %mul3A_332 {strides = array<i32>} : memref<4x100x64xf32, #tpu.memory_space<vmem>>, vector<16xf32>,
        %get3A_338 = arith.constant 2 : i32
        %get3A_339 = arith.index_cast %get3A_338 : i32 to index
        %get3A_340 = arith.index_cast %add3A_313 : i32 to index
        %get3A_341 = arith.constant 32 : index
        %get3A_342 = tpu.vector_load %arg10[%get3A_339, %get3A_340, %get3A_341] {strides = array<i32>} : memref<4x100x64xf32, #tpu.memory_space<vmem>>, vector<16xf32>,
        %mul3A_343 = arith.mulf %get3A_342, %gather3A : vector<16xf32>
        %swap3A_344 = arith.constant 2 : i32
        %swap3A_345 = arith.index_cast %swap3A_344 : i32 to index
        %swap3A_346 = arith.index_cast %add3A_313 : i32 to index
        %swap3A_347 = arith.constant 32 : index
        %swap3A_348 = tpu.vector_load %arg10[%swap3A_345, %swap3A_346, %swap3A_347] {strides = array<i32>} : memref<4x100x64xf32, #tpu.memory_space<vmem>>, vector<16xf32>,
        tpu.vector_store %arg10[%swap3A_345, %swap3A_346, %swap3A_347], %mul3A_343 {strides = array<i32>} : memref<4x100x64xf32, #tpu.memory_space<vmem>>, vector<16xf32>,
        %get3A_349 = arith.constant 2 : i32
        %get3A_350 = arith.index_cast %get3A_349 : i32 to index
        %get3A_351 = arith.index_cast %add3A_313 : i32 to index
        %get3A_352 = arith.constant 48 : index
        %get3A_353 = tpu.vector_load %arg10[%get3A_350, %get3A_351, %get3A_352] {strides = array<i32>} : memref<4x100x64xf32, #tpu.memory_space<vmem>>, vector<16xf32>,
        %mul3A_354 = arith.mulf %get3A_353, %gather3A : vector<16xf32>
        %swap3A_355 = arith.constant 2 : i32
        %swap3A_356 = arith.index_cast %swap3A_355 : i32 to index
        %swap3A_357 = arith.index_cast %add3A_313 : i32 to index
        %swap3A_358 = arith.constant 48 : index
        %swap3A_359 = tpu.vector_load %arg10[%swap3A_356, %swap3A_357, %swap3A_358] {strides = array<i32>} : memref<4x100x64xf32, #tpu.memory_space<vmem>>, vector<16xf32>,
        tpu.vector_store %arg10[%swap3A_356, %swap3A_357, %swap3A_358], %mul3A_354 {strides = array<i32>} : memref<4x100x64xf32, #tpu.memory_space<vmem>>, vector<16xf32>,
      }
      %scan3A_226 = arith.constant 100 : i32
      %dma_start3A_227 = arith.constant 2 : i32
      %dma_start3A_228 = arith.constant 0 : i32
      %dma_start3A_229 = arith.constant 0 : i32
      %dma_start3A_230 = tpu.memref_slice %arg10[%dma_start3A_227, %dma_start3A_228, %dma_start3A_229] : memref<4x100x64xf32, #tpu.memory_space<vmem>> -> memref<1x100x64xf32, #tpu.memory_space<vmem>>
      %dma_start3A_231 = tpu.memref_squeeze %dma_start3A_230 : memref<1x100x64xf32, #tpu.memory_space<vmem>> -> memref<100x64xf32, #tpu.memory_space<vmem>>
      %dma_start3A_232 = arith.constant 0 : i32
      %dma_start3A_233 = tpu.memref_slice %arg8[%add3A_206, %dma_start3A_232] : memref<200x100xi32, #tpu.memory_space<vmem>> -> memref<1x100xi32, #tpu.memory_space<vmem>>
      %dma_start3A_234 = tpu.memref_squeeze %dma_start3A_233 : memref<1x100xi32, #tpu.memory_space<vmem>> -> memref<100xi32, #tpu.memory_space<vmem>>
      %dma_start3A_235 = arith.constant 0 : i32
      %dma_start3A_236 = arith.constant 0 : i32
      %dma_start3A_237 = tpu.memref_slice %arg16[%dma_start3A_235, %dma_start3A_236] : memref<10000x64xf32, #tpu.memory_space<vmem_shared>> -> memref<10000x64xf32, #tpu.memory_space<vmem_shared>>
      tpu.enqueue_indirect_dma source(%dma_start3A_231 : memref<100x64xf32, #tpu.memory_space<vmem>>) target(%dma_start3A_237 : memref<10000x64xf32, #tpu.memory_space<vmem_shared>>) offsets(%dma_start3A_234 : memref<100xi32, #tpu.memory_space<vmem>>) semaphore(%arg15 : memref<!tpu.dma_semaphore, #tpu.memory_space<semaphore_mem>>) {add = true}
      %dma_wait3A_238 = arith.constant 2 : i32
      %dma_wait3A_239 = arith.constant 0 : i32
      %dma_wait3A_240 = arith.constant 0 : i32
      %dma_wait3A_241 = tpu.memref_slice %arg10[%dma_wait3A_238, %dma_wait3A_239, %dma_wait3A_240] : memref<4x100x64xf32, #tpu.memory_space<vmem>> -> memref<1x100x64xf32, #tpu.memory_space<vmem>>
      %dma_wait3A_242 = tpu.memref_squeeze %dma_wait3A_241 : memref<1x100x64xf32, #tpu.memory_space<vmem>> -> memref<100x64xf32, #tpu.memory_space<vmem>>
      %dma_wait3A_243 = arith.constant 0 : i32
      %dma_wait3A_244 = tpu.memref_slice %arg8[%add3A_206, %dma_wait3A_243] : memref<200x100xi32, #tpu.memory_space<vmem>> -> memref<1x100xi32, #tpu.memory_space<vmem>>
      %dma_wait3A_245 = tpu.memref_squeeze %dma_wait3A_244 : memref<1x100xi32, #tpu.memory_space<vmem>> -> memref<100xi32, #tpu.memory_space<vmem>>
      %dma_wait3A_246 = arith.constant 0 : i32
      %dma_wait3A_247 = arith.constant 0 : i32
      %dma_wait3A_248 = tpu.memref_slice %arg16[%dma_wait3A_246, %dma_wait3A_247] : memref<10000x64xf32, #tpu.memory_space<vmem_shared>> -> memref<10000x64xf32, #tpu.memory_space<vmem_shared>>
      tpu.wait_indirect_dma semaphore(%arg15 : memref<!tpu.dma_semaphore, #tpu.memory_space<semaphore_mem>>) src(%dma_wait3A_242 : memref<100x64xf32, #tpu.memory_space<vmem>>) dst(%dma_wait3A_248 : memref<10000x64xf32, #tpu.memory_space<vmem_shared>>)
      %add3A_249 = arith.constant 4 : i32
      %add3A_250 = arith.addi %add3A_206, %add3A_249 : i32
      %lt3A_251 = arith.constant 200 : i32
      %lt3A_252 = arith.cmpi slt, %add3A_250, %lt3A_251 : i32
      %convert_element_type3A_253 = arith.extui %lt3A_252 : i1 to i32
      %cond3A_254 = arith.constant 0 : i32
      %cond3A_255 = arith.cmpi ne, %convert_element_type3A_253, %cond3A_254 : i32
      scf.if %cond3A_255 {
        %add3A_309 = arith.constant 4 : i32
        %add3A_310 = arith.addi %add3A_206, %add3A_309 : i32
        %dma_start3A_311 = arith.constant 2 : i32
        %dma_start3A_312 = arith.constant 0 : i32
        %dma_start3A_313 = arith.constant 0 : i32
        %dma_start3A_314 = tpu.memref_slice %arg10[%dma_start3A_311, %dma_start3A_312, %dma_start3A_313] : memref<4x100x64xf32, #tpu.memory_space<vmem>> -> memref<1x100x64xf32, #tpu.memory_space<vmem>>
        %dma_start3A_315 = tpu.memref_squeeze %dma_start3A_314 : memref<1x100x64xf32, #tpu.memory_space<vmem>> -> memref<100x64xf32, #tpu.memory_space<vmem>>
        %dma_start3A_316 = arith.constant 0 : i32
        %dma_start3A_317 = tpu.memref_slice %arg7[%add3A_310, %dma_start3A_316] : memref<200x100xi32, #tpu.memory_space<vmem>> -> memref<1x100xi32, #tpu.memory_space<vmem>>
        %dma_start3A_318 = tpu.memref_squeeze %dma_start3A_317 : memref<1x100xi32, #tpu.memory_space<vmem>> -> memref<100xi32, #tpu.memory_space<vmem>>
        %dma_start3A_319 = arith.constant 0 : i32
        %dma_start3A_320 = arith.constant 0 : i32
        %dma_start3A_321 = tpu.memref_slice %arg2[%arg0, %dma_start3A_319, %dma_start3A_320] : memref<2x10000x64xf32, #tpu.memory_space<hbm>> -> memref<1x10000x64xf32, #tpu.memory_space<hbm>>
        %dma_start3A_322 = tpu.memref_squeeze %dma_start3A_321 : memref<1x10000x64xf32, #tpu.memory_space<hbm>> -> memref<10000x64xf32, #tpu.memory_space<hbm>>
        %dma_start3A_323 = arith.constant 0 : i32
        %dma_start3A_324 = arith.constant 0 : i32
        %dma_start3A_325 = tpu.memref_slice %dma_start3A_322[%dma_start3A_323, %dma_start3A_324] : memref<10000x64xf32, #tpu.memory_space<hbm>> -> memref<10000x64xf32, #tpu.memory_space<hbm>>
        tpu.enqueue_indirect_dma source(%dma_start3A_325 : memref<10000x64xf32, #tpu.memory_space<hbm>>) target(%dma_start3A_315 : memref<100x64xf32, #tpu.memory_space<vmem>>) offsets(%dma_start3A_318 : memref<100xi32, #tpu.memory_space<vmem>>) semaphore(%arg13 : memref<!tpu.dma_semaphore, #tpu.memory_space<semaphore_mem>>)
      } else {
      }
      %mul3A_256 = arith.constant 4 : i32
      %mul3A_257 = arith.muli %mul3A_256, %add3A_100 : i32
      %add3A_258 = arith.constant 3 : i32
      %add3A_259 = arith.addi %mul3A_257, %add3A_258 : i32
      %dma_wait3A_260 = arith.constant 3 : i32
      %dma_wait3A_261 = arith.constant 0 : i32
      %dma_wait3A_262 = arith.constant 0 : i32
      %dma_wait3A_263 = tpu.memref_slice %arg10[%dma_wait3A_260, %dma_wait3A_261, %dma_wait3A_262] : memref<4x100x64xf32, #tpu.memory_space<vmem>> -> memref<1x100x64xf32, #tpu.memory_space<vmem>>
      %dma_wait3A_264 = tpu.memref_squeeze %dma_wait3A_263 : memref<1x100x64xf32, #tpu.memory_space<vmem>> -> memref<100x64xf32, #tpu.memory_space<vmem>>
      %dma_wait3A_265 = arith.constant 0 : i32
      %dma_wait3A_266 = tpu.memref_slice %arg7[%add3A_259, %dma_wait3A_265] : memref<200x100xi32, #tpu.memory_space<vmem>> -> memref<1x100xi32, #tpu.memory_space<vmem>>
      %dma_wait3A_267 = tpu.memref_squeeze %dma_wait3A_266 : memref<1x100xi32, #tpu.memory_space<vmem>> -> memref<100xi32, #tpu.memory_space<vmem>>
      %dma_wait3A_268 = arith.constant 0 : i32
      %dma_wait3A_269 = arith.constant 0 : i32
      %dma_wait3A_270 = tpu.memref_slice %arg2[%arg0, %dma_wait3A_268, %dma_wait3A_269] : memref<2x10000x64xf32, #tpu.memory_space<hbm>> -> memref<1x10000x64xf32, #tpu.memory_space<hbm>>
      %dma_wait3A_271 = tpu.memref_squeeze %dma_wait3A_270 : memref<1x10000x64xf32, #tpu.memory_space<hbm>> -> memref<10000x64xf32, #tpu.memory_space<hbm>>
      %dma_wait3A_272 = arith.constant 0 : i32
      %dma_wait3A_273 = arith.constant 0 : i32
      %dma_wait3A_274 = tpu.memref_slice %dma_wait3A_271[%dma_wait3A_272, %dma_wait3A_273] : memref<10000x64xf32, #tpu.memory_space<hbm>> -> memref<10000x64xf32, #tpu.memory_space<hbm>>
      tpu.wait_indirect_dma semaphore(%arg14 : memref<!tpu.dma_semaphore, #tpu.memory_space<semaphore_mem>>) src(%dma_wait3A_274 : memref<10000x64xf32, #tpu.memory_space<hbm>>) dst(%dma_wait3A_264 : memref<100x64xf32, #tpu.memory_space<vmem>>)
      %scan3A_275 = arith.constant 0 : i32
      %scan3A_276 = arith.constant 100 : i32
      %scan3A_277 = arith.addi %scan3A_275, %scan3A_276 : i32
      %scan3A_278 = arith.constant 1 : i32
      scf.for %scan3A_309 = %scan3A_275 to %scan3A_277 step %scan3A_278  : i32 {
        %mul3A_310 = arith.constant 1 : i32
        %mul3A_311 = arith.muli %scan3A_309, %mul3A_310 : i32
        %add3A_312 = arith.constant 0 : i32
        %add3A_313 = arith.addi %add3A_312, %mul3A_311 : i32
        %mul3A_314 = arith.constant 100 : i32
        %mul3A_315 = arith.muli %add3A_259, %mul3A_314 : i32
        %add3A_316 = arith.addi %mul3A_315, %add3A_313 : i32
        %broadcast_in_dim3A_317 = vector.broadcast %add3A_316 : i32 to vector<16xi32>
        %gather3A = tpu.vector_load_idx %arg9[%broadcast_in_dim3A_317] : memref<20000xf32, #tpu.memory_space<vmem>>[vector<16xi32>], vector<16xf32>,
        %get3A = arith.constant 3 : i32
        %get3A_318 = arith.index_cast %get3A : i32 to index
        %get3A_319 = arith.index_cast %add3A_313 : i32 to index
        %get3A_320 = arith.constant 0 : index
        %get3A_321 = tpu.vector_load %arg10[%get3A_318, %get3A_319, %get3A_320] {strides = array<i32>} : memref<4x100x64xf32, #tpu.memory_space<vmem>>, vector<16xf32>,
        %mul3A_322 = arith.mulf %get3A_321, %gather3A : vector<16xf32>
        %swap3A = arith.constant 3 : i32
        %swap3A_323 = arith.index_cast %swap3A : i32 to index
        %swap3A_324 = arith.index_cast %add3A_313 : i32 to index
        %swap3A_325 = arith.constant 0 : index
        %swap3A_326 = tpu.vector_load %arg10[%swap3A_323, %swap3A_324, %swap3A_325] {strides = array<i32>} : memref<4x100x64xf32, #tpu.memory_space<vmem>>, vector<16xf32>,
        tpu.vector_store %arg10[%swap3A_323, %swap3A_324, %swap3A_325], %mul3A_322 {strides = array<i32>} : memref<4x100x64xf32, #tpu.memory_space<vmem>>, vector<16xf32>,
        %get3A_327 = arith.constant 3 : i32
        %get3A_328 = arith.index_cast %get3A_327 : i32 to index
        %get3A_329 = arith.index_cast %add3A_313 : i32 to index
        %get3A_330 = arith.constant 16 : index
        %get3A_331 = tpu.vector_load %arg10[%get3A_328, %get3A_329, %get3A_330] {strides = array<i32>} : memref<4x100x64xf32, #tpu.memory_space<vmem>>, vector<16xf32>,
        %mul3A_332 = arith.mulf %get3A_331, %gather3A : vector<16xf32>
        %swap3A_333 = arith.constant 3 : i32
        %swap3A_334 = arith.index_cast %swap3A_333 : i32 to index
        %swap3A_335 = arith.index_cast %add3A_313 : i32 to index
        %swap3A_336 = arith.constant 16 : index
        %swap3A_337 = tpu.vector_load %arg10[%swap3A_334, %swap3A_335, %swap3A_336] {strides = array<i32>} : memref<4x100x64xf32, #tpu.memory_space<vmem>>, vector<16xf32>,
        tpu.vector_store %arg10[%swap3A_334, %swap3A_335, %swap3A_336], %mul3A_332 {strides = array<i32>} : memref<4x100x64xf32, #tpu.memory_space<vmem>>, vector<16xf32>,
        %get3A_338 = arith.constant 3 : i32
        %get3A_339 = arith.index_cast %get3A_338 : i32 to index
        %get3A_340 = arith.index_cast %add3A_313 : i32 to index
        %get3A_341 = arith.constant 32 : index
        %get3A_342 = tpu.vector_load %arg10[%get3A_339, %get3A_340, %get3A_341] {strides = array<i32>} : memref<4x100x64xf32, #tpu.memory_space<vmem>>, vector<16xf32>,
        %mul3A_343 = arith.mulf %get3A_342, %gather3A : vector<16xf32>
        %swap3A_344 = arith.constant 3 : i32
        %swap3A_345 = arith.index_cast %swap3A_344 : i32 to index
        %swap3A_346 = arith.index_cast %add3A_313 : i32 to index
        %swap3A_347 = arith.constant 32 : index
        %swap3A_348 = tpu.vector_load %arg10[%swap3A_345, %swap3A_346, %swap3A_347] {strides = array<i32>} : memref<4x100x64xf32, #tpu.memory_space<vmem>>, vector<16xf32>,
        tpu.vector_store %arg10[%swap3A_345, %swap3A_346, %swap3A_347], %mul3A_343 {strides = array<i32>} : memref<4x100x64xf32, #tpu.memory_space<vmem>>, vector<16xf32>,
        %get3A_349 = arith.constant 3 : i32
        %get3A_350 = arith.index_cast %get3A_349 : i32 to index
        %get3A_351 = arith.index_cast %add3A_313 : i32 to index
        %get3A_352 = arith.constant 48 : index
        %get3A_353 = tpu.vector_load %arg10[%get3A_350, %get3A_351, %get3A_352] {strides = array<i32>} : memref<4x100x64xf32, #tpu.memory_space<vmem>>, vector<16xf32>,
        %mul3A_354 = arith.mulf %get3A_353, %gather3A : vector<16xf32>
        %swap3A_355 = arith.constant 3 : i32
        %swap3A_356 = arith.index_cast %swap3A_355 : i32 to index
        %swap3A_357 = arith.index_cast %add3A_313 : i32 to index
        %swap3A_358 = arith.constant 48 : index
        %swap3A_359 = tpu.vector_load %arg10[%swap3A_356, %swap3A_357, %swap3A_358] {strides = array<i32>} : memref<4x100x64xf32, #tpu.memory_space<vmem>>, vector<16xf32>,
        tpu.vector_store %arg10[%swap3A_356, %swap3A_357, %swap3A_358], %mul3A_354 {strides = array<i32>} : memref<4x100x64xf32, #tpu.memory_space<vmem>>, vector<16xf32>,
      }
      %scan3A_279 = arith.constant 100 : i32
      %dma_start3A_280 = arith.constant 3 : i32
      %dma_start3A_281 = arith.constant 0 : i32
      %dma_start3A_282 = arith.constant 0 : i32
      %dma_start3A_283 = tpu.memref_slice %arg10[%dma_start3A_280, %dma_start3A_281, %dma_start3A_282] : memref<4x100x64xf32, #tpu.memory_space<vmem>> -> memref<1x100x64xf32, #tpu.memory_space<vmem>>
      %dma_start3A_284 = tpu.memref_squeeze %dma_start3A_283 : memref<1x100x64xf32, #tpu.memory_space<vmem>> -> memref<100x64xf32, #tpu.memory_space<vmem>>
      %dma_start3A_285 = arith.constant 0 : i32
      %dma_start3A_286 = tpu.memref_slice %arg8[%add3A_259, %dma_start3A_285] : memref<200x100xi32, #tpu.memory_space<vmem>> -> memref<1x100xi32, #tpu.memory_space<vmem>>
      %dma_start3A_287 = tpu.memref_squeeze %dma_start3A_286 : memref<1x100xi32, #tpu.memory_space<vmem>> -> memref<100xi32, #tpu.memory_space<vmem>>
      %dma_start3A_288 = arith.constant 0 : i32
      %dma_start3A_289 = arith.constant 0 : i32
      %dma_start3A_290 = tpu.memref_slice %arg16[%dma_start3A_288, %dma_start3A_289] : memref<10000x64xf32, #tpu.memory_space<vmem_shared>> -> memref<10000x64xf32, #tpu.memory_space<vmem_shared>>
      tpu.enqueue_indirect_dma source(%dma_start3A_284 : memref<100x64xf32, #tpu.memory_space<vmem>>) target(%dma_start3A_290 : memref<10000x64xf32, #tpu.memory_space<vmem_shared>>) offsets(%dma_start3A_287 : memref<100xi32, #tpu.memory_space<vmem>>) semaphore(%arg15 : memref<!tpu.dma_semaphore, #tpu.memory_space<semaphore_mem>>) {add = true}
      %dma_wait3A_291 = arith.constant 3 : i32
      %dma_wait3A_292 = arith.constant 0 : i32
      %dma_wait3A_293 = arith.constant 0 : i32
      %dma_wait3A_294 = tpu.memref_slice %arg10[%dma_wait3A_291, %dma_wait3A_292, %dma_wait3A_293] : memref<4x100x64xf32, #tpu.memory_space<vmem>> -> memref<1x100x64xf32, #tpu.memory_space<vmem>>
      %dma_wait3A_295 = tpu.memref_squeeze %dma_wait3A_294 : memref<1x100x64xf32, #tpu.memory_space<vmem>> -> memref<100x64xf32, #tpu.memory_space<vmem>>
      %dma_wait3A_296 = arith.constant 0 : i32
      %dma_wait3A_297 = tpu.memref_slice %arg8[%add3A_259, %dma_wait3A_296] : memref<200x100xi32, #tpu.memory_space<vmem>> -> memref<1x100xi32, #tpu.memory_space<vmem>>
      %dma_wait3A_298 = tpu.memref_squeeze %dma_wait3A_297 : memref<1x100xi32, #tpu.memory_space<vmem>> -> memref<100xi32, #tpu.memory_space<vmem>>
      %dma_wait3A_299 = arith.constant 0 : i32
      %dma_wait3A_300 = arith.constant 0 : i32
      %dma_wait3A_301 = tpu.memref_slice %arg16[%dma_wait3A_299, %dma_wait3A_300] : memref<10000x64xf32, #tpu.memory_space<vmem_shared>> -> memref<10000x64xf32, #tpu.memory_space<vmem_shared>>
      tpu.wait_indirect_dma semaphore(%arg15 : memref<!tpu.dma_semaphore, #tpu.memory_space<semaphore_mem>>) src(%dma_wait3A_295 : memref<100x64xf32, #tpu.memory_space<vmem>>) dst(%dma_wait3A_301 : memref<10000x64xf32, #tpu.memory_space<vmem_shared>>)
      %add3A_302 = arith.constant 4 : i32
      %add3A_303 = arith.addi %add3A_259, %add3A_302 : i32
      %lt3A_304 = arith.constant 200 : i32
      %lt3A_305 = arith.cmpi slt, %add3A_303, %lt3A_304 : i32
      %convert_element_type3A_306 = arith.extui %lt3A_305 : i1 to i32
      %cond3A_307 = arith.constant 0 : i32
      %cond3A_308 = arith.cmpi ne, %convert_element_type3A_306, %cond3A_307 : i32
      scf.if %cond3A_308 {
        %add3A_309 = arith.constant 4 : i32
        %add3A_310 = arith.addi %add3A_259, %add3A_309 : i32
        %dma_start3A_311 = arith.constant 3 : i32
        %dma_start3A_312 = arith.constant 0 : i32
        %dma_start3A_313 = arith.constant 0 : i32
        %dma_start3A_314 = tpu.memref_slice %arg10[%dma_start3A_311, %dma_start3A_312, %dma_start3A_313] : memref<4x100x64xf32, #tpu.memory_space<vmem>> -> memref<1x100x64xf32, #tpu.memory_space<vmem>>
        %dma_start3A_315 = tpu.memref_squeeze %dma_start3A_314 : memref<1x100x64xf32, #tpu.memory_space<vmem>> -> memref<100x64xf32, #tpu.memory_space<vmem>>
        %dma_start3A_316 = arith.constant 0 : i32
        %dma_start3A_317 = tpu.memref_slice %arg7[%add3A_310, %dma_start3A_316] : memref<200x100xi32, #tpu.memory_space<vmem>> -> memref<1x100xi32, #tpu.memory_space<vmem>>
        %dma_start3A_318 = tpu.memref_squeeze %dma_start3A_317 : memref<1x100xi32, #tpu.memory_space<vmem>> -> memref<100xi32, #tpu.memory_space<vmem>>
        %dma_start3A_319 = arith.constant 0 : i32
        %dma_start3A_320 = arith.constant 0 : i32
        %dma_start3A_321 = tpu.memref_slice %arg2[%arg0, %dma_start3A_319, %dma_start3A_320] : memref<2x10000x64xf32, #tpu.memory_space<hbm>> -> memref<1x10000x64xf32, #tpu.memory_space<hbm>>
        %dma_start3A_322 = tpu.memref_squeeze %dma_start3A_321 : memref<1x10000x64xf32, #tpu.memory_space<hbm>> -> memref<10000x64xf32, #tpu.memory_space<hbm>>
        %dma_start3A_323 = arith.constant 0 : i32
        %dma_start3A_324 = arith.constant 0 : i32
        %dma_start3A_325 = tpu.memref_slice %dma_start3A_322[%dma_start3A_323, %dma_start3A_324] : memref<10000x64xf32, #tpu.memory_space<hbm>> -> memref<10000x64xf32, #tpu.memory_space<hbm>>
        tpu.enqueue_indirect_dma source(%dma_start3A_325 : memref<10000x64xf32, #tpu.memory_space<hbm>>) target(%dma_start3A_315 : memref<100x64xf32, #tpu.memory_space<vmem>>) offsets(%dma_start3A_318 : memref<100xi32, #tpu.memory_space<vmem>>) semaphore(%arg14 : memref<!tpu.dma_semaphore, #tpu.memory_space<semaphore_mem>>)
      } else {
      }
    }
    %scan3A_94 = arith.constant 50 : i32
    %barrier3A_95 = arith.constant 0 : index
    tpu.barrier barrier_id(%barrier3A_95)
    "tpu.region"() ({
      %run_scoped3A_96 = tpu.sem_alloc : memref<!tpu.dma_semaphore, #tpu.memory_space<semaphore_mem>>
      %dma_start3A_97 = arith.constant 0 : i32
      %dma_start3A_98 = tpu.memref_slice %arg6[%arg0, %mul3A_7, %dma_start3A_97] : memref<2x10000x64xf32, #tpu.memory_space<hbm>> -> memref<1x640x64xf32, #tpu.memory_space<hbm>>
      %dma_start3A_99 = tpu.memref_squeeze %dma_start3A_98 : memref<1x640x64xf32, #tpu.memory_space<hbm>> -> memref<640x64xf32, #tpu.memory_space<hbm>>
      %dma_start3A_100 = arith.constant 0 : i32
      %dma_start3A_101 = tpu.memref_slice %arg16[%mul3A_7, %dma_start3A_100] : memref<10000x64xf32, #tpu.memory_space<vmem_shared>> -> memref<640x64xf32, #tpu.memory_space<vmem_shared>>
      tpu.enqueue_dma source(%dma_start3A_101 : memref<640x64xf32, #tpu.memory_space<vmem_shared>>) target(%dma_start3A_99 : memref<640x64xf32, #tpu.memory_space<hbm>>) target_semaphore(%run_scoped3A_96 : memref<!tpu.dma_semaphore, #tpu.memory_space<semaphore_mem>>)
      %dma_wait3A = arith.constant 0 : i32
      %dma_wait3A_102 = tpu.memref_slice %arg6[%arg0, %mul3A_7, %dma_wait3A] : memref<2x10000x64xf32, #tpu.memory_space<hbm>> -> memref<1x640x64xf32, #tpu.memory_space<hbm>>
      %dma_wait3A_103 = tpu.memref_squeeze %dma_wait3A_102 : memref<1x640x64xf32, #tpu.memory_space<hbm>> -> memref<640x64xf32, #tpu.memory_space<hbm>>
      %dma_wait3A_104 = arith.constant 0 : i32
      %dma_wait3A_105 = tpu.memref_slice %arg16[%mul3A_7, %dma_wait3A_104] : memref<10000x64xf32, #tpu.memory_space<vmem_shared>> -> memref<640x64xf32, #tpu.memory_space<vmem_shared>>
      tpu.wait_dma2 semaphore(%run_scoped3A_96 : memref<!tpu.dma_semaphore, #tpu.memory_space<semaphore_mem>>) src(%dma_wait3A_105 : memref<640x64xf32, #tpu.memory_space<vmem_shared>>) dst(%dma_wait3A_103 : memref<640x64xf32, #tpu.memory_space<hbm>>)
      tpu.yield
    }) : () -> ()
    return
  }
}

module attributes {stable_mosaic.version = 14 : i64} {
  func.func @_inv_body(%arg0: memref<32x10240xf32, #tpu.memory_space<vmem>>, %arg1: memref<1x10240xf32, #tpu.memory_space<vmem>>) attributes {dimension_semantics = [], scalar_prefetch = 0 : i64, scratch_operands = 0 : i64, tpu.core_type = #tpu.core_type<tc>} {
    %get3A = arith.constant 0 : index
    %get3A_0 = arith.constant 0 : index
    %get3A_1 = vector.load %arg0[%get3A, %get3A_0] : memref<32x10240xf32, #tpu.memory_space<vmem>>, vector<32x10240xf32>
    %reduce_sum3A = arith.constant dense<0.000000e+00> : vector<10240xf32>
    %reduce_sum3A_2 = vector.multi_reduction <add>, %get3A_1, %reduce_sum3A [0] : vector<32x10240xf32> to vector<10240xf32>
    %broadcast_in_dim3A = vector.shape_cast %reduce_sum3A_2 : vector<10240xf32> to vector<1x10240xf32>
    %max3A = arith.constant 1.000000e+00 : f32
    %max3A_3 = vector.broadcast %max3A : f32 to vector<1x10240xf32>
    %max3A_4 = arith.maximumf %broadcast_in_dim3A, %max3A_3 : vector<1x10240xf32>
    %div3A = arith.constant 1.000000e+00 : f32
    %div3A_5 = vector.broadcast %div3A : f32 to vector<1x10240xf32>
    %div3A_6 = arith.divf %div3A_5, %max3A_4 : vector<1x10240xf32>
    %swap3A = arith.constant 0 : index
    %swap3A_7 = arith.constant 0 : index
    %swap3A_8 = vector.load %arg1[%swap3A, %swap3A_7] : memref<1x10240xf32, #tpu.memory_space<vmem>>, vector<1x10240xf32>
    tpu.vector_store %arg1[%swap3A, %swap3A_7], %div3A_6 {strides = array<i32>} : memref<1x10240xf32, #tpu.memory_space<vmem>>, vector<1x10240xf32>,
    return
  }
}

module attributes {stable_mosaic.version = 14 : i64} {
  func.func @_mm_body(%arg0: memref<10000x128xf32, #tpu.memory_space<vmem>>, %arg1: memref<128x128xf32, #tpu.memory_space<vmem>>, %arg2: memref<2x10000x64xf32, #tpu.memory_space<vmem>>) attributes {dimension_semantics = [], scalar_prefetch = 0 : i64, scratch_operands = 0 : i64, tpu.core_type = #tpu.core_type<tc>} {
    %get3A = arith.constant 0 : index
    %get3A_0 = arith.constant 0 : index
    %get3A_1 = vector.load %arg0[%get3A, %get3A_0] : memref<10000x128xf32, #tpu.memory_space<vmem>>, vector<10000x128xf32>
    %get3A_2 = arith.constant 0 : index
    %get3A_3 = arith.constant 0 : index
    %get3A_4 = vector.load %arg1[%get3A_2, %get3A_3] : memref<128x128xf32, #tpu.memory_space<vmem>>, vector<128x64xf32>
    %dot_general3A = arith.constant dense<0.000000e+00> : vector<10000x64xf32>
    %dot_general3A_5 = tpu.matmul %get3A_1, %get3A_4, %dot_general3A {dimension_numbers = #tpu.dot_dimension_numbers<[1], [0], [0], [1], [0, 0, 1, 1], [], []>, transpose_lhs_hint = false} : vector<10000x128xf32>, vector<128x64xf32>, vector<10000x64xf32> -> vector<10000x64xf32>
    %swap3A = arith.constant 0 : index
    %swap3A_6 = arith.constant 0 : index
    %swap3A_7 = arith.constant 0 : index
    %swap3A_8 = vector.load %arg2[%swap3A, %swap3A_6, %swap3A_7] : memref<2x10000x64xf32, #tpu.memory_space<vmem>>, vector<1x10000x64xf32>
    %swap3A_9 = vector.shape_cast %swap3A_8 : vector<1x10000x64xf32> to vector<10000x64xf32>
    %swap3A_10 = vector.shape_cast %dot_general3A_5 : vector<10000x64xf32> to vector<1x10000x64xf32>
    tpu.vector_store %arg2[%swap3A, %swap3A_6, %swap3A_7], %swap3A_10 {strides = array<i32>} : memref<2x10000x64xf32, #tpu.memory_space<vmem>>, vector<1x10000x64xf32>,
    %get3A_11 = arith.constant 0 : index
    %get3A_12 = arith.constant 64 : index
    %get3A_13 = vector.load %arg1[%get3A_11, %get3A_12] : memref<128x128xf32, #tpu.memory_space<vmem>>, vector<128x64xf32>
    %dot_general3A_14 = arith.constant dense<0.000000e+00> : vector<10000x64xf32>
    %dot_general3A_15 = tpu.matmul %get3A_1, %get3A_13, %dot_general3A_14 {dimension_numbers = #tpu.dot_dimension_numbers<[1], [0], [0], [1], [0, 0, 1, 1], [], []>, transpose_lhs_hint = false} : vector<10000x128xf32>, vector<128x64xf32>, vector<10000x64xf32> -> vector<10000x64xf32>
    %swap3A_16 = arith.constant 1 : index
    %swap3A_17 = arith.constant 0 : index
    %swap3A_18 = arith.constant 0 : index
    %swap3A_19 = vector.load %arg2[%swap3A_16, %swap3A_17, %swap3A_18] : memref<2x10000x64xf32, #tpu.memory_space<vmem>>, vector<1x10000x64xf32>
    %swap3A_20 = vector.shape_cast %swap3A_19 : vector<1x10000x64xf32> to vector<10000x64xf32>
    %swap3A_21 = vector.shape_cast %dot_general3A_15 : vector<10000x64xf32> to vector<1x10000x64xf32>
    tpu.vector_store %arg2[%swap3A_16, %swap3A_17, %swap3A_18], %swap3A_21 {strides = array<i32>} : memref<2x10000x64xf32, #tpu.memory_space<vmem>>, vector<1x10000x64xf32>,
    return
  }
}

module attributes {stable_mosaic.version = 14 : i64} {
  func.func @_mid_body(%arg0: memref<2x10000x64xf32, #tpu.memory_space<vmem>>, %arg1: memref<1x128xf32, #tpu.memory_space<vmem>>, %arg2: memref<128x128xf32, #tpu.memory_space<vmem>>, %arg3: memref<2x10000x64xf32, #tpu.memory_space<vmem>>) attributes {dimension_semantics = [], scalar_prefetch = 0 : i64, scratch_operands = 0 : i64, tpu.core_type = #tpu.core_type<tc>} {
    %get3A = arith.constant 0 : index
    %get3A_0 = arith.constant 0 : index
    %get3A_1 = arith.constant 0 : index
    %get3A_2 = vector.load %arg0[%get3A, %get3A_0, %get3A_1] : memref<2x10000x64xf32, #tpu.memory_space<vmem>>, vector<1x10000x64xf32>
    %get3A_3 = vector.shape_cast %get3A_2 : vector<1x10000x64xf32> to vector<10000x64xf32>
    %get3A_4 = arith.constant 1 : index
    %get3A_5 = arith.constant 0 : index
    %get3A_6 = arith.constant 0 : index
    %get3A_7 = vector.load %arg0[%get3A_4, %get3A_5, %get3A_6] : memref<2x10000x64xf32, #tpu.memory_space<vmem>>, vector<1x10000x64xf32>
    %get3A_8 = vector.shape_cast %get3A_7 : vector<1x10000x64xf32> to vector<10000x64xf32>
    %concatenate3A = tpu.concatenate %get3A_3, %get3A_8 in 1 : vector<10000x64xf32>, vector<10000x64xf32> -> vector<10000x128xf32>
    %get3A_9 = arith.constant 0 : index
    %get3A_10 = arith.constant 0 : index
    %get3A_11 = vector.load %arg1[%get3A_9, %get3A_10] : memref<1x128xf32, #tpu.memory_space<vmem>>, vector<1x128xf32>
    %add3A = vector.broadcast %get3A_11 : vector<1x128xf32> to vector<10000x128xf32>
    %add3A_12 = arith.addf %concatenate3A, %add3A : vector<10000x128xf32>
    %max3A = arith.constant 0.000000e+00 : f32
    %max3A_13 = vector.broadcast %max3A : f32 to vector<10000x128xf32>
    %max3A_14 = arith.maximumf %add3A_12, %max3A_13 : vector<10000x128xf32>
    %get3A_15 = arith.constant 0 : index
    %get3A_16 = arith.constant 0 : index
    %get3A_17 = vector.load %arg2[%get3A_15, %get3A_16] : memref<128x128xf32, #tpu.memory_space<vmem>>, vector<128x64xf32>
    %dot_general3A = arith.constant dense<0.000000e+00> : vector<10000x64xf32>
    %dot_general3A_18 = tpu.matmul %max3A_14, %get3A_17, %dot_general3A {dimension_numbers = #tpu.dot_dimension_numbers<[1], [0], [0], [1], [0, 0, 1, 1], [], []>, transpose_lhs_hint = false} : vector<10000x128xf32>, vector<128x64xf32>, vector<10000x64xf32> -> vector<10000x64xf32>
    %swap3A = arith.constant 0 : index
    %swap3A_19 = arith.constant 0 : index
    %swap3A_20 = arith.constant 0 : index
    %swap3A_21 = vector.load %arg3[%swap3A, %swap3A_19, %swap3A_20] : memref<2x10000x64xf32, #tpu.memory_space<vmem>>, vector<1x10000x64xf32>
    %swap3A_22 = vector.shape_cast %swap3A_21 : vector<1x10000x64xf32> to vector<10000x64xf32>
    %swap3A_23 = vector.shape_cast %dot_general3A_18 : vector<10000x64xf32> to vector<1x10000x64xf32>
    tpu.vector_store %arg3[%swap3A, %swap3A_19, %swap3A_20], %swap3A_23 {strides = array<i32>} : memref<2x10000x64xf32, #tpu.memory_space<vmem>>, vector<1x10000x64xf32>,
    %get3A_24 = arith.constant 0 : index
    %get3A_25 = arith.constant 64 : index
    %get3A_26 = vector.load %arg2[%get3A_24, %get3A_25] : memref<128x128xf32, #tpu.memory_space<vmem>>, vector<128x64xf32>
    %dot_general3A_27 = arith.constant dense<0.000000e+00> : vector<10000x64xf32>
    %dot_general3A_28 = tpu.matmul %max3A_14, %get3A_26, %dot_general3A_27 {dimension_numbers = #tpu.dot_dimension_numbers<[1], [0], [0], [1], [0, 0, 1, 1], [], []>, transpose_lhs_hint = false} : vector<10000x128xf32>, vector<128x64xf32>, vector<10000x64xf32> -> vector<10000x64xf32>
    %swap3A_29 = arith.constant 1 : index
    %swap3A_30 = arith.constant 0 : index
    %swap3A_31 = arith.constant 0 : index
    %swap3A_32 = vector.load %arg3[%swap3A_29, %swap3A_30, %swap3A_31] : memref<2x10000x64xf32, #tpu.memory_space<vmem>>, vector<1x10000x64xf32>
    %swap3A_33 = vector.shape_cast %swap3A_32 : vector<1x10000x64xf32> to vector<10000x64xf32>
    %swap3A_34 = vector.shape_cast %dot_general3A_28 : vector<10000x64xf32> to vector<1x10000x64xf32>
    tpu.vector_store %arg3[%swap3A_29, %swap3A_30, %swap3A_31], %swap3A_34 {strides = array<i32>} : memref<2x10000x64xf32, #tpu.memory_space<vmem>>, vector<1x10000x64xf32>,
    return
  }
}

module attributes {stable_mosaic.version = 14 : i64} {
  func.func @_last_body(%arg0: memref<2x10000x64xf32, #tpu.memory_space<vmem>>, %arg1: memref<1x128xf32, #tpu.memory_space<vmem>>, %arg2: memref<10000x128xf32, #tpu.memory_space<vmem>>, %arg3: memref<1x128xf32, #tpu.memory_space<vmem>>) attributes {dimension_semantics = [], scalar_prefetch = 0 : i64, scratch_operands = 0 : i64, tpu.core_type = #tpu.core_type<tc>} {
    %get3A = arith.constant 0 : index
    %get3A_0 = arith.constant 0 : index
    %get3A_1 = arith.constant 0 : index
    %get3A_2 = vector.load %arg0[%get3A, %get3A_0, %get3A_1] : memref<2x10000x64xf32, #tpu.memory_space<vmem>>, vector<1x10000x64xf32>
    %get3A_3 = vector.shape_cast %get3A_2 : vector<1x10000x64xf32> to vector<10000x64xf32>
    %get3A_4 = arith.constant 1 : index
    %get3A_5 = arith.constant 0 : index
    %get3A_6 = arith.constant 0 : index
    %get3A_7 = vector.load %arg0[%get3A_4, %get3A_5, %get3A_6] : memref<2x10000x64xf32, #tpu.memory_space<vmem>>, vector<1x10000x64xf32>
    %get3A_8 = vector.shape_cast %get3A_7 : vector<1x10000x64xf32> to vector<10000x64xf32>
    %concatenate3A = tpu.concatenate %get3A_3, %get3A_8 in 1 : vector<10000x64xf32>, vector<10000x64xf32> -> vector<10000x128xf32>
    %get3A_9 = arith.constant 0 : index
    %get3A_10 = arith.constant 0 : index
    %get3A_11 = vector.load %arg1[%get3A_9, %get3A_10] : memref<1x128xf32, #tpu.memory_space<vmem>>, vector<1x128xf32>
    %add3A = vector.broadcast %get3A_11 : vector<1x128xf32> to vector<10000x128xf32>
    %add3A_12 = arith.addf %concatenate3A, %add3A : vector<10000x128xf32>
    %swap3A = arith.constant 0 : index
    %swap3A_13 = arith.constant 0 : index
    %swap3A_14 = vector.load %arg2[%swap3A, %swap3A_13] : memref<10000x128xf32, #tpu.memory_space<vmem>>, vector<10000x128xf32>
    tpu.vector_store %arg2[%swap3A, %swap3A_13], %add3A_12 {strides = array<i32>} : memref<10000x128xf32, #tpu.memory_space<vmem>>, vector<10000x128xf32>,
    %reduce_sum3A = arith.constant dense<0.000000e+00> : vector<128xf32>
    %reduce_sum3A_15 = vector.multi_reduction <add>, %add3A_12, %reduce_sum3A [0] : vector<10000x128xf32> to vector<128xf32>
    %broadcast_in_dim3A = vector.shape_cast %reduce_sum3A_15 : vector<128xf32> to vector<1x128xf32>
    %swap3A_16 = arith.constant 0 : index
    %swap3A_17 = arith.constant 0 : index
    %swap3A_18 = vector.load %arg3[%swap3A_16, %swap3A_17] : memref<1x128xf32, #tpu.memory_space<vmem>>, vector<1x128xf32>
    tpu.vector_store %arg3[%swap3A_16, %swap3A_17], %broadcast_in_dim3A {strides = array<i32>} : memref<1x128xf32, #tpu.memory_space<vmem>>, vector<1x128xf32>,
    return
  }
}

</mosaic_0001>

<sc_bundles>
// kernel: kernel.12.cloned.1.call-start
scs
__scs_entry_jumppad:
0x0: {  	(pc) =	sbr.rel $0x88, $3  }
0x1: {  	(tag) =	ssettag $0x0;
	lr =	simm.s32 $0x1  }
0x2: {  	[smem:$0x3F98] =	sst lr;
	_ =	strace $0xD0000000  }
0x3: {  	_ = 	snop  }
0x4: {  	_ = 	snop  }
0x5: {  	_ = 	snop  }
0x6: {  	_ = 	snop  }
0x7: {  	_ = 	snop  }
__scs_overlays_trampoline_lowered:
0x8: {  	[smem:$0x3FA7] =	sst s0  }
0x9: {  	[smem:$0x3FA8] =	sst s1  }
0xa: {  	[smem:$0x3FA9] =	sst s2  }
0xb: {  	[smem:$0x3FAA] =	sst s3  }
0xc: {  	[smem:$0x3FAB] =	sst s4  }
0xd: {  	[smem:$0x3FAC] =	sst s5  }
0xe: {  	[smem:$0x3FAD] =	sst s6  }
0xf: {  	[smem:$0x3FAE] =	sst s7  }
0x10: {  	[smem:$0x3FAF] =	sst s8  }
0x11: {  	[smem:$0x3FB0] =	sst s9;
	s0 =	simm.s32 @!p0 $0x0  }
0x12: {  	s1 =	sld [smem:$0x3F96];
	s0 =	simm.s32 @p0 $0x1  }
0x13: {  	[smem:$0x3FB1] =	sst s0;
	s0 =	simm.s32 @!p1 $0x0  }
0x14: {  	s2 =	sld [smem:$0x3F95];
	s0 =	simm.s32 @p1 $0x1  }
0x15: {  	[smem:$0x3FB2] =	sst s0;
	s0 =	simm.s32 @!p2 $0x0  }
0x16: {  	s3 =	sld [smem:$0x3FDB];
	s0 =	simm.s32 @p2 $0x1  }
0x17: {  	s4 =	simm.s32 $0x1BF5;
	[smem:$0x3FB4] =	sst s0  }
0x18: {  	s0 =	sld [smem:$0x3F97];
	_ =	swait.ge [sflag:s4], $0x0  }
0x19: {  	s7 =	sld [smem:$0x3F98]  }
0x1a: {  	s8 =	sadd.s32 $0xFFFFE003, lr  }
0x1b: {  	s9 =	sadd.s32 $0xFFFFFEF7, lr;
	s5 =	simm.s32 $0xFFFFFFFF;
	p2 =	slt.u32 s8, $0xFFFFF086  }
0x1c: {  	p1 =	slt.u32 s9, $0xF7A;
	s5 =	simm.s32 @!p2 $0x0  }
0x1d: {  	s5 =	simm.s32 @p1 $0x1;
	p0 =	seq.s32 s7, s2  }
0x1e: {  	s7 =	smul.u32 @!p0 $0xF7A, s2;
	p2 =	seq.s32 @!p0 s5, $0x0  }
0x1f: {  	s9 =	smul.u32 $0xF7A, s1;
	s8 =	simm.s32 @!p0 $0x1BF5;
	p2 =	por !p2, p0  }
0x20: {  	[sflag:s8] =	ssyncset.s32 @!p0 $0xFFFFF086;
	s6 =	sadd.s32 @!p0 s3, s7;
	s7 =	simm.s32 @!p0 $0x108  }
0x21: {  	s3 =	sadd.s32 s3, s9;
	s6 =	sadd.s32 @!p0 $0x88, s6;
	s7 =	simm.s32 @p2 $0x1082  }
0x22: {  	[simem:s7], [sflag:s8] =	dma.local @!p0 [hbm:s6], $0xF7A  }
0x23: {  	s9 =	sor.u32 $0xD0000000, s2;
	s6 =	simm.s32 $0x108;
	_ =	swait.ge @!p0 [sflag:s8], $0x0  }
0x24: {  	s3 =	sadd.s32 $0x88, s3;
	s6 =	simm.s32 @!p1 $0x1082;
	[sflag:s4] =	ssyncset.s32 $0xFFFFF086  }
0x25: {  	[simem:s6], [sflag:s4] =	dma.local [hbm:s3], $0xF7A  }
0x26: {  	[smem:$0x3F98] =	sst s1;
	(tag) =	ssettag s2;
	_ =	strace s9  }
0x27: {  	s1 =	sld [smem:$0x3FA8]  }
0x28: {  	s2 =	sld [smem:$0x3FA9]  }
0x29: {  	s4 =	sld [smem:$0x3FAB]  }
0x2a: {  	p0 =	seq.s32 s5, $0x0;
	s5 =	sld [smem:$0x3FAC]  }
0x2b: {  	s6 =	sld [smem:$0x3FAD]  }
0x2c: {  	s7 =	sld [smem:$0x3FAE]  }
0x2d: {  	s3 =	simm.s32 $0x108;
	s8 =	sld [smem:$0x3FAF]  }
0x2e: {  	s3 =	simm.s32 @!p0 $0x1082;
	s9 =	sld [smem:$0x3FB0]  }
0x2f: {  	lr =	sadd.s32 s0, s3;
	s0 =	sld [smem:$0x3FA7]  }
0x30: {  	s3 =	sld [smem:$0x3FAA]  }
0x31: {  	[smem:$0x3FB3] =	sst s10  }
0x32: {  	s10 =	sld [smem:$0x3FB1];
	_ =	sdelay $0x3  }
0x33: {  	p0 =	seq.s32 s10, $0x1;
	s10 =	sld [smem:$0x3FB3];
	_ =	sdelay $0x3  }
0x34: {  	[smem:$0x3FB3] =	sst s10  }
0x35: {  	s10 =	sld [smem:$0x3FB2];
	_ =	sdelay $0x3  }
0x36: {  	p1 =	seq.s32 s10, $0x1;
	s10 =	sld [smem:$0x3FB3];
	_ =	sdelay $0x3  }
0x37: {  	[smem:$0x3FB3] =	sst s10  }
0x38: {  	s10 =	sld [smem:$0x3FB4]  }
0x39: {  	_ = 	snop;
	(pc) =	sbr.ind lr, $3  }
0x3a: {  	_ = 	snop  }
0x3b: {  	_ = 	snop  }
0x3c: {  	p2 =	seq.s32 s10, $0x1;
	s10 =	sld [smem:$0x3FB3]  }
0x3d: {  	_ =	shalt  }
0x3e: {  	_ =	shalt  }
0x3f: {  	_ =	shalt  }
0x40: {  	_ =	shalt  }
0x41: {  	_ =	shalt  }
0x42: {  	_ =	shalt  }
0x43: {  	_ =	shalt  }
0x44: {  	_ =	shalt  }
0x45: {  	_ =	shalt  }
0x46: {  	_ =	shalt  }
0x47: {  	_ =	shalt  }
0x48: {  	_ =	shalt  }
0x49: {  	_ =	shalt  }
0x4a: {  	_ =	shalt  }
0x4b: {  	_ =	shalt  }
0x4c: {  	_ =	shalt  }
0x4d: {  	_ =	shalt  }
0x4e: {  	_ =	shalt  }
0x4f: {  	_ =	shalt  }
0x50: {  	_ =	shalt  }
0x51: {  	_ =	shalt  }
0x52: {  	_ =	shalt  }
0x53: {  	_ =	shalt  }
0x54: {  	_ =	shalt  }
0x55: {  	_ =	shalt  }
0x56: {  	_ =	shalt  }
0x57: {  	_ =	shalt  }
0x58: {  	_ =	shalt  }
0x59: {  	_ =	shalt  }
0x5a: {  	_ =	shalt  }
0x5b: {  	_ =	shalt  }
0x5c: {  	_ =	shalt  }
0x5d: {  	_ =	shalt  }
0x5e: {  	_ =	shalt  }
0x5f: {  	_ =	shalt  }
0x60: {  	_ =	shalt  }
0x61: {  	_ =	shalt  }
0x62: {  	_ =	shalt  }
0x63: {  	_ =	shalt  }
0x64: {  	_ =	shalt  }
0x65: {  	_ =	shalt  }
0x66: {  	_ =	shalt  }
0x67: {  	_ =	shalt  }
0x68: {  	_ =	shalt  }
0x69: {  	_ =	shalt  }
0x6a: {  	_ =	shalt  }
0x6b: {  	_ =	shalt  }
0x6c: {  	_ =	shalt  }
0x6d: {  	_ =	shalt  }
0x6e: {  	_ =	shalt  }
0x6f: {  	_ =	shalt  }
0x70: {  	_ =	shalt  }
0x71: {  	_ =	shalt  }
0x72: {  	_ =	shalt  }
0x73: {  	_ =	shalt  }
0x74: {  	_ =	shalt  }
0x75: {  	_ =	shalt  }
0x76: {  	_ =	shalt  }
0x77: {  	_ =	shalt  }
0x78: {  	_ =	shalt  }
0x79: {  	_ =	shalt  }
0x7a: {  	_ =	shalt  }
0x7b: {  	_ =	shalt  }
0x7c: {  	_ =	shalt  }
0x7d: {  	_ =	shalt  }
0x7e: {  	_ =	shalt  }
0x7f: {  	_ =	shalt  }
0x80: {  	_ =	shalt  }
0x81: {  	_ =	shalt  }
0x82: {  	_ =	shalt  }
0x83: {  	_ =	shalt  }
0x84: {  	_ =	shalt  }
0x85: {  	_ =	shalt  }
0x86: {  	_ =	shalt  }
0x87: {  	_ =	shalt  }
.Lfunc_end0:
.L_simem_size_0:
called_computation_lowered:
.L_overlay_start_0:
0x88: {  	s2 =	sld [smem:$0x3FD9]  }
0x89: {  	s3 =	sld [smem:$0x3FFE];
	_ =	sdelay $0x1  }
0x8a: {  	s1 =	srdreg.scid  }
0x8b: {  	s0 =	sand.u32 $0x1, s1  }
0x8c: {  	s14 =	sshll.u32 s0, $0xA;
	s2 =	sadd.s32 s3, s2  }
0x8d: {  	s2 =	sadd.s32 s2, s14  }
0x8e: {  	[smem:$0x3FBF] =	sst s2  }
0x8f: {  	_ = 	snop  }
0x90: {  	s2 =	sld [smem:$0x3FD0];
	_ =	sdelay $0x2  }
0x91: {  	s15 =	simm.s32 $0xA;
	s4 =	simm.s32 $0x10  }
0x92: {  	[smem:s4], [sflag:s15] =	dma.local [hbm:s2], $0x1  }
0x93: {  	_ =	swait.eq [sflag:s15], $0x1  }
0x94: {  	[sflag:s15] =	ssyncset.done $0x0  }
0x95: {  	[sflag:s15] =	ssyncadd.s32 $0xFFFFFFFF  }
0x96: {  	s16 =	sld [smem:$0x10];
	(tm) =	ssettm $0x1  }
0x97: {  	s17 =	sld [smem:$0x3FFB];
	_ =	sdelay $0x3  }
0x98: {  	_ =	strace s17  }
0x99: {  	s3 =	sld [smem:$0x3FFC];
	_ =	sdelay $0x3  }
0x9a: {  	_ =	strace s3  }
0x9b: {  	s3 =	sld [smem:$0x3FFD];
	_ =	sdelay $0x3  }
0x9c: {  	_ =	strace s3  }
0x9d: {  	_ =	strace $0x8FFFFFFF  }
0x9e: {  	s18 =	sld [smem:$0x3FDB];
	_ =	sdelay $0x1  }
0x9f: {  	s19 =	simm.s32 $_scs_section_size  }
0xa0: {  	s5 =	simm.s32 $_size__tile_overlayer_lowered;
	s6 =	simm.s32 $_tile_overlayer_lowered  }
0xa1: {  	s22 =	simm.s32 $0x1BFF;
	s21 =	sshll.u32 s6, $0x1;
	s3 =	sadd.s32 s19, s18  }
0xa2: {  	s7 =	simm.s32 $0x0;
	s20 =	sshll.u32 s5, $0x1;
	s5 =	sadd.s32 s21, s3  }
0xa3: {  	[timem:s7], [sflag:s22] =	dma.local [hbm:s5], s20  }
0xa4: {  	_ =	swait.ge [sflag:s22], s20  }
0xa5: {  	s4 =	ssub.s32 $0x0, s20;
	[sflag:s22] =	ssyncset.done $0x0  }
0xa6: {  	[sflag:s22] =	ssyncadd.s32 s4;
	_ =	sdelay $0x1  }
0xa7: {  	s23 =	simm.s32 $0x1B8B  }
0xa8: {  	_ =	swait.ge [sflag:s23], $0x1  }
0xa9: {  	[sflag:s23] =	ssyncset.done $0x0  }
0xaa: {  	s25 =	simm.s32 $0x1B8E;
	s24 =	sld [smem:$0x3FFE];
	[sflag:s23] =	ssyncadd.s32 $0xFFFFFFFF  }
0xab: {  	s26 =	simm.s32 $execute0_lowered;
	[smem:$0x3FD2] =	sst s25  }
0xac: {  	s5 =	sshll.u32 s26, $0x1;
	_ =	strace $0x80000046;
	[dreg:$0x1] =	wrdreg $0xFFFFFFFF  }
0xad: {  	s28 =	simm.s32 $_size_execute0_lowered;
	s3 =	sadd.s32 s3, s5;
	[dreg:$0x0] =	wrdreg $0x0  }
0xae: {  	s5 =	sshll.u32 s28, $0x1;
	[dreg:$0x2] =	wrdreg s3  }
0xaf: {  	[dreg:$0x3] =	wrdreg s5  }
0xb0: {  	[dreg:$0x4] =	wrdreg $0xC0  }
0xb1: {  	_ =	task [dreg:s7], $0x5FFFF  }
0xb2: {  	[dreg:$0x1] =	wrdreg $0xFFFFFFFF  }
0xb3: {  	[dreg:$0x0] =	wrdreg $0x60  }
0xb4: {  	[dreg:$0x2] =	wrdreg s24  }
0xb5: {  	[dreg:$0x3] =	wrdreg s16  }
0xb6: {  	[dreg:$0x4] =	wrdreg $0x9  }
0xb7: {  	_ =	task.clear_ibuf [dreg:s7], $0x5FFFF;
	_ =	strace $0x90000046  }
0xb8: {  	s29 =	simm.s32 $0x9;
	_ =	strace $0x80000048  }
0xb9: {  	_ =	swait.ge [sflag:s29], $0x1  }
0xba: {  	[sflag:s29] =	ssyncadd.s32 $0xFFFFFFFF  }
0xbb: {  	_ =	strace $0x90000048  }
0xbc: {  	_ =	sfence  }
0xbd: {  	s30 =	sld [smem:$0x0];
	_ =	sdelay $0x2  }
0xbe: {  	s31 =	sshll.u32 s1, $0xD;
	s1 =	sshrl.u32 s1, $0x2  }
0xbf: {  	s3 =	sand.u32 $0x4000, s31;
	s1 =	sadd.s32 s1, s30  }
0xc0: {  	s0 =	sor.u32 s3, s0;
	s1 =	sshll.u32 s1, $0x11  }
0xc1: {  	s0 =	sor.u32 s1, s0  }
0xc2: {  	s0 =	sadd.s32 $0x8F2B, s0  }
0xc3: {  	[sflag:s0] =	ssyncadd.remote.s32 $0x1  }
0xc4: {  	_ =	sfence.sel $0xFFFF  }
0xc5: {  	[dreg:$0x0] =	wrdreg $0xFFFFFFFF;
	(pc) =	sbr.abs _section_cstart, $3  }
0xc6: {  	[dreg:$0x1] =	wrdreg $0xFFFFFFFF  }
0xc7: {  	_ =	task.clear_ibuf [dreg:s7], $0x2FFFF;
	_ =	strace $0x9FFFFFFF  }
0xc8: {  	(tm) =	ssettm $0x7FFFFFFF  }
0xc9: {  	_ =	shalt  }
tec
execute0_lowered:
.L_overlay_start_1:
0x0: {  	(tag) =	ssettag $0x1  }
0x1: {  	s3 =	rddreg [dreg:$0x0]  }
0x2: {  	s1 =	srdreg.scid;
	s0 =	stileid.u32  }
0x3: {  	s4 =	rddreg [dreg:$0x1];
	s5 =	sand.u32 $0x1, s1;
	s2 =	sshll.u32 s0, $0x1  }
0x4: {  	s1 =	rddreg [dreg:$0x2];
	s6 =	sor.u32 s5, s2  }
0x5: {  	s2 =	simm.s32 $0x0;
	s5 =	ssub.s32 $0x2, s5;
	s7 =	smul.u32 $0x4E2, s6  }
0x6: {  	[smem:$0x7FF] =	sst s2;
	s8 =	sshrl.u32 s5, $0x1;
	s6 =	smul.u32 $0x500, s6  }
0x7: {  	_ =	strace $0x80000047;
	s5 =	ssub.s32 s5, s8;
	s8 =	simm.s32 $0x0  }
0x8: {  	s3 =	sadd.s32 s7, s3;
	s4 =	sadd.s32 s4, s6;
	s5 =	smax.u32 s5, $0x1  }
0x9: {  	v0 =	vimm.f32 $0.0e+00;
	v1 =	vimm.f32 $1.000000000e+00;
	s6 =	simm.s32 $0x1;
	s7 =	simm.s32 $0x2710;
	s3 =	sadd.s32 $0x2400, s3  }
.LBB2_1:
0xa: {  	[tilespmem:s2], [sflag:$0x1] =	stream.linear.gather [hbm4b:s3+s2], $0x2710, $0x38;
	[tilespmem:$0x4F10] =	vst v63  }
0xb: {  	_ =	swait.ge [sflag:s6], $0x2710  }
0xc: {  	[sflag:s6] =	ssyncset.done $0x0  }
0xd: {  	s9 =	simm.s32 $0x0;
	[sflag:s6] =	ssyncadd.s32 $0xFFFFD8F0  }
.LBB2_2:
0xe: {  	p0 =	sne.s32 s9, $0x9FC0  }
.Ltmp0:
0xf: {  	_ = 	snop;
	(pc) =	sbr.rel @p0 .LBB2_2-.Ltmp0, $3  }
0x10: {  	_ =	sdelay $0x1  }
0x11: {  	s10 =	sshra.s32 s9, $0x2  }
0x12: {  	s9 =	sadd.s32 $0x40, s9;
	[tilespmem:s10+$0x2710] =	vst v0  }
0x13: {  	s10 =	simm.s32 $0x0;
	s9 =	simm.s32 $0x40  }
.LBB2_4:
0x14: {  	p0 =	sne.s32 s9, $0x9C00;
	v2 =	vld [tilespmem:s10+$0x0];
	_ =	sdelay $0x3  }
.Ltmp1:
0x15: {  	(pc) =	sbr.rel @p0 .LBB2_4-.Ltmp1, $2  }
0x16: {  	_ =	sdelay $0x2  }
0x17: {  	s10 =	sshra.s32 s9, $0x2;
	s9 =	sadd.s32 $0x40, s9;
	[tilespmem:v2+s7+$0x0] =	vst.idx.add.f32.msk $0xffff, v1  }
0x18: {  	v2 =	vld [tilespmem:s10+$0x0];
	_ =	sdelay $0x5  }
0x19: {  	s8 =	sadd.s32 $0x1, s8  }
0x1a: {  	p0 =	sne.s32 s8, s5  }
.Ltmp2:
0x1b: {  	[tilespmem:v2+s7+$0x0] =	vst.idx.add.f32.msk $0xffff, v1;
	(pc) =	sbr.rel @p0 .LBB2_1-.Ltmp2, $4  }
0x1c: {  	[hbm4b:s4+s2] =	stream.linear.scatter [tilespmem:s7], [sflag:$0x1], $0x2800, $0x38;
	[tilespmem:$0x4F10] =	vst v63  }
0x1d: {  	_ =	swait.ge [sflag:s6], $0x2800  }
0x1e: {  	[sflag:s6] =	ssyncset.done $0x0  }
0x1f: {  	[sflag:s6] =	ssyncadd.s32 $0xFFFFD800  }
0x20: {  	_ =	sfence.sel $0x180000  }
0x21: {  	[bflag:$0x0] =	sbarrier.arrive $0xFFFF  }
0x22: {  	p0 =	sne.s32 s0, $0x0;
	_ =	strace $0x90000047  }
0x23: {  	s0 =	sadd.s32 @!p0 $0x100000, s1;
	[bflag:$0x2] =	sbarrier.arrive $0xFFFF  }
0x24: {  	[sflag:s0] =	ssyncadd.tile.s32 @!p0 $0x1;
	_ =	shalt  }
.Lfunc_end2:
_tile_overlayer_lowered:
.L_overlay_start_2:
0x25: {  	(tag) =	ssettag $0x2  }
0x26: {  	s0 =	rddreg [dreg:$0x0];
	s2 =	stileid.u32  }
0x27: {  	s1 =	rddreg [dreg:$0x1];
	p0 =	sne.s32 s2, $0x0  }
0x28: {  	s3 =	rddreg [dreg:$0x2];
	[bflag:$0x3] =	sbarrier.arrive $0xFFFF;
	s2 =	simm.s32 @!p0 $0x1C01  }
0x29: {  	[timem:s3], [sflag:s2] =	dma.local @!p0 [hbm:s0], s1  }
0x2a: {  	s0 =	simm.s32 @!p0 $0x1  }
0x2b: {  	_ =	swait.ge @!p0 [sflag:s0], s1  }
0x2c: {  	s1 =	ssub.s32 @!p0 $0x0, s1;
	[sflag:s0] =	ssyncset.done @!p0 $0x0  }
0x2d: {  	[sflag:s0] =	ssyncadd.s32 @!p0 s1  }
0x2e: {  	[bflag:$0x3] =	sbarrier.arrive $0xFFFF  }
0x2f: {  	_ =	shalt  }

// kernel: kernel.15.cloned.1.call-start
scs
__scs_entry_jumppad:
0x0: {  	(pc) =	sbr.rel $0x88, $3  }
0x1: {  	(tag) =	ssettag $0x0;
	lr =	simm.s32 $0x1  }
0x2: {  	[smem:$0x3F98] =	sst lr;
	_ =	strace $0xD0000000  }
0x3: {  	_ = 	snop  }
0x4: {  	_ = 	snop  }
0x5: {  	_ = 	snop  }
0x6: {  	_ = 	snop  }
0x7: {  	_ = 	snop  }
__scs_overlays_trampoline_lowered:
0x8: {  	[smem:$0x3FA7] =	sst s0  }
0x9: {  	[smem:$0x3FA8] =	sst s1  }
0xa: {  	[smem:$0x3FA9] =	sst s2  }
0xb: {  	[smem:$0x3FAA] =	sst s3  }
0xc: {  	[smem:$0x3FAB] =	sst s4  }
0xd: {  	[smem:$0x3FAC] =	sst s5  }
0xe: {  	[smem:$0x3FAD] =	sst s6  }
0xf: {  	[smem:$0x3FAE] =	sst s7  }
0x10: {  	[smem:$0x3FAF] =	sst s8  }
0x11: {  	[smem:$0x3FB0] =	sst s9;
	s0 =	simm.s32 @!p0 $0x0  }
0x12: {  	s1 =	sld [smem:$0x3F96];
	s0 =	simm.s32 @p0 $0x1  }
0x13: {  	[smem:$0x3FB1] =	sst s0;
	s0 =	simm.s32 @!p1 $0x0  }
0x14: {  	s2 =	sld [smem:$0x3F95];
	s0 =	simm.s32 @p1 $0x1  }
0x15: {  	[smem:$0x3FB2] =	sst s0;
	s0 =	simm.s32 @!p2 $0x0  }
0x16: {  	s3 =	sld [smem:$0x3FDB];
	s0 =	simm.s32 @p2 $0x1  }
0x17: {  	s4 =	simm.s32 $0x1BF5;
	[smem:$0x3FB4] =	sst s0  }
0x18: {  	s0 =	sld [smem:$0x3F97];
	_ =	swait.ge [sflag:s4], $0x0  }
0x19: {  	s7 =	sld [smem:$0x3F98]  }
0x1a: {  	s8 =	sadd.s32 $0xFFFFE003, lr  }
0x1b: {  	s9 =	sadd.s32 $0xFFFFFEF7, lr;
	s5 =	simm.s32 $0xFFFFFFFF;
	p2 =	slt.u32 s8, $0xFFFFF086  }
0x1c: {  	p1 =	slt.u32 s9, $0xF7A;
	s5 =	simm.s32 @!p2 $0x0  }
0x1d: {  	s5 =	simm.s32 @p1 $0x1;
	p0 =	seq.s32 s7, s2  }
0x1e: {  	s7 =	smul.u32 @!p0 $0xF7A, s2;
	p2 =	seq.s32 @!p0 s5, $0x0  }
0x1f: {  	s9 =	smul.u32 $0xF7A, s1;
	s8 =	simm.s32 @!p0 $0x1BF5;
	p2 =	por !p2, p0  }
0x20: {  	[sflag:s8] =	ssyncset.s32 @!p0 $0xFFFFF086;
	s6 =	sadd.s32 @!p0 s3, s7;
	s7 =	simm.s32 @!p0 $0x108  }
0x21: {  	s3 =	sadd.s32 s3, s9;
	s6 =	sadd.s32 @!p0 $0x88, s6;
	s7 =	simm.s32 @p2 $0x1082  }
0x22: {  	[simem:s7], [sflag:s8] =	dma.local @!p0 [hbm:s6], $0xF7A  }
0x23: {  	s9 =	sor.u32 $0xD0000000, s2;
	s6 =	simm.s32 $0x108;
	_ =	swait.ge @!p0 [sflag:s8], $0x0  }
0x24: {  	s3 =	sadd.s32 $0x88, s3;
	s6 =	simm.s32 @!p1 $0x1082;
	[sflag:s4] =	ssyncset.s32 $0xFFFFF086  }
0x25: {  	[simem:s6], [sflag:s4] =	dma.local [hbm:s3], $0xF7A  }
0x26: {  	[smem:$0x3F98] =	sst s1;
	(tag) =	ssettag s2;
	_ =	strace s9  }
0x27: {  	s1 =	sld [smem:$0x3FA8]  }
0x28: {  	s2 =	sld [smem:$0x3FA9]  }
0x29: {  	s4 =	sld [smem:$0x3FAB]  }
0x2a: {  	p0 =	seq.s32 s5, $0x0;
	s5 =	sld [smem:$0x3FAC]  }
0x2b: {  	s6 =	sld [smem:$0x3FAD]  }
0x2c: {  	s7 =	sld [smem:$0x3FAE]  }
0x2d: {  	s3 =	simm.s32 $0x108;
	s8 =	sld [smem:$0x3FAF]  }
0x2e: {  	s3 =	simm.s32 @!p0 $0x1082;
	s9 =	sld [smem:$0x3FB0]  }
0x2f: {  	lr =	sadd.s32 s0, s3;
	s0 =	sld [smem:$0x3FA7]  }
0x30: {  	s3 =	sld [smem:$0x3FAA]  }
0x31: {  	[smem:$0x3FB3] =	sst s10  }
0x32: {  	s10 =	sld [smem:$0x3FB1];
	_ =	sdelay $0x3  }
0x33: {  	p0 =	seq.s32 s10, $0x1;
	s10 =	sld [smem:$0x3FB3];
	_ =	sdelay $0x3  }
0x34: {  	[smem:$0x3FB3] =	sst s10  }
0x35: {  	s10 =	sld [smem:$0x3FB2];
	_ =	sdelay $0x3  }
0x36: {  	p1 =	seq.s32 s10, $0x1;
	s10 =	sld [smem:$0x3FB3];
	_ =	sdelay $0x3  }
0x37: {  	[smem:$0x3FB3] =	sst s10  }
0x38: {  	s10 =	sld [smem:$0x3FB4]  }
0x39: {  	_ = 	snop;
	(pc) =	sbr.ind lr, $3  }
0x3a: {  	_ = 	snop  }
0x3b: {  	_ = 	snop  }
0x3c: {  	p2 =	seq.s32 s10, $0x1;
	s10 =	sld [smem:$0x3FB3]  }
0x3d: {  	_ =	shalt  }
0x3e: {  	_ =	shalt  }
0x3f: {  	_ =	shalt  }
0x40: {  	_ =	shalt  }
0x41: {  	_ =	shalt  }
0x42: {  	_ =	shalt  }
0x43: {  	_ =	shalt  }
0x44: {  	_ =	shalt  }
0x45: {  	_ =	shalt  }
0x46: {  	_ =	shalt  }
0x47: {  	_ =	shalt  }
0x48: {  	_ =	shalt  }
0x49: {  	_ =	shalt  }
0x4a: {  	_ =	shalt  }
0x4b: {  	_ =	shalt  }
0x4c: {  	_ =	shalt  }
0x4d: {  	_ =	shalt  }
0x4e: {  	_ =	shalt  }
0x4f: {  	_ =	shalt  }
0x50: {  	_ =	shalt  }
0x51: {  	_ =	shalt  }
0x52: {  	_ =	shalt  }
0x53: {  	_ =	shalt  }
0x54: {  	_ =	shalt  }
0x55: {  	_ =	shalt  }
0x56: {  	_ =	shalt  }
0x57: {  	_ =	shalt  }
0x58: {  	_ =	shalt  }
0x59: {  	_ =	shalt  }
0x5a: {  	_ =	shalt  }
0x5b: {  	_ =	shalt  }
0x5c: {  	_ =	shalt  }
0x5d: {  	_ =	shalt  }
0x5e: {  	_ =	shalt  }
0x5f: {  	_ =	shalt  }
0x60: {  	_ =	shalt  }
0x61: {  	_ =	shalt  }
0x62: {  	_ =	shalt  }
0x63: {  	_ =	shalt  }
0x64: {  	_ =	shalt  }
0x65: {  	_ =	shalt  }
0x66: {  	_ =	shalt  }
0x67: {  	_ =	shalt  }
0x68: {  	_ =	shalt  }
0x69: {  	_ =	shalt  }
0x6a: {  	_ =	shalt  }
0x6b: {  	_ =	shalt  }
0x6c: {  	_ =	shalt  }
0x6d: {  	_ =	shalt  }
0x6e: {  	_ =	shalt  }
0x6f: {  	_ =	shalt  }
0x70: {  	_ =	shalt  }
0x71: {  	_ =	shalt  }
0x72: {  	_ =	shalt  }
0x73: {  	_ =	shalt  }
0x74: {  	_ =	shalt  }
0x75: {  	_ =	shalt  }
0x76: {  	_ =	shalt  }
0x77: {  	_ =	shalt  }
0x78: {  	_ =	shalt  }
0x79: {  	_ =	shalt  }
0x7a: {  	_ =	shalt  }
0x7b: {  	_ =	shalt  }
0x7c: {  	_ =	shalt  }
0x7d: {  	_ =	shalt  }
0x7e: {  	_ =	shalt  }
0x7f: {  	_ =	shalt  }
0x80: {  	_ =	shalt  }
0x81: {  	_ =	shalt  }
0x82: {  	_ =	shalt  }
0x83: {  	_ =	shalt  }
0x84: {  	_ =	shalt  }
0x85: {  	_ =	shalt  }
0x86: {  	_ =	shalt  }
0x87: {  	_ =	shalt  }
.Lfunc_end0:
.L_simem_size_0:
called_computation.1_lowered:
.L_overlay_start_0:
0x88: {  	s2 =	sld [smem:$0x3FD9]  }
0x89: {  	s3 =	sld [smem:$0x3FFE];
	_ =	sdelay $0x1  }
0x8a: {  	s1 =	srdreg.scid  }
0x8b: {  	s0 =	sand.u32 $0x1, s1  }
0x8c: {  	s17 =	sshll.u32 s0, $0xA;
	s2 =	sadd.s32 s3, s2  }
0x8d: {  	s2 =	sadd.s32 s2, s17  }
0x8e: {  	[smem:$0x3FBF] =	sst s2  }
0x8f: {  	_ = 	snop  }
0x90: {  	s2 =	sld [smem:$0x3FC7];
	(tm) =	ssettm $0x1  }
0x91: {  	s18 =	sld [smem:$0x3FFB];
	_ =	sdelay $0x3  }
0x92: {  	_ =	strace s18  }
0x93: {  	s3 =	sld [smem:$0x3FFC];
	_ =	sdelay $0x3  }
0x94: {  	_ =	strace s3  }
0x95: {  	s3 =	sld [smem:$0x3FFD];
	_ =	sdelay $0x3  }
0x96: {  	_ =	strace s3  }
0x97: {  	_ =	strace $0x8FFFFFFF  }
0x98: {  	s19 =	sld [smem:$0x3FDB];
	_ =	sdelay $0x1  }
0x99: {  	s4 =	simm.s32 $_scs_section_size  }
0x9a: {  	s5 =	simm.s32 $_size__tile_overlayer_lowered;
	s6 =	simm.s32 $_tile_overlayer_lowered  }
0x9b: {  	s22 =	simm.s32 $0x1BFF;
	s21 =	sshll.u32 s6, $0x1;
	s3 =	sadd.s32 s4, s19  }
0x9c: {  	s7 =	simm.s32 $0x0;
	s20 =	sshll.u32 s5, $0x1;
	s5 =	sadd.s32 s21, s3  }
0x9d: {  	[timem:s7], [sflag:s22] =	dma.local [hbm:s5], s20  }
0x9e: {  	_ =	swait.ge [sflag:s22], s20  }
0x9f: {  	s4 =	ssub.s32 $0x0, s20;
	[sflag:s22] =	ssyncset.done $0x0  }
0xa0: {  	[sflag:s22] =	ssyncadd.s32 s4;
	_ =	sdelay $0x1  }
0xa1: {  	s23 =	simm.s32 $0x1B8B  }
0xa2: {  	_ =	swait.ge [sflag:s23], $0x1  }
0xa3: {  	[sflag:s23] =	ssyncset.done $0x0  }
0xa4: {  	s25 =	simm.s32 $0x1B8E;
	s24 =	sld [smem:$0x3FFE];
	[sflag:s23] =	ssyncadd.s32 $0xFFFFFFFF  }
0xa5: {  	s26 =	simm.s32 $execute0_lowered;
	[smem:$0x3FD2] =	sst s25  }
0xa6: {  	s5 =	sshll.u32 s26, $0x1;
	_ =	strace $0x80000049;
	[dreg:$0x1] =	wrdreg $0xFFFFFFFF  }
0xa7: {  	s28 =	simm.s32 $_size_execute0_lowered;
	s3 =	sadd.s32 s3, s5;
	[dreg:$0x0] =	wrdreg $0x0  }
0xa8: {  	s5 =	sshll.u32 s28, $0x1;
	[dreg:$0x2] =	wrdreg s3  }
0xa9: {  	[dreg:$0x3] =	wrdreg s5  }
0xaa: {  	[dreg:$0x4] =	wrdreg $0xC0  }
0xab: {  	_ =	task [dreg:s7], $0x5FFFF  }
0xac: {  	[dreg:$0x1] =	wrdreg $0xFFFFFFFF  }
0xad: {  	[dreg:$0x0] =	wrdreg $0x60  }
0xae: {  	[dreg:$0x2] =	wrdreg s24  }
0xaf: {  	[dreg:$0x3] =	wrdreg s2  }
0xb0: {  	[dreg:$0x4] =	wrdreg $0x9  }
0xb1: {  	_ =	task.clear_ibuf [dreg:s7], $0x5FFFF;
	_ =	strace $0x90000049  }
0xb2: {  	s29 =	simm.s32 $0x9;
	_ =	strace $0x8000004B  }
0xb3: {  	_ =	swait.ge [sflag:s29], $0x1  }
0xb4: {  	[sflag:s29] =	ssyncadd.s32 $0xFFFFFFFF  }
0xb5: {  	_ =	strace $0x9000004B  }
0xb6: {  	_ =	sfence  }
0xb7: {  	s30 =	sld [smem:$0x0];
	_ =	sdelay $0x2  }
0xb8: {  	s31 =	sshll.u32 s1, $0xD;
	s1 =	sshrl.u32 s1, $0x2  }
0xb9: {  	s3 =	sand.u32 $0x4000, s31;
	s1 =	sadd.s32 s1, s30  }
0xba: {  	s0 =	sor.u32 s3, s0;
	s1 =	sshll.u32 s1, $0x11  }
0xbb: {  	s0 =	sor.u32 s1, s0  }
0xbc: {  	s0 =	sadd.s32 $0x8F2B, s0  }
0xbd: {  	[sflag:s0] =	ssyncadd.remote.s32 $0x1  }
0xbe: {  	_ =	sfence.sel $0xFFFF  }
0xbf: {  	[dreg:$0x0] =	wrdreg $0xFFFFFFFF;
	(pc) =	sbr.abs _section_cstart, $3  }
0xc0: {  	[dreg:$0x1] =	wrdreg $0xFFFFFFFF  }
0xc1: {  	_ =	task.clear_ibuf [dreg:s7], $0x2FFFF;
	_ =	strace $0x9FFFFFFF  }
0xc2: {  	(tm) =	ssettm $0x7FFFFFFF  }
0xc3: {  	_ =	shalt  }
tec
execute0_lowered:
.L_overlay_start_1:
0x0: {  	(tag) =	ssettag $0x1  }
0x1: {  	s4 =	rddreg [dreg:$0x0];
	s1 =	srdreg.scid  }
0x2: {  	s0 =	stileid.u32;
	s5 =	rddreg [dreg:$0x1]  }
0x3: {  	s2 =	simm.s32 $0x0;
	s9 =	simm.s32 $0x2710;
	s10 =	simm.s32 $0x4E20  }
0x4: {  	s11 =	simm.s32 $0x0;
	s3 =	sand.u32 $0x1, s1;
	s6 =	sshll.u32 s0, $0x1  }
0x5: {  	s1 =	rddreg [dreg:$0x2];
	s6 =	sor.u32 s3, s6;
	s7 =	ssub.s32 $0x2, s3  }
0x6: {  	[smem:$0x7FF] =	sst s2;
	s6 =	smul.u32 $0x4E2, s6;
	s31 =	sshrl.u32 s7, $0x1  }
0x7: {  	_ =	strace $0x8000004A;
	s3 =	sadd.s32 $0xC200, s4;
	s7 =	ssub.s32 s7, s31  }
0x8: {  	s8 =	sadd.s32 s6, s4;
	s5 =	sadd.s32 s5, s6;
	s7 =	smax.u32 s7, $0x1  }
0x9: {  	s4 =	sadd.s32 $0x2400, s8;
	s6 =	sadd.s32 $0xC800, s8;
	s8 =	simm.s32 $0x1  }
.LBB2_1:
0xa: {  	[tilespmem:s2], [sflag:$0x1] =	stream.linear.gather [hbm4b:s4+s2], $0x2710, $0x38;
	[tilespmem:$0x7620] =	vst v63  }
0xb: {  	_ =	swait.ge [sflag:s8], $0x2710  }
0xc: {  	[sflag:s8] =	ssyncset.done $0x0  }
0xd: {  	[sflag:s8] =	ssyncadd.s32 $0xFFFFD8F0  }
0xe: {  	[tilespmem:s9], [sflag:$0x1] =	stream.linear.gather [hbm4b:s5+s2], $0x2710, $0x38;
	[tilespmem:$0x7620] =	vst v63  }
0xf: {  	_ =	swait.ge [sflag:s8], $0x2710  }
0x10: {  	[sflag:s8] =	ssyncset.done $0x0  }
0x11: {  	[sflag:s8] =	ssyncadd.s32 $0xFFFFD8F0  }
0x12: {  	[tilespmem:s10], [sflag:$0x1] =	stream.linear.gather [hbm4b:s3+s2], $0x2800, $0x38;
	[tilespmem:$0x7620] =	vst v63  }
0x13: {  	_ =	swait.ge [sflag:s8], $0x2800  }
0x14: {  	[sflag:s8] =	ssyncset.done $0x0  }
0x15: {  	s13 =	simm.s32 $0x0;
	[sflag:s8] =	ssyncadd.s32 $0xFFFFD800  }
0x16: {  	v1 =	vld [tilespmem:s13+$0x0];
	_ =	sdelay $0x5  }
0x17: {  	s12 =	simm.s32 $0x10  }
0x18: {  	v0 =	vld [tilespmem:s12+$0x0]  }
0x19: {  	s14 =	simm.s32 $0x80;
	v1 =	vld.idx.msk [tilespmem:v1+s10+$0x0], $0xffff  }
.LBB2_2:
0x1a: {  	p0 =	sne.s32 s14, $0x9C00;
	v2 =	vld [tilespmem:s13+$0x2710];
	_ =	sdelay $0x2  }
0x1b: {  	v3 =	vmov v0  }
.Ltmp0:
0x1c: {  	(pc) =	sbr.rel @p0 .LBB2_2-.Ltmp0, $4  }
0x1d: {  	v1 =	vmul.f32 v2, v1  }
0x1e: {  	s15 =	sshra.s32 s14, $0x2  }
0x1f: {  	v0 =	vld [tilespmem:s15+$0x0];
	[tilespmem:s13+$0x2710] =	vst v1;
	s13 =	smov.u32 s12;
	s12 =	smov.u32 s15  }
0x20: {  	s14 =	sadd.s32 $0x40, s14;
	v1 =	vld.idx.msk [tilespmem:v3+s10+$0x0], $0xffff  }
0x21: {  	v2 =	vld [tilespmem:s13+$0x2710];
	_ =	sdelay $0x4  }
0x22: {  	v1 =	vmul.f32 v2, v1;
	_ =	sdelay $0x1  }
0x23: {  	[tilespmem:s13+$0x2710] =	vst v1  }
0x24: {  	v0 =	vld.idx.msk [tilespmem:v0+s10+$0x0], $0xffff  }
0x25: {  	v1 =	vld [tilespmem:s12+$0x2710];
	_ =	sdelay $0x4  }
0x26: {  	s11 =	sadd.s32 $0x1, s11;
	v0 =	vmul.f32 v1, v0  }
0x27: {  	p0 =	sne.s32 s11, s7  }
.Ltmp1:
0x28: {  	[tilespmem:s12+$0x2710] =	vst v0;
	(pc) =	sbr.rel @p0 .LBB2_1-.Ltmp1, $4  }
0x29: {  	[hbm4b:s6+s2] =	stream.linear.scatter [tilespmem:s9], [sflag:$0x1], $0x2710, $0x38;
	[tilespmem:$0x7620] =	vst v63  }
0x2a: {  	_ =	swait.ge [sflag:s8], $0x2710  }
0x2b: {  	[sflag:s8] =	ssyncset.done $0x0  }
0x2c: {  	[sflag:s8] =	ssyncadd.s32 $0xFFFFD8F0  }
0x2d: {  	_ =	sfence.sel $0x180000  }
0x2e: {  	[bflag:$0x0] =	sbarrier.arrive $0xFFFF  }
0x2f: {  	p0 =	sne.s32 s0, $0x0;
	_ =	strace $0x9000004A  }
0x30: {  	s0 =	sadd.s32 @!p0 $0x100000, s1;
	[bflag:$0x2] =	sbarrier.arrive $0xFFFF  }
0x31: {  	[sflag:s0] =	ssyncadd.tile.s32 @!p0 $0x1;
	_ =	shalt  }
.Lfunc_end2:
_tile_overlayer_lowered:
.L_overlay_start_2:
0x32: {  	(tag) =	ssettag $0x2  }
0x33: {  	s0 =	rddreg [dreg:$0x0];
	s2 =	stileid.u32  }
0x34: {  	s1 =	rddreg [dreg:$0x1];
	p0 =	sne.s32 s2, $0x0  }
0x35: {  	s3 =	rddreg [dreg:$0x2];
	[bflag:$0x3] =	sbarrier.arrive $0xFFFF;
	s2 =	simm.s32 @!p0 $0x1C01  }
0x36: {  	[timem:s3], [sflag:s2] =	dma.local @!p0 [hbm:s0], s1  }
0x37: {  	s0 =	simm.s32 @!p0 $0x1  }
0x38: {  	_ =	swait.ge @!p0 [sflag:s0], s1  }
0x39: {  	s1 =	ssub.s32 @!p0 $0x0, s1;
	[sflag:s0] =	ssyncset.done @!p0 $0x0  }
0x3a: {  	[sflag:s0] =	ssyncadd.s32 @!p0 s1  }
0x3b: {  	[bflag:$0x3] =	sbarrier.arrive $0xFFFF  }
0x3c: {  	_ =	shalt  }

// kernel: kernel.18.cloned.1.call-start
scs
__scs_entry_jumppad:
0x0: {  	(pc) =	sbr.rel $0x88, $3  }
0x1: {  	(tag) =	ssettag $0x0;
	lr =	simm.s32 $0x1  }
0x2: {  	[smem:$0x3F98] =	sst lr;
	_ =	strace $0xD0000000  }
0x3: {  	_ = 	snop  }
0x4: {  	_ = 	snop  }
0x5: {  	_ = 	snop  }
0x6: {  	_ = 	snop  }
0x7: {  	_ = 	snop  }
__scs_overlays_trampoline_lowered:
0x8: {  	[smem:$0x3FA7] =	sst s0  }
0x9: {  	[smem:$0x3FA8] =	sst s1  }
0xa: {  	[smem:$0x3FA9] =	sst s2  }
0xb: {  	[smem:$0x3FAA] =	sst s3  }
0xc: {  	[smem:$0x3FAB] =	sst s4  }
0xd: {  	[smem:$0x3FAC] =	sst s5  }
0xe: {  	[smem:$0x3FAD] =	sst s6  }
0xf: {  	[smem:$0x3FAE] =	sst s7  }
0x10: {  	[smem:$0x3FAF] =	sst s8  }
0x11: {  	[smem:$0x3FB0] =	sst s9;
	s0 =	simm.s32 @!p0 $0x0  }
0x12: {  	s1 =	sld [smem:$0x3F96];
	s0 =	simm.s32 @p0 $0x1  }
0x13: {  	[smem:$0x3FB1] =	sst s0;
	s0 =	simm.s32 @!p1 $0x0  }
0x14: {  	s2 =	sld [smem:$0x3F95];
	s0 =	simm.s32 @p1 $0x1  }
0x15: {  	[smem:$0x3FB2] =	sst s0;
	s0 =	simm.s32 @!p2 $0x0  }
0x16: {  	s3 =	sld [smem:$0x3FDB];
	s0 =	simm.s32 @p2 $0x1  }
0x17: {  	s4 =	simm.s32 $0x1BF5;
	[smem:$0x3FB4] =	sst s0  }
0x18: {  	s0 =	sld [smem:$0x3F97];
	_ =	swait.ge [sflag:s4], $0x0  }
0x19: {  	s7 =	sld [smem:$0x3F98]  }
0x1a: {  	s8 =	sadd.s32 $0xFFFFE003, lr  }
0x1b: {  	s9 =	sadd.s32 $0xFFFFFEF7, lr;
	s5 =	simm.s32 $0xFFFFFFFF;
	p2 =	slt.u32 s8, $0xFFFFF086  }
0x1c: {  	p1 =	slt.u32 s9, $0xF7A;
	s5 =	simm.s32 @!p2 $0x0  }
0x1d: {  	s5 =	simm.s32 @p1 $0x1;
	p0 =	seq.s32 s7, s2  }
0x1e: {  	s7 =	smul.u32 @!p0 $0xF7A, s2;
	p2 =	seq.s32 @!p0 s5, $0x0  }
0x1f: {  	s9 =	smul.u32 $0xF7A, s1;
	s8 =	simm.s32 @!p0 $0x1BF5;
	p2 =	por !p2, p0  }
0x20: {  	[sflag:s8] =	ssyncset.s32 @!p0 $0xFFFFF086;
	s6 =	sadd.s32 @!p0 s3, s7;
	s7 =	simm.s32 @!p0 $0x108  }
0x21: {  	s3 =	sadd.s32 s3, s9;
	s6 =	sadd.s32 @!p0 $0x88, s6;
	s7 =	simm.s32 @p2 $0x1082  }
0x22: {  	[simem:s7], [sflag:s8] =	dma.local @!p0 [hbm:s6], $0xF7A  }
0x23: {  	s9 =	sor.u32 $0xD0000000, s2;
	s6 =	simm.s32 $0x108;
	_ =	swait.ge @!p0 [sflag:s8], $0x0  }
0x24: {  	s3 =	sadd.s32 $0x88, s3;
	s6 =	simm.s32 @!p1 $0x1082;
	[sflag:s4] =	ssyncset.s32 $0xFFFFF086  }
0x25: {  	[simem:s6], [sflag:s4] =	dma.local [hbm:s3], $0xF7A  }
0x26: {  	[smem:$0x3F98] =	sst s1;
	(tag) =	ssettag s2;
	_ =	strace s9  }
0x27: {  	s1 =	sld [smem:$0x3FA8]  }
0x28: {  	s2 =	sld [smem:$0x3FA9]  }
0x29: {  	s4 =	sld [smem:$0x3FAB]  }
0x2a: {  	p0 =	seq.s32 s5, $0x0;
	s5 =	sld [smem:$0x3FAC]  }
0x2b: {  	s6 =	sld [smem:$0x3FAD]  }
0x2c: {  	s7 =	sld [smem:$0x3FAE]  }
0x2d: {  	s3 =	simm.s32 $0x108;
	s8 =	sld [smem:$0x3FAF]  }
0x2e: {  	s3 =	simm.s32 @!p0 $0x1082;
	s9 =	sld [smem:$0x3FB0]  }
0x2f: {  	lr =	sadd.s32 s0, s3;
	s0 =	sld [smem:$0x3FA7]  }
0x30: {  	s3 =	sld [smem:$0x3FAA]  }
0x31: {  	[smem:$0x3FB3] =	sst s10  }
0x32: {  	s10 =	sld [smem:$0x3FB1];
	_ =	sdelay $0x3  }
0x33: {  	p0 =	seq.s32 s10, $0x1;
	s10 =	sld [smem:$0x3FB3];
	_ =	sdelay $0x3  }
0x34: {  	[smem:$0x3FB3] =	sst s10  }
0x35: {  	s10 =	sld [smem:$0x3FB2];
	_ =	sdelay $0x3  }
0x36: {  	p1 =	seq.s32 s10, $0x1;
	s10 =	sld [smem:$0x3FB3];
	_ =	sdelay $0x3  }
0x37: {  	[smem:$0x3FB3] =	sst s10  }
0x38: {  	s10 =	sld [smem:$0x3FB4]  }
0x39: {  	_ = 	snop;
	(pc) =	sbr.ind lr, $3  }
0x3a: {  	_ = 	snop  }
0x3b: {  	_ = 	snop  }
0x3c: {  	p2 =	seq.s32 s10, $0x1;
	s10 =	sld [smem:$0x3FB3]  }
0x3d: {  	_ =	shalt  }
0x3e: {  	_ =	shalt  }
0x3f: {  	_ =	shalt  }
0x40: {  	_ =	shalt  }
0x41: {  	_ =	shalt  }
0x42: {  	_ =	shalt  }
0x43: {  	_ =	shalt  }
0x44: {  	_ =	shalt  }
0x45: {  	_ =	shalt  }
0x46: {  	_ =	shalt  }
0x47: {  	_ =	shalt  }
0x48: {  	_ =	shalt  }
0x49: {  	_ =	shalt  }
0x4a: {  	_ =	shalt  }
0x4b: {  	_ =	shalt  }
0x4c: {  	_ =	shalt  }
0x4d: {  	_ =	shalt  }
0x4e: {  	_ =	shalt  }
0x4f: {  	_ =	shalt  }
0x50: {  	_ =	shalt  }
0x51: {  	_ =	shalt  }
0x52: {  	_ =	shalt  }
0x53: {  	_ =	shalt  }
0x54: {  	_ =	shalt  }
0x55: {  	_ =	shalt  }
0x56: {  	_ =	shalt  }
0x57: {  	_ =	shalt  }
0x58: {  	_ =	shalt  }
0x59: {  	_ =	shalt  }
0x5a: {  	_ =	shalt  }
0x5b: {  	_ =	shalt  }
0x5c: {  	_ =	shalt  }
0x5d: {  	_ =	shalt  }
0x5e: {  	_ =	shalt  }
0x5f: {  	_ =	shalt  }
0x60: {  	_ =	shalt  }
0x61: {  	_ =	shalt  }
0x62: {  	_ =	shalt  }
0x63: {  	_ =	shalt  }
0x64: {  	_ =	shalt  }
0x65: {  	_ =	shalt  }
0x66: {  	_ =	shalt  }
0x67: {  	_ =	shalt  }
0x68: {  	_ =	shalt  }
0x69: {  	_ =	shalt  }
0x6a: {  	_ =	shalt  }
0x6b: {  	_ =	shalt  }
0x6c: {  	_ =	shalt  }
0x6d: {  	_ =	shalt  }
0x6e: {  	_ =	shalt  }
0x6f: {  	_ =	shalt  }
0x70: {  	_ =	shalt  }
0x71: {  	_ =	shalt  }
0x72: {  	_ =	shalt  }
0x73: {  	_ =	shalt  }
0x74: {  	_ =	shalt  }
0x75: {  	_ =	shalt  }
0x76: {  	_ =	shalt  }
0x77: {  	_ =	shalt  }
0x78: {  	_ =	shalt  }
0x79: {  	_ =	shalt  }
0x7a: {  	_ =	shalt  }
0x7b: {  	_ =	shalt  }
0x7c: {  	_ =	shalt  }
0x7d: {  	_ =	shalt  }
0x7e: {  	_ =	shalt  }
0x7f: {  	_ =	shalt  }
0x80: {  	_ =	shalt  }
0x81: {  	_ =	shalt  }
0x82: {  	_ =	shalt  }
0x83: {  	_ =	shalt  }
0x84: {  	_ =	shalt  }
0x85: {  	_ =	shalt  }
0x86: {  	_ =	shalt  }
0x87: {  	_ =	shalt  }
.Lfunc_end0:
.L_simem_size_0:
called_computation.2_lowered:
.L_overlay_start_0:
0x88: {  	s2 =	sld [smem:$0x3FD9]  }
0x89: {  	s3 =	sld [smem:$0x3FFE];
	_ =	sdelay $0x1  }
0x8a: {  	s1 =	srdreg.scid  }
0x8b: {  	s0 =	sand.u32 $0x1, s1  }
0x8c: {  	s14 =	sshll.u32 s0, $0xA;
	s2 =	sadd.s32 s3, s2  }
0x8d: {  	s2 =	sadd.s32 s2, s14  }
0x8e: {  	[smem:$0x3FBF] =	sst s2  }
0x8f: {  	_ = 	snop  }
0x90: {  	s2 =	sld [smem:$0x3FD0];
	_ =	sdelay $0x2  }
0x91: {  	s15 =	simm.s32 $0xA;
	s4 =	simm.s32 $0x10  }
0x92: {  	[smem:s4], [sflag:s15] =	dma.local [hbm:s2], $0x1  }
0x93: {  	_ =	swait.eq [sflag:s15], $0x1  }
0x94: {  	[sflag:s15] =	ssyncset.done $0x0  }
0x95: {  	[sflag:s15] =	ssyncadd.s32 $0xFFFFFFFF  }
0x96: {  	s16 =	sld [smem:$0x10];
	(tm) =	ssettm $0x1  }
0x97: {  	s17 =	sld [smem:$0x3FFB];
	_ =	sdelay $0x3  }
0x98: {  	_ =	strace s17  }
0x99: {  	s3 =	sld [smem:$0x3FFC];
	_ =	sdelay $0x3  }
0x9a: {  	_ =	strace s3  }
0x9b: {  	s3 =	sld [smem:$0x3FFD];
	_ =	sdelay $0x3  }
0x9c: {  	_ =	strace s3  }
0x9d: {  	_ =	strace $0x8FFFFFFF  }
0x9e: {  	s18 =	sld [smem:$0x3FDB];
	_ =	sdelay $0x1  }
0x9f: {  	s19 =	simm.s32 $_scs_section_size  }
0xa0: {  	s5 =	simm.s32 $_size__tile_overlayer_lowered;
	s6 =	simm.s32 $_tile_overlayer_lowered  }
0xa1: {  	s22 =	simm.s32 $0x1BFF;
	s21 =	sshll.u32 s6, $0x1;
	s3 =	sadd.s32 s19, s18  }
0xa2: {  	s7 =	simm.s32 $0x0;
	s20 =	sshll.u32 s5, $0x1;
	s5 =	sadd.s32 s21, s3  }
0xa3: {  	[timem:s7], [sflag:s22] =	dma.local [hbm:s5], s20  }
0xa4: {  	_ =	swait.ge [sflag:s22], s20  }
0xa5: {  	s4 =	ssub.s32 $0x0, s20;
	[sflag:s22] =	ssyncset.done $0x0  }
0xa6: {  	[sflag:s22] =	ssyncadd.s32 s4;
	_ =	sdelay $0x1  }
0xa7: {  	s23 =	simm.s32 $0x1B8B  }
0xa8: {  	_ =	swait.ge [sflag:s23], $0x1  }
0xa9: {  	[sflag:s23] =	ssyncset.done $0x0  }
0xaa: {  	s25 =	simm.s32 $0x1B8E;
	s24 =	sld [smem:$0x3FFE];
	[sflag:s23] =	ssyncadd.s32 $0xFFFFFFFF  }
0xab: {  	s26 =	simm.s32 $execute0_lowered;
	[smem:$0x3FD2] =	sst s25  }
0xac: {  	s5 =	sshll.u32 s26, $0x1;
	_ =	strace $0x8000004C;
	[dreg:$0x1] =	wrdreg $0xFFFFFFFF  }
0xad: {  	s28 =	simm.s32 $_size_execute0_lowered;
	s3 =	sadd.s32 s3, s5;
	[dreg:$0x0] =	wrdreg $0x0  }
0xae: {  	s5 =	sshll.u32 s28, $0x1;
	[dreg:$0x2] =	wrdreg s3  }
0xaf: {  	[dreg:$0x3] =	wrdreg s5  }
0xb0: {  	[dreg:$0x4] =	wrdreg $0xC0  }
0xb1: {  	_ =	task [dreg:s7], $0x5FFFF  }
0xb2: {  	[dreg:$0x1] =	wrdreg $0xFFFFFFFF  }
0xb3: {  	[dreg:$0x0] =	wrdreg $0x60  }
0xb4: {  	[dreg:$0x2] =	wrdreg s16  }
0xb5: {  	[dreg:$0x3] =	wrdreg s24  }
0xb6: {  	[dreg:$0x4] =	wrdreg $0x154A00  }
0xb7: {  	[dreg:$0x5] =	wrdreg $0x9  }
0xb8: {  	_ =	task.clear_ibuf [dreg:s7], $0x6FFFF;
	_ =	strace $0x9000004C  }
0xb9: {  	s29 =	simm.s32 $0x9;
	_ =	strace $0x8000004E  }
0xba: {  	_ =	swait.ge [sflag:s29], $0x1  }
0xbb: {  	[sflag:s29] =	ssyncadd.s32 $0xFFFFFFFF  }
0xbc: {  	_ =	strace $0x9000004E  }
0xbd: {  	_ =	sfence  }
0xbe: {  	s30 =	sld [smem:$0x0];
	_ =	sdelay $0x2  }
0xbf: {  	s31 =	sshll.u32 s1, $0xD;
	s1 =	sshrl.u32 s1, $0x2  }
0xc0: {  	s3 =	sand.u32 $0x4000, s31;
	s1 =	sadd.s32 s1, s30  }
0xc1: {  	s0 =	sor.u32 s3, s0;
	s1 =	sshll.u32 s1, $0x11  }
0xc2: {  	s0 =	sor.u32 s1, s0  }
0xc3: {  	s0 =	sadd.s32 $0x8F2B, s0  }
0xc4: {  	[sflag:s0] =	ssyncadd.remote.s32 $0x1  }
0xc5: {  	_ =	sfence.sel $0xFFFF  }
0xc6: {  	[dreg:$0x0] =	wrdreg $0xFFFFFFFF;
	(pc) =	sbr.abs _section_cstart, $3  }
0xc7: {  	[dreg:$0x1] =	wrdreg $0xFFFFFFFF  }
0xc8: {  	_ =	task.clear_ibuf [dreg:s7], $0x2FFFF;
	_ =	strace $0x9FFFFFFF  }
0xc9: {  	(tm) =	ssettm $0x7FFFFFFF  }
tec
execute0_lowered:
.L_overlay_start_1:
0x0: {  	(tag) =	ssettag $0x1  }
0x1: {  	s0 =	rddreg [dreg:$0x0]  }
0x2: {  	s1 =	rddreg [dreg:$0x1]  }
0x3: {  	s2 =	rddreg [dreg:$0x2]  }
0x4: {  	s11 =	stileid.u32;
	s5 =	srdreg.scid  }
0x5: {  	s3 =	simm.s32 $0x0;
	s17 =	simm.s32 $0x6;
	s4 =	smul.u32 $0xA28, s11  }
0x6: {  	s28 =	simm.s32 $0x1;
	s29 =	simm.s32 $0x64;
	s6 =	smul.u32 $0x9C00, s11  }
0x7: {  	s30 =	simm.s32 $0x5;
	s31 =	simm.s32 $0x2;
	s7 =	smul.u32 $0x9C4, s11  }
0x8: {  	s5 =	sand.u32 $0x1, s5;
	[smem:$0x7FF] =	sst s3;
	s11 =	smul.u32 $0x27000, s11  }
0x9: {  	s8 =	smul.u32 $0x9C400, s5;
	_ =	strace $0x8000004D;
	s5 =	ssub.s32 $0x2, s5  }
0xa: {  	s4 =	sadd.s32 s4, s1;
	s10 =	sshrl.u32 s5, $0x1;
	s7 =	sadd.s32 s7, s1  }
0xb: {  	s19 =	sshrl.u32 s11, $0x2;
	s9 =	sadd.s32 s6, s8;
	s18 =	sadd.s32 $0x20A00, s4  }
0xc: {  	s5 =	ssub.s32 s5, s10;
	s4 =	sadd.s32 $0x16600, s4;
	[dreg:$0x4] =	wrdreg s18  }
0xd: {  	s7 =	sadd.s32 $0xC800, s7;
	s25 =	sshrl.u32 s8, $0x3;
	[dreg:$0x5] =	wrdreg s4  }
0xe: {  	s9 =	sshrl.u32 s9, $0x3;
	[dreg:$0x6] =	wrdreg s7;
	s4 =	sadd.s32 s19, s2  }
0xf: {  	s7 =	sadd.s32 s6, s2;
	s14 =	sadd.s32 s0, s25;
	s20 =	sadd.s32 $0x1900, s4  }
0x10: {  	s16 =	smax.u32 s5, $0x1;
	s21 =	sadd.s32 $0x3200, s4;
	[dreg:$0x7] =	wrdreg s20  }
0x11: {  	s19 =	simm.s32 $0xA280;
	s22 =	sadd.s32 $0x4B00, s4;
	[dreg:$0x8] =	wrdreg s21  }
0x12: {  	s0 =	simm.s32 $0x3;
	s23 =	sadd.s32 $0x6400, s4;
	[dreg:$0x9] =	wrdreg s22  }
.Ltmp0:
0x13: {  	s24 =	sadd.s32 $0x7D00, s4;
	[dreg:$0xa] =	wrdreg s23;
	(pc) =	sbr.rel .LBB2_1-.Ltmp0, $4  }
0x14: {  	s1 =	sadd.s32 s9, s1;
	s4 =	sadd.s32 $0x9600, s4;
	[dreg:$0xb] =	wrdreg s24  }
0x15: {  	s18 =	simm.s32 $0x4;
	[dreg:$0xc] =	wrdreg s4;
	s26 =	sadd.s32 $0x2AE00, s1  }
0x16: {  	s20 =	simm.s32 $0xF0A0;
	s22 =	simm.s32 $0x109A0;
	s24 =	simm.s32 $0x122A0  }
0x17: {  	v0 =	vimm.f32 $0.0e+00;
	s21 =	simm.s32 $0x0;
	[dreg:$0xd] =	wrdreg s26;
	s26 =	simm.s32 $0x13BA0  }
.LBB2_14:
0x18: {  	s1 =	stileid.u32;
	[bflag:$0x0] =	sbarrier.arrive $0xFFFF;
	s21 =	sadd.s32 $0x1, s21  }
0x19: {  	s4 =	sshrl.u32 s7, $0x3;
	s1 =	sshll.u32 s1, $0x6;
	p0 =	sne.s32 s21, s16  }
.Ltmp1:
0x1a: {  	s5 =	rddreg [dreg:$0xd];
	s1 =	sor.u32 $0x1C06, s1;
	(pc) =	sbr.rel @!p0 .LBB2_15-.Ltmp1, $4  }
0x1b: {  	[hbm:s5], [sflag:s1] =	dma.local [spmem:s4], $0x1400  }
0x1c: {  	_ =	swait.ge [sflag:s17], $0x1400  }
0x1d: {  	[sflag:s17] =	ssyncset.done $0x0  }
0x1e: {  	[sflag:s17] =	ssyncadd.s32 $0xFFFFEC00  }
.LBB2_1:
0x1f: {  	s1 =	rddreg [dreg:$0x4]  }
0x20: {  	[tilespmem:s3], [sflag:$0x6] =	stream.linear.gather [hbm4b:s1+s3], $0x5140, $0x38;
	[tilespmem:$0x1F0E0] =	vst v63  }
0x21: {  	_ =	swait.ge [sflag:s17], $0x5140  }
0x22: {  	[sflag:s17] =	ssyncset.done $0x0  }
0x23: {  	s4 =	simm.s32 $0x5140;
	s23 =	rddreg [dreg:$0x5];
	[sflag:s17] =	ssyncadd.s32 $0xFFFFAEC0  }
0x24: {  	[tilespmem:s4], [sflag:$0x6] =	stream.linear.gather [hbm4b:s23+s3], $0x5140, $0x38;
	[tilespmem:$0x1F0E0] =	vst v63  }
0x25: {  	_ =	swait.ge [sflag:s17], $0x5140  }
0x26: {  	[sflag:s17] =	ssyncset.done $0x0  }
0x27: {  	s25 =	rddreg [dreg:$0x6];
	[sflag:s17] =	ssyncadd.s32 $0xFFFFAEC0  }
0x28: {  	[tilespmem:s19], [sflag:$0x6] =	stream.linear.gather [hbm4b:s25+s3], $0x4E20, $0x38;
	[tilespmem:$0x1F0E0] =	vst v63  }
0x29: {  	_ =	swait.ge [sflag:s17], $0x4E20  }
0x2a: {  	[sflag:s17] =	ssyncset.done $0x0  }
0x2b: {  	s1 =	simm.s32 $0x0;
	s4 =	simm.s32 $0x100;
	[sflag:s17] =	ssyncadd.s32 $0xFFFFB1E0  }
.LBB2_2:
0x2c: {  	p0 =	sne.s32 s4, $0x6300;
	[tilespmem:s1+$0xF0D0] =	vst v0;
	s5 =	smov.u32 s4;
	s4 =	sadd.s32 $0x100, s4  }
.Ltmp2:
0x2d: {  	[tilespmem:s1+$0xF0C0] =	vst v0;
	(pc) =	sbr.rel @p0 .LBB2_2-.Ltmp2, $3  }
0x2e: {  	[tilespmem:s1+$0xF0A0] =	vst v0  }
0x2f: {  	[tilespmem:s1+$0xF0B0] =	vst v0;
	_ =	sdelay $0x1  }
0x30: {  	s1 =	sshra.s32 s5, $0x2  }
0x31: {  	[tilespmem:s1+$0xF0D0] =	vst v0  }
0x32: {  	[tilespmem:s1+$0xF0C0] =	vst v0  }
0x33: {  	[tilespmem:s1+$0xF0A0] =	vst v0  }
0x34: {  	[tilespmem:s1+$0xF0B0] =	vst v0  }
0x35: {  	[spmem:s7] =	stream.linear.scatter [tilespmem:s20], [sflag:$0x6], $0x1900, $0x38;
	[tilespmem:$0x1F0E0] =	vst v63  }
0x36: {  	_ =	swait.ge [sflag:s17], $0x1900  }
0x37: {  	[sflag:s17] =	ssyncset.done $0x0  }
0x38: {  	s5 =	rddreg [dreg:$0x7];
	[sflag:s17] =	ssyncadd.s32 $0xFFFFE700  }
0x39: {  	[spmem:s5] =	stream.linear.scatter [tilespmem:s20], [sflag:$0x6], $0x1900, $0x38;
	[tilespmem:$0x1F0E0] =	vst v63  }
0x3a: {  	_ =	swait.ge [sflag:s17], $0x1900  }
0x3b: {  	[sflag:s17] =	ssyncset.done $0x0  }
0x3c: {  	s6 =	rddreg [dreg:$0x8];
	[sflag:s17] =	ssyncadd.s32 $0xFFFFE700  }
0x3d: {  	[spmem:s6] =	stream.linear.scatter [tilespmem:s20], [sflag:$0x6], $0x1900, $0x38;
	[tilespmem:$0x1F0E0] =	vst v63  }
0x3e: {  	_ =	swait.ge [sflag:s17], $0x1900  }
0x3f: {  	[sflag:s17] =	ssyncset.done $0x0  }
0x40: {  	s8 =	rddreg [dreg:$0x9];
	[sflag:s17] =	ssyncadd.s32 $0xFFFFE700  }
0x41: {  	[spmem:s8] =	stream.linear.scatter [tilespmem:s20], [sflag:$0x6], $0x1900, $0x38;
	[tilespmem:$0x1F0E0] =	vst v63  }
0x42: {  	_ =	swait.ge [sflag:s17], $0x1900  }
0x43: {  	[sflag:s17] =	ssyncset.done $0x0  }
0x44: {  	s9 =	rddreg [dreg:$0xa];
	[sflag:s17] =	ssyncadd.s32 $0xFFFFE700  }
0x45: {  	[spmem:s9] =	stream.linear.scatter [tilespmem:s20], [sflag:$0x6], $0x1900, $0x38;
	[tilespmem:$0x1F0E0] =	vst v63  }
0x46: {  	_ =	swait.ge [sflag:s17], $0x1900  }
0x47: {  	[sflag:s17] =	ssyncset.done $0x0  }
0x48: {  	s10 =	rddreg [dreg:$0xb];
	[sflag:s17] =	ssyncadd.s32 $0xFFFFE700  }
0x49: {  	[spmem:s10] =	stream.linear.scatter [tilespmem:s20], [sflag:$0x6], $0x1900, $0x38;
	[tilespmem:$0x1F0E0] =	vst v63  }
0x4a: {  	_ =	swait.ge [sflag:s17], $0x1900  }
0x4b: {  	[sflag:s17] =	ssyncset.done $0x0  }
0x4c: {  	s11 =	rddreg [dreg:$0xc];
	[sflag:s17] =	ssyncadd.s32 $0xFFFFE700  }
0x4d: {  	[spmem:s11] =	stream.linear.scatter [tilespmem:s20], [sflag:$0x6], $0xA00, $0x38;
	[tilespmem:$0x1F0E0] =	vst v63  }
0x4e: {  	_ =	swait.ge [sflag:s17], $0xA00  }
0x4f: {  	[sflag:s17] =	ssyncset.done $0x0  }
0x50: {  	[sflag:s17] =	ssyncadd.s32 $0xFFFFF600  }
0x51: {  	s23 =	simm.s32 $0x64;
	s25 =	simm.s32 $0x0;
	[bflag:$0x0] =	sbarrier.arrive $0xFFFF  }
0x52: {  	[tilespmem:s20], [sflag:$0x1] =	stream.indirect.gather [hbm4b:s14+s23], $0x40, s25, s23, $0xb8;
	[tilespmem:$0x1F0E0] =	vst v63  }
0x53: {  	s12 =	simm.s32 $0x68  }
0x54: {  	[tilespmem:s22], [sflag:$0x2] =	stream.indirect.gather [hbm4b:s14+s23], $0x40, s12, s23, $0xb8;
	[tilespmem:$0x1F0E0] =	vst v63  }
0x55: {  	s13 =	simm.s32 $0xD0;
	s15 =	simm.s32 $0x138  }
0x56: {  	[tilespmem:s24], [sflag:$0x3] =	stream.indirect.gather [hbm4b:s14+s23], $0x40, s13, s23, $0xb8;
	[tilespmem:$0x1F0E0] =	vst v63  }
0x57: {  	s1 =	simm.s32 $0xC8;
	s4 =	simm.s32 $0x12C;
	s5 =	simm.s32 $0x0  }
0x58: {  	[tilespmem:s26], [sflag:$0x4] =	stream.indirect.gather [hbm4b:s14+s23], $0x40, s15, s23, $0xb8;
	[tilespmem:$0x1F0E0] =	vst v63  }
.LBB2_4:
0x59: {  	s6 =	sadd.s32 $0x0, s25  }
0x5a: {  	_ =	swait.ge [sflag:s28], $0x1900;
	v1 =	vmov s6  }
0x5b: {  	[sflag:s28] =	ssyncset.done $0x0  }
0x5c: {  	s6 =	simm.s32 $0xF0C0;
	[sflag:s28] =	ssyncadd.s32 $0xFFFFE700  }
0x5d: {  	v3 =	vld [tilespmem:s6+$0xFFFFFFF0]  }
0x5e: {  	v4 =	vld [tilespmem:s6+$0x10]  }
0x5f: {  	v6 =	vld.idx.msk [tilespmem:v1+s19+$0x0], $0xffff  }
0x60: {  	v1 =	vld [tilespmem:s6+$0xFFFFFFE0]  }
0x61: {  	v7 =	vld [tilespmem:s6+$0x0];
	_ =	sdelay $0x3  }
0x62: {  	s9 =	sadd.s32 $0x1, s25;
	v2 =	vmul.f32 v1, v6;
	v5 =	vmul.f32 v4, v6  }
0x63: {  	s8 =	simm.s32 $0x2;
	v1 =	vmov s9;
	v4 =	vmul.f32 v3, v6;
	v3 =	vmul.f32 v7, v6;
	s9 =	simm.s32 $0xF0C0  }
.LBB2_5:
0x64: {  	p0 =	sne.s32 s8, $0x63  }
0x65: {  	[tilespmem:s6+$0x10] =	vst v5;
	s9 =	sadd.s32 $0x40, s9;
	s10 =	smov.u32 s8;
	s8 =	sadd.s32 $0x1, s8  }
0x66: {  	[tilespmem:s6+$0xFFFFFFE0] =	vst v2  }
0x67: {  	v6 =	vld [tilespmem:s9+$0xFFFFFFF0];
	[tilespmem:s6+$0xFFFFFFF0] =	vst v4  }
0x68: {  	v4 =	vld [tilespmem:s9+$0x10];
	[tilespmem:s6+$0x0] =	vst v3;
	s6 =	smov.u32 s9  }
0x69: {  	v3 =	vld.idx.msk [tilespmem:v1+s19+$0x0], $0xffff  }
0x6a: {  	v1 =	vld [tilespmem:s9+$0xFFFFFFE0]  }
0x6b: {  	v7 =	vld [tilespmem:s9+$0x0]  }
.Ltmp3:
0x6c: {  	(pc) =	sbr.rel @p0 .LBB2_5-.Ltmp3, $3  }
0x6d: {  	_ =	sdelay $0x1  }
0x6e: {  	s10 =	sadd.s32 s10, s25;
	v5 =	vmul.f32 v4, v3;
	v2 =	vmul.f32 v1, v3  }
0x6f: {  	v4 =	vmul.f32 v6, v3;
	v1 =	vmov s10;
	v3 =	vmul.f32 v7, v3  }
0x70: {  	[tilespmem:s6+$0x10] =	vst v5  }
0x71: {  	s8 =	sadd.s32 $0x40, s9;
	[tilespmem:s6+$0xFFFFFFE0] =	vst v2  }
0x72: {  	v2 =	vld [tilespmem:s8+$0xFFFFFFF0];
	[tilespmem:s6+$0xFFFFFFF0] =	vst v4  }
0x73: {  	v4 =	vld [tilespmem:s8+$0x10];
	[tilespmem:s6+$0x0] =	vst v3  }
0x74: {  	v1 =	vld.idx.msk [tilespmem:v1+s19+$0x0], $0xffff  }
0x75: {  	v3 =	vld [tilespmem:s8+$0xFFFFFFE0];
	_ =	sdelay $0x1  }
0x76: {  	v5 =	vld [tilespmem:s8+$0x0];
	_ =	sdelay $0x1  }
0x77: {  	v4 =	vmul.f32 v4, v1  }
0x78: {  	v3 =	vmul.f32 v3, v1  }
0x79: {  	s9 =	smul.u32 $0x680, s5;
	v2 =	vmul.f32 v2, v1;
	[tilespmem:s8+$0x10] =	vst v4  }
0x7a: {  	v1 =	vmul.f32 v5, v1;
	[tilespmem:s8+$0xFFFFFFE0] =	vst v3  }
0x7b: {  	s6 =	sshra.s32 s9, $0x2;
	[tilespmem:s8+$0xFFFFFFF0] =	vst v2  }
0x7c: {  	s15 =	sadd.s32 $0x5140, s6;
	[tilespmem:s8+$0x0] =	vst v1  }
0x7d: {  	[spmem:s2] =	stream.indirect.scatter.add.f32 [tilespmem:s20], [sflag:$0x5], $0x40, s15, s29, $0xb8;
	[tilespmem:$0x1F0E0] =	vst v63  }
0x7e: {  	p0 =	seq.s32 s5, $0x31;
	s12 =	sadd.s32 $0x0, s23;
	_ =	swait.ge [sflag:s30], $0x1900  }
0x7f: {  	s10 =	simm.s32 @!p0 $0x64;
	s9 =	sshra.s32 @!p0 s9, $0x2;
	[sflag:s30] =	ssyncset.done $0x0  }
0x80: {  	s11 =	simm.s32 @!p0 $0xF0A0;
	s8 =	sadd.s32 @!p0 $0x1A0, s9;
	[sflag:s30] =	ssyncadd.s32 $0xFFFFE700  }
0x81: {  	v1 =	vmov s12;
	[tilespmem:s11], [sflag:$0x1] =	stream.indirect.gather @!p0 [hbm4b:s14+s10], $0x40, s8, s10, $0xb8;
	[tilespmem:$0x1F0E0] =	vst v63  }
0x82: {  	_ =	swait.ge [sflag:s31], $0x1900  }
0x83: {  	[sflag:s31] =	ssyncset.done $0x0  }
0x84: {  	s11 =	simm.s32 $0x109D0;
	[sflag:s31] =	ssyncadd.s32 $0xFFFFE700  }
0x85: {  	v4 =	vld [tilespmem:s11+$0xFFFFFFE0]  }
0x86: {  	v1 =	vld.idx.msk [tilespmem:v1+s19+$0x0], $0xffff  }
0x87: {  	v5 =	vld [tilespmem:s11+$0xFFFFFFD0]  }
0x88: {  	v2 =	vld [tilespmem:s11+$0xFFFFFFF0]  }
0x89: {  	v3 =	vld [tilespmem:s11+$0x0];
	_ =	sdelay $0x2  }
0x8a: {  	s13 =	simm.s32 $0x2;
	s8 =	sshll.u32 s5, $0x2  }
0x8b: {  	s12 =	simm.s32 $0x109D0;
	s15 =	sadd.s32 $0x1, s23;
	s10 =	sor.u32 $0x1, s8;
	v5 =	vmul.f32 v5, v1;
	v4 =	vmul.f32 v4, v1  }
.LBB2_7:
0x8c: {  	p1 =	sne.s32 s13, $0x63;
	v6 =	vmov s15;
	v7 =	vmul.f32 v2, v1;
	v1 =	vmul.f32 v3, v1  }
0x8d: {  	[tilespmem:s11+$0xFFFFFFD0] =	vst v5  }
0x8e: {  	s11 =	sadd.s32 $0x40, s11;
	[tilespmem:s12+$0xFFFFFFE0] =	vst v4  }
0x8f: {  	v2 =	vld [tilespmem:s11+$0xFFFFFFF0];
	[tilespmem:s12+$0xFFFFFFF0] =	vst v7  }
0x90: {  	v4 =	vld [tilespmem:s11+$0xFFFFFFE0];
	[tilespmem:s12+$0x0] =	vst v1;
	s12 =	smov.u32 s11  }
0x91: {  	v1 =	vld.idx.msk [tilespmem:v6+s19+$0x0], $0xffff  }
0x92: {  	v5 =	vld [tilespmem:s11+$0xFFFFFFD0]  }
.Ltmp4:
0x93: {  	v3 =	vld [tilespmem:s11+$0x0];
	(pc) =	sbr.rel @p1 .LBB2_7-.Ltmp4, $2  }
0x94: {  	_ =	sdelay $0x2  }
0x95: {  	s15 =	sadd.s32 s13, s23;
	s13 =	sadd.s32 $0x1, s13;
	v4 =	vmul.f32 v4, v1;
	v5 =	vmul.f32 v5, v1  }
0x96: {  	_ = 	snop  }
0x97: {  	v2 =	vmul.f32 v2, v1;
	[tilespmem:s11+$0xFFFFFFD0] =	vst v5;
	v5 =	vmov s15  }
0x98: {  	v1 =	vmul.f32 v3, v1;
	s15 =	sadd.s32 $0x40, s11;
	[tilespmem:s12+$0xFFFFFFE0] =	vst v4  }
0x99: {  	v4 =	vld [tilespmem:s15+$0xFFFFFFF0];
	[tilespmem:s12+$0xFFFFFFF0] =	vst v2  }
0x9a: {  	v2 =	vld [tilespmem:s15+$0xFFFFFFE0];
	[tilespmem:s12+$0x0] =	vst v1  }
0x9b: {  	v3 =	vld [tilespmem:s15+$0xFFFFFFD0]  }
0x9c: {  	v1 =	vld.idx.msk [tilespmem:v5+s19+$0x0], $0xffff;
	_ =	sdelay $0x2  }
0x9d: {  	v5 =	vld [tilespmem:s15+$0x0];
	_ =	sdelay $0x1  }
0x9e: {  	v3 =	vmul.f32 v3, v1  }
0x9f: {  	v2 =	vmul.f32 v2, v1  }
0xa0: {  	s10 =	smul.u32 $0x1A0, s10;
	v4 =	vmul.f32 v4, v1;
	[tilespmem:s15+$0xFFFFFFD0] =	vst v3  }
0xa1: {  	v1 =	vmul.f32 v5, v1;
	[tilespmem:s15+$0xFFFFFFE0] =	vst v2  }
0xa2: {  	s10 =	sshra.s32 s10, $0x2;
	[tilespmem:s15+$0xFFFFFFF0] =	vst v4  }
0xa3: {  	s10 =	sadd.s32 $0x5140, s10;
	[tilespmem:s15+$0x0] =	vst v1  }
0xa4: {  	[spmem:s2] =	stream.indirect.scatter.add.f32 [tilespmem:s22], [sflag:$0x5], $0x40, s10, s29, $0xb8;
	[tilespmem:$0x1F0E0] =	vst v63  }
0xa5: {  	_ =	swait.ge [sflag:s30], $0x1900  }
0xa6: {  	s13 =	sadd.s32 $0x0, s1;
	s11 =	simm.s32 @!p0 $0x64;
	[sflag:s30] =	ssyncset.done $0x0  }
0xa7: {  	s12 =	simm.s32 @!p0 $0x109A0;
	s10 =	sadd.s32 @!p0 $0x208, s9;
	[sflag:s30] =	ssyncadd.s32 $0xFFFFE700  }
0xa8: {  	v1 =	vmov s13;
	[tilespmem:s12], [sflag:$0x2] =	stream.indirect.gather @!p0 [hbm4b:s14+s11], $0x40, s10, s11, $0xb8;
	[tilespmem:$0x1F0E0] =	vst v63  }
0xa9: {  	_ =	swait.ge [sflag:s0], $0x1900  }
0xaa: {  	[sflag:s0] =	ssyncset.done $0x0  }
0xab: {  	s11 =	simm.s32 $0x122D0;
	[sflag:s0] =	ssyncadd.s32 $0xFFFFE700  }
0xac: {  	v4 =	vld [tilespmem:s11+$0xFFFFFFE0]  }
0xad: {  	v1 =	vld.idx.msk [tilespmem:v1+s19+$0x0], $0xffff  }
0xae: {  	v5 =	vld [tilespmem:s11+$0xFFFFFFD0]  }
0xaf: {  	v2 =	vld [tilespmem:s11+$0xFFFFFFF0]  }
0xb0: {  	v3 =	vld [tilespmem:s11+$0x0];
	_ =	sdelay $0x2  }
0xb1: {  	s15 =	sadd.s32 $0x1, s1  }
0xb2: {  	s13 =	simm.s32 $0x2;
	s10 =	sor.u32 $0x2, s8;
	s12 =	simm.s32 $0x122D0;
	v5 =	vmul.f32 v5, v1;
	v4 =	vmul.f32 v4, v1  }
.LBB2_9:
0xb3: {  	p1 =	sne.s32 s13, $0x63;
	v6 =	vmov s15;
	v7 =	vmul.f32 v2, v1;
	v1 =	vmul.f32 v3, v1  }
0xb4: {  	[tilespmem:s11+$0xFFFFFFD0] =	vst v5  }
0xb5: {  	s11 =	sadd.s32 $0x40, s11;
	[tilespmem:s12+$0xFFFFFFE0] =	vst v4  }
0xb6: {  	v2 =	vld [tilespmem:s11+$0xFFFFFFF0];
	[tilespmem:s12+$0xFFFFFFF0] =	vst v7  }
0xb7: {  	v4 =	vld [tilespmem:s11+$0xFFFFFFE0];
	[tilespmem:s12+$0x0] =	vst v1;
	s12 =	smov.u32 s11  }
0xb8: {  	v1 =	vld.idx.msk [tilespmem:v6+s19+$0x0], $0xffff  }
0xb9: {  	v5 =	vld [tilespmem:s11+$0xFFFFFFD0]  }
.Ltmp5:
0xba: {  	v3 =	vld [tilespmem:s11+$0x0];
	(pc) =	sbr.rel @p1 .LBB2_9-.Ltmp5, $2  }
0xbb: {  	_ =	sdelay $0x2  }
0xbc: {  	s15 =	sadd.s32 s13, s1;
	s13 =	sadd.s32 $0x1, s13;
	v4 =	vmul.f32 v4, v1;
	v5 =	vmul.f32 v5, v1  }
0xbd: {  	_ = 	snop  }
0xbe: {  	v2 =	vmul.f32 v2, v1;
	[tilespmem:s11+$0xFFFFFFD0] =	vst v5;
	v5 =	vmov s15  }
0xbf: {  	v1 =	vmul.f32 v3, v1;
	s15 =	sadd.s32 $0x40, s11;
	[tilespmem:s12+$0xFFFFFFE0] =	vst v4  }
0xc0: {  	v4 =	vld [tilespmem:s15+$0xFFFFFFF0];
	[tilespmem:s12+$0xFFFFFFF0] =	vst v2  }
0xc1: {  	v2 =	vld [tilespmem:s15+$0xFFFFFFE0];
	[tilespmem:s12+$0x0] =	vst v1  }
0xc2: {  	v3 =	vld [tilespmem:s15+$0xFFFFFFD0]  }
0xc3: {  	v1 =	vld.idx.msk [tilespmem:v5+s19+$0x0], $0xffff;
	_ =	sdelay $0x2  }
0xc4: {  	v5 =	vld [tilespmem:s15+$0x0];
	_ =	sdelay $0x1  }
0xc5: {  	v3 =	vmul.f32 v3, v1  }
0xc6: {  	v2 =	vmul.f32 v2, v1  }
0xc7: {  	s10 =	smul.u32 $0x1A0, s10;
	v4 =	vmul.f32 v4, v1;
	[tilespmem:s15+$0xFFFFFFD0] =	vst v3  }
0xc8: {  	v1 =	vmul.f32 v5, v1;
	[tilespmem:s15+$0xFFFFFFE0] =	vst v2  }
0xc9: {  	s10 =	sshra.s32 s10, $0x2;
	[tilespmem:s15+$0xFFFFFFF0] =	vst v4  }
0xca: {  	s10 =	sadd.s32 $0x5140, s10;
	[tilespmem:s15+$0x0] =	vst v1  }
0xcb: {  	[spmem:s2] =	stream.indirect.scatter.add.f32 [tilespmem:s24], [sflag:$0x5], $0x40, s10, s29, $0xb8;
	[tilespmem:$0x1F0E0] =	vst v63  }
0xcc: {  	_ =	swait.ge [sflag:s30], $0x1900  }
0xcd: {  	s9 =	sadd.s32 @!p0 $0x270, s9;
	s13 =	sadd.s32 $0x0, s4;
	[sflag:s30] =	ssyncset.done $0x0  }
0xce: {  	s11 =	simm.s32 @!p0 $0x122A0;
	s10 =	simm.s32 @!p0 $0x64;
	[sflag:s30] =	ssyncadd.s32 $0xFFFFE700  }
0xcf: {  	[tilespmem:s11], [sflag:$0x3] =	stream.indirect.gather @!p0 [hbm4b:s14+s10], $0x40, s9, s10, $0xb8;
	[tilespmem:$0x1F0E0] =	vst v63  }
0xd0: {  	v1 =	vmov s13;
	_ =	swait.ge [sflag:s18], $0x1900  }
0xd1: {  	[sflag:s18] =	ssyncset.done $0x0  }
0xd2: {  	s9 =	simm.s32 $0x13BA0;
	[sflag:s18] =	ssyncadd.s32 $0xFFFFE700  }
0xd3: {  	v3 =	vld [tilespmem:s9+$0x30]  }
0xd4: {  	v4 =	vld [tilespmem:s9+$0x10]  }
0xd5: {  	v6 =	vld.idx.msk [tilespmem:v1+s19+$0x0], $0xffff  }
0xd6: {  	v1 =	vld [tilespmem:s9+$0x0]  }
0xd7: {  	v7 =	vld [tilespmem:s9+$0x20];
	_ =	sdelay $0x3  }
0xd8: {  	s15 =	sadd.s32 $0x1, s4;
	v2 =	vmul.f32 v1, v6;
	v5 =	vmul.f32 v3, v6  }
0xd9: {  	s8 =	sor.u32 $0x3, s8;
	s10 =	simm.s32 $0x2;
	s11 =	simm.s32 $0x13BA0;
	v1 =	vmov s15;
	v4 =	vmul.f32 v4, v6;
	v3 =	vmul.f32 v7, v6  }
.LBB2_11:
0xda: {  	p1 =	sne.s32 s10, $0x63  }
0xdb: {  	[tilespmem:s9+$0x30] =	vst v5;
	s11 =	sadd.s32 $0x40, s11;
	s12 =	smov.u32 s10;
	s10 =	sadd.s32 $0x1, s10  }
0xdc: {  	[tilespmem:s9+$0x0] =	vst v2  }
0xdd: {  	v5 =	vld [tilespmem:s11+$0x30];
	[tilespmem:s9+$0x10] =	vst v4  }
0xde: {  	v4 =	vld [tilespmem:s11+$0x10];
	[tilespmem:s9+$0x20] =	vst v3;
	s9 =	smov.u32 s11  }
0xdf: {  	v3 =	vld.idx.msk [tilespmem:v1+s19+$0x0], $0xffff  }
0xe0: {  	v1 =	vld [tilespmem:s11+$0x0]  }
0xe1: {  	v6 =	vld [tilespmem:s11+$0x20]  }
.Ltmp6:
0xe2: {  	(pc) =	sbr.rel @p1 .LBB2_11-.Ltmp6, $3  }
0xe3: {  	_ =	sdelay $0x1  }
0xe4: {  	s12 =	sadd.s32 s12, s4;
	v5 =	vmul.f32 v5, v3;
	v2 =	vmul.f32 v1, v3  }
0xe5: {  	v4 =	vmul.f32 v4, v3;
	v1 =	vmov s12;
	v3 =	vmul.f32 v6, v3  }
0xe6: {  	[tilespmem:s9+$0x30] =	vst v5  }
0xe7: {  	s10 =	sadd.s32 $0x40, s11;
	[tilespmem:s9+$0x0] =	vst v2  }
0xe8: {  	v2 =	vld [tilespmem:s10+$0x30];
	[tilespmem:s9+$0x10] =	vst v4  }
0xe9: {  	v4 =	vld [tilespmem:s10+$0x10];
	[tilespmem:s9+$0x20] =	vst v3  }
0xea: {  	v1 =	vld.idx.msk [tilespmem:v1+s19+$0x0], $0xffff  }
0xeb: {  	v3 =	vld [tilespmem:s10+$0x0];
	_ =	sdelay $0x1  }
0xec: {  	v5 =	vld [tilespmem:s10+$0x20];
	_ =	sdelay $0x1  }
0xed: {  	v2 =	vmul.f32 v2, v1  }
0xee: {  	v3 =	vmul.f32 v3, v1  }
0xef: {  	s8 =	smul.u32 $0x1A0, s8;
	v4 =	vmul.f32 v4, v1;
	[tilespmem:s10+$0x30] =	vst v2  }
0xf0: {  	v1 =	vmul.f32 v5, v1;
	[tilespmem:s10+$0x0] =	vst v3  }
0xf1: {  	s8 =	sshra.s32 s8, $0x2;
	[tilespmem:s10+$0x10] =	vst v4  }
.Ltmp7:
0xf2: {  	s8 =	sadd.s32 $0x5140, s8;
	[tilespmem:s10+$0x20] =	vst v1;
	(pc) =	sbr.rel @p0 .LBB2_14-.Ltmp7, $4  }
0xf3: {  	[spmem:s2] =	stream.indirect.scatter.add.f32 [tilespmem:s26], [sflag:$0x5], $0x40, s8, s29, $0xb8;
	[tilespmem:$0x1F0E0] =	vst v63  }
0xf4: {  	_ =	swait.ge [sflag:s30], $0x1900  }
0xf5: {  	[sflag:s30] =	ssyncset.done $0x0  }
0xf6: {  	[sflag:s30] =	ssyncadd.s32 $0xFFFFE700  }
.Ltmp8:
0xf7: {  	(pc) =	sbr.rel .LBB2_4-.Ltmp8, $4  }
0xf8: {  	_ = 	snop  }
0xf9: {  	s6 =	sadd.s32 $0x2D8, s6;
	s5 =	sadd.s32 $0x1, s5;
	s25 =	sadd.s32 $0x190, s25  }
0xfa: {  	s23 =	sadd.s32 $0x190, s23;
	s1 =	sadd.s32 $0x190, s1;
	s4 =	sadd.s32 $0x190, s4  }
0xfb: {  	[tilespmem:s26], [sflag:$0x4] =	stream.indirect.gather [hbm4b:s14+s29], $0x40, s6, s29, $0xb8;
	[tilespmem:$0x1F0E0] =	vst v63  }
.LBB2_15:
0xfc: {  	_ =	sfence.sel $0x180000  }
0xfd: {  	[bflag:$0x0] =	sbarrier.arrive $0xFFFF  }
0xfe: {  	_ =	strace $0x9000004D  }
0xff: {  	s0 =	stileid.u32;
	[bflag:$0x2] =	sbarrier.arrive $0xFFFF  }
0x100: {  	p0 =	sne.s32 s0, $0x0;
	s0 =	rddreg [dreg:$0x3]  }
0x101: {  	s0 =	sadd.s32 @!p0 $0x100000, s0  }
0x102: {  	[sflag:s0] =	ssyncadd.tile.s32 @!p0 $0x1;
	_ =	shalt  }
.Lfunc_end2:
_tile_overlayer_lowered:
.L_overlay_start_2:
0x103: {  	(tag) =	ssettag $0x2  }
0x104: {  	s0 =	rddreg [dreg:$0x0];
	s2 =	stileid.u32  }
0x105: {  	s1 =	rddreg [dreg:$0x1];
	p0 =	sne.s32 s2, $0x0  }
0x106: {  	s3 =	rddreg [dreg:$0x2];
	[bflag:$0x3] =	sbarrier.arrive $0xFFFF;
	s2 =	simm.s32 @!p0 $0x1C06  }
0x107: {  	[timem:s3], [sflag:s2] =	dma.local @!p0 [hbm:s0], s1  }
0x108: {  	s0 =	simm.s32 @!p0 $0x6  }
0x109: {  	_ =	swait.ge @!p0 [sflag:s0], s1  }
0x10a: {  	s1 =	ssub.s32 @!p0 $0x0, s1;
	[sflag:s0] =	ssyncset.done @!p0 $0x0  }
0x10b: {  	[sflag:s0] =	ssyncadd.s32 @!p0 s1  }
0x10c: {  	[bflag:$0x3] =	sbarrier.arrive $0xFFFF  }
0x10d: {  	_ =	shalt  }

// kernel: kernel.21.cloned.1.call-start
scs
__scs_entry_jumppad:
0x0: {  	(pc) =	sbr.rel $0x88, $3  }
0x1: {  	(tag) =	ssettag $0x0;
	lr =	simm.s32 $0x1  }
0x2: {  	[smem:$0x3F98] =	sst lr;
	_ =	strace $0xD0000000  }
0x3: {  	_ = 	snop  }
0x4: {  	_ = 	snop  }
0x5: {  	_ = 	snop  }
0x6: {  	_ = 	snop  }
0x7: {  	_ = 	snop  }
__scs_overlays_trampoline_lowered:
0x8: {  	[smem:$0x3FA7] =	sst s0  }
0x9: {  	[smem:$0x3FA8] =	sst s1  }
0xa: {  	[smem:$0x3FA9] =	sst s2  }
0xb: {  	[smem:$0x3FAA] =	sst s3  }
0xc: {  	[smem:$0x3FAB] =	sst s4  }
0xd: {  	[smem:$0x3FAC] =	sst s5  }
0xe: {  	[smem:$0x3FAD] =	sst s6  }
0xf: {  	[smem:$0x3FAE] =	sst s7  }
0x10: {  	[smem:$0x3FAF] =	sst s8  }
0x11: {  	[smem:$0x3FB0] =	sst s9;
	s0 =	simm.s32 @!p0 $0x0  }
0x12: {  	s1 =	sld [smem:$0x3F96];
	s0 =	simm.s32 @p0 $0x1  }
0x13: {  	[smem:$0x3FB1] =	sst s0;
	s0 =	simm.s32 @!p1 $0x0  }
0x14: {  	s2 =	sld [smem:$0x3F95];
	s0 =	simm.s32 @p1 $0x1  }
0x15: {  	[smem:$0x3FB2] =	sst s0;
	s0 =	simm.s32 @!p2 $0x0  }
0x16: {  	s3 =	sld [smem:$0x3FDB];
	s0 =	simm.s32 @p2 $0x1  }
0x17: {  	s4 =	simm.s32 $0x1BF5;
	[smem:$0x3FB4] =	sst s0  }
0x18: {  	s0 =	sld [smem:$0x3F97];
	_ =	swait.ge [sflag:s4], $0x0  }
0x19: {  	s7 =	sld [smem:$0x3F98]  }
0x1a: {  	s8 =	sadd.s32 $0xFFFFE003, lr  }
0x1b: {  	s9 =	sadd.s32 $0xFFFFFEF7, lr;
	s5 =	simm.s32 $0xFFFFFFFF;
	p2 =	slt.u32 s8, $0xFFFFF086  }
0x1c: {  	p1 =	slt.u32 s9, $0xF7A;
	s5 =	simm.s32 @!p2 $0x0  }
0x1d: {  	s5 =	simm.s32 @p1 $0x1;
	p0 =	seq.s32 s7, s2  }
0x1e: {  	s7 =	smul.u32 @!p0 $0xF7A, s2;
	p2 =	seq.s32 @!p0 s5, $0x0  }
0x1f: {  	s9 =	smul.u32 $0xF7A, s1;
	s8 =	simm.s32 @!p0 $0x1BF5;
	p2 =	por !p2, p0  }
0x20: {  	[sflag:s8] =	ssyncset.s32 @!p0 $0xFFFFF086;
	s6 =	sadd.s32 @!p0 s3, s7;
	s7 =	simm.s32 @!p0 $0x108  }
0x21: {  	s3 =	sadd.s32 s3, s9;
	s6 =	sadd.s32 @!p0 $0x88, s6;
	s7 =	simm.s32 @p2 $0x1082  }
0x22: {  	[simem:s7], [sflag:s8] =	dma.local @!p0 [hbm:s6], $0xF7A  }
0x23: {  	s9 =	sor.u32 $0xD0000000, s2;
	s6 =	simm.s32 $0x108;
	_ =	swait.ge @!p0 [sflag:s8], $0x0  }
0x24: {  	s3 =	sadd.s32 $0x88, s3;
	s6 =	simm.s32 @!p1 $0x1082;
	[sflag:s4] =	ssyncset.s32 $0xFFFFF086  }
0x25: {  	[simem:s6], [sflag:s4] =	dma.local [hbm:s3], $0xF7A  }
0x26: {  	[smem:$0x3F98] =	sst s1;
	(tag) =	ssettag s2;
	_ =	strace s9  }
0x27: {  	s1 =	sld [smem:$0x3FA8]  }
0x28: {  	s2 =	sld [smem:$0x3FA9]  }
0x29: {  	s4 =	sld [smem:$0x3FAB]  }
0x2a: {  	p0 =	seq.s32 s5, $0x0;
	s5 =	sld [smem:$0x3FAC]  }
0x2b: {  	s6 =	sld [smem:$0x3FAD]  }
0x2c: {  	s7 =	sld [smem:$0x3FAE]  }
0x2d: {  	s3 =	simm.s32 $0x108;
	s8 =	sld [smem:$0x3FAF]  }
0x2e: {  	s3 =	simm.s32 @!p0 $0x1082;
	s9 =	sld [smem:$0x3FB0]  }
0x2f: {  	lr =	sadd.s32 s0, s3;
	s0 =	sld [smem:$0x3FA7]  }
0x30: {  	s3 =	sld [smem:$0x3FAA]  }
0x31: {  	[smem:$0x3FB3] =	sst s10  }
0x32: {  	s10 =	sld [smem:$0x3FB1];
	_ =	sdelay $0x3  }
0x33: {  	p0 =	seq.s32 s10, $0x1;
	s10 =	sld [smem:$0x3FB3];
	_ =	sdelay $0x3  }
0x34: {  	[smem:$0x3FB3] =	sst s10  }
0x35: {  	s10 =	sld [smem:$0x3FB2];
	_ =	sdelay $0x3  }
0x36: {  	p1 =	seq.s32 s10, $0x1;
	s10 =	sld [smem:$0x3FB3];
	_ =	sdelay $0x3  }
0x37: {  	[smem:$0x3FB3] =	sst s10  }
0x38: {  	s10 =	sld [smem:$0x3FB4]  }
0x39: {  	_ = 	snop;
	(pc) =	sbr.ind lr, $3  }
0x3a: {  	_ = 	snop  }
0x3b: {  	_ = 	snop  }
0x3c: {  	p2 =	seq.s32 s10, $0x1;
	s10 =	sld [smem:$0x3FB3]  }
0x3d: {  	_ =	shalt  }
0x3e: {  	_ =	shalt  }
0x3f: {  	_ =	shalt  }
0x40: {  	_ =	shalt  }
0x41: {  	_ =	shalt  }
0x42: {  	_ =	shalt  }
0x43: {  	_ =	shalt  }
0x44: {  	_ =	shalt  }
0x45: {  	_ =	shalt  }
0x46: {  	_ =	shalt  }
0x47: {  	_ =	shalt  }
0x48: {  	_ =	shalt  }
0x49: {  	_ =	shalt  }
0x4a: {  	_ =	shalt  }
0x4b: {  	_ =	shalt  }
0x4c: {  	_ =	shalt  }
0x4d: {  	_ =	shalt  }
0x4e: {  	_ =	shalt  }
0x4f: {  	_ =	shalt  }
0x50: {  	_ =	shalt  }
0x51: {  	_ =	shalt  }
0x52: {  	_ =	shalt  }
0x53: {  	_ =	shalt  }
0x54: {  	_ =	shalt  }
0x55: {  	_ =	shalt  }
0x56: {  	_ =	shalt  }
0x57: {  	_ =	shalt  }
0x58: {  	_ =	shalt  }
0x59: {  	_ =	shalt  }
0x5a: {  	_ =	shalt  }
0x5b: {  	_ =	shalt  }
0x5c: {  	_ =	shalt  }
0x5d: {  	_ =	shalt  }
0x5e: {  	_ =	shalt  }
0x5f: {  	_ =	shalt  }
0x60: {  	_ =	shalt  }
0x61: {  	_ =	shalt  }
0x62: {  	_ =	shalt  }
0x63: {  	_ =	shalt  }
0x64: {  	_ =	shalt  }
0x65: {  	_ =	shalt  }
0x66: {  	_ =	shalt  }
0x67: {  	_ =	shalt  }
0x68: {  	_ =	shalt  }
0x69: {  	_ =	shalt  }
0x6a: {  	_ =	shalt  }
0x6b: {  	_ =	shalt  }
0x6c: {  	_ =	shalt  }
0x6d: {  	_ =	shalt  }
0x6e: {  	_ =	shalt  }
0x6f: {  	_ =	shalt  }
0x70: {  	_ =	shalt  }
0x71: {  	_ =	shalt  }
0x72: {  	_ =	shalt  }
0x73: {  	_ =	shalt  }
0x74: {  	_ =	shalt  }
0x75: {  	_ =	shalt  }
0x76: {  	_ =	shalt  }
0x77: {  	_ =	shalt  }
0x78: {  	_ =	shalt  }
0x79: {  	_ =	shalt  }
0x7a: {  	_ =	shalt  }
0x7b: {  	_ =	shalt  }
0x7c: {  	_ =	shalt  }
0x7d: {  	_ =	shalt  }
0x7e: {  	_ =	shalt  }
0x7f: {  	_ =	shalt  }
0x80: {  	_ =	shalt  }
0x81: {  	_ =	shalt  }
0x82: {  	_ =	shalt  }
0x83: {  	_ =	shalt  }
0x84: {  	_ =	shalt  }
0x85: {  	_ =	shalt  }
0x86: {  	_ =	shalt  }
0x87: {  	_ =	shalt  }
.Lfunc_end0:
.L_simem_size_0:
called_computation.3_lowered:
.L_overlay_start_0:
0x88: {  	s2 =	sld [smem:$0x3FD9]  }
0x89: {  	s3 =	sld [smem:$0x3FFE];
	_ =	sdelay $0x1  }
0x8a: {  	s1 =	srdreg.scid  }
0x8b: {  	s0 =	sand.u32 $0x1, s1  }
0x8c: {  	s14 =	sshll.u32 s0, $0xA;
	s2 =	sadd.s32 s3, s2  }
0x8d: {  	s2 =	sadd.s32 s2, s14  }
0x8e: {  	[smem:$0x3FBF] =	sst s2  }
0x8f: {  	_ = 	snop  }
0x90: {  	s2 =	sld [smem:$0x3FD0];
	_ =	sdelay $0x2  }
0x91: {  	s15 =	simm.s32 $0xA;
	s4 =	simm.s32 $0x10  }
0x92: {  	[smem:s4], [sflag:s15] =	dma.local [hbm:s2], $0x1  }
0x93: {  	_ =	swait.eq [sflag:s15], $0x1  }
0x94: {  	[sflag:s15] =	ssyncset.done $0x0  }
0x95: {  	[sflag:s15] =	ssyncadd.s32 $0xFFFFFFFF  }
0x96: {  	s16 =	sld [smem:$0x10];
	(tm) =	ssettm $0x1  }
0x97: {  	s17 =	sld [smem:$0x3FFB];
	_ =	sdelay $0x3  }
0x98: {  	_ =	strace s17  }
0x99: {  	s3 =	sld [smem:$0x3FFC];
	_ =	sdelay $0x3  }
0x9a: {  	_ =	strace s3  }
0x9b: {  	s3 =	sld [smem:$0x3FFD];
	_ =	sdelay $0x3  }
0x9c: {  	_ =	strace s3  }
0x9d: {  	_ =	strace $0x8FFFFFFF  }
0x9e: {  	s18 =	sld [smem:$0x3FDB];
	_ =	sdelay $0x1  }
0x9f: {  	s19 =	simm.s32 $_scs_section_size  }
0xa0: {  	s5 =	simm.s32 $_size__tile_overlayer_lowered;
	s6 =	simm.s32 $_tile_overlayer_lowered  }
0xa1: {  	s22 =	simm.s32 $0x1BFF;
	s21 =	sshll.u32 s6, $0x1;
	s3 =	sadd.s32 s19, s18  }
0xa2: {  	s7 =	simm.s32 $0x0;
	s20 =	sshll.u32 s5, $0x1;
	s5 =	sadd.s32 s21, s3  }
0xa3: {  	[timem:s7], [sflag:s22] =	dma.local [hbm:s5], s20  }
0xa4: {  	_ =	swait.ge [sflag:s22], s20  }
0xa5: {  	s4 =	ssub.s32 $0x0, s20;
	[sflag:s22] =	ssyncset.done $0x0  }
0xa6: {  	[sflag:s22] =	ssyncadd.s32 s4;
	_ =	sdelay $0x1  }
0xa7: {  	s23 =	simm.s32 $0x1B8B  }
0xa8: {  	_ =	swait.ge [sflag:s23], $0x1  }
0xa9: {  	[sflag:s23] =	ssyncset.done $0x0  }
0xaa: {  	s25 =	simm.s32 $0x1B8E;
	s24 =	sld [smem:$0x3FFE];
	[sflag:s23] =	ssyncadd.s32 $0xFFFFFFFF  }
0xab: {  	s26 =	simm.s32 $execute0_lowered;
	[smem:$0x3FD2] =	sst s25  }
0xac: {  	s5 =	sshll.u32 s26, $0x1;
	_ =	strace $0x8000004F;
	[dreg:$0x1] =	wrdreg $0xFFFFFFFF  }
0xad: {  	s28 =	simm.s32 $_size_execute0_lowered;
	s3 =	sadd.s32 s3, s5;
	[dreg:$0x0] =	wrdreg $0x0  }
0xae: {  	s5 =	sshll.u32 s28, $0x1;
	[dreg:$0x2] =	wrdreg s3  }
0xaf: {  	[dreg:$0x3] =	wrdreg s5  }
0xb0: {  	[dreg:$0x4] =	wrdreg $0xC0  }
0xb1: {  	_ =	task [dreg:s7], $0x5FFFF  }
0xb2: {  	[dreg:$0x1] =	wrdreg $0xFFFFFFFF  }
0xb3: {  	[dreg:$0x0] =	wrdreg $0x60  }
0xb4: {  	[dreg:$0x2] =	wrdreg s16  }
0xb5: {  	[dreg:$0x3] =	wrdreg s24  }
0xb6: {  	[dreg:$0x4] =	wrdreg $0x154A00  }
0xb7: {  	[dreg:$0x5] =	wrdreg $0x9  }
0xb8: {  	_ =	task.clear_ibuf [dreg:s7], $0x6FFFF;
	_ =	strace $0x9000004F  }
0xb9: {  	s29 =	simm.s32 $0x9;
	_ =	strace $0x80000051  }
0xba: {  	_ =	swait.ge [sflag:s29], $0x1  }
0xbb: {  	[sflag:s29] =	ssyncadd.s32 $0xFFFFFFFF  }
0xbc: {  	_ =	strace $0x90000051  }
0xbd: {  	_ =	sfence  }
0xbe: {  	s30 =	sld [smem:$0x0];
	_ =	sdelay $0x2  }
0xbf: {  	s31 =	sshll.u32 s1, $0xD;
	s1 =	sshrl.u32 s1, $0x2  }
0xc0: {  	s3 =	sand.u32 $0x4000, s31;
	s1 =	sadd.s32 s1, s30  }
0xc1: {  	s0 =	sor.u32 s3, s0;
	s1 =	sshll.u32 s1, $0x11  }
0xc2: {  	s0 =	sor.u32 s1, s0  }
0xc3: {  	s0 =	sadd.s32 $0x8F2B, s0  }
0xc4: {  	[sflag:s0] =	ssyncadd.remote.s32 $0x1  }
0xc5: {  	_ =	sfence.sel $0xFFFF  }
0xc6: {  	[dreg:$0x0] =	wrdreg $0xFFFFFFFF;
	(pc) =	sbr.abs _section_cstart, $3  }
0xc7: {  	[dreg:$0x1] =	wrdreg $0xFFFFFFFF  }
0xc8: {  	_ =	task.clear_ibuf [dreg:s7], $0x2FFFF;
	_ =	strace $0x9FFFFFFF  }
0xc9: {  	(tm) =	ssettm $0x7FFFFFFF  }
tec
execute0_lowered:
.L_overlay_start_1:
0x0: {  	(tag) =	ssettag $0x1  }
0x1: {  	s0 =	rddreg [dreg:$0x0]  }
0x2: {  	s1 =	rddreg [dreg:$0x1]  }
0x3: {  	s2 =	rddreg [dreg:$0x2]  }
0x4: {  	s11 =	stileid.u32;
	s5 =	srdreg.scid  }
0x5: {  	s3 =	simm.s32 $0x0;
	s17 =	simm.s32 $0x6;
	s4 =	smul.u32 $0xA28, s11  }
0x6: {  	s28 =	simm.s32 $0x1;
	s29 =	simm.s32 $0x64;
	s6 =	smul.u32 $0x9C00, s11  }
0x7: {  	s30 =	simm.s32 $0x5;
	s31 =	simm.s32 $0x2;
	s7 =	smul.u32 $0x9C4, s11  }
0x8: {  	s5 =	sand.u32 $0x1, s5;
	[smem:$0x7FF] =	sst s3;
	s11 =	smul.u32 $0x27000, s11  }
0x9: {  	s8 =	smul.u32 $0x9C400, s5;
	_ =	strace $0x80000050;
	s5 =	ssub.s32 $0x2, s5  }
0xa: {  	s4 =	sadd.s32 s4, s1;
	s10 =	sshrl.u32 s5, $0x1;
	s7 =	sadd.s32 s7, s1  }
0xb: {  	s19 =	sshrl.u32 s11, $0x2;
	s9 =	sadd.s32 s6, s8;
	s18 =	sadd.s32 $0x20A00, s4  }
0xc: {  	s5 =	ssub.s32 s5, s10;
	s4 =	sadd.s32 $0x16600, s4;
	[dreg:$0x4] =	wrdreg s18  }
0xd: {  	s7 =	sadd.s32 $0xC800, s7;
	s25 =	sshrl.u32 s8, $0x3;
	[dreg:$0x5] =	wrdreg s4  }
0xe: {  	s9 =	sshrl.u32 s9, $0x3;
	[dreg:$0x6] =	wrdreg s7;
	s4 =	sadd.s32 s19, s2  }
0xf: {  	s7 =	sadd.s32 s6, s2;
	s14 =	sadd.s32 s0, s25;
	s20 =	sadd.s32 $0x1900, s4  }
0x10: {  	s16 =	smax.u32 s5, $0x1;
	s21 =	sadd.s32 $0x3200, s4;
	[dreg:$0x7] =	wrdreg s20  }
0x11: {  	s19 =	simm.s32 $0xA280;
	s22 =	sadd.s32 $0x4B00, s4;
	[dreg:$0x8] =	wrdreg s21  }
0x12: {  	s0 =	simm.s32 $0x3;
	s23 =	sadd.s32 $0x6400, s4;
	[dreg:$0x9] =	wrdreg s22  }
.Ltmp0:
0x13: {  	s24 =	sadd.s32 $0x7D00, s4;
	[dreg:$0xa] =	wrdreg s23;
	(pc) =	sbr.rel .LBB2_1-.Ltmp0, $4  }
0x14: {  	s1 =	sadd.s32 s9, s1;
	s4 =	sadd.s32 $0x9600, s4;
	[dreg:$0xb] =	wrdreg s24  }
0x15: {  	s18 =	simm.s32 $0x4;
	[dreg:$0xc] =	wrdreg s4;
	s26 =	sadd.s32 $0x2AE00, s1  }
0x16: {  	s20 =	simm.s32 $0xF0A0;
	s22 =	simm.s32 $0x109A0;
	s24 =	simm.s32 $0x122A0  }
0x17: {  	v0 =	vimm.f32 $0.0e+00;
	s21 =	simm.s32 $0x0;
	[dreg:$0xd] =	wrdreg s26;
	s26 =	simm.s32 $0x13BA0  }
.LBB2_14:
0x18: {  	s1 =	stileid.u32;
	[bflag:$0x0] =	sbarrier.arrive $0xFFFF;
	s21 =	sadd.s32 $0x1, s21  }
0x19: {  	s4 =	sshrl.u32 s7, $0x3;
	s1 =	sshll.u32 s1, $0x6;
	p0 =	sne.s32 s21, s16  }
.Ltmp1:
0x1a: {  	s5 =	rddreg [dreg:$0xd];
	s1 =	sor.u32 $0x1C06, s1;
	(pc) =	sbr.rel @!p0 .LBB2_15-.Ltmp1, $4  }
0x1b: {  	[hbm:s5], [sflag:s1] =	dma.local [spmem:s4], $0x1400  }
0x1c: {  	_ =	swait.ge [sflag:s17], $0x1400  }
0x1d: {  	[sflag:s17] =	ssyncset.done $0x0  }
0x1e: {  	[sflag:s17] =	ssyncadd.s32 $0xFFFFEC00  }
.LBB2_1:
0x1f: {  	s1 =	rddreg [dreg:$0x4]  }
0x20: {  	[tilespmem:s3], [sflag:$0x6] =	stream.linear.gather [hbm4b:s1+s3], $0x5140, $0x38;
	[tilespmem:$0x1F0E0] =	vst v63  }
0x21: {  	_ =	swait.ge [sflag:s17], $0x5140  }
0x22: {  	[sflag:s17] =	ssyncset.done $0x0  }
0x23: {  	s4 =	simm.s32 $0x5140;
	s23 =	rddreg [dreg:$0x5];
	[sflag:s17] =	ssyncadd.s32 $0xFFFFAEC0  }
0x24: {  	[tilespmem:s4], [sflag:$0x6] =	stream.linear.gather [hbm4b:s23+s3], $0x5140, $0x38;
	[tilespmem:$0x1F0E0] =	vst v63  }
0x25: {  	_ =	swait.ge [sflag:s17], $0x5140  }
0x26: {  	[sflag:s17] =	ssyncset.done $0x0  }
0x27: {  	s25 =	rddreg [dreg:$0x6];
	[sflag:s17] =	ssyncadd.s32 $0xFFFFAEC0  }
0x28: {  	[tilespmem:s19], [sflag:$0x6] =	stream.linear.gather [hbm4b:s25+s3], $0x4E20, $0x38;
	[tilespmem:$0x1F0E0] =	vst v63  }
0x29: {  	_ =	swait.ge [sflag:s17], $0x4E20  }
0x2a: {  	[sflag:s17] =	ssyncset.done $0x0  }
0x2b: {  	s1 =	simm.s32 $0x0;
	s4 =	simm.s32 $0x100;
	[sflag:s17] =	ssyncadd.s32 $0xFFFFB1E0  }
.LBB2_2:
0x2c: {  	p0 =	sne.s32 s4, $0x6300;
	[tilespmem:s1+$0xF0D0] =	vst v0;
	s5 =	smov.u32 s4;
	s4 =	sadd.s32 $0x100, s4  }
.Ltmp2:
0x2d: {  	[tilespmem:s1+$0xF0C0] =	vst v0;
	(pc) =	sbr.rel @p0 .LBB2_2-.Ltmp2, $3  }
0x2e: {  	[tilespmem:s1+$0xF0A0] =	vst v0  }
0x2f: {  	[tilespmem:s1+$0xF0B0] =	vst v0;
	_ =	sdelay $0x1  }
0x30: {  	s1 =	sshra.s32 s5, $0x2  }
0x31: {  	[tilespmem:s1+$0xF0D0] =	vst v0  }
0x32: {  	[tilespmem:s1+$0xF0C0] =	vst v0  }
0x33: {  	[tilespmem:s1+$0xF0A0] =	vst v0  }
0x34: {  	[tilespmem:s1+$0xF0B0] =	vst v0  }
0x35: {  	[spmem:s7] =	stream.linear.scatter [tilespmem:s20], [sflag:$0x6], $0x1900, $0x38;
	[tilespmem:$0x1F0E0] =	vst v63  }
0x36: {  	_ =	swait.ge [sflag:s17], $0x1900  }
0x37: {  	[sflag:s17] =	ssyncset.done $0x0  }
0x38: {  	s5 =	rddreg [dreg:$0x7];
	[sflag:s17] =	ssyncadd.s32 $0xFFFFE700  }
0x39: {  	[spmem:s5] =	stream.linear.scatter [tilespmem:s20], [sflag:$0x6], $0x1900, $0x38;
	[tilespmem:$0x1F0E0] =	vst v63  }
0x3a: {  	_ =	swait.ge [sflag:s17], $0x1900  }
0x3b: {  	[sflag:s17] =	ssyncset.done $0x0  }
0x3c: {  	s6 =	rddreg [dreg:$0x8];
	[sflag:s17] =	ssyncadd.s32 $0xFFFFE700  }
0x3d: {  	[spmem:s6] =	stream.linear.scatter [tilespmem:s20], [sflag:$0x6], $0x1900, $0x38;
	[tilespmem:$0x1F0E0] =	vst v63  }
0x3e: {  	_ =	swait.ge [sflag:s17], $0x1900  }
0x3f: {  	[sflag:s17] =	ssyncset.done $0x0  }
0x40: {  	s8 =	rddreg [dreg:$0x9];
	[sflag:s17] =	ssyncadd.s32 $0xFFFFE700  }
0x41: {  	[spmem:s8] =	stream.linear.scatter [tilespmem:s20], [sflag:$0x6], $0x1900, $0x38;
	[tilespmem:$0x1F0E0] =	vst v63  }
0x42: {  	_ =	swait.ge [sflag:s17], $0x1900  }
0x43: {  	[sflag:s17] =	ssyncset.done $0x0  }
0x44: {  	s9 =	rddreg [dreg:$0xa];
	[sflag:s17] =	ssyncadd.s32 $0xFFFFE700  }
0x45: {  	[spmem:s9] =	stream.linear.scatter [tilespmem:s20], [sflag:$0x6], $0x1900, $0x38;
	[tilespmem:$0x1F0E0] =	vst v63  }
0x46: {  	_ =	swait.ge [sflag:s17], $0x1900  }
0x47: {  	[sflag:s17] =	ssyncset.done $0x0  }
0x48: {  	s10 =	rddreg [dreg:$0xb];
	[sflag:s17] =	ssyncadd.s32 $0xFFFFE700  }
0x49: {  	[spmem:s10] =	stream.linear.scatter [tilespmem:s20], [sflag:$0x6], $0x1900, $0x38;
	[tilespmem:$0x1F0E0] =	vst v63  }
0x4a: {  	_ =	swait.ge [sflag:s17], $0x1900  }
0x4b: {  	[sflag:s17] =	ssyncset.done $0x0  }
0x4c: {  	s11 =	rddreg [dreg:$0xc];
	[sflag:s17] =	ssyncadd.s32 $0xFFFFE700  }
0x4d: {  	[spmem:s11] =	stream.linear.scatter [tilespmem:s20], [sflag:$0x6], $0xA00, $0x38;
	[tilespmem:$0x1F0E0] =	vst v63  }
0x4e: {  	_ =	swait.ge [sflag:s17], $0xA00  }
0x4f: {  	[sflag:s17] =	ssyncset.done $0x0  }
0x50: {  	[sflag:s17] =	ssyncadd.s32 $0xFFFFF600  }
0x51: {  	s23 =	simm.s32 $0x64;
	s25 =	simm.s32 $0x0;
	[bflag:$0x0] =	sbarrier.arrive $0xFFFF  }
0x52: {  	[tilespmem:s20], [sflag:$0x1] =	stream.indirect.gather [hbm4b:s14+s23], $0x40, s25, s23, $0xb8;
	[tilespmem:$0x1F0E0] =	vst v63  }
0x53: {  	s12 =	simm.s32 $0x68  }
0x54: {  	[tilespmem:s22], [sflag:$0x2] =	stream.indirect.gather [hbm4b:s14+s23], $0x40, s12, s23, $0xb8;
	[tilespmem:$0x1F0E0] =	vst v63  }
0x55: {  	s13 =	simm.s32 $0xD0;
	s15 =	simm.s32 $0x138  }
0x56: {  	[tilespmem:s24], [sflag:$0x3] =	stream.indirect.gather [hbm4b:s14+s23], $0x40, s13, s23, $0xb8;
	[tilespmem:$0x1F0E0] =	vst v63  }
0x57: {  	s1 =	simm.s32 $0xC8;
	s4 =	simm.s32 $0x12C;
	s5 =	simm.s32 $0x0  }
0x58: {  	[tilespmem:s26], [sflag:$0x4] =	stream.indirect.gather [hbm4b:s14+s23], $0x40, s15, s23, $0xb8;
	[tilespmem:$0x1F0E0] =	vst v63  }
.LBB2_4:
0x59: {  	s6 =	sadd.s32 $0x0, s25  }
0x5a: {  	_ =	swait.ge [sflag:s28], $0x1900;
	v1 =	vmov s6  }
0x5b: {  	[sflag:s28] =	ssyncset.done $0x0  }
0x5c: {  	s6 =	simm.s32 $0xF0C0;
	[sflag:s28] =	ssyncadd.s32 $0xFFFFE700  }
0x5d: {  	v3 =	vld [tilespmem:s6+$0xFFFFFFF0]  }
0x5e: {  	v4 =	vld [tilespmem:s6+$0x10]  }
0x5f: {  	v6 =	vld.idx.msk [tilespmem:v1+s19+$0x0], $0xffff  }
0x60: {  	v1 =	vld [tilespmem:s6+$0xFFFFFFE0]  }
0x61: {  	v7 =	vld [tilespmem:s6+$0x0];
	_ =	sdelay $0x3  }
0x62: {  	s9 =	sadd.s32 $0x1, s25;
	v2 =	vmul.f32 v1, v6;
	v5 =	vmul.f32 v4, v6  }
0x63: {  	s8 =	simm.s32 $0x2;
	v1 =	vmov s9;
	v4 =	vmul.f32 v3, v6;
	v3 =	vmul.f32 v7, v6;
	s9 =	simm.s32 $0xF0C0  }
.LBB2_5:
0x64: {  	p0 =	sne.s32 s8, $0x63  }
0x65: {  	[tilespmem:s6+$0x10] =	vst v5;
	s9 =	sadd.s32 $0x40, s9;
	s10 =	smov.u32 s8;
	s8 =	sadd.s32 $0x1, s8  }
0x66: {  	[tilespmem:s6+$0xFFFFFFE0] =	vst v2  }
0x67: {  	v6 =	vld [tilespmem:s9+$0xFFFFFFF0];
	[tilespmem:s6+$0xFFFFFFF0] =	vst v4  }
0x68: {  	v4 =	vld [tilespmem:s9+$0x10];
	[tilespmem:s6+$0x0] =	vst v3;
	s6 =	smov.u32 s9  }
0x69: {  	v3 =	vld.idx.msk [tilespmem:v1+s19+$0x0], $0xffff  }
0x6a: {  	v1 =	vld [tilespmem:s9+$0xFFFFFFE0]  }
0x6b: {  	v7 =	vld [tilespmem:s9+$0x0]  }
.Ltmp3:
0x6c: {  	(pc) =	sbr.rel @p0 .LBB2_5-.Ltmp3, $3  }
0x6d: {  	_ =	sdelay $0x1  }
0x6e: {  	s10 =	sadd.s32 s10, s25;
	v5 =	vmul.f32 v4, v3;
	v2 =	vmul.f32 v1, v3  }
0x6f: {  	v4 =	vmul.f32 v6, v3;
	v1 =	vmov s10;
	v3 =	vmul.f32 v7, v3  }
0x70: {  	[tilespmem:s6+$0x10] =	vst v5  }
0x71: {  	s8 =	sadd.s32 $0x40, s9;
	[tilespmem:s6+$0xFFFFFFE0] =	vst v2  }
0x72: {  	v2 =	vld [tilespmem:s8+$0xFFFFFFF0];
	[tilespmem:s6+$0xFFFFFFF0] =	vst v4  }
0x73: {  	v4 =	vld [tilespmem:s8+$0x10];
	[tilespmem:s6+$0x0] =	vst v3  }
0x74: {  	v1 =	vld.idx.msk [tilespmem:v1+s19+$0x0], $0xffff  }
0x75: {  	v3 =	vld [tilespmem:s8+$0xFFFFFFE0];
	_ =	sdelay $0x1  }
0x76: {  	v5 =	vld [tilespmem:s8+$0x0];
	_ =	sdelay $0x1  }
0x77: {  	v4 =	vmul.f32 v4, v1  }
0x78: {  	v3 =	vmul.f32 v3, v1  }
0x79: {  	s9 =	smul.u32 $0x680, s5;
	v2 =	vmul.f32 v2, v1;
	[tilespmem:s8+$0x10] =	vst v4  }
0x7a: {  	v1 =	vmul.f32 v5, v1;
	[tilespmem:s8+$0xFFFFFFE0] =	vst v3  }
0x7b: {  	s6 =	sshra.s32 s9, $0x2;
	[tilespmem:s8+$0xFFFFFFF0] =	vst v2  }
0x7c: {  	s15 =	sadd.s32 $0x5140, s6;
	[tilespmem:s8+$0x0] =	vst v1  }
0x7d: {  	[spmem:s2] =	stream.indirect.scatter.add.f32 [tilespmem:s20], [sflag:$0x5], $0x40, s15, s29, $0xb8;
	[tilespmem:$0x1F0E0] =	vst v63  }
0x7e: {  	p0 =	seq.s32 s5, $0x31;
	s12 =	sadd.s32 $0x0, s23;
	_ =	swait.ge [sflag:s30], $0x1900  }
0x7f: {  	s10 =	simm.s32 @!p0 $0x64;
	s9 =	sshra.s32 @!p0 s9, $0x2;
	[sflag:s30] =	ssyncset.done $0x0  }
0x80: {  	s11 =	simm.s32 @!p0 $0xF0A0;
	s8 =	sadd.s32 @!p0 $0x1A0, s9;
	[sflag:s30] =	ssyncadd.s32 $0xFFFFE700  }
0x81: {  	v1 =	vmov s12;
	[tilespmem:s11], [sflag:$0x1] =	stream.indirect.gather @!p0 [hbm4b:s14+s10], $0x40, s8, s10, $0xb8;
	[tilespmem:$0x1F0E0] =	vst v63  }
0x82: {  	_ =	swait.ge [sflag:s31], $0x1900  }
0x83: {  	[sflag:s31] =	ssyncset.done $0x0  }
0x84: {  	s11 =	simm.s32 $0x109D0;
	[sflag:s31] =	ssyncadd.s32 $0xFFFFE700  }
0x85: {  	v4 =	vld [tilespmem:s11+$0xFFFFFFE0]  }
0x86: {  	v1 =	vld.idx.msk [tilespmem:v1+s19+$0x0], $0xffff  }
0x87: {  	v5 =	vld [tilespmem:s11+$0xFFFFFFD0]  }
0x88: {  	v2 =	vld [tilespmem:s11+$0xFFFFFFF0]  }
0x89: {  	v3 =	vld [tilespmem:s11+$0x0];
	_ =	sdelay $0x2  }
0x8a: {  	s13 =	simm.s32 $0x2;
	s8 =	sshll.u32 s5, $0x2  }
0x8b: {  	s12 =	simm.s32 $0x109D0;
	s15 =	sadd.s32 $0x1, s23;
	s10 =	sor.u32 $0x1, s8;
	v5 =	vmul.f32 v5, v1;
	v4 =	vmul.f32 v4, v1  }
.LBB2_7:
0x8c: {  	p1 =	sne.s32 s13, $0x63;
	v6 =	vmov s15;
	v7 =	vmul.f32 v2, v1;
	v1 =	vmul.f32 v3, v1  }
0x8d: {  	[tilespmem:s11+$0xFFFFFFD0] =	vst v5  }
0x8e: {  	s11 =	sadd.s32 $0x40, s11;
	[tilespmem:s12+$0xFFFFFFE0] =	vst v4  }
0x8f: {  	v2 =	vld [tilespmem:s11+$0xFFFFFFF0];
	[tilespmem:s12+$0xFFFFFFF0] =	vst v7  }
0x90: {  	v4 =	vld [tilespmem:s11+$0xFFFFFFE0];
	[tilespmem:s12+$0x0] =	vst v1;
	s12 =	smov.u32 s11  }
0x91: {  	v1 =	vld.idx.msk [tilespmem:v6+s19+$0x0], $0xffff  }
0x92: {  	v5 =	vld [tilespmem:s11+$0xFFFFFFD0]  }
.Ltmp4:
0x93: {  	v3 =	vld [tilespmem:s11+$0x0];
	(pc) =	sbr.rel @p1 .LBB2_7-.Ltmp4, $2  }
0x94: {  	_ =	sdelay $0x2  }
0x95: {  	s15 =	sadd.s32 s13, s23;
	s13 =	sadd.s32 $0x1, s13;
	v4 =	vmul.f32 v4, v1;
	v5 =	vmul.f32 v5, v1  }
0x96: {  	_ = 	snop  }
0x97: {  	v2 =	vmul.f32 v2, v1;
	[tilespmem:s11+$0xFFFFFFD0] =	vst v5;
	v5 =	vmov s15  }
0x98: {  	v1 =	vmul.f32 v3, v1;
	s15 =	sadd.s32 $0x40, s11;
	[tilespmem:s12+$0xFFFFFFE0] =	vst v4  }
0x99: {  	v4 =	vld [tilespmem:s15+$0xFFFFFFF0];
	[tilespmem:s12+$0xFFFFFFF0] =	vst v2  }
0x9a: {  	v2 =	vld [tilespmem:s15+$0xFFFFFFE0];
	[tilespmem:s12+$0x0] =	vst v1  }
0x9b: {  	v3 =	vld [tilespmem:s15+$0xFFFFFFD0]  }
0x9c: {  	v1 =	vld.idx.msk [tilespmem:v5+s19+$0x0], $0xffff;
	_ =	sdelay $0x2  }
0x9d: {  	v5 =	vld [tilespmem:s15+$0x0];
	_ =	sdelay $0x1  }
0x9e: {  	v3 =	vmul.f32 v3, v1  }
0x9f: {  	v2 =	vmul.f32 v2, v1  }
0xa0: {  	s10 =	smul.u32 $0x1A0, s10;
	v4 =	vmul.f32 v4, v1;
	[tilespmem:s15+$0xFFFFFFD0] =	vst v3  }
0xa1: {  	v1 =	vmul.f32 v5, v1;
	[tilespmem:s15+$0xFFFFFFE0] =	vst v2  }
0xa2: {  	s10 =	sshra.s32 s10, $0x2;
	[tilespmem:s15+$0xFFFFFFF0] =	vst v4  }
0xa3: {  	s10 =	sadd.s32 $0x5140, s10;
	[tilespmem:s15+$0x0] =	vst v1  }
0xa4: {  	[spmem:s2] =	stream.indirect.scatter.add.f32 [tilespmem:s22], [sflag:$0x5], $0x40, s10, s29, $0xb8;
	[tilespmem:$0x1F0E0] =	vst v63  }
0xa5: {  	_ =	swait.ge [sflag:s30], $0x1900  }
0xa6: {  	s13 =	sadd.s32 $0x0, s1;
	s11 =	simm.s32 @!p0 $0x64;
	[sflag:s30] =	ssyncset.done $0x0  }
0xa7: {  	s12 =	simm.s32 @!p0 $0x109A0;
	s10 =	sadd.s32 @!p0 $0x208, s9;
	[sflag:s30] =	ssyncadd.s32 $0xFFFFE700  }
0xa8: {  	v1 =	vmov s13;
	[tilespmem:s12], [sflag:$0x2] =	stream.indirect.gather @!p0 [hbm4b:s14+s11], $0x40, s10, s11, $0xb8;
	[tilespmem:$0x1F0E0] =	vst v63  }
0xa9: {  	_ =	swait.ge [sflag:s0], $0x1900  }
0xaa: {  	[sflag:s0] =	ssyncset.done $0x0  }
0xab: {  	s11 =	simm.s32 $0x122D0;
	[sflag:s0] =	ssyncadd.s32 $0xFFFFE700  }
0xac: {  	v4 =	vld [tilespmem:s11+$0xFFFFFFE0]  }
0xad: {  	v1 =	vld.idx.msk [tilespmem:v1+s19+$0x0], $0xffff  }
0xae: {  	v5 =	vld [tilespmem:s11+$0xFFFFFFD0]  }
0xaf: {  	v2 =	vld [tilespmem:s11+$0xFFFFFFF0]  }
0xb0: {  	v3 =	vld [tilespmem:s11+$0x0];
	_ =	sdelay $0x2  }
0xb1: {  	s15 =	sadd.s32 $0x1, s1  }
0xb2: {  	s13 =	simm.s32 $0x2;
	s10 =	sor.u32 $0x2, s8;
	s12 =	simm.s32 $0x122D0;
	v5 =	vmul.f32 v5, v1;
	v4 =	vmul.f32 v4, v1  }
.LBB2_9:
0xb3: {  	p1 =	sne.s32 s13, $0x63;
	v6 =	vmov s15;
	v7 =	vmul.f32 v2, v1;
	v1 =	vmul.f32 v3, v1  }
0xb4: {  	[tilespmem:s11+$0xFFFFFFD0] =	vst v5  }
0xb5: {  	s11 =	sadd.s32 $0x40, s11;
	[tilespmem:s12+$0xFFFFFFE0] =	vst v4  }
0xb6: {  	v2 =	vld [tilespmem:s11+$0xFFFFFFF0];
	[tilespmem:s12+$0xFFFFFFF0] =	vst v7  }
0xb7: {  	v4 =	vld [tilespmem:s11+$0xFFFFFFE0];
	[tilespmem:s12+$0x0] =	vst v1;
	s12 =	smov.u32 s11  }
0xb8: {  	v1 =	vld.idx.msk [tilespmem:v6+s19+$0x0], $0xffff  }
0xb9: {  	v5 =	vld [tilespmem:s11+$0xFFFFFFD0]  }
.Ltmp5:
0xba: {  	v3 =	vld [tilespmem:s11+$0x0];
	(pc) =	sbr.rel @p1 .LBB2_9-.Ltmp5, $2  }
0xbb: {  	_ =	sdelay $0x2  }
0xbc: {  	s15 =	sadd.s32 s13, s1;
	s13 =	sadd.s32 $0x1, s13;
	v4 =	vmul.f32 v4, v1;
	v5 =	vmul.f32 v5, v1  }
0xbd: {  	_ = 	snop  }
0xbe: {  	v2 =	vmul.f32 v2, v1;
	[tilespmem:s11+$0xFFFFFFD0] =	vst v5;
	v5 =	vmov s15  }
0xbf: {  	v1 =	vmul.f32 v3, v1;
	s15 =	sadd.s32 $0x40, s11;
	[tilespmem:s12+$0xFFFFFFE0] =	vst v4  }
0xc0: {  	v4 =	vld [tilespmem:s15+$0xFFFFFFF0];
	[tilespmem:s12+$0xFFFFFFF0] =	vst v2  }
0xc1: {  	v2 =	vld [tilespmem:s15+$0xFFFFFFE0];
	[tilespmem:s12+$0x0] =	vst v1  }
0xc2: {  	v3 =	vld [tilespmem:s15+$0xFFFFFFD0]  }
0xc3: {  	v1 =	vld.idx.msk [tilespmem:v5+s19+$0x0], $0xffff;
	_ =	sdelay $0x2  }
0xc4: {  	v5 =	vld [tilespmem:s15+$0x0];
	_ =	sdelay $0x1  }
0xc5: {  	v3 =	vmul.f32 v3, v1  }
0xc6: {  	v2 =	vmul.f32 v2, v1  }
0xc7: {  	s10 =	smul.u32 $0x1A0, s10;
	v4 =	vmul.f32 v4, v1;
	[tilespmem:s15+$0xFFFFFFD0] =	vst v3  }
0xc8: {  	v1 =	vmul.f32 v5, v1;
	[tilespmem:s15+$0xFFFFFFE0] =	vst v2  }
0xc9: {  	s10 =	sshra.s32 s10, $0x2;
	[tilespmem:s15+$0xFFFFFFF0] =	vst v4  }
0xca: {  	s10 =	sadd.s32 $0x5140, s10;
	[tilespmem:s15+$0x0] =	vst v1  }
0xcb: {  	[spmem:s2] =	stream.indirect.scatter.add.f32 [tilespmem:s24], [sflag:$0x5], $0x40, s10, s29, $0xb8;
	[tilespmem:$0x1F0E0] =	vst v63  }
0xcc: {  	_ =	swait.ge [sflag:s30], $0x1900  }
0xcd: {  	s9 =	sadd.s32 @!p0 $0x270, s9;
	s13 =	sadd.s32 $0x0, s4;
	[sflag:s30] =	ssyncset.done $0x0  }
0xce: {  	s11 =	simm.s32 @!p0 $0x122A0;
	s10 =	simm.s32 @!p0 $0x64;
	[sflag:s30] =	ssyncadd.s32 $0xFFFFE700  }
0xcf: {  	[tilespmem:s11], [sflag:$0x3] =	stream.indirect.gather @!p0 [hbm4b:s14+s10], $0x40, s9, s10, $0xb8;
	[tilespmem:$0x1F0E0] =	vst v63  }
0xd0: {  	v1 =	vmov s13;
	_ =	swait.ge [sflag:s18], $0x1900  }
0xd1: {  	[sflag:s18] =	ssyncset.done $0x0  }
0xd2: {  	s9 =	simm.s32 $0x13BA0;
	[sflag:s18] =	ssyncadd.s32 $0xFFFFE700  }
0xd3: {  	v3 =	vld [tilespmem:s9+$0x30]  }
0xd4: {  	v4 =	vld [tilespmem:s9+$0x10]  }
0xd5: {  	v6 =	vld.idx.msk [tilespmem:v1+s19+$0x0], $0xffff  }
0xd6: {  	v1 =	vld [tilespmem:s9+$0x0]  }
0xd7: {  	v7 =	vld [tilespmem:s9+$0x20];
	_ =	sdelay $0x3  }
0xd8: {  	s15 =	sadd.s32 $0x1, s4;
	v2 =	vmul.f32 v1, v6;
	v5 =	vmul.f32 v3, v6  }
0xd9: {  	s8 =	sor.u32 $0x3, s8;
	s10 =	simm.s32 $0x2;
	s11 =	simm.s32 $0x13BA0;
	v1 =	vmov s15;
	v4 =	vmul.f32 v4, v6;
	v3 =	vmul.f32 v7, v6  }
.LBB2_11:
0xda: {  	p1 =	sne.s32 s10, $0x63  }
0xdb: {  	[tilespmem:s9+$0x30] =	vst v5;
	s11 =	sadd.s32 $0x40, s11;
	s12 =	smov.u32 s10;
	s10 =	sadd.s32 $0x1, s10  }
0xdc: {  	[tilespmem:s9+$0x0] =	vst v2  }
0xdd: {  	v5 =	vld [tilespmem:s11+$0x30];
	[tilespmem:s9+$0x10] =	vst v4  }
0xde: {  	v4 =	vld [tilespmem:s11+$0x10];
	[tilespmem:s9+$0x20] =	vst v3;
	s9 =	smov.u32 s11  }
0xdf: {  	v3 =	vld.idx.msk [tilespmem:v1+s19+$0x0], $0xffff  }
0xe0: {  	v1 =	vld [tilespmem:s11+$0x0]  }
0xe1: {  	v6 =	vld [tilespmem:s11+$0x20]  }
.Ltmp6:
0xe2: {  	(pc) =	sbr.rel @p1 .LBB2_11-.Ltmp6, $3  }
0xe3: {  	_ =	sdelay $0x1  }
0xe4: {  	s12 =	sadd.s32 s12, s4;
	v5 =	vmul.f32 v5, v3;
	v2 =	vmul.f32 v1, v3  }
0xe5: {  	v4 =	vmul.f32 v4, v3;
	v1 =	vmov s12;
	v3 =	vmul.f32 v6, v3  }
0xe6: {  	[tilespmem:s9+$0x30] =	vst v5  }
0xe7: {  	s10 =	sadd.s32 $0x40, s11;
	[tilespmem:s9+$0x0] =	vst v2  }
0xe8: {  	v2 =	vld [tilespmem:s10+$0x30];
	[tilespmem:s9+$0x10] =	vst v4  }
0xe9: {  	v4 =	vld [tilespmem:s10+$0x10];
	[tilespmem:s9+$0x20] =	vst v3  }
0xea: {  	v1 =	vld.idx.msk [tilespmem:v1+s19+$0x0], $0xffff  }
0xeb: {  	v3 =	vld [tilespmem:s10+$0x0];
	_ =	sdelay $0x1  }
0xec: {  	v5 =	vld [tilespmem:s10+$0x20];
	_ =	sdelay $0x1  }
0xed: {  	v2 =	vmul.f32 v2, v1  }
0xee: {  	v3 =	vmul.f32 v3, v1  }
0xef: {  	s8 =	smul.u32 $0x1A0, s8;
	v4 =	vmul.f32 v4, v1;
	[tilespmem:s10+$0x30] =	vst v2  }
0xf0: {  	v1 =	vmul.f32 v5, v1;
	[tilespmem:s10+$0x0] =	vst v3  }
0xf1: {  	s8 =	sshra.s32 s8, $0x2;
	[tilespmem:s10+$0x10] =	vst v4  }
.Ltmp7:
0xf2: {  	s8 =	sadd.s32 $0x5140, s8;
	[tilespmem:s10+$0x20] =	vst v1;
	(pc) =	sbr.rel @p0 .LBB2_14-.Ltmp7, $4  }
0xf3: {  	[spmem:s2] =	stream.indirect.scatter.add.f32 [tilespmem:s26], [sflag:$0x5], $0x40, s8, s29, $0xb8;
	[tilespmem:$0x1F0E0] =	vst v63  }
0xf4: {  	_ =	swait.ge [sflag:s30], $0x1900  }
0xf5: {  	[sflag:s30] =	ssyncset.done $0x0  }
0xf6: {  	[sflag:s30] =	ssyncadd.s32 $0xFFFFE700  }
.Ltmp8:
0xf7: {  	(pc) =	sbr.rel .LBB2_4-.Ltmp8, $4  }
0xf8: {  	_ = 	snop  }
0xf9: {  	s6 =	sadd.s32 $0x2D8, s6;
	s5 =	sadd.s32 $0x1, s5;
	s25 =	sadd.s32 $0x190, s25  }
0xfa: {  	s23 =	sadd.s32 $0x190, s23;
	s1 =	sadd.s32 $0x190, s1;
	s4 =	sadd.s32 $0x190, s4  }
0xfb: {  	[tilespmem:s26], [sflag:$0x4] =	stream.indirect.gather [hbm4b:s14+s29], $0x40, s6, s29, $0xb8;
	[tilespmem:$0x1F0E0] =	vst v63  }
.LBB2_15:
0xfc: {  	_ =	sfence.sel $0x180000  }
0xfd: {  	[bflag:$0x0] =	sbarrier.arrive $0xFFFF  }
0xfe: {  	_ =	strace $0x90000050  }
0xff: {  	s0 =	stileid.u32;
	[bflag:$0x2] =	sbarrier.arrive $0xFFFF  }
0x100: {  	p0 =	sne.s32 s0, $0x0;
	s0 =	rddreg [dreg:$0x3]  }
0x101: {  	s0 =	sadd.s32 @!p0 $0x100000, s0  }
0x102: {  	[sflag:s0] =	ssyncadd.tile.s32 @!p0 $0x1;
	_ =	shalt  }
.Lfunc_end2:
_tile_overlayer_lowered:
.L_overlay_start_2:
0x103: {  	(tag) =	ssettag $0x2  }
0x104: {  	s0 =	rddreg [dreg:$0x0];
	s2 =	stileid.u32  }
0x105: {  	s1 =	rddreg [dreg:$0x1];
	p0 =	sne.s32 s2, $0x0  }
0x106: {  	s3 =	rddreg [dreg:$0x2];
	[bflag:$0x3] =	sbarrier.arrive $0xFFFF;
	s2 =	simm.s32 @!p0 $0x1C06  }
0x107: {  	[timem:s3], [sflag:s2] =	dma.local @!p0 [hbm:s0], s1  }
0x108: {  	s0 =	simm.s32 @!p0 $0x6  }
0x109: {  	_ =	swait.ge @!p0 [sflag:s0], s1  }
0x10a: {  	s1 =	ssub.s32 @!p0 $0x0, s1;
	[sflag:s0] =	ssyncset.done @!p0 $0x0  }
0x10b: {  	[sflag:s0] =	ssyncadd.s32 @!p0 s1  }
0x10c: {  	[bflag:$0x3] =	sbarrier.arrive $0xFFFF  }
0x10d: {  	_ =	shalt  }

// kernel: kernel.24.cloned.1.call-start
scs
__scs_entry_jumppad:
0x0: {  	(pc) =	sbr.rel $0x88, $3  }
0x1: {  	(tag) =	ssettag $0x0;
	lr =	simm.s32 $0x1  }
0x2: {  	[smem:$0x3F98] =	sst lr;
	_ =	strace $0xD0000000  }
0x3: {  	_ = 	snop  }
0x4: {  	_ = 	snop  }
0x5: {  	_ = 	snop  }
0x6: {  	_ = 	snop  }
0x7: {  	_ = 	snop  }
__scs_overlays_trampoline_lowered:
0x8: {  	[smem:$0x3FA7] =	sst s0  }
0x9: {  	[smem:$0x3FA8] =	sst s1  }
0xa: {  	[smem:$0x3FA9] =	sst s2  }
0xb: {  	[smem:$0x3FAA] =	sst s3  }
0xc: {  	[smem:$0x3FAB] =	sst s4  }
0xd: {  	[smem:$0x3FAC] =	sst s5  }
0xe: {  	[smem:$0x3FAD] =	sst s6  }
0xf: {  	[smem:$0x3FAE] =	sst s7  }
0x10: {  	[smem:$0x3FAF] =	sst s8  }
0x11: {  	[smem:$0x3FB0] =	sst s9;
	s0 =	simm.s32 @!p0 $0x0  }
0x12: {  	s1 =	sld [smem:$0x3F96];
	s0 =	simm.s32 @p0 $0x1  }
0x13: {  	[smem:$0x3FB1] =	sst s0;
	s0 =	simm.s32 @!p1 $0x0  }
0x14: {  	s2 =	sld [smem:$0x3F95];
	s0 =	simm.s32 @p1 $0x1  }
0x15: {  	[smem:$0x3FB2] =	sst s0;
	s0 =	simm.s32 @!p2 $0x0  }
0x16: {  	s3 =	sld [smem:$0x3FDB];
	s0 =	simm.s32 @p2 $0x1  }
0x17: {  	s4 =	simm.s32 $0x1BF5;
	[smem:$0x3FB4] =	sst s0  }
0x18: {  	s0 =	sld [smem:$0x3F97];
	_ =	swait.ge [sflag:s4], $0x0  }
0x19: {  	s7 =	sld [smem:$0x3F98]  }
0x1a: {  	s8 =	sadd.s32 $0xFFFFE003, lr  }
0x1b: {  	s9 =	sadd.s32 $0xFFFFFEF7, lr;
	s5 =	simm.s32 $0xFFFFFFFF;
	p2 =	slt.u32 s8, $0xFFFFF086  }
0x1c: {  	p1 =	slt.u32 s9, $0xF7A;
	s5 =	simm.s32 @!p2 $0x0  }
0x1d: {  	s5 =	simm.s32 @p1 $0x1;
	p0 =	seq.s32 s7, s2  }
0x1e: {  	s7 =	smul.u32 @!p0 $0xF7A, s2;
	p2 =	seq.s32 @!p0 s5, $0x0  }
0x1f: {  	s9 =	smul.u32 $0xF7A, s1;
	s8 =	simm.s32 @!p0 $0x1BF5;
	p2 =	por !p2, p0  }
0x20: {  	[sflag:s8] =	ssyncset.s32 @!p0 $0xFFFFF086;
	s6 =	sadd.s32 @!p0 s3, s7;
	s7 =	simm.s32 @!p0 $0x108  }
0x21: {  	s3 =	sadd.s32 s3, s9;
	s6 =	sadd.s32 @!p0 $0x88, s6;
	s7 =	simm.s32 @p2 $0x1082  }
0x22: {  	[simem:s7], [sflag:s8] =	dma.local @!p0 [hbm:s6], $0xF7A  }
0x23: {  	s9 =	sor.u32 $0xD0000000, s2;
	s6 =	simm.s32 $0x108;
	_ =	swait.ge @!p0 [sflag:s8], $0x0  }
0x24: {  	s3 =	sadd.s32 $0x88, s3;
	s6 =	simm.s32 @!p1 $0x1082;
	[sflag:s4] =	ssyncset.s32 $0xFFFFF086  }
0x25: {  	[simem:s6], [sflag:s4] =	dma.local [hbm:s3], $0xF7A  }
0x26: {  	[smem:$0x3F98] =	sst s1;
	(tag) =	ssettag s2;
	_ =	strace s9  }
0x27: {  	s1 =	sld [smem:$0x3FA8]  }
0x28: {  	s2 =	sld [smem:$0x3FA9]  }
0x29: {  	s4 =	sld [smem:$0x3FAB]  }
0x2a: {  	p0 =	seq.s32 s5, $0x0;
	s5 =	sld [smem:$0x3FAC]  }
0x2b: {  	s6 =	sld [smem:$0x3FAD]  }
0x2c: {  	s7 =	sld [smem:$0x3FAE]  }
0x2d: {  	s3 =	simm.s32 $0x108;
	s8 =	sld [smem:$0x3FAF]  }
0x2e: {  	s3 =	simm.s32 @!p0 $0x1082;
	s9 =	sld [smem:$0x3FB0]  }
0x2f: {  	lr =	sadd.s32 s0, s3;
	s0 =	sld [smem:$0x3FA7]  }
0x30: {  	s3 =	sld [smem:$0x3FAA]  }
0x31: {  	[smem:$0x3FB3] =	sst s10  }
0x32: {  	s10 =	sld [smem:$0x3FB1];
	_ =	sdelay $0x3  }
0x33: {  	p0 =	seq.s32 s10, $0x1;
	s10 =	sld [smem:$0x3FB3];
	_ =	sdelay $0x3  }
0x34: {  	[smem:$0x3FB3] =	sst s10  }
0x35: {  	s10 =	sld [smem:$0x3FB2];
	_ =	sdelay $0x3  }
0x36: {  	p1 =	seq.s32 s10, $0x1;
	s10 =	sld [smem:$0x3FB3];
	_ =	sdelay $0x3  }
0x37: {  	[smem:$0x3FB3] =	sst s10  }
0x38: {  	s10 =	sld [smem:$0x3FB4]  }
0x39: {  	_ = 	snop;
	(pc) =	sbr.ind lr, $3  }
0x3a: {  	_ = 	snop  }
0x3b: {  	_ = 	snop  }
0x3c: {  	p2 =	seq.s32 s10, $0x1;
	s10 =	sld [smem:$0x3FB3]  }
0x3d: {  	_ =	shalt  }
0x3e: {  	_ =	shalt  }
0x3f: {  	_ =	shalt  }
0x40: {  	_ =	shalt  }
0x41: {  	_ =	shalt  }
0x42: {  	_ =	shalt  }
0x43: {  	_ =	shalt  }
0x44: {  	_ =	shalt  }
0x45: {  	_ =	shalt  }
0x46: {  	_ =	shalt  }
0x47: {  	_ =	shalt  }
0x48: {  	_ =	shalt  }
0x49: {  	_ =	shalt  }
0x4a: {  	_ =	shalt  }
0x4b: {  	_ =	shalt  }
0x4c: {  	_ =	shalt  }
0x4d: {  	_ =	shalt  }
0x4e: {  	_ =	shalt  }
0x4f: {  	_ =	shalt  }
0x50: {  	_ =	shalt  }
0x51: {  	_ =	shalt  }
0x52: {  	_ =	shalt  }
0x53: {  	_ =	shalt  }
0x54: {  	_ =	shalt  }
0x55: {  	_ =	shalt  }
0x56: {  	_ =	shalt  }
0x57: {  	_ =	shalt  }
0x58: {  	_ =	shalt  }
0x59: {  	_ =	shalt  }
0x5a: {  	_ =	shalt  }
0x5b: {  	_ =	shalt  }
0x5c: {  	_ =	shalt  }
0x5d: {  	_ =	shalt  }
0x5e: {  	_ =	shalt  }
0x5f: {  	_ =	shalt  }
0x60: {  	_ =	shalt  }
0x61: {  	_ =	shalt  }
0x62: {  	_ =	shalt  }
0x63: {  	_ =	shalt  }
0x64: {  	_ =	shalt  }
0x65: {  	_ =	shalt  }
0x66: {  	_ =	shalt  }
0x67: {  	_ =	shalt  }
0x68: {  	_ =	shalt  }
0x69: {  	_ =	shalt  }
0x6a: {  	_ =	shalt  }
0x6b: {  	_ =	shalt  }
0x6c: {  	_ =	shalt  }
0x6d: {  	_ =	shalt  }
0x6e: {  	_ =	shalt  }
0x6f: {  	_ =	shalt  }
0x70: {  	_ =	shalt  }
0x71: {  	_ =	shalt  }
0x72: {  	_ =	shalt  }
0x73: {  	_ =	shalt  }
0x74: {  	_ =	shalt  }
0x75: {  	_ =	shalt  }
0x76: {  	_ =	shalt  }
0x77: {  	_ =	shalt  }
0x78: {  	_ =	shalt  }
0x79: {  	_ =	shalt  }
0x7a: {  	_ =	shalt  }
0x7b: {  	_ =	shalt  }
0x7c: {  	_ =	shalt  }
0x7d: {  	_ =	shalt  }
0x7e: {  	_ =	shalt  }
0x7f: {  	_ =	shalt  }
0x80: {  	_ =	shalt  }
0x81: {  	_ =	shalt  }
0x82: {  	_ =	shalt  }
0x83: {  	_ =	shalt  }
0x84: {  	_ =	shalt  }
0x85: {  	_ =	shalt  }
0x86: {  	_ =	shalt  }
0x87: {  	_ =	shalt  }
.Lfunc_end0:
.L_simem_size_0:
called_computation.4_lowered:
.L_overlay_start_0:
0x88: {  	s2 =	sld [smem:$0x3FD9]  }
0x89: {  	s3 =	sld [smem:$0x3FFE];
	_ =	sdelay $0x1  }
0x8a: {  	s1 =	srdreg.scid  }
0x8b: {  	s0 =	sand.u32 $0x1, s1  }
0x8c: {  	s14 =	sshll.u32 s0, $0xA;
	s2 =	sadd.s32 s3, s2  }
0x8d: {  	s2 =	sadd.s32 s2, s14  }
0x8e: {  	[smem:$0x3FBF] =	sst s2  }
0x8f: {  	_ = 	snop  }
0x90: {  	s2 =	sld [smem:$0x3FD0];
	_ =	sdelay $0x2  }
0x91: {  	s15 =	simm.s32 $0xA;
	s4 =	simm.s32 $0x10  }
0x92: {  	[smem:s4], [sflag:s15] =	dma.local [hbm:s2], $0x1  }
0x93: {  	_ =	swait.eq [sflag:s15], $0x1  }
0x94: {  	[sflag:s15] =	ssyncset.done $0x0  }
0x95: {  	[sflag:s15] =	ssyncadd.s32 $0xFFFFFFFF  }
0x96: {  	s16 =	sld [smem:$0x10];
	(tm) =	ssettm $0x1  }
0x97: {  	s17 =	sld [smem:$0x3FFB];
	_ =	sdelay $0x3  }
0x98: {  	_ =	strace s17  }
0x99: {  	s3 =	sld [smem:$0x3FFC];
	_ =	sdelay $0x3  }
0x9a: {  	_ =	strace s3  }
0x9b: {  	s3 =	sld [smem:$0x3FFD];
	_ =	sdelay $0x3  }
0x9c: {  	_ =	strace s3  }
0x9d: {  	_ =	strace $0x8FFFFFFF  }
0x9e: {  	s18 =	sld [smem:$0x3FDB];
	_ =	sdelay $0x1  }
0x9f: {  	s19 =	simm.s32 $_scs_section_size  }
0xa0: {  	s5 =	simm.s32 $_size__tile_overlayer_lowered;
	s6 =	simm.s32 $_tile_overlayer_lowered  }
0xa1: {  	s22 =	simm.s32 $0x1BFF;
	s21 =	sshll.u32 s6, $0x1;
	s3 =	sadd.s32 s19, s18  }
0xa2: {  	s7 =	simm.s32 $0x0;
	s20 =	sshll.u32 s5, $0x1;
	s5 =	sadd.s32 s21, s3  }
0xa3: {  	[timem:s7], [sflag:s22] =	dma.local [hbm:s5], s20  }
0xa4: {  	_ =	swait.ge [sflag:s22], s20  }
0xa5: {  	s4 =	ssub.s32 $0x0, s20;
	[sflag:s22] =	ssyncset.done $0x0  }
0xa6: {  	[sflag:s22] =	ssyncadd.s32 s4;
	_ =	sdelay $0x1  }
0xa7: {  	s23 =	simm.s32 $0x1B8B  }
0xa8: {  	_ =	swait.ge [sflag:s23], $0x1  }
0xa9: {  	[sflag:s23] =	ssyncset.done $0x0  }
0xaa: {  	s25 =	simm.s32 $0x1B8E;
	s24 =	sld [smem:$0x3FFE];
	[sflag:s23] =	ssyncadd.s32 $0xFFFFFFFF  }
0xab: {  	s26 =	simm.s32 $execute0_lowered;
	[smem:$0x3FD2] =	sst s25  }
0xac: {  	s5 =	sshll.u32 s26, $0x1;
	_ =	strace $0x80000052;
	[dreg:$0x1] =	wrdreg $0xFFFFFFFF  }
0xad: {  	s28 =	simm.s32 $_size_execute0_lowered;
	s3 =	sadd.s32 s3, s5;
	[dreg:$0x0] =	wrdreg $0x0  }
0xae: {  	s5 =	sshll.u32 s28, $0x1;
	[dreg:$0x2] =	wrdreg s3  }
0xaf: {  	[dreg:$0x3] =	wrdreg s5  }
0xb0: {  	[dreg:$0x4] =	wrdreg $0xC0  }
0xb1: {  	_ =	task [dreg:s7], $0x5FFFF  }
0xb2: {  	[dreg:$0x1] =	wrdreg $0xFFFFFFFF  }
0xb3: {  	[dreg:$0x0] =	wrdreg $0x60  }
0xb4: {  	[dreg:$0x2] =	wrdreg s16  }
0xb5: {  	[dreg:$0x3] =	wrdreg s24  }
0xb6: {  	[dreg:$0x4] =	wrdreg $0x154A00  }
0xb7: {  	[dreg:$0x5] =	wrdreg $0x9  }
0xb8: {  	_ =	task.clear_ibuf [dreg:s7], $0x6FFFF;
	_ =	strace $0x90000052  }
0xb9: {  	s29 =	simm.s32 $0x9;
	_ =	strace $0x80000054  }
0xba: {  	_ =	swait.ge [sflag:s29], $0x1  }
0xbb: {  	[sflag:s29] =	ssyncadd.s32 $0xFFFFFFFF  }
0xbc: {  	_ =	strace $0x90000054  }
0xbd: {  	_ =	sfence  }
0xbe: {  	s30 =	sld [smem:$0x0];
	_ =	sdelay $0x2  }
0xbf: {  	s31 =	sshll.u32 s1, $0xD;
	s1 =	sshrl.u32 s1, $0x2  }
0xc0: {  	s3 =	sand.u32 $0x4000, s31;
	s1 =	sadd.s32 s1, s30  }
0xc1: {  	s0 =	sor.u32 s3, s0;
	s1 =	sshll.u32 s1, $0x11  }
0xc2: {  	s0 =	sor.u32 s1, s0  }
0xc3: {  	s0 =	sadd.s32 $0x8F2B, s0  }
0xc4: {  	[sflag:s0] =	ssyncadd.remote.s32 $0x1  }
0xc5: {  	_ =	sfence.sel $0xFFFF  }
0xc6: {  	[dreg:$0x0] =	wrdreg $0xFFFFFFFF;
	(pc) =	sbr.abs _section_cstart, $3  }
0xc7: {  	[dreg:$0x1] =	wrdreg $0xFFFFFFFF  }
0xc8: {  	_ =	task.clear_ibuf [dreg:s7], $0x2FFFF;
	_ =	strace $0x9FFFFFFF  }
0xc9: {  	(tm) =	ssettm $0x7FFFFFFF  }
tec
execute0_lowered:
.L_overlay_start_1:
0x0: {  	(tag) =	ssettag $0x1  }
0x1: {  	s0 =	rddreg [dreg:$0x0]  }
0x2: {  	s1 =	rddreg [dreg:$0x1]  }
0x3: {  	s2 =	rddreg [dreg:$0x2]  }
0x4: {  	s11 =	stileid.u32;
	s5 =	srdreg.scid  }
0x5: {  	s3 =	simm.s32 $0x0;
	s17 =	simm.s32 $0x6;
	s4 =	smul.u32 $0xA28, s11  }
0x6: {  	s28 =	simm.s32 $0x1;
	s29 =	simm.s32 $0x64;
	s6 =	smul.u32 $0x9C00, s11  }
0x7: {  	s30 =	simm.s32 $0x5;
	s31 =	simm.s32 $0x2;
	s7 =	smul.u32 $0x9C4, s11  }
0x8: {  	s5 =	sand.u32 $0x1, s5;
	[smem:$0x7FF] =	sst s3;
	s11 =	smul.u32 $0x27000, s11  }
0x9: {  	s8 =	smul.u32 $0x9C400, s5;
	_ =	strace $0x80000053;
	s5 =	ssub.s32 $0x2, s5  }
0xa: {  	s4 =	sadd.s32 s4, s1;
	s10 =	sshrl.u32 s5, $0x1;
	s7 =	sadd.s32 s7, s1  }
0xb: {  	s19 =	sshrl.u32 s11, $0x2;
	s9 =	sadd.s32 s6, s8;
	s18 =	sadd.s32 $0x20A00, s4  }
0xc: {  	s5 =	ssub.s32 s5, s10;
	s4 =	sadd.s32 $0x16600, s4;
	[dreg:$0x4] =	wrdreg s18  }
0xd: {  	s7 =	sadd.s32 $0xC800, s7;
	s25 =	sshrl.u32 s8, $0x3;
	[dreg:$0x5] =	wrdreg s4  }
0xe: {  	s9 =	sshrl.u32 s9, $0x3;
	[dreg:$0x6] =	wrdreg s7;
	s4 =	sadd.s32 s19, s2  }
0xf: {  	s7 =	sadd.s32 s6, s2;
	s14 =	sadd.s32 s0, s25;
	s20 =	sadd.s32 $0x1900, s4  }
0x10: {  	s16 =	smax.u32 s5, $0x1;
	s21 =	sadd.s32 $0x3200, s4;
	[dreg:$0x7] =	wrdreg s20  }
0x11: {  	s19 =	simm.s32 $0xA280;
	s22 =	sadd.s32 $0x4B00, s4;
	[dreg:$0x8] =	wrdreg s21  }
0x12: {  	s0 =	simm.s32 $0x3;
	s23 =	sadd.s32 $0x6400, s4;
	[dreg:$0x9] =	wrdreg s22  }
.Ltmp0:
0x13: {  	s24 =	sadd.s32 $0x7D00, s4;
	[dreg:$0xa] =	wrdreg s23;
	(pc) =	sbr.rel .LBB2_1-.Ltmp0, $4  }
0x14: {  	s1 =	sadd.s32 s9, s1;
	s4 =	sadd.s32 $0x9600, s4;
	[dreg:$0xb] =	wrdreg s24  }
0x15: {  	s18 =	simm.s32 $0x4;
	[dreg:$0xc] =	wrdreg s4;
	s26 =	sadd.s32 $0x2AE00, s1  }
0x16: {  	s20 =	simm.s32 $0xF0A0;
	s22 =	simm.s32 $0x109A0;
	s24 =	simm.s32 $0x122A0  }
0x17: {  	v0 =	vimm.f32 $0.0e+00;
	s21 =	simm.s32 $0x0;
	[dreg:$0xd] =	wrdreg s26;
	s26 =	simm.s32 $0x13BA0  }
.LBB2_14:
0x18: {  	s1 =	stileid.u32;
	[bflag:$0x0] =	sbarrier.arrive $0xFFFF;
	s21 =	sadd.s32 $0x1, s21  }
0x19: {  	s4 =	sshrl.u32 s7, $0x3;
	s1 =	sshll.u32 s1, $0x6;
	p0 =	sne.s32 s21, s16  }
.Ltmp1:
0x1a: {  	s5 =	rddreg [dreg:$0xd];
	s1 =	sor.u32 $0x1C06, s1;
	(pc) =	sbr.rel @!p0 .LBB2_15-.Ltmp1, $4  }
0x1b: {  	[hbm:s5], [sflag:s1] =	dma.local [spmem:s4], $0x1400  }
0x1c: {  	_ =	swait.ge [sflag:s17], $0x1400  }
0x1d: {  	[sflag:s17] =	ssyncset.done $0x0  }
0x1e: {  	[sflag:s17] =	ssyncadd.s32 $0xFFFFEC00  }
.LBB2_1:
0x1f: {  	s1 =	rddreg [dreg:$0x4]  }
0x20: {  	[tilespmem:s3], [sflag:$0x6] =	stream.linear.gather [hbm4b:s1+s3], $0x5140, $0x38;
	[tilespmem:$0x1F0E0] =	vst v63  }
0x21: {  	_ =	swait.ge [sflag:s17], $0x5140  }
0x22: {  	[sflag:s17] =	ssyncset.done $0x0  }
0x23: {  	s4 =	simm.s32 $0x5140;
	s23 =	rddreg [dreg:$0x5];
	[sflag:s17] =	ssyncadd.s32 $0xFFFFAEC0  }
0x24: {  	[tilespmem:s4], [sflag:$0x6] =	stream.linear.gather [hbm4b:s23+s3], $0x5140, $0x38;
	[tilespmem:$0x1F0E0] =	vst v63  }
0x25: {  	_ =	swait.ge [sflag:s17], $0x5140  }
0x26: {  	[sflag:s17] =	ssyncset.done $0x0  }
0x27: {  	s25 =	rddreg [dreg:$0x6];
	[sflag:s17] =	ssyncadd.s32 $0xFFFFAEC0  }
0x28: {  	[tilespmem:s19], [sflag:$0x6] =	stream.linear.gather [hbm4b:s25+s3], $0x4E20, $0x38;
	[tilespmem:$0x1F0E0] =	vst v63  }
0x29: {  	_ =	swait.ge [sflag:s17], $0x4E20  }
0x2a: {  	[sflag:s17] =	ssyncset.done $0x0  }
0x2b: {  	s1 =	simm.s32 $0x0;
	s4 =	simm.s32 $0x100;
	[sflag:s17] =	ssyncadd.s32 $0xFFFFB1E0  }
.LBB2_2:
0x2c: {  	p0 =	sne.s32 s4, $0x6300;
	[tilespmem:s1+$0xF0D0] =	vst v0;
	s5 =	smov.u32 s4;
	s4 =	sadd.s32 $0x100, s4  }
.Ltmp2:
0x2d: {  	[tilespmem:s1+$0xF0C0] =	vst v0;
	(pc) =	sbr.rel @p0 .LBB2_2-.Ltmp2, $3  }
0x2e: {  	[tilespmem:s1+$0xF0A0] =	vst v0  }
0x2f: {  	[tilespmem:s1+$0xF0B0] =	vst v0;
	_ =	sdelay $0x1  }
0x30: {  	s1 =	sshra.s32 s5, $0x2  }
0x31: {  	[tilespmem:s1+$0xF0D0] =	vst v0  }
0x32: {  	[tilespmem:s1+$0xF0C0] =	vst v0  }
0x33: {  	[tilespmem:s1+$0xF0A0] =	vst v0  }
0x34: {  	[tilespmem:s1+$0xF0B0] =	vst v0  }
0x35: {  	[spmem:s7] =	stream.linear.scatter [tilespmem:s20], [sflag:$0x6], $0x1900, $0x38;
	[tilespmem:$0x1F0E0] =	vst v63  }
0x36: {  	_ =	swait.ge [sflag:s17], $0x1900  }
0x37: {  	[sflag:s17] =	ssyncset.done $0x0  }
0x38: {  	s5 =	rddreg [dreg:$0x7];
	[sflag:s17] =	ssyncadd.s32 $0xFFFFE700  }
0x39: {  	[spmem:s5] =	stream.linear.scatter [tilespmem:s20], [sflag:$0x6], $0x1900, $0x38;
	[tilespmem:$0x1F0E0] =	vst v63  }
0x3a: {  	_ =	swait.ge [sflag:s17], $0x1900  }
0x3b: {  	[sflag:s17] =	ssyncset.done $0x0  }
0x3c: {  	s6 =	rddreg [dreg:$0x8];
	[sflag:s17] =	ssyncadd.s32 $0xFFFFE700  }
0x3d: {  	[spmem:s6] =	stream.linear.scatter [tilespmem:s20], [sflag:$0x6], $0x1900, $0x38;
	[tilespmem:$0x1F0E0] =	vst v63  }
0x3e: {  	_ =	swait.ge [sflag:s17], $0x1900  }
0x3f: {  	[sflag:s17] =	ssyncset.done $0x0  }
0x40: {  	s8 =	rddreg [dreg:$0x9];
	[sflag:s17] =	ssyncadd.s32 $0xFFFFE700  }
0x41: {  	[spmem:s8] =	stream.linear.scatter [tilespmem:s20], [sflag:$0x6], $0x1900, $0x38;
	[tilespmem:$0x1F0E0] =	vst v63  }
0x42: {  	_ =	swait.ge [sflag:s17], $0x1900  }
0x43: {  	[sflag:s17] =	ssyncset.done $0x0  }
0x44: {  	s9 =	rddreg [dreg:$0xa];
	[sflag:s17] =	ssyncadd.s32 $0xFFFFE700  }
0x45: {  	[spmem:s9] =	stream.linear.scatter [tilespmem:s20], [sflag:$0x6], $0x1900, $0x38;
	[tilespmem:$0x1F0E0] =	vst v63  }
0x46: {  	_ =	swait.ge [sflag:s17], $0x1900  }
0x47: {  	[sflag:s17] =	ssyncset.done $0x0  }
0x48: {  	s10 =	rddreg [dreg:$0xb];
	[sflag:s17] =	ssyncadd.s32 $0xFFFFE700  }
0x49: {  	[spmem:s10] =	stream.linear.scatter [tilespmem:s20], [sflag:$0x6], $0x1900, $0x38;
	[tilespmem:$0x1F0E0] =	vst v63  }
0x4a: {  	_ =	swait.ge [sflag:s17], $0x1900  }
0x4b: {  	[sflag:s17] =	ssyncset.done $0x0  }
0x4c: {  	s11 =	rddreg [dreg:$0xc];
	[sflag:s17] =	ssyncadd.s32 $0xFFFFE700  }
0x4d: {  	[spmem:s11] =	stream.linear.scatter [tilespmem:s20], [sflag:$0x6], $0xA00, $0x38;
	[tilespmem:$0x1F0E0] =	vst v63  }
0x4e: {  	_ =	swait.ge [sflag:s17], $0xA00  }
0x4f: {  	[sflag:s17] =	ssyncset.done $0x0  }
0x50: {  	[sflag:s17] =	ssyncadd.s32 $0xFFFFF600  }
0x51: {  	s23 =	simm.s32 $0x64;
	s25 =	simm.s32 $0x0;
	[bflag:$0x0] =	sbarrier.arrive $0xFFFF  }
0x52: {  	[tilespmem:s20], [sflag:$0x1] =	stream.indirect.gather [hbm4b:s14+s23], $0x40, s25, s23, $0xb8;
	[tilespmem:$0x1F0E0] =	vst v63  }
0x53: {  	s12 =	simm.s32 $0x68  }
0x54: {  	[tilespmem:s22], [sflag:$0x2] =	stream.indirect.gather [hbm4b:s14+s23], $0x40, s12, s23, $0xb8;
	[tilespmem:$0x1F0E0] =	vst v63  }
0x55: {  	s13 =	simm.s32 $0xD0;
	s15 =	simm.s32 $0x138  }
0x56: {  	[tilespmem:s24], [sflag:$0x3] =	stream.indirect.gather [hbm4b:s14+s23], $0x40, s13, s23, $0xb8;
	[tilespmem:$0x1F0E0] =	vst v63  }
0x57: {  	s1 =	simm.s32 $0xC8;
	s4 =	simm.s32 $0x12C;
	s5 =	simm.s32 $0x0  }
0x58: {  	[tilespmem:s26], [sflag:$0x4] =	stream.indirect.gather [hbm4b:s14+s23], $0x40, s15, s23, $0xb8;
	[tilespmem:$0x1F0E0] =	vst v63  }
.LBB2_4:
0x59: {  	s6 =	sadd.s32 $0x0, s25  }
0x5a: {  	_ =	swait.ge [sflag:s28], $0x1900;
	v1 =	vmov s6  }
0x5b: {  	[sflag:s28] =	ssyncset.done $0x0  }
0x5c: {  	s6 =	simm.s32 $0xF0C0;
	[sflag:s28] =	ssyncadd.s32 $0xFFFFE700  }
0x5d: {  	v3 =	vld [tilespmem:s6+$0xFFFFFFF0]  }
0x5e: {  	v4 =	vld [tilespmem:s6+$0x10]  }
0x5f: {  	v6 =	vld.idx.msk [tilespmem:v1+s19+$0x0], $0xffff  }
0x60: {  	v1 =	vld [tilespmem:s6+$0xFFFFFFE0]  }
0x61: {  	v7 =	vld [tilespmem:s6+$0x0];
	_ =	sdelay $0x3  }
0x62: {  	s9 =	sadd.s32 $0x1, s25;
	v2 =	vmul.f32 v1, v6;
	v5 =	vmul.f32 v4, v6  }
0x63: {  	s8 =	simm.s32 $0x2;
	v1 =	vmov s9;
	v4 =	vmul.f32 v3, v6;
	v3 =	vmul.f32 v7, v6;
	s9 =	simm.s32 $0xF0C0  }
.LBB2_5:
0x64: {  	p0 =	sne.s32 s8, $0x63  }
0x65: {  	[tilespmem:s6+$0x10] =	vst v5;
	s9 =	sadd.s32 $0x40, s9;
	s10 =	smov.u32 s8;
	s8 =	sadd.s32 $0x1, s8  }
0x66: {  	[tilespmem:s6+$0xFFFFFFE0] =	vst v2  }
0x67: {  	v6 =	vld [tilespmem:s9+$0xFFFFFFF0];
	[tilespmem:s6+$0xFFFFFFF0] =	vst v4  }
0x68: {  	v4 =	vld [tilespmem:s9+$0x10];
	[tilespmem:s6+$0x0] =	vst v3;
	s6 =	smov.u32 s9  }
0x69: {  	v3 =	vld.idx.msk [tilespmem:v1+s19+$0x0], $0xffff  }
0x6a: {  	v1 =	vld [tilespmem:s9+$0xFFFFFFE0]  }
0x6b: {  	v7 =	vld [tilespmem:s9+$0x0]  }
.Ltmp3:
0x6c: {  	(pc) =	sbr.rel @p0 .LBB2_5-.Ltmp3, $3  }
0x6d: {  	_ =	sdelay $0x1  }
0x6e: {  	s10 =	sadd.s32 s10, s25;
	v5 =	vmul.f32 v4, v3;
	v2 =	vmul.f32 v1, v3  }
0x6f: {  	v4 =	vmul.f32 v6, v3;
	v1 =	vmov s10;
	v3 =	vmul.f32 v7, v3  }
0x70: {  	[tilespmem:s6+$0x10] =	vst v5  }
0x71: {  	s8 =	sadd.s32 $0x40, s9;
	[tilespmem:s6+$0xFFFFFFE0] =	vst v2  }
0x72: {  	v2 =	vld [tilespmem:s8+$0xFFFFFFF0];
	[tilespmem:s6+$0xFFFFFFF0] =	vst v4  }
0x73: {  	v4 =	vld [tilespmem:s8+$0x10];
	[tilespmem:s6+$0x0] =	vst v3  }
0x74: {  	v1 =	vld.idx.msk [tilespmem:v1+s19+$0x0], $0xffff  }
0x75: {  	v3 =	vld [tilespmem:s8+$0xFFFFFFE0];
	_ =	sdelay $0x1  }
0x76: {  	v5 =	vld [tilespmem:s8+$0x0];
	_ =	sdelay $0x1  }
0x77: {  	v4 =	vmul.f32 v4, v1  }
0x78: {  	v3 =	vmul.f32 v3, v1  }
0x79: {  	s9 =	smul.u32 $0x680, s5;
	v2 =	vmul.f32 v2, v1;
	[tilespmem:s8+$0x10] =	vst v4  }
0x7a: {  	v1 =	vmul.f32 v5, v1;
	[tilespmem:s8+$0xFFFFFFE0] =	vst v3  }
0x7b: {  	s6 =	sshra.s32 s9, $0x2;
	[tilespmem:s8+$0xFFFFFFF0] =	vst v2  }
0x7c: {  	s15 =	sadd.s32 $0x5140, s6;
	[tilespmem:s8+$0x0] =	vst v1  }
0x7d: {  	[spmem:s2] =	stream.indirect.scatter.add.f32 [tilespmem:s20], [sflag:$0x5], $0x40, s15, s29, $0xb8;
	[tilespmem:$0x1F0E0] =	vst v63  }
0x7e: {  	p0 =	seq.s32 s5, $0x31;
	s12 =	sadd.s32 $0x0, s23;
	_ =	swait.ge [sflag:s30], $0x1900  }
0x7f: {  	s10 =	simm.s32 @!p0 $0x64;
	s9 =	sshra.s32 @!p0 s9, $0x2;
	[sflag:s30] =	ssyncset.done $0x0  }
0x80: {  	s11 =	simm.s32 @!p0 $0xF0A0;
	s8 =	sadd.s32 @!p0 $0x1A0, s9;
	[sflag:s30] =	ssyncadd.s32 $0xFFFFE700  }
0x81: {  	v1 =	vmov s12;
	[tilespmem:s11], [sflag:$0x1] =	stream.indirect.gather @!p0 [hbm4b:s14+s10], $0x40, s8, s10, $0xb8;
	[tilespmem:$0x1F0E0] =	vst v63  }
0x82: {  	_ =	swait.ge [sflag:s31], $0x1900  }
0x83: {  	[sflag:s31] =	ssyncset.done $0x0  }
0x84: {  	s11 =	simm.s32 $0x109D0;
	[sflag:s31] =	ssyncadd.s32 $0xFFFFE700  }
0x85: {  	v4 =	vld [tilespmem:s11+$0xFFFFFFE0]  }
0x86: {  	v1 =	vld.idx.msk [tilespmem:v1+s19+$0x0], $0xffff  }
0x87: {  	v5 =	vld [tilespmem:s11+$0xFFFFFFD0]  }
0x88: {  	v2 =	vld [tilespmem:s11+$0xFFFFFFF0]  }
0x89: {  	v3 =	vld [tilespmem:s11+$0x0];
	_ =	sdelay $0x2  }
0x8a: {  	s13 =	simm.s32 $0x2;
	s8 =	sshll.u32 s5, $0x2  }
0x8b: {  	s12 =	simm.s32 $0x109D0;
	s15 =	sadd.s32 $0x1, s23;
	s10 =	sor.u32 $0x1, s8;
	v5 =	vmul.f32 v5, v1;
	v4 =	vmul.f32 v4, v1  }
.LBB2_7:
0x8c: {  	p1 =	sne.s32 s13, $0x63;
	v6 =	vmov s15;
	v7 =	vmul.f32 v2, v1;
	v1 =	vmul.f32 v3, v1  }
0x8d: {  	[tilespmem:s11+$0xFFFFFFD0] =	vst v5  }
0x8e: {  	s11 =	sadd.s32 $0x40, s11;
	[tilespmem:s12+$0xFFFFFFE0] =	vst v4  }
0x8f: {  	v2 =	vld [tilespmem:s11+$0xFFFFFFF0];
	[tilespmem:s12+$0xFFFFFFF0] =	vst v7  }
0x90: {  	v4 =	vld [tilespmem:s11+$0xFFFFFFE0];
	[tilespmem:s12+$0x0] =	vst v1;
	s12 =	smov.u32 s11  }
0x91: {  	v1 =	vld.idx.msk [tilespmem:v6+s19+$0x0], $0xffff  }
0x92: {  	v5 =	vld [tilespmem:s11+$0xFFFFFFD0]  }
.Ltmp4:
0x93: {  	v3 =	vld [tilespmem:s11+$0x0];
	(pc) =	sbr.rel @p1 .LBB2_7-.Ltmp4, $2  }
0x94: {  	_ =	sdelay $0x2  }
0x95: {  	s15 =	sadd.s32 s13, s23;
	s13 =	sadd.s32 $0x1, s13;
	v4 =	vmul.f32 v4, v1;
	v5 =	vmul.f32 v5, v1  }
0x96: {  	_ = 	snop  }
0x97: {  	v2 =	vmul.f32 v2, v1;
	[tilespmem:s11+$0xFFFFFFD0] =	vst v5;
	v5 =	vmov s15  }
0x98: {  	v1 =	vmul.f32 v3, v1;
	s15 =	sadd.s32 $0x40, s11;
	[tilespmem:s12+$0xFFFFFFE0] =	vst v4  }
0x99: {  	v4 =	vld [tilespmem:s15+$0xFFFFFFF0];
	[tilespmem:s12+$0xFFFFFFF0] =	vst v2  }
0x9a: {  	v2 =	vld [tilespmem:s15+$0xFFFFFFE0];
	[tilespmem:s12+$0x0] =	vst v1  }
0x9b: {  	v3 =	vld [tilespmem:s15+$0xFFFFFFD0]  }
0x9c: {  	v1 =	vld.idx.msk [tilespmem:v5+s19+$0x0], $0xffff;
	_ =	sdelay $0x2  }
0x9d: {  	v5 =	vld [tilespmem:s15+$0x0];
	_ =	sdelay $0x1  }
0x9e: {  	v3 =	vmul.f32 v3, v1  }
0x9f: {  	v2 =	vmul.f32 v2, v1  }
0xa0: {  	s10 =	smul.u32 $0x1A0, s10;
	v4 =	vmul.f32 v4, v1;
	[tilespmem:s15+$0xFFFFFFD0] =	vst v3  }
0xa1: {  	v1 =	vmul.f32 v5, v1;
	[tilespmem:s15+$0xFFFFFFE0] =	vst v2  }
0xa2: {  	s10 =	sshra.s32 s10, $0x2;
	[tilespmem:s15+$0xFFFFFFF0] =	vst v4  }
0xa3: {  	s10 =	sadd.s32 $0x5140, s10;
	[tilespmem:s15+$0x0] =	vst v1  }
0xa4: {  	[spmem:s2] =	stream.indirect.scatter.add.f32 [tilespmem:s22], [sflag:$0x5], $0x40, s10, s29, $0xb8;
	[tilespmem:$0x1F0E0] =	vst v63  }
0xa5: {  	_ =	swait.ge [sflag:s30], $0x1900  }
0xa6: {  	s13 =	sadd.s32 $0x0, s1;
	s11 =	simm.s32 @!p0 $0x64;
	[sflag:s30] =	ssyncset.done $0x0  }
0xa7: {  	s12 =	simm.s32 @!p0 $0x109A0;
	s10 =	sadd.s32 @!p0 $0x208, s9;
	[sflag:s30] =	ssyncadd.s32 $0xFFFFE700  }
0xa8: {  	v1 =	vmov s13;
	[tilespmem:s12], [sflag:$0x2] =	stream.indirect.gather @!p0 [hbm4b:s14+s11], $0x40, s10, s11, $0xb8;
	[tilespmem:$0x1F0E0] =	vst v63  }
0xa9: {  	_ =	swait.ge [sflag:s0], $0x1900  }
0xaa: {  	[sflag:s0] =	ssyncset.done $0x0  }
0xab: {  	s11 =	simm.s32 $0x122D0;
	[sflag:s0] =	ssyncadd.s32 $0xFFFFE700  }
0xac: {  	v4 =	vld [tilespmem:s11+$0xFFFFFFE0]  }
0xad: {  	v1 =	vld.idx.msk [tilespmem:v1+s19+$0x0], $0xffff  }
0xae: {  	v5 =	vld [tilespmem:s11+$0xFFFFFFD0]  }
0xaf: {  	v2 =	vld [tilespmem:s11+$0xFFFFFFF0]  }
0xb0: {  	v3 =	vld [tilespmem:s11+$0x0];
	_ =	sdelay $0x2  }
0xb1: {  	s15 =	sadd.s32 $0x1, s1  }
0xb2: {  	s13 =	simm.s32 $0x2;
	s10 =	sor.u32 $0x2, s8;
	s12 =	simm.s32 $0x122D0;
	v5 =	vmul.f32 v5, v1;
	v4 =	vmul.f32 v4, v1  }
.LBB2_9:
0xb3: {  	p1 =	sne.s32 s13, $0x63;
	v6 =	vmov s15;
	v7 =	vmul.f32 v2, v1;
	v1 =	vmul.f32 v3, v1  }
0xb4: {  	[tilespmem:s11+$0xFFFFFFD0] =	vst v5  }
0xb5: {  	s11 =	sadd.s32 $0x40, s11;
	[tilespmem:s12+$0xFFFFFFE0] =	vst v4  }
0xb6: {  	v2 =	vld [tilespmem:s11+$0xFFFFFFF0];
	[tilespmem:s12+$0xFFFFFFF0] =	vst v7  }
0xb7: {  	v4 =	vld [tilespmem:s11+$0xFFFFFFE0];
	[tilespmem:s12+$0x0] =	vst v1;
	s12 =	smov.u32 s11  }
0xb8: {  	v1 =	vld.idx.msk [tilespmem:v6+s19+$0x0], $0xffff  }
0xb9: {  	v5 =	vld [tilespmem:s11+$0xFFFFFFD0]  }
.Ltmp5:
0xba: {  	v3 =	vld [tilespmem:s11+$0x0];
	(pc) =	sbr.rel @p1 .LBB2_9-.Ltmp5, $2  }
0xbb: {  	_ =	sdelay $0x2  }
0xbc: {  	s15 =	sadd.s32 s13, s1;
	s13 =	sadd.s32 $0x1, s13;
	v4 =	vmul.f32 v4, v1;
	v5 =	vmul.f32 v5, v1  }
0xbd: {  	_ = 	snop  }
0xbe: {  	v2 =	vmul.f32 v2, v1;
	[tilespmem:s11+$0xFFFFFFD0] =	vst v5;
	v5 =	vmov s15  }
0xbf: {  	v1 =	vmul.f32 v3, v1;
	s15 =	sadd.s32 $0x40, s11;
	[tilespmem:s12+$0xFFFFFFE0] =	vst v4  }
0xc0: {  	v4 =	vld [tilespmem:s15+$0xFFFFFFF0];
	[tilespmem:s12+$0xFFFFFFF0] =	vst v2  }
0xc1: {  	v2 =	vld [tilespmem:s15+$0xFFFFFFE0];
	[tilespmem:s12+$0x0] =	vst v1  }
0xc2: {  	v3 =	vld [tilespmem:s15+$0xFFFFFFD0]  }
0xc3: {  	v1 =	vld.idx.msk [tilespmem:v5+s19+$0x0], $0xffff;
	_ =	sdelay $0x2  }
0xc4: {  	v5 =	vld [tilespmem:s15+$0x0];
	_ =	sdelay $0x1  }
0xc5: {  	v3 =	vmul.f32 v3, v1  }
0xc6: {  	v2 =	vmul.f32 v2, v1  }
0xc7: {  	s10 =	smul.u32 $0x1A0, s10;
	v4 =	vmul.f32 v4, v1;
	[tilespmem:s15+$0xFFFFFFD0] =	vst v3  }
0xc8: {  	v1 =	vmul.f32 v5, v1;
	[tilespmem:s15+$0xFFFFFFE0] =	vst v2  }
0xc9: {  	s10 =	sshra.s32 s10, $0x2;
	[tilespmem:s15+$0xFFFFFFF0] =	vst v4  }
0xca: {  	s10 =	sadd.s32 $0x5140, s10;
	[tilespmem:s15+$0x0] =	vst v1  }
0xcb: {  	[spmem:s2] =	stream.indirect.scatter.add.f32 [tilespmem:s24], [sflag:$0x5], $0x40, s10, s29, $0xb8;
	[tilespmem:$0x1F0E0] =	vst v63  }
0xcc: {  	_ =	swait.ge [sflag:s30], $0x1900  }
0xcd: {  	s9 =	sadd.s32 @!p0 $0x270, s9;
	s13 =	sadd.s32 $0x0, s4;
	[sflag:s30] =	ssyncset.done $0x0  }
0xce: {  	s11 =	simm.s32 @!p0 $0x122A0;
	s10 =	simm.s32 @!p0 $0x64;
	[sflag:s30] =	ssyncadd.s32 $0xFFFFE700  }
0xcf: {  	[tilespmem:s11], [sflag:$0x3] =	stream.indirect.gather @!p0 [hbm4b:s14+s10], $0x40, s9, s10, $0xb8;
	[tilespmem:$0x1F0E0] =	vst v63  }
0xd0: {  	v1 =	vmov s13;
	_ =	swait.ge [sflag:s18], $0x1900  }
0xd1: {  	[sflag:s18] =	ssyncset.done $0x0  }
0xd2: {  	s9 =	simm.s32 $0x13BA0;
	[sflag:s18] =	ssyncadd.s32 $0xFFFFE700  }
0xd3: {  	v3 =	vld [tilespmem:s9+$0x30]  }
0xd4: {  	v4 =	vld [tilespmem:s9+$0x10]  }
0xd5: {  	v6 =	vld.idx.msk [tilespmem:v1+s19+$0x0], $0xffff  }
0xd6: {  	v1 =	vld [tilespmem:s9+$0x0]  }
0xd7: {  	v7 =	vld [tilespmem:s9+$0x20];
	_ =	sdelay $0x3  }
0xd8: {  	s15 =	sadd.s32 $0x1, s4;
	v2 =	vmul.f32 v1, v6;
	v5 =	vmul.f32 v3, v6  }
0xd9: {  	s8 =	sor.u32 $0x3, s8;
	s10 =	simm.s32 $0x2;
	s11 =	simm.s32 $0x13BA0;
	v1 =	vmov s15;
	v4 =	vmul.f32 v4, v6;
	v3 =	vmul.f32 v7, v6  }
.LBB2_11:
0xda: {  	p1 =	sne.s32 s10, $0x63  }
0xdb: {  	[tilespmem:s9+$0x30] =	vst v5;
	s11 =	sadd.s32 $0x40, s11;
	s12 =	smov.u32 s10;
	s10 =	sadd.s32 $0x1, s10  }
0xdc: {  	[tilespmem:s9+$0x0] =	vst v2  }
0xdd: {  	v5 =	vld [tilespmem:s11+$0x30];
	[tilespmem:s9+$0x10] =	vst v4  }
0xde: {  	v4 =	vld [tilespmem:s11+$0x10];
	[tilespmem:s9+$0x20] =	vst v3;
	s9 =	smov.u32 s11  }
0xdf: {  	v3 =	vld.idx.msk [tilespmem:v1+s19+$0x0], $0xffff  }
0xe0: {  	v1 =	vld [tilespmem:s11+$0x0]  }
0xe1: {  	v6 =	vld [tilespmem:s11+$0x20]  }
.Ltmp6:
0xe2: {  	(pc) =	sbr.rel @p1 .LBB2_11-.Ltmp6, $3  }
0xe3: {  	_ =	sdelay $0x1  }
0xe4: {  	s12 =	sadd.s32 s12, s4;
	v5 =	vmul.f32 v5, v3;
	v2 =	vmul.f32 v1, v3  }
0xe5: {  	v4 =	vmul.f32 v4, v3;
	v1 =	vmov s12;
	v3 =	vmul.f32 v6, v3  }
0xe6: {  	[tilespmem:s9+$0x30] =	vst v5  }
0xe7: {  	s10 =	sadd.s32 $0x40, s11;
	[tilespmem:s9+$0x0] =	vst v2  }
0xe8: {  	v2 =	vld [tilespmem:s10+$0x30];
	[tilespmem:s9+$0x10] =	vst v4  }
0xe9: {  	v4 =	vld [tilespmem:s10+$0x10];
	[tilespmem:s9+$0x20] =	vst v3  }
0xea: {  	v1 =	vld.idx.msk [tilespmem:v1+s19+$0x0], $0xffff  }
0xeb: {  	v3 =	vld [tilespmem:s10+$0x0];
	_ =	sdelay $0x1  }
0xec: {  	v5 =	vld [tilespmem:s10+$0x20];
	_ =	sdelay $0x1  }
0xed: {  	v2 =	vmul.f32 v2, v1  }
0xee: {  	v3 =	vmul.f32 v3, v1  }
0xef: {  	s8 =	smul.u32 $0x1A0, s8;
	v4 =	vmul.f32 v4, v1;
	[tilespmem:s10+$0x30] =	vst v2  }
0xf0: {  	v1 =	vmul.f32 v5, v1;
	[tilespmem:s10+$0x0] =	vst v3  }
0xf1: {  	s8 =	sshra.s32 s8, $0x2;
	[tilespmem:s10+$0x10] =	vst v4  }
.Ltmp7:
0xf2: {  	s8 =	sadd.s32 $0x5140, s8;
	[tilespmem:s10+$0x20] =	vst v1;
	(pc) =	sbr.rel @p0 .LBB2_14-.Ltmp7, $4  }
0xf3: {  	[spmem:s2] =	stream.indirect.scatter.add.f32 [tilespmem:s26], [sflag:$0x5], $0x40, s8, s29, $0xb8;
	[tilespmem:$0x1F0E0] =	vst v63  }
0xf4: {  	_ =	swait.ge [sflag:s30], $0x1900  }
0xf5: {  	[sflag:s30] =	ssyncset.done $0x0  }
0xf6: {  	[sflag:s30] =	ssyncadd.s32 $0xFFFFE700  }
.Ltmp8:
0xf7: {  	(pc) =	sbr.rel .LBB2_4-.Ltmp8, $4  }
0xf8: {  	_ = 	snop  }
0xf9: {  	s6 =	sadd.s32 $0x2D8, s6;
	s5 =	sadd.s32 $0x1, s5;
	s25 =	sadd.s32 $0x190, s25  }
0xfa: {  	s23 =	sadd.s32 $0x190, s23;
	s1 =	sadd.s32 $0x190, s1;
	s4 =	sadd.s32 $0x190, s4  }
0xfb: {  	[tilespmem:s26], [sflag:$0x4] =	stream.indirect.gather [hbm4b:s14+s29], $0x40, s6, s29, $0xb8;
	[tilespmem:$0x1F0E0] =	vst v63  }
.LBB2_15:
0xfc: {  	_ =	sfence.sel $0x180000  }
0xfd: {  	[bflag:$0x0] =	sbarrier.arrive $0xFFFF  }
0xfe: {  	_ =	strace $0x90000053  }
0xff: {  	s0 =	stileid.u32;
	[bflag:$0x2] =	sbarrier.arrive $0xFFFF  }
0x100: {  	p0 =	sne.s32 s0, $0x0;
	s0 =	rddreg [dreg:$0x3]  }
0x101: {  	s0 =	sadd.s32 @!p0 $0x100000, s0  }
0x102: {  	[sflag:s0] =	ssyncadd.tile.s32 @!p0 $0x1;
	_ =	shalt  }
.Lfunc_end2:
_tile_overlayer_lowered:
.L_overlay_start_2:
0x103: {  	(tag) =	ssettag $0x2  }
0x104: {  	s0 =	rddreg [dreg:$0x0];
	s2 =	stileid.u32  }
0x105: {  	s1 =	rddreg [dreg:$0x1];
	p0 =	sne.s32 s2, $0x0  }
0x106: {  	s3 =	rddreg [dreg:$0x2];
	[bflag:$0x3] =	sbarrier.arrive $0xFFFF;
	s2 =	simm.s32 @!p0 $0x1C06  }
0x107: {  	[timem:s3], [sflag:s2] =	dma.local @!p0 [hbm:s0], s1  }
0x108: {  	s0 =	simm.s32 @!p0 $0x6  }
0x109: {  	_ =	swait.ge @!p0 [sflag:s0], s1  }
0x10a: {  	s1 =	ssub.s32 @!p0 $0x0, s1;
	[sflag:s0] =	ssyncset.done @!p0 $0x0  }
0x10b: {  	[sflag:s0] =	ssyncadd.s32 @!p0 s1  }
0x10c: {  	[bflag:$0x3] =	sbarrier.arrive $0xFFFF  }
0x10d: {  	_ =	shalt  }

</sc_bundles>
